<compile_context>
chip_gen: v7x
topology: tpu7x:2x2x1
jax: 0.10.2.dev20260603
libtpu: 0.0.44.dev20260713+nightly
codegen_flags: <defaults>
</compile_context>

<pallas_src>
import functools

import jax
import jax.numpy as jnp
from jax import lax
from jax.experimental import pallas as pl
from jax.experimental.pallas import tpu as pltpu
from jax.experimental.pallas import tpu_sc as plsc

LANES = 16
CHUNK = 128
STREAM = 128
W = 1024


def _make_conv(n_rows, d, num_cores, nw):
    n_full = n_rows // W
    tail = n_rows - n_full * W
    iters = (n_full + nw - 1) // nw
    pairs = iters // 2
    mesh = plsc.VectorSubcoreMesh(core_axis_name="c", subcore_axis_name="s")

    @functools.partial(
        pl.kernel,
        mesh=mesh,
        out_type=jax.ShapeDtypeStruct((n_rows * d,), jnp.float32),
        scratch_types=[
            pltpu.VMEM((d, W), jnp.float32),
            pltpu.VMEM((d, W), jnp.float32),
            pltpu.VMEM((W * d,), jnp.float32),
            pltpu.VMEM((W * d,), jnp.float32),
            pltpu.VMEM((tail * d,), jnp.float32),
            pltpu.SemaphoreType.DMA,
            pltpu.SemaphoreType.DMA,
            pltpu.SemaphoreType.DMA,
            pltpu.SemaphoreType.DMA,
        ],
        compiler_params=pltpu.CompilerParams(
            use_tc_tiling_on_sc=True, needs_layout_passes=False),
    )
    def conv(wt_hbm, tail_hbm, out_hbm,
             in0, in1, ot0, ot1, tail_v, si0, si1, so0, so1):
        in_v = (in0, in1)
        out_v = (ot0, ot1)
        sem_i = (si0, si1)
        sem_o = (so0, so1)
        wid = lax.axis_index("s") * num_cores + lax.axis_index("c")
        lane_stride = lax.iota(jnp.int32, LANES) * d

        def in_desc(i, s):
            return pltpu.make_async_copy(
                wt_hbm.at[:, pl.ds((i * nw + wid) * W, W)], in_v[s], sem_i[s])

        def out_desc(i, s):
            return pltpu.make_async_copy(
                out_v[s], out_hbm.at[pl.ds((i * nw + wid) * W * d, W * d)],
                sem_o[s])

        def valid(i):
            return i * nw + wid < n_full

        def transpose(s):
            @plsc.parallel_loop(0, W // LANES, unroll=4)
            def _(cb):
                for i in range(d):
                    x = in_v[s][i, pl.ds(cb * LANES, LANES)]
                    plsc.store_scatter(
                        out_v[s], [lane_stride + (cb * LANES * d + i)], x)

        in_desc(0, 0).start()
        in_desc(1, 1).start()

        def step(i, s):
            @pl.when(valid(i))
            def _():
                @pl.when(i >= 2)
                def _():
                    out_desc(i - 2, s).wait()
                in_desc(i, s).wait()
                transpose(s)
                out_desc(i, s).start()

            @pl.when(valid(i + 2))
            def _():
                in_desc(i + 2, s).start()

        def pair_body(g, carry):
            step(2 * g, 0)
            step(2 * g + 1, 1)
            return carry

        lax.fori_loop(0, pairs, pair_body, 0)
        out_desc(0, 0).wait()
        out_desc(1, 1).wait()

        @pl.when(wid == nw - 1)
        def _():
            pltpu.sync_copy(tail_hbm, tail_v)
            pltpu.sync_copy(tail_v,
                            out_hbm.at[pl.ds(n_full * W * d, tail * d)])

    return conv


def _make_bag(n_rows, d, n_bags, n_tables, batch, pool, num_cores, nw):
    rows_per_table = n_rows // n_tables
    n_chunks = n_bags // CHUNK
    chunks_per_table = batch // CHUNK
    n = n_chunks // nw
    pairs = n // 2
    idx_per_chunk = CHUNK * pool
    n_streams = idx_per_chunk // STREAM
    mesh = plsc.VectorSubcoreMesh(core_axis_name="c", subcore_axis_name="s")

    tile_elems = 8 * STREAM

    @functools.partial(
        pl.kernel,
        mesh=mesh,
        out_type=jax.ShapeDtypeStruct((n_bags * d,), jnp.float32),
        scratch_types=[
            pltpu.VMEM((idx_per_chunk,), jnp.int32),
            pltpu.VMEM((idx_per_chunk,), jnp.int32),
            pltpu.VMEM((idx_per_chunk,), jnp.int32),
            pltpu.VMEM((idx_per_chunk,), jnp.int32),
            pltpu.VMEM((idx_per_chunk, d), jnp.float32),
            pltpu.VMEM((idx_per_chunk, d), jnp.float32),
            pltpu.VMEM((CHUNK * d,), jnp.float32),
            pltpu.VMEM((CHUNK * d,), jnp.float32),
            pltpu.SemaphoreType.DMA,
            pltpu.SemaphoreType.DMA,
            pltpu.SemaphoreType.DMA,
            pltpu.SemaphoreType.DMA,
            pltpu.SemaphoreType.DMA,
            pltpu.SemaphoreType.DMA,
        ],
        compiler_params=pltpu.CompilerParams(
            use_tc_tiling_on_sc=False, needs_layout_passes=False),
    )
    def body(w_hbm, sidx_hbm, out_hbm,
             lidx0, lidx1, gidx0, gidx1, rows0, rows1, outc0, outc1,
             si0, si1, sg0, sg1, so0, so1):
        lidx = (lidx0, lidx1)
        gidx = (gidx0, gidx1)
        rows = (rows0, rows1)
        outc = (outc0, outc1)
        sem_i = (si0, si1)
        sem_g = (sg0, sg1)
        sem_o = (so0, so1)

        wid = lax.axis_index("s") * num_cores + lax.axis_index("c")
        c0 = wid * n
        lane128 = lax.iota(jnp.int32, LANES) * STREAM

        def idx_desc(c, s):
            return pltpu.make_async_copy(
                sidx_hbm.at[pl.ds((c0 + c) * idx_per_chunk, idx_per_chunk)],
                lidx[s], sem_i[s])

        def gather_descs(s):
            return [
                pltpu.make_async_copy(
                    w_hbm.at[gidx[s].at[pl.ds(j * STREAM, STREAM)]],
                    rows[s].at[pl.ds(j * STREAM, STREAM)],
                    sem_g[s])
                for j in range(n_streams)
            ]

        def out_descs(c, s):
            tc = c0 + c
            return [
                pltpu.make_async_copy(
                    outc[s].at[pl.ds(tr * tile_elems, tile_elems)],
                    out_hbm.at[pl.ds((tr * n_chunks + tc) * tile_elems,
                                     tile_elems)],
                    sem_o[s])
                for tr in range(d // 8)
            ]

        def adjust(c, s):
            table = (c0 + c) // chunks_per_table
            off = jnp.full((LANES,), 0, jnp.int32) + table * rows_per_table

            @plsc.parallel_loop(0, idx_per_chunk // LANES, unroll=4)
            def _(v):
                sl = pl.ds(v * LANES, LANES)
                gidx[s][sl] = lidx[s][sl] + off

        def accumulate(s):
            @plsc.parallel_loop(0, CHUNK, unroll=2)
            def _(b):
                base = b * pool
                a = rows[s][base, :]
                for j in range(1, pool):
                    a = a + rows[s][base + j, :]
                plsc.store_scatter(outc[s], [lane128 + b], a)

        def front(c, s, g):
            idx_desc(c, s).wait()
            adjust(c, s)
            for dsc in gather_descs(s):
                dsc.start()

            @pl.when(g < pairs - 1)
            def _():
                idx_desc(c + 2, s).start()

        def back(c, s):
            @pl.when(c >= 2)
            def _():
                for dsc in out_descs(c - 2, s):
                    dsc.wait()
            for dsc in gather_descs(s):
                dsc.wait()
            accumulate(s)
            for dsc in out_descs(c, s):
                dsc.start()

        idx_desc(0, 0).start()
        idx_desc(1, 1).start()

        def pair_body(g, carry):
            c = 2 * g
            front(c, 0, g)

            @pl.when(g > 0)
            def _():
                back(c - 1, 1)
            front(c + 1, 1, g)
            back(c, 0)
            return carry

        lax.fori_loop(0, pairs, pair_body, 0)
        back(n - 1, 1)
        for dsc in out_descs(n - 2, 0):
            dsc.wait()
        for dsc in out_descs(n - 1, 1):
            dsc.wait()

    return body


def kernel(weights, table_offsets, sparse_indices, sparse_offsets):
    n_bags = sparse_offsets.shape[0] - 1
    n_tables = table_offsets.shape[0]
    batch = n_bags // n_tables
    pool = sparse_indices.shape[0] // n_bags
    n_rows, d = weights.shape

    info = plsc.get_sparse_core_info()
    num_cores = info.num_cores
    nw = num_cores * info.num_subcores

    n_full = n_rows // W
    tail_arr = weights[n_full * W:, :].reshape((n_rows - n_full * W) * d)

    conv = _make_conv(n_rows, d, num_cores, nw)
    wlin = conv(weights.T, tail_arr)
    w2 = wlin.reshape(n_rows, d)

    bag = _make_bag(n_rows, d, n_bags, n_tables, batch, pool, num_cores, nw)
    flat = bag(w2, sparse_indices)
    a = flat.reshape(d // 8, n_bags // STREAM, 8, STREAM)
    return a.transpose(1, 3, 0, 2).reshape(n_bags, d)

# --- scband reference (transcript-rebuilt; emitter-appended) ---
"""Pipeline reference for scband-dlrm-net-56581899157797 (READ-ONLY COPY).

The authoritative reference and input builder live on the scoring server;
editing this copy changes nothing except your own understanding.
"""

import jax, jax.numpy as jnp
import numpy as np

N_TABLES = 26
ROWS_PER_TABLE = 100000
EMBED_DIM = 16
BATCH = 4096
L = 20  # uniform pooling factor (num_indices_per_lookup)


def setup_inputs(seed: int = 0) -> dict:
    key = jax.random.key(seed)
    k1, k2 = jax.random.split(key)
    # Logical concatenation of the per-device embedding shards: total rows = sum(ln_emb)
    weights = jax.random.normal(k1, (N_TABLES * ROWS_PER_TABLE, EMBED_DIM), dtype=jnp.float32)
    # Row offset of each table inside the concatenated weight matrix
    table_offsets = (jnp.arange(N_TABLES, dtype=jnp.int32) * ROWS_PER_TABLE)
    n_bags = N_TABLES * BATCH
    # Per-bag local indices into each table, flattened: layout [table-major, batch, L]
    sparse_indices = jax.random.randint(k2, (n_bags * L,), 0, ROWS_PER_TABLE, dtype=jnp.int32)
    # Offsets delimiting each bag (uniform L per lookup, as in the synthetic DLRM dataset)
    sparse_offsets = jnp.arange(n_bags + 1, dtype=jnp.int32) * L
    return {
        "weights": weights,
        "table_offsets": table_offsets,
        "sparse_indices": sparse_indices,
        "sparse_offsets": sparse_offsets,
    }


def reference(weights, table_offsets, sparse_indices, sparse_offsets):
    # Faithful JAX translation of table-batched embedding-bag forward (sum pooling):
    # for each (table t, batch b) bag, gather L rows from table t and sum them.
    n_bags = sparse_offsets.shape[0] - 1
    n_tables = table_offsets.shape[0]
    batch = n_bags // n_tables
    # table id of each bag (bags laid out table-major)
    bag_table = jnp.arange(n_bags, dtype=jnp.int32) // batch
    row_base = table_offsets[bag_table]  # [n_bags]
    pool = sparse_indices.shape[0] // n_bags  # uniform L derived from offsets layout
    local_idx = sparse_indices.reshape(n_bags, pool)
    global_idx = local_idx + row_base[:, None]  # offset into concatenated weights
    rows = jnp.take(weights, global_idx, axis=0)  # [n_bags, L, D] gather
    out = jnp.sum(rows, axis=1)  # sum-pooled embedding bag: [n_bags, D]
    return out

if __name__ == "__main__":
    import jax
    _d = setup_inputs()
    print(jax.jit(kernel)(*tuple(_d.values())))

</pallas_src>

<mosaic_0001>
#map = affine_map<(d0, d1) -> (0, 0)>
#map1 = affine_map<(d0, d1) -> (0)>
module attributes {stable_mosaic.version = 14 : i64} {
  func.func @conv(%arg0: i32, %arg1: i32, %arg2: memref<16x2600000xf32, #tpu.memory_space<hbm>>, %arg3: memref<1024xf32, #tpu.memory_space<hbm>>, %arg4: memref<41600000xf32, #tpu.memory_space<hbm>>, %arg5: memref<16x1024xf32, #tpu.memory_space<vmem>>, %arg6: memref<16x1024xf32, #tpu.memory_space<vmem>>, %arg7: memref<16384xf32, #tpu.memory_space<vmem>>, %arg8: memref<16384xf32, #tpu.memory_space<vmem>>, %arg9: memref<1024xf32, #tpu.memory_space<vmem>>, %arg10: memref<!tpu.dma_semaphore, #tpu.memory_space<semaphore_mem>>, %arg11: memref<!tpu.dma_semaphore, #tpu.memory_space<semaphore_mem>>, %arg12: memref<!tpu.dma_semaphore, #tpu.memory_space<semaphore_mem>>, %arg13: memref<!tpu.dma_semaphore, #tpu.memory_space<semaphore_mem>>) attributes {dimension_semantics = [#tpu.dimension_semantics<core_parallel>, #tpu.dimension_semantics<subcore_parallel>], iteration_bounds = array<i64: 2, 16>, scalar_prefetch = 0 : i64, scratch_operands = 9 : i64, tpu.core_type = #tpu.core_type<sc_vector_subcore>, window_params = [{transform_indices = #map}, {transform_indices = #map1}, {transform_indices = #map1}]} {
    %mul3A = arith.constant 2 : i32
    %mul3A_0 = arith.muli %arg1, %mul3A : i32
    %add3A = arith.addi %mul3A_0, %arg0 : i32
    %iota3A = tpu.iota {dimensions = array<i32: 0>} : vector<16xi32>
    %mul3A_1 = arith.constant 16 : i32
    %mul3A_2 = vector.broadcast %mul3A_1 : i32 to vector<16xi32>
    %mul3A_3 = arith.muli %iota3A, %mul3A_2 : vector<16xi32>
    %add3A_4 = arith.constant 0 : i32
    %add3A_5 = arith.addi %add3A_4, %add3A : i32
    %mul3A_6 = arith.constant 1024 : i32
    %mul3A_7 = arith.muli %add3A_5, %mul3A_6 : i32
    %dma_start3A = arith.constant 0 : i32
    %dma_start3A_8 = tpu.memref_slice %arg2[%dma_start3A, %mul3A_7] : memref<16x2600000xf32, #tpu.memory_space<hbm>> -> memref<16x1024xf32, #tpu.memory_space<hbm>>
    %dma_start3A_9 = arith.constant 0 : i32
    %dma_start3A_10 = tpu.memref_slice %arg2[%dma_start3A_9, %mul3A_7] : memref<16x2600000xf32, #tpu.memory_space<hbm>> -> memref<16x1024xf32, #tpu.memory_space<hbm>>
    tpu.enqueue_dma source(%dma_start3A_10 : memref<16x1024xf32, #tpu.memory_space<hbm>>) target(%arg5 : memref<16x1024xf32, #tpu.memory_space<vmem>>) target_semaphore(%arg10 : memref<!tpu.dma_semaphore, #tpu.memory_space<semaphore_mem>>)
    %add3A_11 = arith.constant 32 : i32
    %add3A_12 = arith.addi %add3A_11, %add3A : i32
    %mul3A_13 = arith.constant 1024 : i32
    %mul3A_14 = arith.muli %add3A_12, %mul3A_13 : i32
    %dma_start3A_15 = arith.constant 0 : i32
    %dma_start3A_16 = tpu.memref_slice %arg2[%dma_start3A_15, %mul3A_14] : memref<16x2600000xf32, #tpu.memory_space<hbm>> -> memref<16x1024xf32, #tpu.memory_space<hbm>>
    %dma_start3A_17 = arith.constant 0 : i32
    %dma_start3A_18 = tpu.memref_slice %arg2[%dma_start3A_17, %mul3A_14] : memref<16x2600000xf32, #tpu.memory_space<hbm>> -> memref<16x1024xf32, #tpu.memory_space<hbm>>
    tpu.enqueue_dma source(%dma_start3A_18 : memref<16x1024xf32, #tpu.memory_space<hbm>>) target(%arg6 : memref<16x1024xf32, #tpu.memory_space<vmem>>) target_semaphore(%arg11 : memref<!tpu.dma_semaphore, #tpu.memory_space<semaphore_mem>>)
    %scan3A = arith.constant 0 : i32
    %scan3A_19 = arith.constant 0 : i32
    %scan3A_20 = arith.constant 40 : i32
    %scan3A_21 = arith.addi %scan3A_19, %scan3A_20 : i32
    %scan3A_22 = arith.constant 1 : i32
    scf.for %scan3A_41 = %scan3A_19 to %scan3A_21 step %scan3A_22  : i32 {
      %mul3A_42 = arith.constant 2 : i32
      %mul3A_43 = arith.muli %mul3A_42, %scan3A_41 : i32
      %mul3A_44 = arith.constant 32 : i32
      %mul3A_45 = arith.muli %mul3A_43, %mul3A_44 : i32
      %add3A_46 = arith.addi %mul3A_45, %add3A : i32
      %lt3A = arith.constant 2539 : i32
      %lt3A_47 = arith.cmpi slt, %add3A_46, %lt3A : i32
      %convert_element_type3A_48 = arith.extui %lt3A_47 : i1 to i32
      %cond3A_49 = arith.constant 0 : i32
      %cond3A_50 = arith.cmpi ne, %convert_element_type3A_48, %cond3A_49 : i32
      scf.if %cond3A_50 {
        %ge3A = arith.constant 2 : i32
        %ge3A_83 = arith.cmpi sge, %mul3A_43, %ge3A : i32
        %convert_element_type3A_84 = arith.extui %ge3A_83 : i1 to i32
        %cond3A_85 = arith.constant 0 : i32
        %cond3A_86 = arith.cmpi ne, %convert_element_type3A_84, %cond3A_85 : i32
        scf.if %cond3A_86 {
          %sub3A = arith.constant 2 : i32
          %sub3A_107 = arith.subi %mul3A_43, %sub3A : i32
          %mul3A_108 = arith.constant 32 : i32
          %mul3A_109 = arith.muli %sub3A_107, %mul3A_108 : i32
          %add3A_110 = arith.addi %mul3A_109, %add3A : i32
          %mul3A_111 = arith.constant 1024 : i32
          %mul3A_112 = arith.muli %add3A_110, %mul3A_111 : i32
          %mul3A_113 = arith.constant 16 : i32
          %mul3A_114 = arith.muli %mul3A_112, %mul3A_113 : i32
          %dma_wait3A_115 = tpu.memref_slice %arg4[%mul3A_114] : memref<41600000xf32, #tpu.memory_space<hbm>> -> memref<16384xf32, #tpu.memory_space<hbm>>
          %dma_wait3A_116 = tpu.memref_slice %arg4[%mul3A_114] : memref<41600000xf32, #tpu.memory_space<hbm>> -> memref<16384xf32, #tpu.memory_space<hbm>>
          tpu.wait_dma2 semaphore(%arg12 : memref<!tpu.dma_semaphore, #tpu.memory_space<semaphore_mem>>) src(%arg7 : memref<16384xf32, #tpu.memory_space<vmem>>) dst(%dma_wait3A_116 : memref<16384xf32, #tpu.memory_space<hbm>>)
        } else {
        }
        %mul3A_87 = arith.constant 32 : i32
        %mul3A_88 = arith.muli %mul3A_43, %mul3A_87 : i32
        %add3A_89 = arith.addi %mul3A_88, %add3A : i32
        %mul3A_90 = arith.constant 1024 : i32
        %mul3A_91 = arith.muli %add3A_89, %mul3A_90 : i32
        %dma_wait3A_92 = arith.constant 0 : i32
        %dma_wait3A_93 = tpu.memref_slice %arg2[%dma_wait3A_92, %mul3A_91] : memref<16x2600000xf32, #tpu.memory_space<hbm>> -> memref<16x1024xf32, #tpu.memory_space<hbm>>
        %dma_wait3A_94 = arith.constant 0 : i32
        %dma_wait3A_95 = tpu.memref_slice %arg2[%dma_wait3A_94, %mul3A_91] : memref<16x2600000xf32, #tpu.memory_space<hbm>> -> memref<16x1024xf32, #tpu.memory_space<hbm>>
        tpu.wait_dma2 semaphore(%arg10 : memref<!tpu.dma_semaphore, #tpu.memory_space<semaphore_mem>>) src(%dma_wait3A_95 : memref<16x1024xf32, #tpu.memory_space<hbm>>) dst(%arg5 : memref<16x1024xf32, #tpu.memory_space<vmem>>)
        %parallel_loop3A = arith.constant 0 : i32
        %parallel_loop3A_96 = arith.constant 64 : i32
        %parallel_loop3A_97 = arith.constant 1 : i32
        scf.for %parallel_loop3A_107 = %parallel_loop3A to %parallel_loop3A_96 step %parallel_loop3A_97  : i32 {
          %parallel_loop3A_108 = arith.constant 16 : i32
          %parallel_loop3A_109 = arith.muli %parallel_loop3A_107, %parallel_loop3A_108 : i32
          %parallel_loop3A_110 = arith.constant 0 : i32
          %parallel_loop3A_111 = arith.index_cast %parallel_loop3A_110 : i32 to index
          %parallel_loop3A_112 = arith.index_cast %parallel_loop3A_109 : i32 to index
          %parallel_loop3A_113 = tpu.vector_load %arg5[%parallel_loop3A_111, %parallel_loop3A_112] {strides = array<i32>} : memref<16x1024xf32, #tpu.memory_space<vmem>>, vector<16xf32>,
          %parallel_loop3A_114 = arith.constant 16 : i32
          %parallel_loop3A_115 = arith.muli %parallel_loop3A_107, %parallel_loop3A_114 : i32
          %parallel_loop3A_116 = arith.constant 16 : i32
          %parallel_loop3A_117 = arith.muli %parallel_loop3A_115, %parallel_loop3A_116 : i32
          %parallel_loop3A_118 = arith.constant 0 : i32
          %parallel_loop3A_119 = arith.addi %parallel_loop3A_117, %parallel_loop3A_118 : i32
          %parallel_loop3A_120 = vector.broadcast %parallel_loop3A_119 : i32 to vector<16xi32>
          %parallel_loop3A_121 = arith.addi %mul3A_3, %parallel_loop3A_120 : vector<16xi32>
          tpu.vector_store_idx %arg7[%parallel_loop3A_121], %parallel_loop3A_113 : memref<16384xf32, #tpu.memory_space<vmem>>[vector<16xi32>], vector<16xf32>,
          %parallel_loop3A_122 = arith.constant 16 : i32
          %parallel_loop3A_123 = arith.muli %parallel_loop3A_107, %parallel_loop3A_122 : i32
          %parallel_loop3A_124 = arith.constant 1 : i32
          %parallel_loop3A_125 = arith.index_cast %parallel_loop3A_124 : i32 to index
          %parallel_loop3A_126 = arith.index_cast %parallel_loop3A_123 : i32 to index
          %parallel_loop3A_127 = tpu.vector_load %arg5[%parallel_loop3A_125, %parallel_loop3A_126] {strides = array<i32>} : memref<16x1024xf32, #tpu.memory_space<vmem>>, vector<16xf32>,
          %parallel_loop3A_128 = arith.constant 16 : i32
          %parallel_loop3A_129 = arith.muli %parallel_loop3A_107, %parallel_loop3A_128 : i32
          %parallel_loop3A_130 = arith.constant 16 : i32
          %parallel_loop3A_131 = arith.muli %parallel_loop3A_129, %parallel_loop3A_130 : i32
          %parallel_loop3A_132 = arith.constant 1 : i32
          %parallel_loop3A_133 = arith.addi %parallel_loop3A_131, %parallel_loop3A_132 : i32
          %parallel_loop3A_134 = vector.broadcast %parallel_loop3A_133 : i32 to vector<16xi32>
          %parallel_loop3A_135 = arith.addi %mul3A_3, %parallel_loop3A_134 : vector<16xi32>
          tpu.vector_store_idx %arg7[%parallel_loop3A_135], %parallel_loop3A_127 : memref<16384xf32, #tpu.memory_space<vmem>>[vector<16xi32>], vector<16xf32>,
          %parallel_loop3A_136 = arith.constant 16 : i32
          %parallel_loop3A_137 = arith.muli %parallel_loop3A_107, %parallel_loop3A_136 : i32
          %parallel_loop3A_138 = arith.constant 2 : i32
          %parallel_loop3A_139 = arith.index_cast %parallel_loop3A_138 : i32 to index
          %parallel_loop3A_140 = arith.index_cast %parallel_loop3A_137 : i32 to index
          %parallel_loop3A_141 = tpu.vector_load %arg5[%parallel_loop3A_139, %parallel_loop3A_140] {strides = array<i32>} : memref<16x1024xf32, #tpu.memory_space<vmem>>, vector<16xf32>,
          %parallel_loop3A_142 = arith.constant 16 : i32
          %parallel_loop3A_143 = arith.muli %parallel_loop3A_107, %parallel_loop3A_142 : i32
          %parallel_loop3A_144 = arith.constant 16 : i32
          %parallel_loop3A_145 = arith.muli %parallel_loop3A_143, %parallel_loop3A_144 : i32
          %parallel_loop3A_146 = arith.constant 2 : i32
          %parallel_loop3A_147 = arith.addi %parallel_loop3A_145, %parallel_loop3A_146 : i32
          %parallel_loop3A_148 = vector.broadcast %parallel_loop3A_147 : i32 to vector<16xi32>
          %parallel_loop3A_149 = arith.addi %mul3A_3, %parallel_loop3A_148 : vector<16xi32>
          tpu.vector_store_idx %arg7[%parallel_loop3A_149], %parallel_loop3A_141 : memref<16384xf32, #tpu.memory_space<vmem>>[vector<16xi32>], vector<16xf32>,
          %parallel_loop3A_150 = arith.constant 16 : i32
          %parallel_loop3A_151 = arith.muli %parallel_loop3A_107, %parallel_loop3A_150 : i32
          %parallel_loop3A_152 = arith.constant 3 : i32
          %parallel_loop3A_153 = arith.index_cast %parallel_loop3A_152 : i32 to index
          %parallel_loop3A_154 = arith.index_cast %parallel_loop3A_151 : i32 to index
          %parallel_loop3A_155 = tpu.vector_load %arg5[%parallel_loop3A_153, %parallel_loop3A_154] {strides = array<i32>} : memref<16x1024xf32, #tpu.memory_space<vmem>>, vector<16xf32>,
          %parallel_loop3A_156 = arith.constant 16 : i32
          %parallel_loop3A_157 = arith.muli %parallel_loop3A_107, %parallel_loop3A_156 : i32
          %parallel_loop3A_158 = arith.constant 16 : i32
          %parallel_loop3A_159 = arith.muli %parallel_loop3A_157, %parallel_loop3A_158 : i32
          %parallel_loop3A_160 = arith.constant 3 : i32
          %parallel_loop3A_161 = arith.addi %parallel_loop3A_159, %parallel_loop3A_160 : i32
          %parallel_loop3A_162 = vector.broadcast %parallel_loop3A_161 : i32 to vector<16xi32>
          %parallel_loop3A_163 = arith.addi %mul3A_3, %parallel_loop3A_162 : vector<16xi32>
          tpu.vector_store_idx %arg7[%parallel_loop3A_163], %parallel_loop3A_155 : memref<16384xf32, #tpu.memory_space<vmem>>[vector<16xi32>], vector<16xf32>,
          %parallel_loop3A_164 = arith.constant 16 : i32
          %parallel_loop3A_165 = arith.muli %parallel_loop3A_107, %parallel_loop3A_164 : i32
          %parallel_loop3A_166 = arith.constant 4 : i32
          %parallel_loop3A_167 = arith.index_cast %parallel_loop3A_166 : i32 to index
          %parallel_loop3A_168 = arith.index_cast %parallel_loop3A_165 : i32 to index
          %parallel_loop3A_169 = tpu.vector_load %arg5[%parallel_loop3A_167, %parallel_loop3A_168] {strides = array<i32>} : memref<16x1024xf32, #tpu.memory_space<vmem>>, vector<16xf32>,
          %parallel_loop3A_170 = arith.constant 16 : i32
          %parallel_loop3A_171 = arith.muli %parallel_loop3A_107, %parallel_loop3A_170 : i32
          %parallel_loop3A_172 = arith.constant 16 : i32
          %parallel_loop3A_173 = arith.muli %parallel_loop3A_171, %parallel_loop3A_172 : i32
          %parallel_loop3A_174 = arith.constant 4 : i32
          %parallel_loop3A_175 = arith.addi %parallel_loop3A_173, %parallel_loop3A_174 : i32
          %parallel_loop3A_176 = vector.broadcast %parallel_loop3A_175 : i32 to vector<16xi32>
          %parallel_loop3A_177 = arith.addi %mul3A_3, %parallel_loop3A_176 : vector<16xi32>
          tpu.vector_store_idx %arg7[%parallel_loop3A_177], %parallel_loop3A_169 : memref<16384xf32, #tpu.memory_space<vmem>>[vector<16xi32>], vector<16xf32>,
          %parallel_loop3A_178 = arith.constant 16 : i32
          %parallel_loop3A_179 = arith.muli %parallel_loop3A_107, %parallel_loop3A_178 : i32
          %parallel_loop3A_180 = arith.constant 5 : i32
          %parallel_loop3A_181 = arith.index_cast %parallel_loop3A_180 : i32 to index
          %parallel_loop3A_182 = arith.index_cast %parallel_loop3A_179 : i32 to index
          %parallel_loop3A_183 = tpu.vector_load %arg5[%parallel_loop3A_181, %parallel_loop3A_182] {strides = array<i32>} : memref<16x1024xf32, #tpu.memory_space<vmem>>, vector<16xf32>,
          %parallel_loop3A_184 = arith.constant 16 : i32
          %parallel_loop3A_185 = arith.muli %parallel_loop3A_107, %parallel_loop3A_184 : i32
          %parallel_loop3A_186 = arith.constant 16 : i32
          %parallel_loop3A_187 = arith.muli %parallel_loop3A_185, %parallel_loop3A_186 : i32
          %parallel_loop3A_188 = arith.constant 5 : i32
          %parallel_loop3A_189 = arith.addi %parallel_loop3A_187, %parallel_loop3A_188 : i32
          %parallel_loop3A_190 = vector.broadcast %parallel_loop3A_189 : i32 to vector<16xi32>
          %parallel_loop3A_191 = arith.addi %mul3A_3, %parallel_loop3A_190 : vector<16xi32>
          tpu.vector_store_idx %arg7[%parallel_loop3A_191], %parallel_loop3A_183 : memref<16384xf32, #tpu.memory_space<vmem>>[vector<16xi32>], vector<16xf32>,
          %parallel_loop3A_192 = arith.constant 16 : i32
          %parallel_loop3A_193 = arith.muli %parallel_loop3A_107, %parallel_loop3A_192 : i32
          %parallel_loop3A_194 = arith.constant 6 : i32
          %parallel_loop3A_195 = arith.index_cast %parallel_loop3A_194 : i32 to index
          %parallel_loop3A_196 = arith.index_cast %parallel_loop3A_193 : i32 to index
          %parallel_loop3A_197 = tpu.vector_load %arg5[%parallel_loop3A_195, %parallel_loop3A_196] {strides = array<i32>} : memref<16x1024xf32, #tpu.memory_space<vmem>>, vector<16xf32>,
          %parallel_loop3A_198 = arith.constant 16 : i32
          %parallel_loop3A_199 = arith.muli %parallel_loop3A_107, %parallel_loop3A_198 : i32
          %parallel_loop3A_200 = arith.constant 16 : i32
          %parallel_loop3A_201 = arith.muli %parallel_loop3A_199, %parallel_loop3A_200 : i32
          %parallel_loop3A_202 = arith.constant 6 : i32
          %parallel_loop3A_203 = arith.addi %parallel_loop3A_201, %parallel_loop3A_202 : i32
          %parallel_loop3A_204 = vector.broadcast %parallel_loop3A_203 : i32 to vector<16xi32>
          %parallel_loop3A_205 = arith.addi %mul3A_3, %parallel_loop3A_204 : vector<16xi32>
          tpu.vector_store_idx %arg7[%parallel_loop3A_205], %parallel_loop3A_197 : memref<16384xf32, #tpu.memory_space<vmem>>[vector<16xi32>], vector<16xf32>,
          %parallel_loop3A_206 = arith.constant 16 : i32
          %parallel_loop3A_207 = arith.muli %parallel_loop3A_107, %parallel_loop3A_206 : i32
          %parallel_loop3A_208 = arith.constant 7 : i32
          %parallel_loop3A_209 = arith.index_cast %parallel_loop3A_208 : i32 to index
          %parallel_loop3A_210 = arith.index_cast %parallel_loop3A_207 : i32 to index
          %parallel_loop3A_211 = tpu.vector_load %arg5[%parallel_loop3A_209, %parallel_loop3A_210] {strides = array<i32>} : memref<16x1024xf32, #tpu.memory_space<vmem>>, vector<16xf32>,
          %parallel_loop3A_212 = arith.constant 16 : i32
          %parallel_loop3A_213 = arith.muli %parallel_loop3A_107, %parallel_loop3A_212 : i32
          %parallel_loop3A_214 = arith.constant 16 : i32
          %parallel_loop3A_215 = arith.muli %parallel_loop3A_213, %parallel_loop3A_214 : i32
          %parallel_loop3A_216 = arith.constant 7 : i32
          %parallel_loop3A_217 = arith.addi %parallel_loop3A_215, %parallel_loop3A_216 : i32
          %parallel_loop3A_218 = vector.broadcast %parallel_loop3A_217 : i32 to vector<16xi32>
          %parallel_loop3A_219 = arith.addi %mul3A_3, %parallel_loop3A_218 : vector<16xi32>
          tpu.vector_store_idx %arg7[%parallel_loop3A_219], %parallel_loop3A_211 : memref<16384xf32, #tpu.memory_space<vmem>>[vector<16xi32>], vector<16xf32>,
          %parallel_loop3A_220 = arith.constant 16 : i32
          %parallel_loop3A_221 = arith.muli %parallel_loop3A_107, %parallel_loop3A_220 : i32
          %parallel_loop3A_222 = arith.constant 8 : i32
          %parallel_loop3A_223 = arith.index_cast %parallel_loop3A_222 : i32 to index
          %parallel_loop3A_224 = arith.index_cast %parallel_loop3A_221 : i32 to index
          %parallel_loop3A_225 = tpu.vector_load %arg5[%parallel_loop3A_223, %parallel_loop3A_224] {strides = array<i32>} : memref<16x1024xf32, #tpu.memory_space<vmem>>, vector<16xf32>,
          %parallel_loop3A_226 = arith.constant 16 : i32
          %parallel_loop3A_227 = arith.muli %parallel_loop3A_107, %parallel_loop3A_226 : i32
          %parallel_loop3A_228 = arith.constant 16 : i32
          %parallel_loop3A_229 = arith.muli %parallel_loop3A_227, %parallel_loop3A_228 : i32
          %parallel_loop3A_230 = arith.constant 8 : i32
          %parallel_loop3A_231 = arith.addi %parallel_loop3A_229, %parallel_loop3A_230 : i32
          %parallel_loop3A_232 = vector.broadcast %parallel_loop3A_231 : i32 to vector<16xi32>
          %parallel_loop3A_233 = arith.addi %mul3A_3, %parallel_loop3A_232 : vector<16xi32>
          tpu.vector_store_idx %arg7[%parallel_loop3A_233], %parallel_loop3A_225 : memref<16384xf32, #tpu.memory_space<vmem>>[vector<16xi32>], vector<16xf32>,
          %parallel_loop3A_234 = arith.constant 16 : i32
          %parallel_loop3A_235 = arith.muli %parallel_loop3A_107, %parallel_loop3A_234 : i32
          %parallel_loop3A_236 = arith.constant 9 : i32
          %parallel_loop3A_237 = arith.index_cast %parallel_loop3A_236 : i32 to index
          %parallel_loop3A_238 = arith.index_cast %parallel_loop3A_235 : i32 to index
          %parallel_loop3A_239 = tpu.vector_load %arg5[%parallel_loop3A_237, %parallel_loop3A_238] {strides = array<i32>} : memref<16x1024xf32, #tpu.memory_space<vmem>>, vector<16xf32>,
          %parallel_loop3A_240 = arith.constant 16 : i32
          %parallel_loop3A_241 = arith.muli %parallel_loop3A_107, %parallel_loop3A_240 : i32
          %parallel_loop3A_242 = arith.constant 16 : i32
          %parallel_loop3A_243 = arith.muli %parallel_loop3A_241, %parallel_loop3A_242 : i32
          %parallel_loop3A_244 = arith.constant 9 : i32
          %parallel_loop3A_245 = arith.addi %parallel_loop3A_243, %parallel_loop3A_244 : i32
          %parallel_loop3A_246 = vector.broadcast %parallel_loop3A_245 : i32 to vector<16xi32>
          %parallel_loop3A_247 = arith.addi %mul3A_3, %parallel_loop3A_246 : vector<16xi32>
          tpu.vector_store_idx %arg7[%parallel_loop3A_247], %parallel_loop3A_239 : memref<16384xf32, #tpu.memory_space<vmem>>[vector<16xi32>], vector<16xf32>,
          %parallel_loop3A_248 = arith.constant 16 : i32
          %parallel_loop3A_249 = arith.muli %parallel_loop3A_107, %parallel_loop3A_248 : i32
          %parallel_loop3A_250 = arith.constant 10 : i32
          %parallel_loop3A_251 = arith.index_cast %parallel_loop3A_250 : i32 to index
          %parallel_loop3A_252 = arith.index_cast %parallel_loop3A_249 : i32 to index
          %parallel_loop3A_253 = tpu.vector_load %arg5[%parallel_loop3A_251, %parallel_loop3A_252] {strides = array<i32>} : memref<16x1024xf32, #tpu.memory_space<vmem>>, vector<16xf32>,
          %parallel_loop3A_254 = arith.constant 16 : i32
          %parallel_loop3A_255 = arith.muli %parallel_loop3A_107, %parallel_loop3A_254 : i32
          %parallel_loop3A_256 = arith.constant 16 : i32
          %parallel_loop3A_257 = arith.muli %parallel_loop3A_255, %parallel_loop3A_256 : i32
          %parallel_loop3A_258 = arith.constant 10 : i32
          %parallel_loop3A_259 = arith.addi %parallel_loop3A_257, %parallel_loop3A_258 : i32
          %parallel_loop3A_260 = vector.broadcast %parallel_loop3A_259 : i32 to vector<16xi32>
          %parallel_loop3A_261 = arith.addi %mul3A_3, %parallel_loop3A_260 : vector<16xi32>
          tpu.vector_store_idx %arg7[%parallel_loop3A_261], %parallel_loop3A_253 : memref<16384xf32, #tpu.memory_space<vmem>>[vector<16xi32>], vector<16xf32>,
          %parallel_loop3A_262 = arith.constant 16 : i32
          %parallel_loop3A_263 = arith.muli %parallel_loop3A_107, %parallel_loop3A_262 : i32
          %parallel_loop3A_264 = arith.constant 11 : i32
          %parallel_loop3A_265 = arith.index_cast %parallel_loop3A_264 : i32 to index
          %parallel_loop3A_266 = arith.index_cast %parallel_loop3A_263 : i32 to index
          %parallel_loop3A_267 = tpu.vector_load %arg5[%parallel_loop3A_265, %parallel_loop3A_266] {strides = array<i32>} : memref<16x1024xf32, #tpu.memory_space<vmem>>, vector<16xf32>,
          %parallel_loop3A_268 = arith.constant 16 : i32
          %parallel_loop3A_269 = arith.muli %parallel_loop3A_107, %parallel_loop3A_268 : i32
          %parallel_loop3A_270 = arith.constant 16 : i32
          %parallel_loop3A_271 = arith.muli %parallel_loop3A_269, %parallel_loop3A_270 : i32
          %parallel_loop3A_272 = arith.constant 11 : i32
          %parallel_loop3A_273 = arith.addi %parallel_loop3A_271, %parallel_loop3A_272 : i32
          %parallel_loop3A_274 = vector.broadcast %parallel_loop3A_273 : i32 to vector<16xi32>
          %parallel_loop3A_275 = arith.addi %mul3A_3, %parallel_loop3A_274 : vector<16xi32>
          tpu.vector_store_idx %arg7[%parallel_loop3A_275], %parallel_loop3A_267 : memref<16384xf32, #tpu.memory_space<vmem>>[vector<16xi32>], vector<16xf32>,
          %parallel_loop3A_276 = arith.constant 16 : i32
          %parallel_loop3A_277 = arith.muli %parallel_loop3A_107, %parallel_loop3A_276 : i32
          %parallel_loop3A_278 = arith.constant 12 : i32
          %parallel_loop3A_279 = arith.index_cast %parallel_loop3A_278 : i32 to index
          %parallel_loop3A_280 = arith.index_cast %parallel_loop3A_277 : i32 to index
          %parallel_loop3A_281 = tpu.vector_load %arg5[%parallel_loop3A_279, %parallel_loop3A_280] {strides = array<i32>} : memref<16x1024xf32, #tpu.memory_space<vmem>>, vector<16xf32>,
          %parallel_loop3A_282 = arith.constant 16 : i32
          %parallel_loop3A_283 = arith.muli %parallel_loop3A_107, %parallel_loop3A_282 : i32
          %parallel_loop3A_284 = arith.constant 16 : i32
          %parallel_loop3A_285 = arith.muli %parallel_loop3A_283, %parallel_loop3A_284 : i32
          %parallel_loop3A_286 = arith.constant 12 : i32
          %parallel_loop3A_287 = arith.addi %parallel_loop3A_285, %parallel_loop3A_286 : i32
          %parallel_loop3A_288 = vector.broadcast %parallel_loop3A_287 : i32 to vector<16xi32>
          %parallel_loop3A_289 = arith.addi %mul3A_3, %parallel_loop3A_288 : vector<16xi32>
          tpu.vector_store_idx %arg7[%parallel_loop3A_289], %parallel_loop3A_281 : memref<16384xf32, #tpu.memory_space<vmem>>[vector<16xi32>], vector<16xf32>,
          %parallel_loop3A_290 = arith.constant 16 : i32
          %parallel_loop3A_291 = arith.muli %parallel_loop3A_107, %parallel_loop3A_290 : i32
          %parallel_loop3A_292 = arith.constant 13 : i32
          %parallel_loop3A_293 = arith.index_cast %parallel_loop3A_292 : i32 to index
          %parallel_loop3A_294 = arith.index_cast %parallel_loop3A_291 : i32 to index
          %parallel_loop3A_295 = tpu.vector_load %arg5[%parallel_loop3A_293, %parallel_loop3A_294] {strides = array<i32>} : memref<16x1024xf32, #tpu.memory_space<vmem>>, vector<16xf32>,
          %parallel_loop3A_296 = arith.constant 16 : i32
          %parallel_loop3A_297 = arith.muli %parallel_loop3A_107, %parallel_loop3A_296 : i32
          %parallel_loop3A_298 = arith.constant 16 : i32
          %parallel_loop3A_299 = arith.muli %parallel_loop3A_297, %parallel_loop3A_298 : i32
          %parallel_loop3A_300 = arith.constant 13 : i32
          %parallel_loop3A_301 = arith.addi %parallel_loop3A_299, %parallel_loop3A_300 : i32
          %parallel_loop3A_302 = vector.broadcast %parallel_loop3A_301 : i32 to vector<16xi32>
          %parallel_loop3A_303 = arith.addi %mul3A_3, %parallel_loop3A_302 : vector<16xi32>
          tpu.vector_store_idx %arg7[%parallel_loop3A_303], %parallel_loop3A_295 : memref<16384xf32, #tpu.memory_space<vmem>>[vector<16xi32>], vector<16xf32>,
          %parallel_loop3A_304 = arith.constant 16 : i32
          %parallel_loop3A_305 = arith.muli %parallel_loop3A_107, %parallel_loop3A_304 : i32
          %parallel_loop3A_306 = arith.constant 14 : i32
          %parallel_loop3A_307 = arith.index_cast %parallel_loop3A_306 : i32 to index
          %parallel_loop3A_308 = arith.index_cast %parallel_loop3A_305 : i32 to index
          %parallel_loop3A_309 = tpu.vector_load %arg5[%parallel_loop3A_307, %parallel_loop3A_308] {strides = array<i32>} : memref<16x1024xf32, #tpu.memory_space<vmem>>, vector<16xf32>,
          %parallel_loop3A_310 = arith.constant 16 : i32
          %parallel_loop3A_311 = arith.muli %parallel_loop3A_107, %parallel_loop3A_310 : i32
          %parallel_loop3A_312 = arith.constant 16 : i32
          %parallel_loop3A_313 = arith.muli %parallel_loop3A_311, %parallel_loop3A_312 : i32
          %parallel_loop3A_314 = arith.constant 14 : i32
          %parallel_loop3A_315 = arith.addi %parallel_loop3A_313, %parallel_loop3A_314 : i32
          %parallel_loop3A_316 = vector.broadcast %parallel_loop3A_315 : i32 to vector<16xi32>
          %parallel_loop3A_317 = arith.addi %mul3A_3, %parallel_loop3A_316 : vector<16xi32>
          tpu.vector_store_idx %arg7[%parallel_loop3A_317], %parallel_loop3A_309 : memref<16384xf32, #tpu.memory_space<vmem>>[vector<16xi32>], vector<16xf32>,
          %parallel_loop3A_318 = arith.constant 16 : i32
          %parallel_loop3A_319 = arith.muli %parallel_loop3A_107, %parallel_loop3A_318 : i32
          %parallel_loop3A_320 = arith.constant 15 : i32
          %parallel_loop3A_321 = arith.index_cast %parallel_loop3A_320 : i32 to index
          %parallel_loop3A_322 = arith.index_cast %parallel_loop3A_319 : i32 to index
          %parallel_loop3A_323 = tpu.vector_load %arg5[%parallel_loop3A_321, %parallel_loop3A_322] {strides = array<i32>} : memref<16x1024xf32, #tpu.memory_space<vmem>>, vector<16xf32>,
          %parallel_loop3A_324 = arith.constant 16 : i32
          %parallel_loop3A_325 = arith.muli %parallel_loop3A_107, %parallel_loop3A_324 : i32
          %parallel_loop3A_326 = arith.constant 16 : i32
          %parallel_loop3A_327 = arith.muli %parallel_loop3A_325, %parallel_loop3A_326 : i32
          %parallel_loop3A_328 = arith.constant 15 : i32
          %parallel_loop3A_329 = arith.addi %parallel_loop3A_327, %parallel_loop3A_328 : i32
          %parallel_loop3A_330 = vector.broadcast %parallel_loop3A_329 : i32 to vector<16xi32>
          %parallel_loop3A_331 = arith.addi %mul3A_3, %parallel_loop3A_330 : vector<16xi32>
          tpu.vector_store_idx %arg7[%parallel_loop3A_331], %parallel_loop3A_323 : memref<16384xf32, #tpu.memory_space<vmem>>[vector<16xi32>], vector<16xf32>,
        } {sc.loop_unroll_factor = 4 : i64, sc.parallel_access}
        %mul3A_98 = arith.constant 32 : i32
        %mul3A_99 = arith.muli %mul3A_43, %mul3A_98 : i32
        %add3A_100 = arith.addi %mul3A_99, %add3A : i32
        %mul3A_101 = arith.constant 1024 : i32
        %mul3A_102 = arith.muli %add3A_100, %mul3A_101 : i32
        %mul3A_103 = arith.constant 16 : i32
        %mul3A_104 = arith.muli %mul3A_102, %mul3A_103 : i32
        %dma_start3A_105 = tpu.memref_slice %arg4[%mul3A_104] : memref<41600000xf32, #tpu.memory_space<hbm>> -> memref<16384xf32, #tpu.memory_space<hbm>>
        %dma_start3A_106 = tpu.memref_slice %arg4[%mul3A_104] : memref<41600000xf32, #tpu.memory_space<hbm>> -> memref<16384xf32, #tpu.memory_space<hbm>>
        tpu.enqueue_dma source(%arg7 : memref<16384xf32, #tpu.memory_space<vmem>>) target(%dma_start3A_106 : memref<16384xf32, #tpu.memory_space<hbm>>) target_semaphore(%arg12 : memref<!tpu.dma_semaphore, #tpu.memory_space<semaphore_mem>>)
      } else {
      }
      %add3A_51 = arith.constant 2 : i32
      %add3A_52 = arith.addi %mul3A_43, %add3A_51 : i32
      %mul3A_53 = arith.constant 32 : i32
      %mul3A_54 = arith.muli %add3A_52, %mul3A_53 : i32
      %add3A_55 = arith.addi %mul3A_54, %add3A : i32
      %lt3A_56 = arith.constant 2539 : i32
      %lt3A_57 = arith.cmpi slt, %add3A_55, %lt3A_56 : i32
      %convert_element_type3A_58 = arith.extui %lt3A_57 : i1 to i32
      %cond3A_59 = arith.constant 0 : i32
      %cond3A_60 = arith.cmpi ne, %convert_element_type3A_58, %cond3A_59 : i32
      scf.if %cond3A_60 {
        %add3A_83 = arith.constant 2 : i32
        %add3A_84 = arith.addi %mul3A_43, %add3A_83 : i32
        %mul3A_85 = arith.constant 32 : i32
        %mul3A_86 = arith.muli %add3A_84, %mul3A_85 : i32
        %add3A_87 = arith.addi %mul3A_86, %add3A : i32
        %mul3A_88 = arith.constant 1024 : i32
        %mul3A_89 = arith.muli %add3A_87, %mul3A_88 : i32
        %dma_start3A_90 = arith.constant 0 : i32
        %dma_start3A_91 = tpu.memref_slice %arg2[%dma_start3A_90, %mul3A_89] : memref<16x2600000xf32, #tpu.memory_space<hbm>> -> memref<16x1024xf32, #tpu.memory_space<hbm>>
        %dma_start3A_92 = arith.constant 0 : i32
        %dma_start3A_93 = tpu.memref_slice %arg2[%dma_start3A_92, %mul3A_89] : memref<16x2600000xf32, #tpu.memory_space<hbm>> -> memref<16x1024xf32, #tpu.memory_space<hbm>>
        tpu.enqueue_dma source(%dma_start3A_93 : memref<16x1024xf32, #tpu.memory_space<hbm>>) target(%arg5 : memref<16x1024xf32, #tpu.memory_space<vmem>>) target_semaphore(%arg10 : memref<!tpu.dma_semaphore, #tpu.memory_space<semaphore_mem>>)
      } else {
      }
      %mul3A_61 = arith.constant 2 : i32
      %mul3A_62 = arith.muli %mul3A_61, %scan3A_41 : i32
      %add3A_63 = arith.constant 1 : i32
      %add3A_64 = arith.addi %mul3A_62, %add3A_63 : i32
      %mul3A_65 = arith.constant 32 : i32
      %mul3A_66 = arith.muli %add3A_64, %mul3A_65 : i32
      %add3A_67 = arith.addi %mul3A_66, %add3A : i32
      %lt3A_68 = arith.constant 2539 : i32
      %lt3A_69 = arith.cmpi slt, %add3A_67, %lt3A_68 : i32
      %convert_element_type3A_70 = arith.extui %lt3A_69 : i1 to i32
      %cond3A_71 = arith.constant 0 : i32
      %cond3A_72 = arith.cmpi ne, %convert_element_type3A_70, %cond3A_71 : i32
      scf.if %cond3A_72 {
        %ge3A = arith.constant 2 : i32
        %ge3A_83 = arith.cmpi sge, %add3A_64, %ge3A : i32
        %convert_element_type3A_84 = arith.extui %ge3A_83 : i1 to i32
        %cond3A_85 = arith.constant 0 : i32
        %cond3A_86 = arith.cmpi ne, %convert_element_type3A_84, %cond3A_85 : i32
        scf.if %cond3A_86 {
          %sub3A = arith.constant 2 : i32
          %sub3A_107 = arith.subi %add3A_64, %sub3A : i32
          %mul3A_108 = arith.constant 32 : i32
          %mul3A_109 = arith.muli %sub3A_107, %mul3A_108 : i32
          %add3A_110 = arith.addi %mul3A_109, %add3A : i32
          %mul3A_111 = arith.constant 1024 : i32
          %mul3A_112 = arith.muli %add3A_110, %mul3A_111 : i32
          %mul3A_113 = arith.constant 16 : i32
          %mul3A_114 = arith.muli %mul3A_112, %mul3A_113 : i32
          %dma_wait3A_115 = tpu.memref_slice %arg4[%mul3A_114] : memref<41600000xf32, #tpu.memory_space<hbm>> -> memref<16384xf32, #tpu.memory_space<hbm>>
          %dma_wait3A_116 = tpu.memref_slice %arg4[%mul3A_114] : memref<41600000xf32, #tpu.memory_space<hbm>> -> memref<16384xf32, #tpu.memory_space<hbm>>
          tpu.wait_dma2 semaphore(%arg13 : memref<!tpu.dma_semaphore, #tpu.memory_space<semaphore_mem>>) src(%arg8 : memref<16384xf32, #tpu.memory_space<vmem>>) dst(%dma_wait3A_116 : memref<16384xf32, #tpu.memory_space<hbm>>)
        } else {
        }
        %mul3A_87 = arith.constant 32 : i32
        %mul3A_88 = arith.muli %add3A_64, %mul3A_87 : i32
        %add3A_89 = arith.addi %mul3A_88, %add3A : i32
        %mul3A_90 = arith.constant 1024 : i32
        %mul3A_91 = arith.muli %add3A_89, %mul3A_90 : i32
        %dma_wait3A_92 = arith.constant 0 : i32
        %dma_wait3A_93 = tpu.memref_slice %arg2[%dma_wait3A_92, %mul3A_91] : memref<16x2600000xf32, #tpu.memory_space<hbm>> -> memref<16x1024xf32, #tpu.memory_space<hbm>>
        %dma_wait3A_94 = arith.constant 0 : i32
        %dma_wait3A_95 = tpu.memref_slice %arg2[%dma_wait3A_94, %mul3A_91] : memref<16x2600000xf32, #tpu.memory_space<hbm>> -> memref<16x1024xf32, #tpu.memory_space<hbm>>
        tpu.wait_dma2 semaphore(%arg11 : memref<!tpu.dma_semaphore, #tpu.memory_space<semaphore_mem>>) src(%dma_wait3A_95 : memref<16x1024xf32, #tpu.memory_space<hbm>>) dst(%arg6 : memref<16x1024xf32, #tpu.memory_space<vmem>>)
        %parallel_loop3A = arith.constant 0 : i32
        %parallel_loop3A_96 = arith.constant 64 : i32
        %parallel_loop3A_97 = arith.constant 1 : i32
        scf.for %parallel_loop3A_107 = %parallel_loop3A to %parallel_loop3A_96 step %parallel_loop3A_97  : i32 {
          %parallel_loop3A_108 = arith.constant 16 : i32
          %parallel_loop3A_109 = arith.muli %parallel_loop3A_107, %parallel_loop3A_108 : i32
          %parallel_loop3A_110 = arith.constant 0 : i32
          %parallel_loop3A_111 = arith.index_cast %parallel_loop3A_110 : i32 to index
          %parallel_loop3A_112 = arith.index_cast %parallel_loop3A_109 : i32 to index
          %parallel_loop3A_113 = tpu.vector_load %arg6[%parallel_loop3A_111, %parallel_loop3A_112] {strides = array<i32>} : memref<16x1024xf32, #tpu.memory_space<vmem>>, vector<16xf32>,
          %parallel_loop3A_114 = arith.constant 16 : i32
          %parallel_loop3A_115 = arith.muli %parallel_loop3A_107, %parallel_loop3A_114 : i32
          %parallel_loop3A_116 = arith.constant 16 : i32
          %parallel_loop3A_117 = arith.muli %parallel_loop3A_115, %parallel_loop3A_116 : i32
          %parallel_loop3A_118 = arith.constant 0 : i32
          %parallel_loop3A_119 = arith.addi %parallel_loop3A_117, %parallel_loop3A_118 : i32
          %parallel_loop3A_120 = vector.broadcast %parallel_loop3A_119 : i32 to vector<16xi32>
          %parallel_loop3A_121 = arith.addi %mul3A_3, %parallel_loop3A_120 : vector<16xi32>
          tpu.vector_store_idx %arg8[%parallel_loop3A_121], %parallel_loop3A_113 : memref<16384xf32, #tpu.memory_space<vmem>>[vector<16xi32>], vector<16xf32>,
          %parallel_loop3A_122 = arith.constant 16 : i32
          %parallel_loop3A_123 = arith.muli %parallel_loop3A_107, %parallel_loop3A_122 : i32
          %parallel_loop3A_124 = arith.constant 1 : i32
          %parallel_loop3A_125 = arith.index_cast %parallel_loop3A_124 : i32 to index
          %parallel_loop3A_126 = arith.index_cast %parallel_loop3A_123 : i32 to index
          %parallel_loop3A_127 = tpu.vector_load %arg6[%parallel_loop3A_125, %parallel_loop3A_126] {strides = array<i32>} : memref<16x1024xf32, #tpu.memory_space<vmem>>, vector<16xf32>,
          %parallel_loop3A_128 = arith.constant 16 : i32
          %parallel_loop3A_129 = arith.muli %parallel_loop3A_107, %parallel_loop3A_128 : i32
          %parallel_loop3A_130 = arith.constant 16 : i32
          %parallel_loop3A_131 = arith.muli %parallel_loop3A_129, %parallel_loop3A_130 : i32
          %parallel_loop3A_132 = arith.constant 1 : i32
          %parallel_loop3A_133 = arith.addi %parallel_loop3A_131, %parallel_loop3A_132 : i32
          %parallel_loop3A_134 = vector.broadcast %parallel_loop3A_133 : i32 to vector<16xi32>
          %parallel_loop3A_135 = arith.addi %mul3A_3, %parallel_loop3A_134 : vector<16xi32>
          tpu.vector_store_idx %arg8[%parallel_loop3A_135], %parallel_loop3A_127 : memref<16384xf32, #tpu.memory_space<vmem>>[vector<16xi32>], vector<16xf32>,
          %parallel_loop3A_136 = arith.constant 16 : i32
          %parallel_loop3A_137 = arith.muli %parallel_loop3A_107, %parallel_loop3A_136 : i32
          %parallel_loop3A_138 = arith.constant 2 : i32
          %parallel_loop3A_139 = arith.index_cast %parallel_loop3A_138 : i32 to index
          %parallel_loop3A_140 = arith.index_cast %parallel_loop3A_137 : i32 to index
          %parallel_loop3A_141 = tpu.vector_load %arg6[%parallel_loop3A_139, %parallel_loop3A_140] {strides = array<i32>} : memref<16x1024xf32, #tpu.memory_space<vmem>>, vector<16xf32>,
          %parallel_loop3A_142 = arith.constant 16 : i32
          %parallel_loop3A_143 = arith.muli %parallel_loop3A_107, %parallel_loop3A_142 : i32
          %parallel_loop3A_144 = arith.constant 16 : i32
          %parallel_loop3A_145 = arith.muli %parallel_loop3A_143, %parallel_loop3A_144 : i32
          %parallel_loop3A_146 = arith.constant 2 : i32
          %parallel_loop3A_147 = arith.addi %parallel_loop3A_145, %parallel_loop3A_146 : i32
          %parallel_loop3A_148 = vector.broadcast %parallel_loop3A_147 : i32 to vector<16xi32>
          %parallel_loop3A_149 = arith.addi %mul3A_3, %parallel_loop3A_148 : vector<16xi32>
          tpu.vector_store_idx %arg8[%parallel_loop3A_149], %parallel_loop3A_141 : memref<16384xf32, #tpu.memory_space<vmem>>[vector<16xi32>], vector<16xf32>,
          %parallel_loop3A_150 = arith.constant 16 : i32
          %parallel_loop3A_151 = arith.muli %parallel_loop3A_107, %parallel_loop3A_150 : i32
          %parallel_loop3A_152 = arith.constant 3 : i32
          %parallel_loop3A_153 = arith.index_cast %parallel_loop3A_152 : i32 to index
          %parallel_loop3A_154 = arith.index_cast %parallel_loop3A_151 : i32 to index
          %parallel_loop3A_155 = tpu.vector_load %arg6[%parallel_loop3A_153, %parallel_loop3A_154] {strides = array<i32>} : memref<16x1024xf32, #tpu.memory_space<vmem>>, vector<16xf32>,
          %parallel_loop3A_156 = arith.constant 16 : i32
          %parallel_loop3A_157 = arith.muli %parallel_loop3A_107, %parallel_loop3A_156 : i32
          %parallel_loop3A_158 = arith.constant 16 : i32
          %parallel_loop3A_159 = arith.muli %parallel_loop3A_157, %parallel_loop3A_158 : i32
          %parallel_loop3A_160 = arith.constant 3 : i32
          %parallel_loop3A_161 = arith.addi %parallel_loop3A_159, %parallel_loop3A_160 : i32
          %parallel_loop3A_162 = vector.broadcast %parallel_loop3A_161 : i32 to vector<16xi32>
          %parallel_loop3A_163 = arith.addi %mul3A_3, %parallel_loop3A_162 : vector<16xi32>
          tpu.vector_store_idx %arg8[%parallel_loop3A_163], %parallel_loop3A_155 : memref<16384xf32, #tpu.memory_space<vmem>>[vector<16xi32>], vector<16xf32>,
          %parallel_loop3A_164 = arith.constant 16 : i32
          %parallel_loop3A_165 = arith.muli %parallel_loop3A_107, %parallel_loop3A_164 : i32
          %parallel_loop3A_166 = arith.constant 4 : i32
          %parallel_loop3A_167 = arith.index_cast %parallel_loop3A_166 : i32 to index
          %parallel_loop3A_168 = arith.index_cast %parallel_loop3A_165 : i32 to index
          %parallel_loop3A_169 = tpu.vector_load %arg6[%parallel_loop3A_167, %parallel_loop3A_168] {strides = array<i32>} : memref<16x1024xf32, #tpu.memory_space<vmem>>, vector<16xf32>,
          %parallel_loop3A_170 = arith.constant 16 : i32
          %parallel_loop3A_171 = arith.muli %parallel_loop3A_107, %parallel_loop3A_170 : i32
          %parallel_loop3A_172 = arith.constant 16 : i32
          %parallel_loop3A_173 = arith.muli %parallel_loop3A_171, %parallel_loop3A_172 : i32
          %parallel_loop3A_174 = arith.constant 4 : i32
          %parallel_loop3A_175 = arith.addi %parallel_loop3A_173, %parallel_loop3A_174 : i32
          %parallel_loop3A_176 = vector.broadcast %parallel_loop3A_175 : i32 to vector<16xi32>
          %parallel_loop3A_177 = arith.addi %mul3A_3, %parallel_loop3A_176 : vector<16xi32>
          tpu.vector_store_idx %arg8[%parallel_loop3A_177], %parallel_loop3A_169 : memref<16384xf32, #tpu.memory_space<vmem>>[vector<16xi32>], vector<16xf32>,
          %parallel_loop3A_178 = arith.constant 16 : i32
          %parallel_loop3A_179 = arith.muli %parallel_loop3A_107, %parallel_loop3A_178 : i32
          %parallel_loop3A_180 = arith.constant 5 : i32
          %parallel_loop3A_181 = arith.index_cast %parallel_loop3A_180 : i32 to index
          %parallel_loop3A_182 = arith.index_cast %parallel_loop3A_179 : i32 to index
          %parallel_loop3A_183 = tpu.vector_load %arg6[%parallel_loop3A_181, %parallel_loop3A_182] {strides = array<i32>} : memref<16x1024xf32, #tpu.memory_space<vmem>>, vector<16xf32>,
          %parallel_loop3A_184 = arith.constant 16 : i32
          %parallel_loop3A_185 = arith.muli %parallel_loop3A_107, %parallel_loop3A_184 : i32
          %parallel_loop3A_186 = arith.constant 16 : i32
          %parallel_loop3A_187 = arith.muli %parallel_loop3A_185, %parallel_loop3A_186 : i32
          %parallel_loop3A_188 = arith.constant 5 : i32
          %parallel_loop3A_189 = arith.addi %parallel_loop3A_187, %parallel_loop3A_188 : i32
          %parallel_loop3A_190 = vector.broadcast %parallel_loop3A_189 : i32 to vector<16xi32>
          %parallel_loop3A_191 = arith.addi %mul3A_3, %parallel_loop3A_190 : vector<16xi32>
          tpu.vector_store_idx %arg8[%parallel_loop3A_191], %parallel_loop3A_183 : memref<16384xf32, #tpu.memory_space<vmem>>[vector<16xi32>], vector<16xf32>,
          %parallel_loop3A_192 = arith.constant 16 : i32
          %parallel_loop3A_193 = arith.muli %parallel_loop3A_107, %parallel_loop3A_192 : i32
          %parallel_loop3A_194 = arith.constant 6 : i32
          %parallel_loop3A_195 = arith.index_cast %parallel_loop3A_194 : i32 to index
          %parallel_loop3A_196 = arith.index_cast %parallel_loop3A_193 : i32 to index
          %parallel_loop3A_197 = tpu.vector_load %arg6[%parallel_loop3A_195, %parallel_loop3A_196] {strides = array<i32>} : memref<16x1024xf32, #tpu.memory_space<vmem>>, vector<16xf32>,
          %parallel_loop3A_198 = arith.constant 16 : i32
          %parallel_loop3A_199 = arith.muli %parallel_loop3A_107, %parallel_loop3A_198 : i32
          %parallel_loop3A_200 = arith.constant 16 : i32
          %parallel_loop3A_201 = arith.muli %parallel_loop3A_199, %parallel_loop3A_200 : i32
          %parallel_loop3A_202 = arith.constant 6 : i32
          %parallel_loop3A_203 = arith.addi %parallel_loop3A_201, %parallel_loop3A_202 : i32
          %parallel_loop3A_204 = vector.broadcast %parallel_loop3A_203 : i32 to vector<16xi32>
          %parallel_loop3A_205 = arith.addi %mul3A_3, %parallel_loop3A_204 : vector<16xi32>
          tpu.vector_store_idx %arg8[%parallel_loop3A_205], %parallel_loop3A_197 : memref<16384xf32, #tpu.memory_space<vmem>>[vector<16xi32>], vector<16xf32>,
          %parallel_loop3A_206 = arith.constant 16 : i32
          %parallel_loop3A_207 = arith.muli %parallel_loop3A_107, %parallel_loop3A_206 : i32
          %parallel_loop3A_208 = arith.constant 7 : i32
          %parallel_loop3A_209 = arith.index_cast %parallel_loop3A_208 : i32 to index
          %parallel_loop3A_210 = arith.index_cast %parallel_loop3A_207 : i32 to index
          %parallel_loop3A_211 = tpu.vector_load %arg6[%parallel_loop3A_209, %parallel_loop3A_210] {strides = array<i32>} : memref<16x1024xf32, #tpu.memory_space<vmem>>, vector<16xf32>,
          %parallel_loop3A_212 = arith.constant 16 : i32
          %parallel_loop3A_213 = arith.muli %parallel_loop3A_107, %parallel_loop3A_212 : i32
          %parallel_loop3A_214 = arith.constant 16 : i32
          %parallel_loop3A_215 = arith.muli %parallel_loop3A_213, %parallel_loop3A_214 : i32
          %parallel_loop3A_216 = arith.constant 7 : i32
          %parallel_loop3A_217 = arith.addi %parallel_loop3A_215, %parallel_loop3A_216 : i32
          %parallel_loop3A_218 = vector.broadcast %parallel_loop3A_217 : i32 to vector<16xi32>
          %parallel_loop3A_219 = arith.addi %mul3A_3, %parallel_loop3A_218 : vector<16xi32>
          tpu.vector_store_idx %arg8[%parallel_loop3A_219], %parallel_loop3A_211 : memref<16384xf32, #tpu.memory_space<vmem>>[vector<16xi32>], vector<16xf32>,
          %parallel_loop3A_220 = arith.constant 16 : i32
          %parallel_loop3A_221 = arith.muli %parallel_loop3A_107, %parallel_loop3A_220 : i32
          %parallel_loop3A_222 = arith.constant 8 : i32
          %parallel_loop3A_223 = arith.index_cast %parallel_loop3A_222 : i32 to index
          %parallel_loop3A_224 = arith.index_cast %parallel_loop3A_221 : i32 to index
          %parallel_loop3A_225 = tpu.vector_load %arg6[%parallel_loop3A_223, %parallel_loop3A_224] {strides = array<i32>} : memref<16x1024xf32, #tpu.memory_space<vmem>>, vector<16xf32>,
          %parallel_loop3A_226 = arith.constant 16 : i32
          %parallel_loop3A_227 = arith.muli %parallel_loop3A_107, %parallel_loop3A_226 : i32
          %parallel_loop3A_228 = arith.constant 16 : i32
          %parallel_loop3A_229 = arith.muli %parallel_loop3A_227, %parallel_loop3A_228 : i32
          %parallel_loop3A_230 = arith.constant 8 : i32
          %parallel_loop3A_231 = arith.addi %parallel_loop3A_229, %parallel_loop3A_230 : i32
          %parallel_loop3A_232 = vector.broadcast %parallel_loop3A_231 : i32 to vector<16xi32>
          %parallel_loop3A_233 = arith.addi %mul3A_3, %parallel_loop3A_232 : vector<16xi32>
          tpu.vector_store_idx %arg8[%parallel_loop3A_233], %parallel_loop3A_225 : memref<16384xf32, #tpu.memory_space<vmem>>[vector<16xi32>], vector<16xf32>,
          %parallel_loop3A_234 = arith.constant 16 : i32
          %parallel_loop3A_235 = arith.muli %parallel_loop3A_107, %parallel_loop3A_234 : i32
          %parallel_loop3A_236 = arith.constant 9 : i32
          %parallel_loop3A_237 = arith.index_cast %parallel_loop3A_236 : i32 to index
          %parallel_loop3A_238 = arith.index_cast %parallel_loop3A_235 : i32 to index
          %parallel_loop3A_239 = tpu.vector_load %arg6[%parallel_loop3A_237, %parallel_loop3A_238] {strides = array<i32>} : memref<16x1024xf32, #tpu.memory_space<vmem>>, vector<16xf32>,
          %parallel_loop3A_240 = arith.constant 16 : i32
          %parallel_loop3A_241 = arith.muli %parallel_loop3A_107, %parallel_loop3A_240 : i32
          %parallel_loop3A_242 = arith.constant 16 : i32
          %parallel_loop3A_243 = arith.muli %parallel_loop3A_241, %parallel_loop3A_242 : i32
          %parallel_loop3A_244 = arith.constant 9 : i32
          %parallel_loop3A_245 = arith.addi %parallel_loop3A_243, %parallel_loop3A_244 : i32
          %parallel_loop3A_246 = vector.broadcast %parallel_loop3A_245 : i32 to vector<16xi32>
          %parallel_loop3A_247 = arith.addi %mul3A_3, %parallel_loop3A_246 : vector<16xi32>
          tpu.vector_store_idx %arg8[%parallel_loop3A_247], %parallel_loop3A_239 : memref<16384xf32, #tpu.memory_space<vmem>>[vector<16xi32>], vector<16xf32>,
          %parallel_loop3A_248 = arith.constant 16 : i32
          %parallel_loop3A_249 = arith.muli %parallel_loop3A_107, %parallel_loop3A_248 : i32
          %parallel_loop3A_250 = arith.constant 10 : i32
          %parallel_loop3A_251 = arith.index_cast %parallel_loop3A_250 : i32 to index
          %parallel_loop3A_252 = arith.index_cast %parallel_loop3A_249 : i32 to index
          %parallel_loop3A_253 = tpu.vector_load %arg6[%parallel_loop3A_251, %parallel_loop3A_252] {strides = array<i32>} : memref<16x1024xf32, #tpu.memory_space<vmem>>, vector<16xf32>,
          %parallel_loop3A_254 = arith.constant 16 : i32
          %parallel_loop3A_255 = arith.muli %parallel_loop3A_107, %parallel_loop3A_254 : i32
          %parallel_loop3A_256 = arith.constant 16 : i32
          %parallel_loop3A_257 = arith.muli %parallel_loop3A_255, %parallel_loop3A_256 : i32
          %parallel_loop3A_258 = arith.constant 10 : i32
          %parallel_loop3A_259 = arith.addi %parallel_loop3A_257, %parallel_loop3A_258 : i32
          %parallel_loop3A_260 = vector.broadcast %parallel_loop3A_259 : i32 to vector<16xi32>
          %parallel_loop3A_261 = arith.addi %mul3A_3, %parallel_loop3A_260 : vector<16xi32>
          tpu.vector_store_idx %arg8[%parallel_loop3A_261], %parallel_loop3A_253 : memref<16384xf32, #tpu.memory_space<vmem>>[vector<16xi32>], vector<16xf32>,
          %parallel_loop3A_262 = arith.constant 16 : i32
          %parallel_loop3A_263 = arith.muli %parallel_loop3A_107, %parallel_loop3A_262 : i32
          %parallel_loop3A_264 = arith.constant 11 : i32
          %parallel_loop3A_265 = arith.index_cast %parallel_loop3A_264 : i32 to index
          %parallel_loop3A_266 = arith.index_cast %parallel_loop3A_263 : i32 to index
          %parallel_loop3A_267 = tpu.vector_load %arg6[%parallel_loop3A_265, %parallel_loop3A_266] {strides = array<i32>} : memref<16x1024xf32, #tpu.memory_space<vmem>>, vector<16xf32>,
          %parallel_loop3A_268 = arith.constant 16 : i32
          %parallel_loop3A_269 = arith.muli %parallel_loop3A_107, %parallel_loop3A_268 : i32
          %parallel_loop3A_270 = arith.constant 16 : i32
          %parallel_loop3A_271 = arith.muli %parallel_loop3A_269, %parallel_loop3A_270 : i32
          %parallel_loop3A_272 = arith.constant 11 : i32
          %parallel_loop3A_273 = arith.addi %parallel_loop3A_271, %parallel_loop3A_272 : i32
          %parallel_loop3A_274 = vector.broadcast %parallel_loop3A_273 : i32 to vector<16xi32>
          %parallel_loop3A_275 = arith.addi %mul3A_3, %parallel_loop3A_274 : vector<16xi32>
          tpu.vector_store_idx %arg8[%parallel_loop3A_275], %parallel_loop3A_267 : memref<16384xf32, #tpu.memory_space<vmem>>[vector<16xi32>], vector<16xf32>,
          %parallel_loop3A_276 = arith.constant 16 : i32
          %parallel_loop3A_277 = arith.muli %parallel_loop3A_107, %parallel_loop3A_276 : i32
          %parallel_loop3A_278 = arith.constant 12 : i32
          %parallel_loop3A_279 = arith.index_cast %parallel_loop3A_278 : i32 to index
          %parallel_loop3A_280 = arith.index_cast %parallel_loop3A_277 : i32 to index
          %parallel_loop3A_281 = tpu.vector_load %arg6[%parallel_loop3A_279, %parallel_loop3A_280] {strides = array<i32>} : memref<16x1024xf32, #tpu.memory_space<vmem>>, vector<16xf32>,
          %parallel_loop3A_282 = arith.constant 16 : i32
          %parallel_loop3A_283 = arith.muli %parallel_loop3A_107, %parallel_loop3A_282 : i32
          %parallel_loop3A_284 = arith.constant 16 : i32
          %parallel_loop3A_285 = arith.muli %parallel_loop3A_283, %parallel_loop3A_284 : i32
          %parallel_loop3A_286 = arith.constant 12 : i32
          %parallel_loop3A_287 = arith.addi %parallel_loop3A_285, %parallel_loop3A_286 : i32
          %parallel_loop3A_288 = vector.broadcast %parallel_loop3A_287 : i32 to vector<16xi32>
          %parallel_loop3A_289 = arith.addi %mul3A_3, %parallel_loop3A_288 : vector<16xi32>
          tpu.vector_store_idx %arg8[%parallel_loop3A_289], %parallel_loop3A_281 : memref<16384xf32, #tpu.memory_space<vmem>>[vector<16xi32>], vector<16xf32>,
          %parallel_loop3A_290 = arith.constant 16 : i32
          %parallel_loop3A_291 = arith.muli %parallel_loop3A_107, %parallel_loop3A_290 : i32
          %parallel_loop3A_292 = arith.constant 13 : i32
          %parallel_loop3A_293 = arith.index_cast %parallel_loop3A_292 : i32 to index
          %parallel_loop3A_294 = arith.index_cast %parallel_loop3A_291 : i32 to index
          %parallel_loop3A_295 = tpu.vector_load %arg6[%parallel_loop3A_293, %parallel_loop3A_294] {strides = array<i32>} : memref<16x1024xf32, #tpu.memory_space<vmem>>, vector<16xf32>,
          %parallel_loop3A_296 = arith.constant 16 : i32
          %parallel_loop3A_297 = arith.muli %parallel_loop3A_107, %parallel_loop3A_296 : i32
          %parallel_loop3A_298 = arith.constant 16 : i32
          %parallel_loop3A_299 = arith.muli %parallel_loop3A_297, %parallel_loop3A_298 : i32
          %parallel_loop3A_300 = arith.constant 13 : i32
          %parallel_loop3A_301 = arith.addi %parallel_loop3A_299, %parallel_loop3A_300 : i32
          %parallel_loop3A_302 = vector.broadcast %parallel_loop3A_301 : i32 to vector<16xi32>
          %parallel_loop3A_303 = arith.addi %mul3A_3, %parallel_loop3A_302 : vector<16xi32>
          tpu.vector_store_idx %arg8[%parallel_loop3A_303], %parallel_loop3A_295 : memref<16384xf32, #tpu.memory_space<vmem>>[vector<16xi32>], vector<16xf32>,
          %parallel_loop3A_304 = arith.constant 16 : i32
          %parallel_loop3A_305 = arith.muli %parallel_loop3A_107, %parallel_loop3A_304 : i32
          %parallel_loop3A_306 = arith.constant 14 : i32
          %parallel_loop3A_307 = arith.index_cast %parallel_loop3A_306 : i32 to index
          %parallel_loop3A_308 = arith.index_cast %parallel_loop3A_305 : i32 to index
          %parallel_loop3A_309 = tpu.vector_load %arg6[%parallel_loop3A_307, %parallel_loop3A_308] {strides = array<i32>} : memref<16x1024xf32, #tpu.memory_space<vmem>>, vector<16xf32>,
          %parallel_loop3A_310 = arith.constant 16 : i32
          %parallel_loop3A_311 = arith.muli %parallel_loop3A_107, %parallel_loop3A_310 : i32
          %parallel_loop3A_312 = arith.constant 16 : i32
          %parallel_loop3A_313 = arith.muli %parallel_loop3A_311, %parallel_loop3A_312 : i32
          %parallel_loop3A_314 = arith.constant 14 : i32
          %parallel_loop3A_315 = arith.addi %parallel_loop3A_313, %parallel_loop3A_314 : i32
          %parallel_loop3A_316 = vector.broadcast %parallel_loop3A_315 : i32 to vector<16xi32>
          %parallel_loop3A_317 = arith.addi %mul3A_3, %parallel_loop3A_316 : vector<16xi32>
          tpu.vector_store_idx %arg8[%parallel_loop3A_317], %parallel_loop3A_309 : memref<16384xf32, #tpu.memory_space<vmem>>[vector<16xi32>], vector<16xf32>,
          %parallel_loop3A_318 = arith.constant 16 : i32
          %parallel_loop3A_319 = arith.muli %parallel_loop3A_107, %parallel_loop3A_318 : i32
          %parallel_loop3A_320 = arith.constant 15 : i32
          %parallel_loop3A_321 = arith.index_cast %parallel_loop3A_320 : i32 to index
          %parallel_loop3A_322 = arith.index_cast %parallel_loop3A_319 : i32 to index
          %parallel_loop3A_323 = tpu.vector_load %arg6[%parallel_loop3A_321, %parallel_loop3A_322] {strides = array<i32>} : memref<16x1024xf32, #tpu.memory_space<vmem>>, vector<16xf32>,
          %parallel_loop3A_324 = arith.constant 16 : i32
          %parallel_loop3A_325 = arith.muli %parallel_loop3A_107, %parallel_loop3A_324 : i32
          %parallel_loop3A_326 = arith.constant 16 : i32
          %parallel_loop3A_327 = arith.muli %parallel_loop3A_325, %parallel_loop3A_326 : i32
          %parallel_loop3A_328 = arith.constant 15 : i32
          %parallel_loop3A_329 = arith.addi %parallel_loop3A_327, %parallel_loop3A_328 : i32
          %parallel_loop3A_330 = vector.broadcast %parallel_loop3A_329 : i32 to vector<16xi32>
          %parallel_loop3A_331 = arith.addi %mul3A_3, %parallel_loop3A_330 : vector<16xi32>
          tpu.vector_store_idx %arg8[%parallel_loop3A_331], %parallel_loop3A_323 : memref<16384xf32, #tpu.memory_space<vmem>>[vector<16xi32>], vector<16xf32>,
        } {sc.loop_unroll_factor = 4 : i64, sc.parallel_access}
        %mul3A_98 = arith.constant 32 : i32
        %mul3A_99 = arith.muli %add3A_64, %mul3A_98 : i32
        %add3A_100 = arith.addi %mul3A_99, %add3A : i32
        %mul3A_101 = arith.constant 1024 : i32
        %mul3A_102 = arith.muli %add3A_100, %mul3A_101 : i32
        %mul3A_103 = arith.constant 16 : i32
        %mul3A_104 = arith.muli %mul3A_102, %mul3A_103 : i32
        %dma_start3A_105 = tpu.memref_slice %arg4[%mul3A_104] : memref<41600000xf32, #tpu.memory_space<hbm>> -> memref<16384xf32, #tpu.memory_space<hbm>>
        %dma_start3A_106 = tpu.memref_slice %arg4[%mul3A_104] : memref<41600000xf32, #tpu.memory_space<hbm>> -> memref<16384xf32, #tpu.memory_space<hbm>>
        tpu.enqueue_dma source(%arg8 : memref<16384xf32, #tpu.memory_space<vmem>>) target(%dma_start3A_106 : memref<16384xf32, #tpu.memory_space<hbm>>) target_semaphore(%arg13 : memref<!tpu.dma_semaphore, #tpu.memory_space<semaphore_mem>>)
      } else {
      }
      %add3A_73 = arith.constant 2 : i32
      %add3A_74 = arith.addi %add3A_64, %add3A_73 : i32
      %mul3A_75 = arith.constant 32 : i32
      %mul3A_76 = arith.muli %add3A_74, %mul3A_75 : i32
      %add3A_77 = arith.addi %mul3A_76, %add3A : i32
      %lt3A_78 = arith.constant 2539 : i32
      %lt3A_79 = arith.cmpi slt, %add3A_77, %lt3A_78 : i32
      %convert_element_type3A_80 = arith.extui %lt3A_79 : i1 to i32
      %cond3A_81 = arith.constant 0 : i32
      %cond3A_82 = arith.cmpi ne, %convert_element_type3A_80, %cond3A_81 : i32
      scf.if %cond3A_82 {
        %add3A_83 = arith.constant 2 : i32
        %add3A_84 = arith.addi %add3A_64, %add3A_83 : i32
        %mul3A_85 = arith.constant 32 : i32
        %mul3A_86 = arith.muli %add3A_84, %mul3A_85 : i32
        %add3A_87 = arith.addi %mul3A_86, %add3A : i32
        %mul3A_88 = arith.constant 1024 : i32
        %mul3A_89 = arith.muli %add3A_87, %mul3A_88 : i32
        %dma_start3A_90 = arith.constant 0 : i32
        %dma_start3A_91 = tpu.memref_slice %arg2[%dma_start3A_90, %mul3A_89] : memref<16x2600000xf32, #tpu.memory_space<hbm>> -> memref<16x1024xf32, #tpu.memory_space<hbm>>
        %dma_start3A_92 = arith.constant 0 : i32
        %dma_start3A_93 = tpu.memref_slice %arg2[%dma_start3A_92, %mul3A_89] : memref<16x2600000xf32, #tpu.memory_space<hbm>> -> memref<16x1024xf32, #tpu.memory_space<hbm>>
        tpu.enqueue_dma source(%dma_start3A_93 : memref<16x1024xf32, #tpu.memory_space<hbm>>) target(%arg6 : memref<16x1024xf32, #tpu.memory_space<vmem>>) target_semaphore(%arg11 : memref<!tpu.dma_semaphore, #tpu.memory_space<semaphore_mem>>)
      } else {
      }
    }
    %scan3A_23 = arith.constant 40 : i32
    %add3A_24 = arith.constant 0 : i32
    %add3A_25 = arith.addi %add3A_24, %add3A : i32
    %mul3A_26 = arith.constant 1024 : i32
    %mul3A_27 = arith.muli %add3A_25, %mul3A_26 : i32
    %mul3A_28 = arith.constant 16 : i32
    %mul3A_29 = arith.muli %mul3A_27, %mul3A_28 : i32
    %dma_wait3A = tpu.memref_slice %arg4[%mul3A_29] : memref<41600000xf32, #tpu.memory_space<hbm>> -> memref<16384xf32, #tpu.memory_space<hbm>>
    %dma_wait3A_30 = tpu.memref_slice %arg4[%mul3A_29] : memref<41600000xf32, #tpu.memory_space<hbm>> -> memref<16384xf32, #tpu.memory_space<hbm>>
    tpu.wait_dma2 semaphore(%arg12 : memref<!tpu.dma_semaphore, #tpu.memory_space<semaphore_mem>>) src(%arg7 : memref<16384xf32, #tpu.memory_space<vmem>>) dst(%dma_wait3A_30 : memref<16384xf32, #tpu.memory_space<hbm>>)
    %add3A_31 = arith.constant 32 : i32
    %add3A_32 = arith.addi %add3A_31, %add3A : i32
    %mul3A_33 = arith.constant 1024 : i32
    %mul3A_34 = arith.muli %add3A_32, %mul3A_33 : i32
    %mul3A_35 = arith.constant 16 : i32
    %mul3A_36 = arith.muli %mul3A_34, %mul3A_35 : i32
    %dma_wait3A_37 = tpu.memref_slice %arg4[%mul3A_36] : memref<41600000xf32, #tpu.memory_space<hbm>> -> memref<16384xf32, #tpu.memory_space<hbm>>
    %dma_wait3A_38 = tpu.memref_slice %arg4[%mul3A_36] : memref<41600000xf32, #tpu.memory_space<hbm>> -> memref<16384xf32, #tpu.memory_space<hbm>>
    tpu.wait_dma2 semaphore(%arg13 : memref<!tpu.dma_semaphore, #tpu.memory_space<semaphore_mem>>) src(%arg8 : memref<16384xf32, #tpu.memory_space<vmem>>) dst(%dma_wait3A_38 : memref<16384xf32, #tpu.memory_space<hbm>>)
    %eq3A = arith.constant 31 : i32
    %eq3A_39 = arith.cmpi eq, %add3A, %eq3A : i32
    %convert_element_type3A = arith.extui %eq3A_39 : i1 to i32
    %cond3A = arith.constant 0 : i32
    %cond3A_40 = arith.cmpi ne, %convert_element_type3A, %cond3A : i32
    scf.if %cond3A_40 {
      "tpu.region"() ({
        %run_scoped3A = tpu.sem_alloc : memref<!tpu.dma_semaphore, #tpu.memory_space<semaphore_mem>>
        tpu.enqueue_dma source(%arg3 : memref<1024xf32, #tpu.memory_space<hbm>>) target(%arg9 : memref<1024xf32, #tpu.memory_space<vmem>>) target_semaphore(%run_scoped3A : memref<!tpu.dma_semaphore, #tpu.memory_space<semaphore_mem>>)
        tpu.wait_dma2 semaphore(%run_scoped3A : memref<!tpu.dma_semaphore, #tpu.memory_space<semaphore_mem>>) src(%arg3 : memref<1024xf32, #tpu.memory_space<hbm>>) dst(%arg9 : memref<1024xf32, #tpu.memory_space<vmem>>)
        tpu.yield
      }) : () -> ()
      "tpu.region"() ({
        %run_scoped3A = tpu.sem_alloc : memref<!tpu.dma_semaphore, #tpu.memory_space<semaphore_mem>>
        %dma_start3A_41 = arith.constant 41598976 : i32
        %dma_start3A_42 = tpu.memref_slice %arg4[%dma_start3A_41] : memref<41600000xf32, #tpu.memory_space<hbm>> -> memref<1024xf32, #tpu.memory_space<hbm>>
        %dma_start3A_43 = arith.constant 41598976 : i32
        %dma_start3A_44 = tpu.memref_slice %arg4[%dma_start3A_43] : memref<41600000xf32, #tpu.memory_space<hbm>> -> memref<1024xf32, #tpu.memory_space<hbm>>
        tpu.enqueue_dma source(%arg9 : memref<1024xf32, #tpu.memory_space<vmem>>) target(%dma_start3A_44 : memref<1024xf32, #tpu.memory_space<hbm>>) target_semaphore(%run_scoped3A : memref<!tpu.dma_semaphore, #tpu.memory_space<semaphore_mem>>)
        %dma_wait3A_45 = arith.constant 41598976 : i32
        %dma_wait3A_46 = tpu.memref_slice %arg4[%dma_wait3A_45] : memref<41600000xf32, #tpu.memory_space<hbm>> -> memref<1024xf32, #tpu.memory_space<hbm>>
        %dma_wait3A_47 = arith.constant 41598976 : i32
        %dma_wait3A_48 = tpu.memref_slice %arg4[%dma_wait3A_47] : memref<41600000xf32, #tpu.memory_space<hbm>> -> memref<1024xf32, #tpu.memory_space<hbm>>
        tpu.wait_dma2 semaphore(%run_scoped3A : memref<!tpu.dma_semaphore, #tpu.memory_space<semaphore_mem>>) src(%arg9 : memref<1024xf32, #tpu.memory_space<vmem>>) dst(%dma_wait3A_48 : memref<1024xf32, #tpu.memory_space<hbm>>)
        tpu.yield
      }) : () -> ()
    } else {
    }
    return
  }
}

#map = affine_map<(d0, d1) -> (0, 0)>
#map1 = affine_map<(d0, d1) -> (0)>
module attributes {stable_mosaic.version = 14 : i64} {
  func.func @body(%arg0: i32, %arg1: i32, %arg2: memref<2600000x16xf32, #tpu.memory_space<hbm>>, %arg3: memref<2129920xi32, #tpu.memory_space<hbm>>, %arg4: memref<1703936xf32, #tpu.memory_space<hbm>>, %arg5: memref<2560xi32, #tpu.memory_space<vmem>>, %arg6: memref<2560xi32, #tpu.memory_space<vmem>>, %arg7: memref<2560xi32, #tpu.memory_space<vmem>>, %arg8: memref<2560xi32, #tpu.memory_space<vmem>>, %arg9: memref<2560x16xf32, #tpu.memory_space<vmem>>, %arg10: memref<2560x16xf32, #tpu.memory_space<vmem>>, %arg11: memref<2048xf32, #tpu.memory_space<vmem>>, %arg12: memref<2048xf32, #tpu.memory_space<vmem>>, %arg13: memref<!tpu.dma_semaphore, #tpu.memory_space<semaphore_mem>>, %arg14: memref<!tpu.dma_semaphore, #tpu.memory_space<semaphore_mem>>, %arg15: memref<!tpu.dma_semaphore, #tpu.memory_space<semaphore_mem>>, %arg16: memref<!tpu.dma_semaphore, #tpu.memory_space<semaphore_mem>>, %arg17: memref<!tpu.dma_semaphore, #tpu.memory_space<semaphore_mem>>, %arg18: memref<!tpu.dma_semaphore, #tpu.memory_space<semaphore_mem>>) attributes {dimension_semantics = [#tpu.dimension_semantics<core_parallel>, #tpu.dimension_semantics<subcore_parallel>], iteration_bounds = array<i64: 2, 16>, scalar_prefetch = 0 : i64, scratch_operands = 14 : i64, tpu.core_type = #tpu.core_type<sc_vector_subcore>, window_params = [{transform_indices = #map}, {transform_indices = #map1}, {transform_indices = #map1}]} {
    %mul3A = arith.constant 2 : i32
    %mul3A_0 = arith.muli %arg1, %mul3A : i32
    %add3A = arith.addi %mul3A_0, %arg0 : i32
    %mul3A_1 = arith.constant 26 : i32
    %mul3A_2 = arith.muli %add3A, %mul3A_1 : i32
    %iota3A = tpu.iota {dimensions = array<i32: 0>} : vector<16xi32>
    %mul3A_3 = arith.constant 128 : i32
    %mul3A_4 = vector.broadcast %mul3A_3 : i32 to vector<16xi32>
    %mul3A_5 = arith.muli %iota3A, %mul3A_4 : vector<16xi32>
    %add3A_6 = arith.constant 0 : i32
    %add3A_7 = arith.addi %mul3A_2, %add3A_6 : i32
    %mul3A_8 = arith.constant 2560 : i32
    %mul3A_9 = arith.muli %add3A_7, %mul3A_8 : i32
    %dma_start3A = tpu.memref_slice %arg3[%mul3A_9] : memref<2129920xi32, #tpu.memory_space<hbm>> -> memref<2560xi32, #tpu.memory_space<hbm>>
    %dma_start3A_10 = tpu.memref_slice %arg3[%mul3A_9] : memref<2129920xi32, #tpu.memory_space<hbm>> -> memref<2560xi32, #tpu.memory_space<hbm>>
    tpu.enqueue_dma source(%dma_start3A_10 : memref<2560xi32, #tpu.memory_space<hbm>>) target(%arg5 : memref<2560xi32, #tpu.memory_space<vmem>>) target_semaphore(%arg13 : memref<!tpu.dma_semaphore, #tpu.memory_space<semaphore_mem>>)
    %add3A_11 = arith.constant 1 : i32
    %add3A_12 = arith.addi %mul3A_2, %add3A_11 : i32
    %mul3A_13 = arith.constant 2560 : i32
    %mul3A_14 = arith.muli %add3A_12, %mul3A_13 : i32
    %dma_start3A_15 = tpu.memref_slice %arg3[%mul3A_14] : memref<2129920xi32, #tpu.memory_space<hbm>> -> memref<2560xi32, #tpu.memory_space<hbm>>
    %dma_start3A_16 = tpu.memref_slice %arg3[%mul3A_14] : memref<2129920xi32, #tpu.memory_space<hbm>> -> memref<2560xi32, #tpu.memory_space<hbm>>
    tpu.enqueue_dma source(%dma_start3A_16 : memref<2560xi32, #tpu.memory_space<hbm>>) target(%arg6 : memref<2560xi32, #tpu.memory_space<vmem>>) target_semaphore(%arg14 : memref<!tpu.dma_semaphore, #tpu.memory_space<semaphore_mem>>)
    %scan3A = arith.constant 0 : i32
    %scan3A_17 = arith.constant 0 : i32
    %scan3A_18 = arith.constant 13 : i32
    %scan3A_19 = arith.addi %scan3A_17, %scan3A_18 : i32
    %scan3A_20 = arith.constant 1 : i32
    scf.for %scan3A_271 = %scan3A_17 to %scan3A_19 step %scan3A_20  : i32 {
      %mul3A_272 = arith.constant 2 : i32
      %mul3A_273 = arith.muli %mul3A_272, %scan3A_271 : i32
      %add3A_274 = arith.addi %mul3A_2, %mul3A_273 : i32
      %mul3A_275 = arith.constant 2560 : i32
      %mul3A_276 = arith.muli %add3A_274, %mul3A_275 : i32
      %dma_wait3A_277 = tpu.memref_slice %arg3[%mul3A_276] : memref<2129920xi32, #tpu.memory_space<hbm>> -> memref<2560xi32, #tpu.memory_space<hbm>>
      %dma_wait3A_278 = tpu.memref_slice %arg3[%mul3A_276] : memref<2129920xi32, #tpu.memory_space<hbm>> -> memref<2560xi32, #tpu.memory_space<hbm>>
      tpu.wait_dma2 semaphore(%arg13 : memref<!tpu.dma_semaphore, #tpu.memory_space<semaphore_mem>>) src(%dma_wait3A_278 : memref<2560xi32, #tpu.memory_space<hbm>>) dst(%arg5 : memref<2560xi32, #tpu.memory_space<vmem>>)
      %add3A_279 = arith.addi %mul3A_2, %mul3A_273 : i32
      %jit3A = arith.constant 32 : i32
      %div3A = arith.divsi %add3A_279, %jit3A : i32
      %sign3A = arith.constant 0 : i32
      %sign3A_280 = arith.cmpi sgt, %add3A_279, %sign3A : i32
      %sign3A_281 = arith.extui %sign3A_280 : i1 to i32
      %sign3A_282 = arith.constant 0 : i32
      %sign3A_283 = arith.cmpi slt, %add3A_279, %sign3A_282 : i32
      %sign3A_284 = arith.extui %sign3A_283 : i1 to i32
      %sign3A_285 = arith.subi %sign3A_281, %sign3A_284 : i32
      %sign3A_286 = arith.constant 0 : i32
      %sign3A_287 = arith.cmpi sgt, %jit3A, %sign3A_286 : i32
      %sign3A_288 = arith.extui %sign3A_287 : i1 to i32
      %sign3A_289 = arith.constant 0 : i32
      %sign3A_290 = arith.cmpi slt, %jit3A, %sign3A_289 : i32
      %sign3A_291 = arith.extui %sign3A_290 : i1 to i32
      %sign3A_292 = arith.subi %sign3A_288, %sign3A_291 : i32
      %ne3A = arith.cmpi ne, %sign3A_285, %sign3A_292 : i32
      %rem3A = arith.remsi %add3A_279, %jit3A : i32
      %ne3A_293 = arith.constant 0 : i32
      %ne3A_294 = arith.cmpi ne, %rem3A, %ne3A_293 : i32
      %and3A = arith.andi %ne3A, %ne3A_294 : i1
      %sub3A = arith.constant 1 : i32
      %sub3A_295 = arith.subi %div3A, %sub3A : i32
      %select_n3A = arith.select %and3A, %sub3A_295, %div3A : i32
      %broadcast_in_dim3A = arith.constant 0 : i32
      %broadcast_in_dim3A_296 = vector.broadcast %broadcast_in_dim3A : i32 to vector<16xi32>
      %mul3A_297 = arith.constant 100000 : i32
      %mul3A_298 = arith.muli %select_n3A, %mul3A_297 : i32
      %add3A_299 = vector.broadcast %mul3A_298 : i32 to vector<16xi32>
      %add3A_300 = arith.addi %broadcast_in_dim3A_296, %add3A_299 : vector<16xi32>
      %parallel_loop3A_301 = arith.constant 0 : i32
      %parallel_loop3A_302 = arith.constant 160 : i32
      %parallel_loop3A_303 = arith.constant 1 : i32
      scf.for %parallel_loop3A_864 = %parallel_loop3A_301 to %parallel_loop3A_302 step %parallel_loop3A_303  : i32 {
        %parallel_loop3A_865 = arith.constant 16 : i32
        %parallel_loop3A_866 = arith.muli %parallel_loop3A_864, %parallel_loop3A_865 : i32
        %parallel_loop3A_867 = arith.index_cast %parallel_loop3A_866 : i32 to index
        %parallel_loop3A_868 = tpu.vector_load %arg5[%parallel_loop3A_867] {strides = array<i32>} : memref<2560xi32, #tpu.memory_space<vmem>>, vector<16xi32>,
        %parallel_loop3A_869 = arith.addi %parallel_loop3A_868, %add3A_300 : vector<16xi32>
        %parallel_loop3A_870 = arith.index_cast %parallel_loop3A_866 : i32 to index
        %parallel_loop3A_871 = tpu.vector_load %arg7[%parallel_loop3A_870] {strides = array<i32>} : memref<2560xi32, #tpu.memory_space<vmem>>, vector<16xi32>,
        tpu.vector_store %arg7[%parallel_loop3A_870], %parallel_loop3A_869 {strides = array<i32>} : memref<2560xi32, #tpu.memory_space<vmem>>, vector<16xi32>,
      } {sc.loop_unroll_factor = 4 : i64, sc.parallel_access}
      %dma_start3A_304 = arith.constant 0 : i32
      %dma_start3A_305 = arith.constant 0 : i32
      %dma_start3A_306 = tpu.memref_slice %arg9[%dma_start3A_304, %dma_start3A_305] : memref<2560x16xf32, #tpu.memory_space<vmem>> -> memref<128x16xf32, #tpu.memory_space<vmem>>
      %dma_start3A_307 = arith.constant 0 : i32
      %dma_start3A_308 = tpu.memref_slice %arg7[%dma_start3A_307] : memref<2560xi32, #tpu.memory_space<vmem>> -> memref<128xi32, #tpu.memory_space<vmem>>
      %dma_start3A_309 = arith.constant 0 : i32
      %dma_start3A_310 = arith.constant 0 : i32
      %dma_start3A_311 = tpu.memref_slice %arg2[%dma_start3A_309, %dma_start3A_310] : memref<2600000x16xf32, #tpu.memory_space<hbm>> -> memref<2600000x16xf32, #tpu.memory_space<hbm>>
      tpu.enqueue_indirect_dma source(%dma_start3A_311 : memref<2600000x16xf32, #tpu.memory_space<hbm>>) target(%dma_start3A_306 : memref<128x16xf32, #tpu.memory_space<vmem>>) offsets(%dma_start3A_308 : memref<128xi32, #tpu.memory_space<vmem>>) semaphore(%arg15 : memref<!tpu.dma_semaphore, #tpu.memory_space<semaphore_mem>>)
      %dma_start3A_312 = arith.constant 128 : i32
      %dma_start3A_313 = arith.constant 0 : i32
      %dma_start3A_314 = tpu.memref_slice %arg9[%dma_start3A_312, %dma_start3A_313] : memref<2560x16xf32, #tpu.memory_space<vmem>> -> memref<128x16xf32, #tpu.memory_space<vmem>>
      %dma_start3A_315 = arith.constant 128 : i32
      %dma_start3A_316 = tpu.memref_slice %arg7[%dma_start3A_315] : memref<2560xi32, #tpu.memory_space<vmem>> -> memref<128xi32, #tpu.memory_space<vmem>>
      %dma_start3A_317 = arith.constant 0 : i32
      %dma_start3A_318 = arith.constant 0 : i32
      %dma_start3A_319 = tpu.memref_slice %arg2[%dma_start3A_317, %dma_start3A_318] : memref<2600000x16xf32, #tpu.memory_space<hbm>> -> memref<2600000x16xf32, #tpu.memory_space<hbm>>
      tpu.enqueue_indirect_dma source(%dma_start3A_319 : memref<2600000x16xf32, #tpu.memory_space<hbm>>) target(%dma_start3A_314 : memref<128x16xf32, #tpu.memory_space<vmem>>) offsets(%dma_start3A_316 : memref<128xi32, #tpu.memory_space<vmem>>) semaphore(%arg15 : memref<!tpu.dma_semaphore, #tpu.memory_space<semaphore_mem>>)
      %dma_start3A_320 = arith.constant 256 : i32
      %dma_start3A_321 = arith.constant 0 : i32
      %dma_start3A_322 = tpu.memref_slice %arg9[%dma_start3A_320, %dma_start3A_321] : memref<2560x16xf32, #tpu.memory_space<vmem>> -> memref<128x16xf32, #tpu.memory_space<vmem>>
      %dma_start3A_323 = arith.constant 256 : i32
      %dma_start3A_324 = tpu.memref_slice %arg7[%dma_start3A_323] : memref<2560xi32, #tpu.memory_space<vmem>> -> memref<128xi32, #tpu.memory_space<vmem>>
      %dma_start3A_325 = arith.constant 0 : i32
      %dma_start3A_326 = arith.constant 0 : i32
      %dma_start3A_327 = tpu.memref_slice %arg2[%dma_start3A_325, %dma_start3A_326] : memref<2600000x16xf32, #tpu.memory_space<hbm>> -> memref<2600000x16xf32, #tpu.memory_space<hbm>>
      tpu.enqueue_indirect_dma source(%dma_start3A_327 : memref<2600000x16xf32, #tpu.memory_space<hbm>>) target(%dma_start3A_322 : memref<128x16xf32, #tpu.memory_space<vmem>>) offsets(%dma_start3A_324 : memref<128xi32, #tpu.memory_space<vmem>>) semaphore(%arg15 : memref<!tpu.dma_semaphore, #tpu.memory_space<semaphore_mem>>)
      %dma_start3A_328 = arith.constant 384 : i32
      %dma_start3A_329 = arith.constant 0 : i32
      %dma_start3A_330 = tpu.memref_slice %arg9[%dma_start3A_328, %dma_start3A_329] : memref<2560x16xf32, #tpu.memory_space<vmem>> -> memref<128x16xf32, #tpu.memory_space<vmem>>
      %dma_start3A_331 = arith.constant 384 : i32
      %dma_start3A_332 = tpu.memref_slice %arg7[%dma_start3A_331] : memref<2560xi32, #tpu.memory_space<vmem>> -> memref<128xi32, #tpu.memory_space<vmem>>
      %dma_start3A_333 = arith.constant 0 : i32
      %dma_start3A_334 = arith.constant 0 : i32
      %dma_start3A_335 = tpu.memref_slice %arg2[%dma_start3A_333, %dma_start3A_334] : memref<2600000x16xf32, #tpu.memory_space<hbm>> -> memref<2600000x16xf32, #tpu.memory_space<hbm>>
      tpu.enqueue_indirect_dma source(%dma_start3A_335 : memref<2600000x16xf32, #tpu.memory_space<hbm>>) target(%dma_start3A_330 : memref<128x16xf32, #tpu.memory_space<vmem>>) offsets(%dma_start3A_332 : memref<128xi32, #tpu.memory_space<vmem>>) semaphore(%arg15 : memref<!tpu.dma_semaphore, #tpu.memory_space<semaphore_mem>>)
      %dma_start3A_336 = arith.constant 512 : i32
      %dma_start3A_337 = arith.constant 0 : i32
      %dma_start3A_338 = tpu.memref_slice %arg9[%dma_start3A_336, %dma_start3A_337] : memref<2560x16xf32, #tpu.memory_space<vmem>> -> memref<128x16xf32, #tpu.memory_space<vmem>>
      %dma_start3A_339 = arith.constant 512 : i32
      %dma_start3A_340 = tpu.memref_slice %arg7[%dma_start3A_339] : memref<2560xi32, #tpu.memory_space<vmem>> -> memref<128xi32, #tpu.memory_space<vmem>>
      %dma_start3A_341 = arith.constant 0 : i32
      %dma_start3A_342 = arith.constant 0 : i32
      %dma_start3A_343 = tpu.memref_slice %arg2[%dma_start3A_341, %dma_start3A_342] : memref<2600000x16xf32, #tpu.memory_space<hbm>> -> memref<2600000x16xf32, #tpu.memory_space<hbm>>
      tpu.enqueue_indirect_dma source(%dma_start3A_343 : memref<2600000x16xf32, #tpu.memory_space<hbm>>) target(%dma_start3A_338 : memref<128x16xf32, #tpu.memory_space<vmem>>) offsets(%dma_start3A_340 : memref<128xi32, #tpu.memory_space<vmem>>) semaphore(%arg15 : memref<!tpu.dma_semaphore, #tpu.memory_space<semaphore_mem>>)
      %dma_start3A_344 = arith.constant 640 : i32
      %dma_start3A_345 = arith.constant 0 : i32
      %dma_start3A_346 = tpu.memref_slice %arg9[%dma_start3A_344, %dma_start3A_345] : memref<2560x16xf32, #tpu.memory_space<vmem>> -> memref<128x16xf32, #tpu.memory_space<vmem>>
      %dma_start3A_347 = arith.constant 640 : i32
      %dma_start3A_348 = tpu.memref_slice %arg7[%dma_start3A_347] : memref<2560xi32, #tpu.memory_space<vmem>> -> memref<128xi32, #tpu.memory_space<vmem>>
      %dma_start3A_349 = arith.constant 0 : i32
      %dma_start3A_350 = arith.constant 0 : i32
      %dma_start3A_351 = tpu.memref_slice %arg2[%dma_start3A_349, %dma_start3A_350] : memref<2600000x16xf32, #tpu.memory_space<hbm>> -> memref<2600000x16xf32, #tpu.memory_space<hbm>>
      tpu.enqueue_indirect_dma source(%dma_start3A_351 : memref<2600000x16xf32, #tpu.memory_space<hbm>>) target(%dma_start3A_346 : memref<128x16xf32, #tpu.memory_space<vmem>>) offsets(%dma_start3A_348 : memref<128xi32, #tpu.memory_space<vmem>>) semaphore(%arg15 : memref<!tpu.dma_semaphore, #tpu.memory_space<semaphore_mem>>)
      %dma_start3A_352 = arith.constant 768 : i32
      %dma_start3A_353 = arith.constant 0 : i32
      %dma_start3A_354 = tpu.memref_slice %arg9[%dma_start3A_352, %dma_start3A_353] : memref<2560x16xf32, #tpu.memory_space<vmem>> -> memref<128x16xf32, #tpu.memory_space<vmem>>
      %dma_start3A_355 = arith.constant 768 : i32
      %dma_start3A_356 = tpu.memref_slice %arg7[%dma_start3A_355] : memref<2560xi32, #tpu.memory_space<vmem>> -> memref<128xi32, #tpu.memory_space<vmem>>
      %dma_start3A_357 = arith.constant 0 : i32
      %dma_start3A_358 = arith.constant 0 : i32
      %dma_start3A_359 = tpu.memref_slice %arg2[%dma_start3A_357, %dma_start3A_358] : memref<2600000x16xf32, #tpu.memory_space<hbm>> -> memref<2600000x16xf32, #tpu.memory_space<hbm>>
      tpu.enqueue_indirect_dma source(%dma_start3A_359 : memref<2600000x16xf32, #tpu.memory_space<hbm>>) target(%dma_start3A_354 : memref<128x16xf32, #tpu.memory_space<vmem>>) offsets(%dma_start3A_356 : memref<128xi32, #tpu.memory_space<vmem>>) semaphore(%arg15 : memref<!tpu.dma_semaphore, #tpu.memory_space<semaphore_mem>>)
      %dma_start3A_360 = arith.constant 896 : i32
      %dma_start3A_361 = arith.constant 0 : i32
      %dma_start3A_362 = tpu.memref_slice %arg9[%dma_start3A_360, %dma_start3A_361] : memref<2560x16xf32, #tpu.memory_space<vmem>> -> memref<128x16xf32, #tpu.memory_space<vmem>>
      %dma_start3A_363 = arith.constant 896 : i32
      %dma_start3A_364 = tpu.memref_slice %arg7[%dma_start3A_363] : memref<2560xi32, #tpu.memory_space<vmem>> -> memref<128xi32, #tpu.memory_space<vmem>>
      %dma_start3A_365 = arith.constant 0 : i32
      %dma_start3A_366 = arith.constant 0 : i32
      %dma_start3A_367 = tpu.memref_slice %arg2[%dma_start3A_365, %dma_start3A_366] : memref<2600000x16xf32, #tpu.memory_space<hbm>> -> memref<2600000x16xf32, #tpu.memory_space<hbm>>
      tpu.enqueue_indirect_dma source(%dma_start3A_367 : memref<2600000x16xf32, #tpu.memory_space<hbm>>) target(%dma_start3A_362 : memref<128x16xf32, #tpu.memory_space<vmem>>) offsets(%dma_start3A_364 : memref<128xi32, #tpu.memory_space<vmem>>) semaphore(%arg15 : memref<!tpu.dma_semaphore, #tpu.memory_space<semaphore_mem>>)
      %dma_start3A_368 = arith.constant 1024 : i32
      %dma_start3A_369 = arith.constant 0 : i32
      %dma_start3A_370 = tpu.memref_slice %arg9[%dma_start3A_368, %dma_start3A_369] : memref<2560x16xf32, #tpu.memory_space<vmem>> -> memref<128x16xf32, #tpu.memory_space<vmem>>
      %dma_start3A_371 = arith.constant 1024 : i32
      %dma_start3A_372 = tpu.memref_slice %arg7[%dma_start3A_371] : memref<2560xi32, #tpu.memory_space<vmem>> -> memref<128xi32, #tpu.memory_space<vmem>>
      %dma_start3A_373 = arith.constant 0 : i32
      %dma_start3A_374 = arith.constant 0 : i32
      %dma_start3A_375 = tpu.memref_slice %arg2[%dma_start3A_373, %dma_start3A_374] : memref<2600000x16xf32, #tpu.memory_space<hbm>> -> memref<2600000x16xf32, #tpu.memory_space<hbm>>
      tpu.enqueue_indirect_dma source(%dma_start3A_375 : memref<2600000x16xf32, #tpu.memory_space<hbm>>) target(%dma_start3A_370 : memref<128x16xf32, #tpu.memory_space<vmem>>) offsets(%dma_start3A_372 : memref<128xi32, #tpu.memory_space<vmem>>) semaphore(%arg15 : memref<!tpu.dma_semaphore, #tpu.memory_space<semaphore_mem>>)
      %dma_start3A_376 = arith.constant 1152 : i32
      %dma_start3A_377 = arith.constant 0 : i32
      %dma_start3A_378 = tpu.memref_slice %arg9[%dma_start3A_376, %dma_start3A_377] : memref<2560x16xf32, #tpu.memory_space<vmem>> -> memref<128x16xf32, #tpu.memory_space<vmem>>
      %dma_start3A_379 = arith.constant 1152 : i32
      %dma_start3A_380 = tpu.memref_slice %arg7[%dma_start3A_379] : memref<2560xi32, #tpu.memory_space<vmem>> -> memref<128xi32, #tpu.memory_space<vmem>>
      %dma_start3A_381 = arith.constant 0 : i32
      %dma_start3A_382 = arith.constant 0 : i32
      %dma_start3A_383 = tpu.memref_slice %arg2[%dma_start3A_381, %dma_start3A_382] : memref<2600000x16xf32, #tpu.memory_space<hbm>> -> memref<2600000x16xf32, #tpu.memory_space<hbm>>
      tpu.enqueue_indirect_dma source(%dma_start3A_383 : memref<2600000x16xf32, #tpu.memory_space<hbm>>) target(%dma_start3A_378 : memref<128x16xf32, #tpu.memory_space<vmem>>) offsets(%dma_start3A_380 : memref<128xi32, #tpu.memory_space<vmem>>) semaphore(%arg15 : memref<!tpu.dma_semaphore, #tpu.memory_space<semaphore_mem>>)
      %dma_start3A_384 = arith.constant 1280 : i32
      %dma_start3A_385 = arith.constant 0 : i32
      %dma_start3A_386 = tpu.memref_slice %arg9[%dma_start3A_384, %dma_start3A_385] : memref<2560x16xf32, #tpu.memory_space<vmem>> -> memref<128x16xf32, #tpu.memory_space<vmem>>
      %dma_start3A_387 = arith.constant 1280 : i32
      %dma_start3A_388 = tpu.memref_slice %arg7[%dma_start3A_387] : memref<2560xi32, #tpu.memory_space<vmem>> -> memref<128xi32, #tpu.memory_space<vmem>>
      %dma_start3A_389 = arith.constant 0 : i32
      %dma_start3A_390 = arith.constant 0 : i32
      %dma_start3A_391 = tpu.memref_slice %arg2[%dma_start3A_389, %dma_start3A_390] : memref<2600000x16xf32, #tpu.memory_space<hbm>> -> memref<2600000x16xf32, #tpu.memory_space<hbm>>
      tpu.enqueue_indirect_dma source(%dma_start3A_391 : memref<2600000x16xf32, #tpu.memory_space<hbm>>) target(%dma_start3A_386 : memref<128x16xf32, #tpu.memory_space<vmem>>) offsets(%dma_start3A_388 : memref<128xi32, #tpu.memory_space<vmem>>) semaphore(%arg15 : memref<!tpu.dma_semaphore, #tpu.memory_space<semaphore_mem>>)
      %dma_start3A_392 = arith.constant 1408 : i32
      %dma_start3A_393 = arith.constant 0 : i32
      %dma_start3A_394 = tpu.memref_slice %arg9[%dma_start3A_392, %dma_start3A_393] : memref<2560x16xf32, #tpu.memory_space<vmem>> -> memref<128x16xf32, #tpu.memory_space<vmem>>
      %dma_start3A_395 = arith.constant 1408 : i32
      %dma_start3A_396 = tpu.memref_slice %arg7[%dma_start3A_395] : memref<2560xi32, #tpu.memory_space<vmem>> -> memref<128xi32, #tpu.memory_space<vmem>>
      %dma_start3A_397 = arith.constant 0 : i32
      %dma_start3A_398 = arith.constant 0 : i32
      %dma_start3A_399 = tpu.memref_slice %arg2[%dma_start3A_397, %dma_start3A_398] : memref<2600000x16xf32, #tpu.memory_space<hbm>> -> memref<2600000x16xf32, #tpu.memory_space<hbm>>
      tpu.enqueue_indirect_dma source(%dma_start3A_399 : memref<2600000x16xf32, #tpu.memory_space<hbm>>) target(%dma_start3A_394 : memref<128x16xf32, #tpu.memory_space<vmem>>) offsets(%dma_start3A_396 : memref<128xi32, #tpu.memory_space<vmem>>) semaphore(%arg15 : memref<!tpu.dma_semaphore, #tpu.memory_space<semaphore_mem>>)
      %dma_start3A_400 = arith.constant 1536 : i32
      %dma_start3A_401 = arith.constant 0 : i32
      %dma_start3A_402 = tpu.memref_slice %arg9[%dma_start3A_400, %dma_start3A_401] : memref<2560x16xf32, #tpu.memory_space<vmem>> -> memref<128x16xf32, #tpu.memory_space<vmem>>
      %dma_start3A_403 = arith.constant 1536 : i32
      %dma_start3A_404 = tpu.memref_slice %arg7[%dma_start3A_403] : memref<2560xi32, #tpu.memory_space<vmem>> -> memref<128xi32, #tpu.memory_space<vmem>>
      %dma_start3A_405 = arith.constant 0 : i32
      %dma_start3A_406 = arith.constant 0 : i32
      %dma_start3A_407 = tpu.memref_slice %arg2[%dma_start3A_405, %dma_start3A_406] : memref<2600000x16xf32, #tpu.memory_space<hbm>> -> memref<2600000x16xf32, #tpu.memory_space<hbm>>
      tpu.enqueue_indirect_dma source(%dma_start3A_407 : memref<2600000x16xf32, #tpu.memory_space<hbm>>) target(%dma_start3A_402 : memref<128x16xf32, #tpu.memory_space<vmem>>) offsets(%dma_start3A_404 : memref<128xi32, #tpu.memory_space<vmem>>) semaphore(%arg15 : memref<!tpu.dma_semaphore, #tpu.memory_space<semaphore_mem>>)
      %dma_start3A_408 = arith.constant 1664 : i32
      %dma_start3A_409 = arith.constant 0 : i32
      %dma_start3A_410 = tpu.memref_slice %arg9[%dma_start3A_408, %dma_start3A_409] : memref<2560x16xf32, #tpu.memory_space<vmem>> -> memref<128x16xf32, #tpu.memory_space<vmem>>
      %dma_start3A_411 = arith.constant 1664 : i32
      %dma_start3A_412 = tpu.memref_slice %arg7[%dma_start3A_411] : memref<2560xi32, #tpu.memory_space<vmem>> -> memref<128xi32, #tpu.memory_space<vmem>>
      %dma_start3A_413 = arith.constant 0 : i32
      %dma_start3A_414 = arith.constant 0 : i32
      %dma_start3A_415 = tpu.memref_slice %arg2[%dma_start3A_413, %dma_start3A_414] : memref<2600000x16xf32, #tpu.memory_space<hbm>> -> memref<2600000x16xf32, #tpu.memory_space<hbm>>
      tpu.enqueue_indirect_dma source(%dma_start3A_415 : memref<2600000x16xf32, #tpu.memory_space<hbm>>) target(%dma_start3A_410 : memref<128x16xf32, #tpu.memory_space<vmem>>) offsets(%dma_start3A_412 : memref<128xi32, #tpu.memory_space<vmem>>) semaphore(%arg15 : memref<!tpu.dma_semaphore, #tpu.memory_space<semaphore_mem>>)
      %dma_start3A_416 = arith.constant 1792 : i32
      %dma_start3A_417 = arith.constant 0 : i32
      %dma_start3A_418 = tpu.memref_slice %arg9[%dma_start3A_416, %dma_start3A_417] : memref<2560x16xf32, #tpu.memory_space<vmem>> -> memref<128x16xf32, #tpu.memory_space<vmem>>
      %dma_start3A_419 = arith.constant 1792 : i32
      %dma_start3A_420 = tpu.memref_slice %arg7[%dma_start3A_419] : memref<2560xi32, #tpu.memory_space<vmem>> -> memref<128xi32, #tpu.memory_space<vmem>>
      %dma_start3A_421 = arith.constant 0 : i32
      %dma_start3A_422 = arith.constant 0 : i32
      %dma_start3A_423 = tpu.memref_slice %arg2[%dma_start3A_421, %dma_start3A_422] : memref<2600000x16xf32, #tpu.memory_space<hbm>> -> memref<2600000x16xf32, #tpu.memory_space<hbm>>
      tpu.enqueue_indirect_dma source(%dma_start3A_423 : memref<2600000x16xf32, #tpu.memory_space<hbm>>) target(%dma_start3A_418 : memref<128x16xf32, #tpu.memory_space<vmem>>) offsets(%dma_start3A_420 : memref<128xi32, #tpu.memory_space<vmem>>) semaphore(%arg15 : memref<!tpu.dma_semaphore, #tpu.memory_space<semaphore_mem>>)
      %dma_start3A_424 = arith.constant 1920 : i32
      %dma_start3A_425 = arith.constant 0 : i32
      %dma_start3A_426 = tpu.memref_slice %arg9[%dma_start3A_424, %dma_start3A_425] : memref<2560x16xf32, #tpu.memory_space<vmem>> -> memref<128x16xf32, #tpu.memory_space<vmem>>
      %dma_start3A_427 = arith.constant 1920 : i32
      %dma_start3A_428 = tpu.memref_slice %arg7[%dma_start3A_427] : memref<2560xi32, #tpu.memory_space<vmem>> -> memref<128xi32, #tpu.memory_space<vmem>>
      %dma_start3A_429 = arith.constant 0 : i32
      %dma_start3A_430 = arith.constant 0 : i32
      %dma_start3A_431 = tpu.memref_slice %arg2[%dma_start3A_429, %dma_start3A_430] : memref<2600000x16xf32, #tpu.memory_space<hbm>> -> memref<2600000x16xf32, #tpu.memory_space<hbm>>
      tpu.enqueue_indirect_dma source(%dma_start3A_431 : memref<2600000x16xf32, #tpu.memory_space<hbm>>) target(%dma_start3A_426 : memref<128x16xf32, #tpu.memory_space<vmem>>) offsets(%dma_start3A_428 : memref<128xi32, #tpu.memory_space<vmem>>) semaphore(%arg15 : memref<!tpu.dma_semaphore, #tpu.memory_space<semaphore_mem>>)
      %dma_start3A_432 = arith.constant 2048 : i32
      %dma_start3A_433 = arith.constant 0 : i32
      %dma_start3A_434 = tpu.memref_slice %arg9[%dma_start3A_432, %dma_start3A_433] : memref<2560x16xf32, #tpu.memory_space<vmem>> -> memref<128x16xf32, #tpu.memory_space<vmem>>
      %dma_start3A_435 = arith.constant 2048 : i32
      %dma_start3A_436 = tpu.memref_slice %arg7[%dma_start3A_435] : memref<2560xi32, #tpu.memory_space<vmem>> -> memref<128xi32, #tpu.memory_space<vmem>>
      %dma_start3A_437 = arith.constant 0 : i32
      %dma_start3A_438 = arith.constant 0 : i32
      %dma_start3A_439 = tpu.memref_slice %arg2[%dma_start3A_437, %dma_start3A_438] : memref<2600000x16xf32, #tpu.memory_space<hbm>> -> memref<2600000x16xf32, #tpu.memory_space<hbm>>
      tpu.enqueue_indirect_dma source(%dma_start3A_439 : memref<2600000x16xf32, #tpu.memory_space<hbm>>) target(%dma_start3A_434 : memref<128x16xf32, #tpu.memory_space<vmem>>) offsets(%dma_start3A_436 : memref<128xi32, #tpu.memory_space<vmem>>) semaphore(%arg15 : memref<!tpu.dma_semaphore, #tpu.memory_space<semaphore_mem>>)
      %dma_start3A_440 = arith.constant 2176 : i32
      %dma_start3A_441 = arith.constant 0 : i32
      %dma_start3A_442 = tpu.memref_slice %arg9[%dma_start3A_440, %dma_start3A_441] : memref<2560x16xf32, #tpu.memory_space<vmem>> -> memref<128x16xf32, #tpu.memory_space<vmem>>
      %dma_start3A_443 = arith.constant 2176 : i32
      %dma_start3A_444 = tpu.memref_slice %arg7[%dma_start3A_443] : memref<2560xi32, #tpu.memory_space<vmem>> -> memref<128xi32, #tpu.memory_space<vmem>>
      %dma_start3A_445 = arith.constant 0 : i32
      %dma_start3A_446 = arith.constant 0 : i32
      %dma_start3A_447 = tpu.memref_slice %arg2[%dma_start3A_445, %dma_start3A_446] : memref<2600000x16xf32, #tpu.memory_space<hbm>> -> memref<2600000x16xf32, #tpu.memory_space<hbm>>
      tpu.enqueue_indirect_dma source(%dma_start3A_447 : memref<2600000x16xf32, #tpu.memory_space<hbm>>) target(%dma_start3A_442 : memref<128x16xf32, #tpu.memory_space<vmem>>) offsets(%dma_start3A_444 : memref<128xi32, #tpu.memory_space<vmem>>) semaphore(%arg15 : memref<!tpu.dma_semaphore, #tpu.memory_space<semaphore_mem>>)
      %dma_start3A_448 = arith.constant 2304 : i32
      %dma_start3A_449 = arith.constant 0 : i32
      %dma_start3A_450 = tpu.memref_slice %arg9[%dma_start3A_448, %dma_start3A_449] : memref<2560x16xf32, #tpu.memory_space<vmem>> -> memref<128x16xf32, #tpu.memory_space<vmem>>
      %dma_start3A_451 = arith.constant 2304 : i32
      %dma_start3A_452 = tpu.memref_slice %arg7[%dma_start3A_451] : memref<2560xi32, #tpu.memory_space<vmem>> -> memref<128xi32, #tpu.memory_space<vmem>>
      %dma_start3A_453 = arith.constant 0 : i32
      %dma_start3A_454 = arith.constant 0 : i32
      %dma_start3A_455 = tpu.memref_slice %arg2[%dma_start3A_453, %dma_start3A_454] : memref<2600000x16xf32, #tpu.memory_space<hbm>> -> memref<2600000x16xf32, #tpu.memory_space<hbm>>
      tpu.enqueue_indirect_dma source(%dma_start3A_455 : memref<2600000x16xf32, #tpu.memory_space<hbm>>) target(%dma_start3A_450 : memref<128x16xf32, #tpu.memory_space<vmem>>) offsets(%dma_start3A_452 : memref<128xi32, #tpu.memory_space<vmem>>) semaphore(%arg15 : memref<!tpu.dma_semaphore, #tpu.memory_space<semaphore_mem>>)
      %dma_start3A_456 = arith.constant 2432 : i32
      %dma_start3A_457 = arith.constant 0 : i32
      %dma_start3A_458 = tpu.memref_slice %arg9[%dma_start3A_456, %dma_start3A_457] : memref<2560x16xf32, #tpu.memory_space<vmem>> -> memref<128x16xf32, #tpu.memory_space<vmem>>
      %dma_start3A_459 = arith.constant 2432 : i32
      %dma_start3A_460 = tpu.memref_slice %arg7[%dma_start3A_459] : memref<2560xi32, #tpu.memory_space<vmem>> -> memref<128xi32, #tpu.memory_space<vmem>>
      %dma_start3A_461 = arith.constant 0 : i32
      %dma_start3A_462 = arith.constant 0 : i32
      %dma_start3A_463 = tpu.memref_slice %arg2[%dma_start3A_461, %dma_start3A_462] : memref<2600000x16xf32, #tpu.memory_space<hbm>> -> memref<2600000x16xf32, #tpu.memory_space<hbm>>
      tpu.enqueue_indirect_dma source(%dma_start3A_463 : memref<2600000x16xf32, #tpu.memory_space<hbm>>) target(%dma_start3A_458 : memref<128x16xf32, #tpu.memory_space<vmem>>) offsets(%dma_start3A_460 : memref<128xi32, #tpu.memory_space<vmem>>) semaphore(%arg15 : memref<!tpu.dma_semaphore, #tpu.memory_space<semaphore_mem>>)
      %lt3A = arith.constant 12 : i32
      %lt3A_464 = arith.cmpi slt, %scan3A_271, %lt3A : i32
      %convert_element_type3A = arith.extui %lt3A_464 : i1 to i32
      %cond3A = arith.constant 0 : i32
      %cond3A_465 = arith.cmpi ne, %convert_element_type3A, %cond3A : i32
      scf.if %cond3A_465 {
        %add3A_864 = arith.constant 2 : i32
        %add3A_865 = arith.addi %mul3A_273, %add3A_864 : i32
        %add3A_866 = arith.addi %mul3A_2, %add3A_865 : i32
        %mul3A_867 = arith.constant 2560 : i32
        %mul3A_868 = arith.muli %add3A_866, %mul3A_867 : i32
        %dma_start3A_869 = tpu.memref_slice %arg3[%mul3A_868] : memref<2129920xi32, #tpu.memory_space<hbm>> -> memref<2560xi32, #tpu.memory_space<hbm>>
        %dma_start3A_870 = tpu.memref_slice %arg3[%mul3A_868] : memref<2129920xi32, #tpu.memory_space<hbm>> -> memref<2560xi32, #tpu.memory_space<hbm>>
        tpu.enqueue_dma source(%dma_start3A_870 : memref<2560xi32, #tpu.memory_space<hbm>>) target(%arg5 : memref<2560xi32, #tpu.memory_space<vmem>>) target_semaphore(%arg13 : memref<!tpu.dma_semaphore, #tpu.memory_space<semaphore_mem>>)
      } else {
      }
      %gt3A = arith.constant 0 : i32
      %gt3A_466 = arith.cmpi sgt, %scan3A_271, %gt3A : i32
      %convert_element_type3A_467 = arith.extui %gt3A_466 : i1 to i32
      %cond3A_468 = arith.constant 0 : i32
      %cond3A_469 = arith.cmpi ne, %convert_element_type3A_467, %cond3A_468 : i32
      scf.if %cond3A_469 {
        %sub3A_864 = arith.constant 1 : i32
        %sub3A_865 = arith.subi %mul3A_273, %sub3A_864 : i32
        %ge3A_866 = arith.constant 2 : i32
        %ge3A_867 = arith.cmpi sge, %sub3A_865, %ge3A_866 : i32
        %convert_element_type3A_868 = arith.extui %ge3A_867 : i1 to i32
        %cond3A_869 = arith.constant 0 : i32
        %cond3A_870 = arith.cmpi ne, %convert_element_type3A_868, %cond3A_869 : i32
        scf.if %cond3A_870 {
          %sub3A_1055 = arith.constant 2 : i32
          %sub3A_1056 = arith.subi %sub3A_865, %sub3A_1055 : i32
          %add3A_1057 = arith.addi %mul3A_2, %sub3A_1056 : i32
          %add3A_1058 = arith.constant 0 : i32
          %add3A_1059 = arith.addi %add3A_1058, %add3A_1057 : i32
          %mul3A_1060 = arith.constant 1024 : i32
          %mul3A_1061 = arith.muli %add3A_1059, %mul3A_1060 : i32
          %add3A_1062 = arith.constant 832 : i32
          %add3A_1063 = arith.addi %add3A_1062, %add3A_1057 : i32
          %mul3A_1064 = arith.constant 1024 : i32
          %mul3A_1065 = arith.muli %add3A_1063, %mul3A_1064 : i32
          %dma_wait3A_1066 = arith.constant 0 : i32
          %dma_wait3A_1067 = tpu.memref_slice %arg12[%dma_wait3A_1066] : memref<2048xf32, #tpu.memory_space<vmem>> -> memref<1024xf32, #tpu.memory_space<vmem>>
          %dma_wait3A_1068 = tpu.memref_slice %arg4[%mul3A_1061] : memref<1703936xf32, #tpu.memory_space<hbm>> -> memref<1024xf32, #tpu.memory_space<hbm>>
          %dma_wait3A_1069 = tpu.memref_slice %arg4[%mul3A_1061] : memref<1703936xf32, #tpu.memory_space<hbm>> -> memref<1024xf32, #tpu.memory_space<hbm>>
          %dma_wait3A_1070 = arith.constant 0 : i32
          %dma_wait3A_1071 = tpu.memref_slice %arg12[%dma_wait3A_1070] : memref<2048xf32, #tpu.memory_space<vmem>> -> memref<1024xf32, #tpu.memory_space<vmem>>
          tpu.wait_dma2 semaphore(%arg18 : memref<!tpu.dma_semaphore, #tpu.memory_space<semaphore_mem>>) src(%dma_wait3A_1071 : memref<1024xf32, #tpu.memory_space<vmem>>) dst(%dma_wait3A_1069 : memref<1024xf32, #tpu.memory_space<hbm>>)
          %dma_wait3A_1072 = arith.constant 1024 : i32
          %dma_wait3A_1073 = tpu.memref_slice %arg12[%dma_wait3A_1072] : memref<2048xf32, #tpu.memory_space<vmem>> -> memref<1024xf32, #tpu.memory_space<vmem>>
          %dma_wait3A_1074 = tpu.memref_slice %arg4[%mul3A_1065] : memref<1703936xf32, #tpu.memory_space<hbm>> -> memref<1024xf32, #tpu.memory_space<hbm>>
          %dma_wait3A_1075 = tpu.memref_slice %arg4[%mul3A_1065] : memref<1703936xf32, #tpu.memory_space<hbm>> -> memref<1024xf32, #tpu.memory_space<hbm>>
          %dma_wait3A_1076 = arith.constant 1024 : i32
          %dma_wait3A_1077 = tpu.memref_slice %arg12[%dma_wait3A_1076] : memref<2048xf32, #tpu.memory_space<vmem>> -> memref<1024xf32, #tpu.memory_space<vmem>>
          tpu.wait_dma2 semaphore(%arg18 : memref<!tpu.dma_semaphore, #tpu.memory_space<semaphore_mem>>) src(%dma_wait3A_1077 : memref<1024xf32, #tpu.memory_space<vmem>>) dst(%dma_wait3A_1075 : memref<1024xf32, #tpu.memory_space<hbm>>)
        } else {
        }
        %dma_wait3A_871 = arith.constant 0 : i32
        %dma_wait3A_872 = arith.constant 0 : i32
        %dma_wait3A_873 = tpu.memref_slice %arg10[%dma_wait3A_871, %dma_wait3A_872] : memref<2560x16xf32, #tpu.memory_space<vmem>> -> memref<128x16xf32, #tpu.memory_space<vmem>>
        %dma_wait3A_874 = arith.constant 0 : i32
        %dma_wait3A_875 = tpu.memref_slice %arg8[%dma_wait3A_874] : memref<2560xi32, #tpu.memory_space<vmem>> -> memref<128xi32, #tpu.memory_space<vmem>>
        %dma_wait3A_876 = arith.constant 0 : i32
        %dma_wait3A_877 = arith.constant 0 : i32
        %dma_wait3A_878 = tpu.memref_slice %arg2[%dma_wait3A_876, %dma_wait3A_877] : memref<2600000x16xf32, #tpu.memory_space<hbm>> -> memref<2600000x16xf32, #tpu.memory_space<hbm>>
        tpu.wait_indirect_dma semaphore(%arg16 : memref<!tpu.dma_semaphore, #tpu.memory_space<semaphore_mem>>) src(%dma_wait3A_878 : memref<2600000x16xf32, #tpu.memory_space<hbm>>) dst(%dma_wait3A_873 : memref<128x16xf32, #tpu.memory_space<vmem>>)
        %dma_wait3A_879 = arith.constant 128 : i32
        %dma_wait3A_880 = arith.constant 0 : i32
        %dma_wait3A_881 = tpu.memref_slice %arg10[%dma_wait3A_879, %dma_wait3A_880] : memref<2560x16xf32, #tpu.memory_space<vmem>> -> memref<128x16xf32, #tpu.memory_space<vmem>>
        %dma_wait3A_882 = arith.constant 128 : i32
        %dma_wait3A_883 = tpu.memref_slice %arg8[%dma_wait3A_882] : memref<2560xi32, #tpu.memory_space<vmem>> -> memref<128xi32, #tpu.memory_space<vmem>>
        %dma_wait3A_884 = arith.constant 0 : i32
        %dma_wait3A_885 = arith.constant 0 : i32
        %dma_wait3A_886 = tpu.memref_slice %arg2[%dma_wait3A_884, %dma_wait3A_885] : memref<2600000x16xf32, #tpu.memory_space<hbm>> -> memref<2600000x16xf32, #tpu.memory_space<hbm>>
        tpu.wait_indirect_dma semaphore(%arg16 : memref<!tpu.dma_semaphore, #tpu.memory_space<semaphore_mem>>) src(%dma_wait3A_886 : memref<2600000x16xf32, #tpu.memory_space<hbm>>) dst(%dma_wait3A_881 : memref<128x16xf32, #tpu.memory_space<vmem>>)
        %dma_wait3A_887 = arith.constant 256 : i32
        %dma_wait3A_888 = arith.constant 0 : i32
        %dma_wait3A_889 = tpu.memref_slice %arg10[%dma_wait3A_887, %dma_wait3A_888] : memref<2560x16xf32, #tpu.memory_space<vmem>> -> memref<128x16xf32, #tpu.memory_space<vmem>>
        %dma_wait3A_890 = arith.constant 256 : i32
        %dma_wait3A_891 = tpu.memref_slice %arg8[%dma_wait3A_890] : memref<2560xi32, #tpu.memory_space<vmem>> -> memref<128xi32, #tpu.memory_space<vmem>>
        %dma_wait3A_892 = arith.constant 0 : i32
        %dma_wait3A_893 = arith.constant 0 : i32
        %dma_wait3A_894 = tpu.memref_slice %arg2[%dma_wait3A_892, %dma_wait3A_893] : memref<2600000x16xf32, #tpu.memory_space<hbm>> -> memref<2600000x16xf32, #tpu.memory_space<hbm>>
        tpu.wait_indirect_dma semaphore(%arg16 : memref<!tpu.dma_semaphore, #tpu.memory_space<semaphore_mem>>) src(%dma_wait3A_894 : memref<2600000x16xf32, #tpu.memory_space<hbm>>) dst(%dma_wait3A_889 : memref<128x16xf32, #tpu.memory_space<vmem>>)
        %dma_wait3A_895 = arith.constant 384 : i32
        %dma_wait3A_896 = arith.constant 0 : i32
        %dma_wait3A_897 = tpu.memref_slice %arg10[%dma_wait3A_895, %dma_wait3A_896] : memref<2560x16xf32, #tpu.memory_space<vmem>> -> memref<128x16xf32, #tpu.memory_space<vmem>>
        %dma_wait3A_898 = arith.constant 384 : i32
        %dma_wait3A_899 = tpu.memref_slice %arg8[%dma_wait3A_898] : memref<2560xi32, #tpu.memory_space<vmem>> -> memref<128xi32, #tpu.memory_space<vmem>>
        %dma_wait3A_900 = arith.constant 0 : i32
        %dma_wait3A_901 = arith.constant 0 : i32
        %dma_wait3A_902 = tpu.memref_slice %arg2[%dma_wait3A_900, %dma_wait3A_901] : memref<2600000x16xf32, #tpu.memory_space<hbm>> -> memref<2600000x16xf32, #tpu.memory_space<hbm>>
        tpu.wait_indirect_dma semaphore(%arg16 : memref<!tpu.dma_semaphore, #tpu.memory_space<semaphore_mem>>) src(%dma_wait3A_902 : memref<2600000x16xf32, #tpu.memory_space<hbm>>) dst(%dma_wait3A_897 : memref<128x16xf32, #tpu.memory_space<vmem>>)
        %dma_wait3A_903 = arith.constant 512 : i32
        %dma_wait3A_904 = arith.constant 0 : i32
        %dma_wait3A_905 = tpu.memref_slice %arg10[%dma_wait3A_903, %dma_wait3A_904] : memref<2560x16xf32, #tpu.memory_space<vmem>> -> memref<128x16xf32, #tpu.memory_space<vmem>>
        %dma_wait3A_906 = arith.constant 512 : i32
        %dma_wait3A_907 = tpu.memref_slice %arg8[%dma_wait3A_906] : memref<2560xi32, #tpu.memory_space<vmem>> -> memref<128xi32, #tpu.memory_space<vmem>>
        %dma_wait3A_908 = arith.constant 0 : i32
        %dma_wait3A_909 = arith.constant 0 : i32
        %dma_wait3A_910 = tpu.memref_slice %arg2[%dma_wait3A_908, %dma_wait3A_909] : memref<2600000x16xf32, #tpu.memory_space<hbm>> -> memref<2600000x16xf32, #tpu.memory_space<hbm>>
        tpu.wait_indirect_dma semaphore(%arg16 : memref<!tpu.dma_semaphore, #tpu.memory_space<semaphore_mem>>) src(%dma_wait3A_910 : memref<2600000x16xf32, #tpu.memory_space<hbm>>) dst(%dma_wait3A_905 : memref<128x16xf32, #tpu.memory_space<vmem>>)
        %dma_wait3A_911 = arith.constant 640 : i32
        %dma_wait3A_912 = arith.constant 0 : i32
        %dma_wait3A_913 = tpu.memref_slice %arg10[%dma_wait3A_911, %dma_wait3A_912] : memref<2560x16xf32, #tpu.memory_space<vmem>> -> memref<128x16xf32, #tpu.memory_space<vmem>>
        %dma_wait3A_914 = arith.constant 640 : i32
        %dma_wait3A_915 = tpu.memref_slice %arg8[%dma_wait3A_914] : memref<2560xi32, #tpu.memory_space<vmem>> -> memref<128xi32, #tpu.memory_space<vmem>>
        %dma_wait3A_916 = arith.constant 0 : i32
        %dma_wait3A_917 = arith.constant 0 : i32
        %dma_wait3A_918 = tpu.memref_slice %arg2[%dma_wait3A_916, %dma_wait3A_917] : memref<2600000x16xf32, #tpu.memory_space<hbm>> -> memref<2600000x16xf32, #tpu.memory_space<hbm>>
        tpu.wait_indirect_dma semaphore(%arg16 : memref<!tpu.dma_semaphore, #tpu.memory_space<semaphore_mem>>) src(%dma_wait3A_918 : memref<2600000x16xf32, #tpu.memory_space<hbm>>) dst(%dma_wait3A_913 : memref<128x16xf32, #tpu.memory_space<vmem>>)
        %dma_wait3A_919 = arith.constant 768 : i32
        %dma_wait3A_920 = arith.constant 0 : i32
        %dma_wait3A_921 = tpu.memref_slice %arg10[%dma_wait3A_919, %dma_wait3A_920] : memref<2560x16xf32, #tpu.memory_space<vmem>> -> memref<128x16xf32, #tpu.memory_space<vmem>>
        %dma_wait3A_922 = arith.constant 768 : i32
        %dma_wait3A_923 = tpu.memref_slice %arg8[%dma_wait3A_922] : memref<2560xi32, #tpu.memory_space<vmem>> -> memref<128xi32, #tpu.memory_space<vmem>>
        %dma_wait3A_924 = arith.constant 0 : i32
        %dma_wait3A_925 = arith.constant 0 : i32
        %dma_wait3A_926 = tpu.memref_slice %arg2[%dma_wait3A_924, %dma_wait3A_925] : memref<2600000x16xf32, #tpu.memory_space<hbm>> -> memref<2600000x16xf32, #tpu.memory_space<hbm>>
        tpu.wait_indirect_dma semaphore(%arg16 : memref<!tpu.dma_semaphore, #tpu.memory_space<semaphore_mem>>) src(%dma_wait3A_926 : memref<2600000x16xf32, #tpu.memory_space<hbm>>) dst(%dma_wait3A_921 : memref<128x16xf32, #tpu.memory_space<vmem>>)
        %dma_wait3A_927 = arith.constant 896 : i32
        %dma_wait3A_928 = arith.constant 0 : i32
        %dma_wait3A_929 = tpu.memref_slice %arg10[%dma_wait3A_927, %dma_wait3A_928] : memref<2560x16xf32, #tpu.memory_space<vmem>> -> memref<128x16xf32, #tpu.memory_space<vmem>>
        %dma_wait3A_930 = arith.constant 896 : i32
        %dma_wait3A_931 = tpu.memref_slice %arg8[%dma_wait3A_930] : memref<2560xi32, #tpu.memory_space<vmem>> -> memref<128xi32, #tpu.memory_space<vmem>>
        %dma_wait3A_932 = arith.constant 0 : i32
        %dma_wait3A_933 = arith.constant 0 : i32
        %dma_wait3A_934 = tpu.memref_slice %arg2[%dma_wait3A_932, %dma_wait3A_933] : memref<2600000x16xf32, #tpu.memory_space<hbm>> -> memref<2600000x16xf32, #tpu.memory_space<hbm>>
        tpu.wait_indirect_dma semaphore(%arg16 : memref<!tpu.dma_semaphore, #tpu.memory_space<semaphore_mem>>) src(%dma_wait3A_934 : memref<2600000x16xf32, #tpu.memory_space<hbm>>) dst(%dma_wait3A_929 : memref<128x16xf32, #tpu.memory_space<vmem>>)
        %dma_wait3A_935 = arith.constant 1024 : i32
        %dma_wait3A_936 = arith.constant 0 : i32
        %dma_wait3A_937 = tpu.memref_slice %arg10[%dma_wait3A_935, %dma_wait3A_936] : memref<2560x16xf32, #tpu.memory_space<vmem>> -> memref<128x16xf32, #tpu.memory_space<vmem>>
        %dma_wait3A_938 = arith.constant 1024 : i32
        %dma_wait3A_939 = tpu.memref_slice %arg8[%dma_wait3A_938] : memref<2560xi32, #tpu.memory_space<vmem>> -> memref<128xi32, #tpu.memory_space<vmem>>
        %dma_wait3A_940 = arith.constant 0 : i32
        %dma_wait3A_941 = arith.constant 0 : i32
        %dma_wait3A_942 = tpu.memref_slice %arg2[%dma_wait3A_940, %dma_wait3A_941] : memref<2600000x16xf32, #tpu.memory_space<hbm>> -> memref<2600000x16xf32, #tpu.memory_space<hbm>>
        tpu.wait_indirect_dma semaphore(%arg16 : memref<!tpu.dma_semaphore, #tpu.memory_space<semaphore_mem>>) src(%dma_wait3A_942 : memref<2600000x16xf32, #tpu.memory_space<hbm>>) dst(%dma_wait3A_937 : memref<128x16xf32, #tpu.memory_space<vmem>>)
        %dma_wait3A_943 = arith.constant 1152 : i32
        %dma_wait3A_944 = arith.constant 0 : i32
        %dma_wait3A_945 = tpu.memref_slice %arg10[%dma_wait3A_943, %dma_wait3A_944] : memref<2560x16xf32, #tpu.memory_space<vmem>> -> memref<128x16xf32, #tpu.memory_space<vmem>>
        %dma_wait3A_946 = arith.constant 1152 : i32
        %dma_wait3A_947 = tpu.memref_slice %arg8[%dma_wait3A_946] : memref<2560xi32, #tpu.memory_space<vmem>> -> memref<128xi32, #tpu.memory_space<vmem>>
        %dma_wait3A_948 = arith.constant 0 : i32
        %dma_wait3A_949 = arith.constant 0 : i32
        %dma_wait3A_950 = tpu.memref_slice %arg2[%dma_wait3A_948, %dma_wait3A_949] : memref<2600000x16xf32, #tpu.memory_space<hbm>> -> memref<2600000x16xf32, #tpu.memory_space<hbm>>
        tpu.wait_indirect_dma semaphore(%arg16 : memref<!tpu.dma_semaphore, #tpu.memory_space<semaphore_mem>>) src(%dma_wait3A_950 : memref<2600000x16xf32, #tpu.memory_space<hbm>>) dst(%dma_wait3A_945 : memref<128x16xf32, #tpu.memory_space<vmem>>)
        %dma_wait3A_951 = arith.constant 1280 : i32
        %dma_wait3A_952 = arith.constant 0 : i32
        %dma_wait3A_953 = tpu.memref_slice %arg10[%dma_wait3A_951, %dma_wait3A_952] : memref<2560x16xf32, #tpu.memory_space<vmem>> -> memref<128x16xf32, #tpu.memory_space<vmem>>
        %dma_wait3A_954 = arith.constant 1280 : i32
        %dma_wait3A_955 = tpu.memref_slice %arg8[%dma_wait3A_954] : memref<2560xi32, #tpu.memory_space<vmem>> -> memref<128xi32, #tpu.memory_space<vmem>>
        %dma_wait3A_956 = arith.constant 0 : i32
        %dma_wait3A_957 = arith.constant 0 : i32
        %dma_wait3A_958 = tpu.memref_slice %arg2[%dma_wait3A_956, %dma_wait3A_957] : memref<2600000x16xf32, #tpu.memory_space<hbm>> -> memref<2600000x16xf32, #tpu.memory_space<hbm>>
        tpu.wait_indirect_dma semaphore(%arg16 : memref<!tpu.dma_semaphore, #tpu.memory_space<semaphore_mem>>) src(%dma_wait3A_958 : memref<2600000x16xf32, #tpu.memory_space<hbm>>) dst(%dma_wait3A_953 : memref<128x16xf32, #tpu.memory_space<vmem>>)
        %dma_wait3A_959 = arith.constant 1408 : i32
        %dma_wait3A_960 = arith.constant 0 : i32
        %dma_wait3A_961 = tpu.memref_slice %arg10[%dma_wait3A_959, %dma_wait3A_960] : memref<2560x16xf32, #tpu.memory_space<vmem>> -> memref<128x16xf32, #tpu.memory_space<vmem>>
        %dma_wait3A_962 = arith.constant 1408 : i32
        %dma_wait3A_963 = tpu.memref_slice %arg8[%dma_wait3A_962] : memref<2560xi32, #tpu.memory_space<vmem>> -> memref<128xi32, #tpu.memory_space<vmem>>
        %dma_wait3A_964 = arith.constant 0 : i32
        %dma_wait3A_965 = arith.constant 0 : i32
        %dma_wait3A_966 = tpu.memref_slice %arg2[%dma_wait3A_964, %dma_wait3A_965] : memref<2600000x16xf32, #tpu.memory_space<hbm>> -> memref<2600000x16xf32, #tpu.memory_space<hbm>>
        tpu.wait_indirect_dma semaphore(%arg16 : memref<!tpu.dma_semaphore, #tpu.memory_space<semaphore_mem>>) src(%dma_wait3A_966 : memref<2600000x16xf32, #tpu.memory_space<hbm>>) dst(%dma_wait3A_961 : memref<128x16xf32, #tpu.memory_space<vmem>>)
        %dma_wait3A_967 = arith.constant 1536 : i32
        %dma_wait3A_968 = arith.constant 0 : i32
        %dma_wait3A_969 = tpu.memref_slice %arg10[%dma_wait3A_967, %dma_wait3A_968] : memref<2560x16xf32, #tpu.memory_space<vmem>> -> memref<128x16xf32, #tpu.memory_space<vmem>>
        %dma_wait3A_970 = arith.constant 1536 : i32
        %dma_wait3A_971 = tpu.memref_slice %arg8[%dma_wait3A_970] : memref<2560xi32, #tpu.memory_space<vmem>> -> memref<128xi32, #tpu.memory_space<vmem>>
        %dma_wait3A_972 = arith.constant 0 : i32
        %dma_wait3A_973 = arith.constant 0 : i32
        %dma_wait3A_974 = tpu.memref_slice %arg2[%dma_wait3A_972, %dma_wait3A_973] : memref<2600000x16xf32, #tpu.memory_space<hbm>> -> memref<2600000x16xf32, #tpu.memory_space<hbm>>
        tpu.wait_indirect_dma semaphore(%arg16 : memref<!tpu.dma_semaphore, #tpu.memory_space<semaphore_mem>>) src(%dma_wait3A_974 : memref<2600000x16xf32, #tpu.memory_space<hbm>>) dst(%dma_wait3A_969 : memref<128x16xf32, #tpu.memory_space<vmem>>)
        %dma_wait3A_975 = arith.constant 1664 : i32
        %dma_wait3A_976 = arith.constant 0 : i32
        %dma_wait3A_977 = tpu.memref_slice %arg10[%dma_wait3A_975, %dma_wait3A_976] : memref<2560x16xf32, #tpu.memory_space<vmem>> -> memref<128x16xf32, #tpu.memory_space<vmem>>
        %dma_wait3A_978 = arith.constant 1664 : i32
        %dma_wait3A_979 = tpu.memref_slice %arg8[%dma_wait3A_978] : memref<2560xi32, #tpu.memory_space<vmem>> -> memref<128xi32, #tpu.memory_space<vmem>>
        %dma_wait3A_980 = arith.constant 0 : i32
        %dma_wait3A_981 = arith.constant 0 : i32
        %dma_wait3A_982 = tpu.memref_slice %arg2[%dma_wait3A_980, %dma_wait3A_981] : memref<2600000x16xf32, #tpu.memory_space<hbm>> -> memref<2600000x16xf32, #tpu.memory_space<hbm>>
        tpu.wait_indirect_dma semaphore(%arg16 : memref<!tpu.dma_semaphore, #tpu.memory_space<semaphore_mem>>) src(%dma_wait3A_982 : memref<2600000x16xf32, #tpu.memory_space<hbm>>) dst(%dma_wait3A_977 : memref<128x16xf32, #tpu.memory_space<vmem>>)
        %dma_wait3A_983 = arith.constant 1792 : i32
        %dma_wait3A_984 = arith.constant 0 : i32
        %dma_wait3A_985 = tpu.memref_slice %arg10[%dma_wait3A_983, %dma_wait3A_984] : memref<2560x16xf32, #tpu.memory_space<vmem>> -> memref<128x16xf32, #tpu.memory_space<vmem>>
        %dma_wait3A_986 = arith.constant 1792 : i32
        %dma_wait3A_987 = tpu.memref_slice %arg8[%dma_wait3A_986] : memref<2560xi32, #tpu.memory_space<vmem>> -> memref<128xi32, #tpu.memory_space<vmem>>
        %dma_wait3A_988 = arith.constant 0 : i32
        %dma_wait3A_989 = arith.constant 0 : i32
        %dma_wait3A_990 = tpu.memref_slice %arg2[%dma_wait3A_988, %dma_wait3A_989] : memref<2600000x16xf32, #tpu.memory_space<hbm>> -> memref<2600000x16xf32, #tpu.memory_space<hbm>>
        tpu.wait_indirect_dma semaphore(%arg16 : memref<!tpu.dma_semaphore, #tpu.memory_space<semaphore_mem>>) src(%dma_wait3A_990 : memref<2600000x16xf32, #tpu.memory_space<hbm>>) dst(%dma_wait3A_985 : memref<128x16xf32, #tpu.memory_space<vmem>>)
        %dma_wait3A_991 = arith.constant 1920 : i32
        %dma_wait3A_992 = arith.constant 0 : i32
        %dma_wait3A_993 = tpu.memref_slice %arg10[%dma_wait3A_991, %dma_wait3A_992] : memref<2560x16xf32, #tpu.memory_space<vmem>> -> memref<128x16xf32, #tpu.memory_space<vmem>>
        %dma_wait3A_994 = arith.constant 1920 : i32
        %dma_wait3A_995 = tpu.memref_slice %arg8[%dma_wait3A_994] : memref<2560xi32, #tpu.memory_space<vmem>> -> memref<128xi32, #tpu.memory_space<vmem>>
        %dma_wait3A_996 = arith.constant 0 : i32
        %dma_wait3A_997 = arith.constant 0 : i32
        %dma_wait3A_998 = tpu.memref_slice %arg2[%dma_wait3A_996, %dma_wait3A_997] : memref<2600000x16xf32, #tpu.memory_space<hbm>> -> memref<2600000x16xf32, #tpu.memory_space<hbm>>
        tpu.wait_indirect_dma semaphore(%arg16 : memref<!tpu.dma_semaphore, #tpu.memory_space<semaphore_mem>>) src(%dma_wait3A_998 : memref<2600000x16xf32, #tpu.memory_space<hbm>>) dst(%dma_wait3A_993 : memref<128x16xf32, #tpu.memory_space<vmem>>)
        %dma_wait3A_999 = arith.constant 2048 : i32
        %dma_wait3A_1000 = arith.constant 0 : i32
        %dma_wait3A_1001 = tpu.memref_slice %arg10[%dma_wait3A_999, %dma_wait3A_1000] : memref<2560x16xf32, #tpu.memory_space<vmem>> -> memref<128x16xf32, #tpu.memory_space<vmem>>
        %dma_wait3A_1002 = arith.constant 2048 : i32
        %dma_wait3A_1003 = tpu.memref_slice %arg8[%dma_wait3A_1002] : memref<2560xi32, #tpu.memory_space<vmem>> -> memref<128xi32, #tpu.memory_space<vmem>>
        %dma_wait3A_1004 = arith.constant 0 : i32
        %dma_wait3A_1005 = arith.constant 0 : i32
        %dma_wait3A_1006 = tpu.memref_slice %arg2[%dma_wait3A_1004, %dma_wait3A_1005] : memref<2600000x16xf32, #tpu.memory_space<hbm>> -> memref<2600000x16xf32, #tpu.memory_space<hbm>>
        tpu.wait_indirect_dma semaphore(%arg16 : memref<!tpu.dma_semaphore, #tpu.memory_space<semaphore_mem>>) src(%dma_wait3A_1006 : memref<2600000x16xf32, #tpu.memory_space<hbm>>) dst(%dma_wait3A_1001 : memref<128x16xf32, #tpu.memory_space<vmem>>)
        %dma_wait3A_1007 = arith.constant 2176 : i32
        %dma_wait3A_1008 = arith.constant 0 : i32
        %dma_wait3A_1009 = tpu.memref_slice %arg10[%dma_wait3A_1007, %dma_wait3A_1008] : memref<2560x16xf32, #tpu.memory_space<vmem>> -> memref<128x16xf32, #tpu.memory_space<vmem>>
        %dma_wait3A_1010 = arith.constant 2176 : i32
        %dma_wait3A_1011 = tpu.memref_slice %arg8[%dma_wait3A_1010] : memref<2560xi32, #tpu.memory_space<vmem>> -> memref<128xi32, #tpu.memory_space<vmem>>
        %dma_wait3A_1012 = arith.constant 0 : i32
        %dma_wait3A_1013 = arith.constant 0 : i32
        %dma_wait3A_1014 = tpu.memref_slice %arg2[%dma_wait3A_1012, %dma_wait3A_1013] : memref<2600000x16xf32, #tpu.memory_space<hbm>> -> memref<2600000x16xf32, #tpu.memory_space<hbm>>
        tpu.wait_indirect_dma semaphore(%arg16 : memref<!tpu.dma_semaphore, #tpu.memory_space<semaphore_mem>>) src(%dma_wait3A_1014 : memref<2600000x16xf32, #tpu.memory_space<hbm>>) dst(%dma_wait3A_1009 : memref<128x16xf32, #tpu.memory_space<vmem>>)
        %dma_wait3A_1015 = arith.constant 2304 : i32
        %dma_wait3A_1016 = arith.constant 0 : i32
        %dma_wait3A_1017 = tpu.memref_slice %arg10[%dma_wait3A_1015, %dma_wait3A_1016] : memref<2560x16xf32, #tpu.memory_space<vmem>> -> memref<128x16xf32, #tpu.memory_space<vmem>>
        %dma_wait3A_1018 = arith.constant 2304 : i32
        %dma_wait3A_1019 = tpu.memref_slice %arg8[%dma_wait3A_1018] : memref<2560xi32, #tpu.memory_space<vmem>> -> memref<128xi32, #tpu.memory_space<vmem>>
        %dma_wait3A_1020 = arith.constant 0 : i32
        %dma_wait3A_1021 = arith.constant 0 : i32
        %dma_wait3A_1022 = tpu.memref_slice %arg2[%dma_wait3A_1020, %dma_wait3A_1021] : memref<2600000x16xf32, #tpu.memory_space<hbm>> -> memref<2600000x16xf32, #tpu.memory_space<hbm>>
        tpu.wait_indirect_dma semaphore(%arg16 : memref<!tpu.dma_semaphore, #tpu.memory_space<semaphore_mem>>) src(%dma_wait3A_1022 : memref<2600000x16xf32, #tpu.memory_space<hbm>>) dst(%dma_wait3A_1017 : memref<128x16xf32, #tpu.memory_space<vmem>>)
        %dma_wait3A_1023 = arith.constant 2432 : i32
        %dma_wait3A_1024 = arith.constant 0 : i32
        %dma_wait3A_1025 = tpu.memref_slice %arg10[%dma_wait3A_1023, %dma_wait3A_1024] : memref<2560x16xf32, #tpu.memory_space<vmem>> -> memref<128x16xf32, #tpu.memory_space<vmem>>
        %dma_wait3A_1026 = arith.constant 2432 : i32
        %dma_wait3A_1027 = tpu.memref_slice %arg8[%dma_wait3A_1026] : memref<2560xi32, #tpu.memory_space<vmem>> -> memref<128xi32, #tpu.memory_space<vmem>>
        %dma_wait3A_1028 = arith.constant 0 : i32
        %dma_wait3A_1029 = arith.constant 0 : i32
        %dma_wait3A_1030 = tpu.memref_slice %arg2[%dma_wait3A_1028, %dma_wait3A_1029] : memref<2600000x16xf32, #tpu.memory_space<hbm>> -> memref<2600000x16xf32, #tpu.memory_space<hbm>>
        tpu.wait_indirect_dma semaphore(%arg16 : memref<!tpu.dma_semaphore, #tpu.memory_space<semaphore_mem>>) src(%dma_wait3A_1030 : memref<2600000x16xf32, #tpu.memory_space<hbm>>) dst(%dma_wait3A_1025 : memref<128x16xf32, #tpu.memory_space<vmem>>)
        %parallel_loop3A_1031 = arith.constant 0 : i32
        %parallel_loop3A_1032 = arith.constant 128 : i32
        %parallel_loop3A_1033 = arith.constant 1 : i32
        scf.for %parallel_loop3A_1055 = %parallel_loop3A_1031 to %parallel_loop3A_1032 step %parallel_loop3A_1033  : i32 {
          %parallel_loop3A_1056 = arith.constant 20 : i32
          %parallel_loop3A_1057 = arith.muli %parallel_loop3A_1055, %parallel_loop3A_1056 : i32
          %parallel_loop3A_1058 = arith.index_cast %parallel_loop3A_1057 : i32 to index
          %parallel_loop3A_1059 = arith.constant 0 : index
          %parallel_loop3A_1060 = tpu.vector_load %arg10[%parallel_loop3A_1058, %parallel_loop3A_1059] {strides = array<i32>} : memref<2560x16xf32, #tpu.memory_space<vmem>>, vector<16xf32>,
          %parallel_loop3A_1061 = arith.constant 1 : i32
          %parallel_loop3A_1062 = arith.addi %parallel_loop3A_1057, %parallel_loop3A_1061 : i32
          %parallel_loop3A_1063 = arith.index_cast %parallel_loop3A_1062 : i32 to index
          %parallel_loop3A_1064 = arith.constant 0 : index
          %parallel_loop3A_1065 = tpu.vector_load %arg10[%parallel_loop3A_1063, %parallel_loop3A_1064] {strides = array<i32>} : memref<2560x16xf32, #tpu.memory_space<vmem>>, vector<16xf32>,
          %parallel_loop3A_1066 = arith.addf %parallel_loop3A_1060, %parallel_loop3A_1065 : vector<16xf32>
          %parallel_loop3A_1067 = arith.constant 2 : i32
          %parallel_loop3A_1068 = arith.addi %parallel_loop3A_1057, %parallel_loop3A_1067 : i32
          %parallel_loop3A_1069 = arith.index_cast %parallel_loop3A_1068 : i32 to index
          %parallel_loop3A_1070 = arith.constant 0 : index
          %parallel_loop3A_1071 = tpu.vector_load %arg10[%parallel_loop3A_1069, %parallel_loop3A_1070] {strides = array<i32>} : memref<2560x16xf32, #tpu.memory_space<vmem>>, vector<16xf32>,
          %parallel_loop3A_1072 = arith.addf %parallel_loop3A_1066, %parallel_loop3A_1071 : vector<16xf32>
          %parallel_loop3A_1073 = arith.constant 3 : i32
          %parallel_loop3A_1074 = arith.addi %parallel_loop3A_1057, %parallel_loop3A_1073 : i32
          %parallel_loop3A_1075 = arith.index_cast %parallel_loop3A_1074 : i32 to index
          %parallel_loop3A_1076 = arith.constant 0 : index
          %parallel_loop3A_1077 = tpu.vector_load %arg10[%parallel_loop3A_1075, %parallel_loop3A_1076] {strides = array<i32>} : memref<2560x16xf32, #tpu.memory_space<vmem>>, vector<16xf32>,
          %parallel_loop3A_1078 = arith.addf %parallel_loop3A_1072, %parallel_loop3A_1077 : vector<16xf32>
          %parallel_loop3A_1079 = arith.constant 4 : i32
          %parallel_loop3A_1080 = arith.addi %parallel_loop3A_1057, %parallel_loop3A_1079 : i32
          %parallel_loop3A_1081 = arith.index_cast %parallel_loop3A_1080 : i32 to index
          %parallel_loop3A_1082 = arith.constant 0 : index
          %parallel_loop3A_1083 = tpu.vector_load %arg10[%parallel_loop3A_1081, %parallel_loop3A_1082] {strides = array<i32>} : memref<2560x16xf32, #tpu.memory_space<vmem>>, vector<16xf32>,
          %parallel_loop3A_1084 = arith.addf %parallel_loop3A_1078, %parallel_loop3A_1083 : vector<16xf32>
          %parallel_loop3A_1085 = arith.constant 5 : i32
          %parallel_loop3A_1086 = arith.addi %parallel_loop3A_1057, %parallel_loop3A_1085 : i32
          %parallel_loop3A_1087 = arith.index_cast %parallel_loop3A_1086 : i32 to index
          %parallel_loop3A_1088 = arith.constant 0 : index
          %parallel_loop3A_1089 = tpu.vector_load %arg10[%parallel_loop3A_1087, %parallel_loop3A_1088] {strides = array<i32>} : memref<2560x16xf32, #tpu.memory_space<vmem>>, vector<16xf32>,
          %parallel_loop3A_1090 = arith.addf %parallel_loop3A_1084, %parallel_loop3A_1089 : vector<16xf32>
          %parallel_loop3A_1091 = arith.constant 6 : i32
          %parallel_loop3A_1092 = arith.addi %parallel_loop3A_1057, %parallel_loop3A_1091 : i32
          %parallel_loop3A_1093 = arith.index_cast %parallel_loop3A_1092 : i32 to index
          %parallel_loop3A_1094 = arith.constant 0 : index
          %parallel_loop3A_1095 = tpu.vector_load %arg10[%parallel_loop3A_1093, %parallel_loop3A_1094] {strides = array<i32>} : memref<2560x16xf32, #tpu.memory_space<vmem>>, vector<16xf32>,
          %parallel_loop3A_1096 = arith.addf %parallel_loop3A_1090, %parallel_loop3A_1095 : vector<16xf32>
          %parallel_loop3A_1097 = arith.constant 7 : i32
          %parallel_loop3A_1098 = arith.addi %parallel_loop3A_1057, %parallel_loop3A_1097 : i32
          %parallel_loop3A_1099 = arith.index_cast %parallel_loop3A_1098 : i32 to index
          %parallel_loop3A_1100 = arith.constant 0 : index
          %parallel_loop3A_1101 = tpu.vector_load %arg10[%parallel_loop3A_1099, %parallel_loop3A_1100] {strides = array<i32>} : memref<2560x16xf32, #tpu.memory_space<vmem>>, vector<16xf32>,
          %parallel_loop3A_1102 = arith.addf %parallel_loop3A_1096, %parallel_loop3A_1101 : vector<16xf32>
          %parallel_loop3A_1103 = arith.constant 8 : i32
          %parallel_loop3A_1104 = arith.addi %parallel_loop3A_1057, %parallel_loop3A_1103 : i32
          %parallel_loop3A_1105 = arith.index_cast %parallel_loop3A_1104 : i32 to index
          %parallel_loop3A_1106 = arith.constant 0 : index
          %parallel_loop3A_1107 = tpu.vector_load %arg10[%parallel_loop3A_1105, %parallel_loop3A_1106] {strides = array<i32>} : memref<2560x16xf32, #tpu.memory_space<vmem>>, vector<16xf32>,
          %parallel_loop3A_1108 = arith.addf %parallel_loop3A_1102, %parallel_loop3A_1107 : vector<16xf32>
          %parallel_loop3A_1109 = arith.constant 9 : i32
          %parallel_loop3A_1110 = arith.addi %parallel_loop3A_1057, %parallel_loop3A_1109 : i32
          %parallel_loop3A_1111 = arith.index_cast %parallel_loop3A_1110 : i32 to index
          %parallel_loop3A_1112 = arith.constant 0 : index
          %parallel_loop3A_1113 = tpu.vector_load %arg10[%parallel_loop3A_1111, %parallel_loop3A_1112] {strides = array<i32>} : memref<2560x16xf32, #tpu.memory_space<vmem>>, vector<16xf32>,
          %parallel_loop3A_1114 = arith.addf %parallel_loop3A_1108, %parallel_loop3A_1113 : vector<16xf32>
          %parallel_loop3A_1115 = arith.constant 10 : i32
          %parallel_loop3A_1116 = arith.addi %parallel_loop3A_1057, %parallel_loop3A_1115 : i32
          %parallel_loop3A_1117 = arith.index_cast %parallel_loop3A_1116 : i32 to index
          %parallel_loop3A_1118 = arith.constant 0 : index
          %parallel_loop3A_1119 = tpu.vector_load %arg10[%parallel_loop3A_1117, %parallel_loop3A_1118] {strides = array<i32>} : memref<2560x16xf32, #tpu.memory_space<vmem>>, vector<16xf32>,
          %parallel_loop3A_1120 = arith.addf %parallel_loop3A_1114, %parallel_loop3A_1119 : vector<16xf32>
          %parallel_loop3A_1121 = arith.constant 11 : i32
          %parallel_loop3A_1122 = arith.addi %parallel_loop3A_1057, %parallel_loop3A_1121 : i32
          %parallel_loop3A_1123 = arith.index_cast %parallel_loop3A_1122 : i32 to index
          %parallel_loop3A_1124 = arith.constant 0 : index
          %parallel_loop3A_1125 = tpu.vector_load %arg10[%parallel_loop3A_1123, %parallel_loop3A_1124] {strides = array<i32>} : memref<2560x16xf32, #tpu.memory_space<vmem>>, vector<16xf32>,
          %parallel_loop3A_1126 = arith.addf %parallel_loop3A_1120, %parallel_loop3A_1125 : vector<16xf32>
          %parallel_loop3A_1127 = arith.constant 12 : i32
          %parallel_loop3A_1128 = arith.addi %parallel_loop3A_1057, %parallel_loop3A_1127 : i32
          %parallel_loop3A_1129 = arith.index_cast %parallel_loop3A_1128 : i32 to index
          %parallel_loop3A_1130 = arith.constant 0 : index
          %parallel_loop3A_1131 = tpu.vector_load %arg10[%parallel_loop3A_1129, %parallel_loop3A_1130] {strides = array<i32>} : memref<2560x16xf32, #tpu.memory_space<vmem>>, vector<16xf32>,
          %parallel_loop3A_1132 = arith.addf %parallel_loop3A_1126, %parallel_loop3A_1131 : vector<16xf32>
          %parallel_loop3A_1133 = arith.constant 13 : i32
          %parallel_loop3A_1134 = arith.addi %parallel_loop3A_1057, %parallel_loop3A_1133 : i32
          %parallel_loop3A_1135 = arith.index_cast %parallel_loop3A_1134 : i32 to index
          %parallel_loop3A_1136 = arith.constant 0 : index
          %parallel_loop3A_1137 = tpu.vector_load %arg10[%parallel_loop3A_1135, %parallel_loop3A_1136] {strides = array<i32>} : memref<2560x16xf32, #tpu.memory_space<vmem>>, vector<16xf32>,
          %parallel_loop3A_1138 = arith.addf %parallel_loop3A_1132, %parallel_loop3A_1137 : vector<16xf32>
          %parallel_loop3A_1139 = arith.constant 14 : i32
          %parallel_loop3A_1140 = arith.addi %parallel_loop3A_1057, %parallel_loop3A_1139 : i32
          %parallel_loop3A_1141 = arith.index_cast %parallel_loop3A_1140 : i32 to index
          %parallel_loop3A_1142 = arith.constant 0 : index
          %parallel_loop3A_1143 = tpu.vector_load %arg10[%parallel_loop3A_1141, %parallel_loop3A_1142] {strides = array<i32>} : memref<2560x16xf32, #tpu.memory_space<vmem>>, vector<16xf32>,
          %parallel_loop3A_1144 = arith.addf %parallel_loop3A_1138, %parallel_loop3A_1143 : vector<16xf32>
          %parallel_loop3A_1145 = arith.constant 15 : i32
          %parallel_loop3A_1146 = arith.addi %parallel_loop3A_1057, %parallel_loop3A_1145 : i32
          %parallel_loop3A_1147 = arith.index_cast %parallel_loop3A_1146 : i32 to index
          %parallel_loop3A_1148 = arith.constant 0 : index
          %parallel_loop3A_1149 = tpu.vector_load %arg10[%parallel_loop3A_1147, %parallel_loop3A_1148] {strides = array<i32>} : memref<2560x16xf32, #tpu.memory_space<vmem>>, vector<16xf32>,
          %parallel_loop3A_1150 = arith.addf %parallel_loop3A_1144, %parallel_loop3A_1149 : vector<16xf32>
          %parallel_loop3A_1151 = arith.constant 16 : i32
          %parallel_loop3A_1152 = arith.addi %parallel_loop3A_1057, %parallel_loop3A_1151 : i32
          %parallel_loop3A_1153 = arith.index_cast %parallel_loop3A_1152 : i32 to index
          %parallel_loop3A_1154 = arith.constant 0 : index
          %parallel_loop3A_1155 = tpu.vector_load %arg10[%parallel_loop3A_1153, %parallel_loop3A_1154] {strides = array<i32>} : memref<2560x16xf32, #tpu.memory_space<vmem>>, vector<16xf32>,
          %parallel_loop3A_1156 = arith.addf %parallel_loop3A_1150, %parallel_loop3A_1155 : vector<16xf32>
          %parallel_loop3A_1157 = arith.constant 17 : i32
          %parallel_loop3A_1158 = arith.addi %parallel_loop3A_1057, %parallel_loop3A_1157 : i32
          %parallel_loop3A_1159 = arith.index_cast %parallel_loop3A_1158 : i32 to index
          %parallel_loop3A_1160 = arith.constant 0 : index
          %parallel_loop3A_1161 = tpu.vector_load %arg10[%parallel_loop3A_1159, %parallel_loop3A_1160] {strides = array<i32>} : memref<2560x16xf32, #tpu.memory_space<vmem>>, vector<16xf32>,
          %parallel_loop3A_1162 = arith.addf %parallel_loop3A_1156, %parallel_loop3A_1161 : vector<16xf32>
          %parallel_loop3A_1163 = arith.constant 18 : i32
          %parallel_loop3A_1164 = arith.addi %parallel_loop3A_1057, %parallel_loop3A_1163 : i32
          %parallel_loop3A_1165 = arith.index_cast %parallel_loop3A_1164 : i32 to index
          %parallel_loop3A_1166 = arith.constant 0 : index
          %parallel_loop3A_1167 = tpu.vector_load %arg10[%parallel_loop3A_1165, %parallel_loop3A_1166] {strides = array<i32>} : memref<2560x16xf32, #tpu.memory_space<vmem>>, vector<16xf32>,
          %parallel_loop3A_1168 = arith.addf %parallel_loop3A_1162, %parallel_loop3A_1167 : vector<16xf32>
          %parallel_loop3A_1169 = arith.constant 19 : i32
          %parallel_loop3A_1170 = arith.addi %parallel_loop3A_1057, %parallel_loop3A_1169 : i32
          %parallel_loop3A_1171 = arith.index_cast %parallel_loop3A_1170 : i32 to index
          %parallel_loop3A_1172 = arith.constant 0 : index
          %parallel_loop3A_1173 = tpu.vector_load %arg10[%parallel_loop3A_1171, %parallel_loop3A_1172] {strides = array<i32>} : memref<2560x16xf32, #tpu.memory_space<vmem>>, vector<16xf32>,
          %parallel_loop3A_1174 = arith.addf %parallel_loop3A_1168, %parallel_loop3A_1173 : vector<16xf32>
          %parallel_loop3A_1175 = vector.broadcast %parallel_loop3A_1055 : i32 to vector<16xi32>
          %parallel_loop3A_1176 = arith.addi %mul3A_5, %parallel_loop3A_1175 : vector<16xi32>
          tpu.vector_store_idx %arg12[%parallel_loop3A_1176], %parallel_loop3A_1174 : memref<2048xf32, #tpu.memory_space<vmem>>[vector<16xi32>], vector<16xf32>,
        } {sc.loop_unroll_factor = 2 : i64, sc.parallel_access}
        %add3A_1034 = arith.addi %mul3A_2, %sub3A_865 : i32
        %add3A_1035 = arith.constant 0 : i32
        %add3A_1036 = arith.addi %add3A_1035, %add3A_1034 : i32
        %mul3A_1037 = arith.constant 1024 : i32
        %mul3A_1038 = arith.muli %add3A_1036, %mul3A_1037 : i32
        %add3A_1039 = arith.constant 832 : i32
        %add3A_1040 = arith.addi %add3A_1039, %add3A_1034 : i32
        %mul3A_1041 = arith.constant 1024 : i32
        %mul3A_1042 = arith.muli %add3A_1040, %mul3A_1041 : i32
        %dma_start3A_1043 = arith.constant 0 : i32
        %dma_start3A_1044 = tpu.memref_slice %arg12[%dma_start3A_1043] : memref<2048xf32, #tpu.memory_space<vmem>> -> memref<1024xf32, #tpu.memory_space<vmem>>
        %dma_start3A_1045 = tpu.memref_slice %arg4[%mul3A_1038] : memref<1703936xf32, #tpu.memory_space<hbm>> -> memref<1024xf32, #tpu.memory_space<hbm>>
        %dma_start3A_1046 = tpu.memref_slice %arg4[%mul3A_1038] : memref<1703936xf32, #tpu.memory_space<hbm>> -> memref<1024xf32, #tpu.memory_space<hbm>>
        %dma_start3A_1047 = arith.constant 0 : i32
        %dma_start3A_1048 = tpu.memref_slice %arg12[%dma_start3A_1047] : memref<2048xf32, #tpu.memory_space<vmem>> -> memref<1024xf32, #tpu.memory_space<vmem>>
        tpu.enqueue_dma source(%dma_start3A_1048 : memref<1024xf32, #tpu.memory_space<vmem>>) target(%dma_start3A_1046 : memref<1024xf32, #tpu.memory_space<hbm>>) target_semaphore(%arg18 : memref<!tpu.dma_semaphore, #tpu.memory_space<semaphore_mem>>)
        %dma_start3A_1049 = arith.constant 1024 : i32
        %dma_start3A_1050 = tpu.memref_slice %arg12[%dma_start3A_1049] : memref<2048xf32, #tpu.memory_space<vmem>> -> memref<1024xf32, #tpu.memory_space<vmem>>
        %dma_start3A_1051 = tpu.memref_slice %arg4[%mul3A_1042] : memref<1703936xf32, #tpu.memory_space<hbm>> -> memref<1024xf32, #tpu.memory_space<hbm>>
        %dma_start3A_1052 = tpu.memref_slice %arg4[%mul3A_1042] : memref<1703936xf32, #tpu.memory_space<hbm>> -> memref<1024xf32, #tpu.memory_space<hbm>>
        %dma_start3A_1053 = arith.constant 1024 : i32
        %dma_start3A_1054 = tpu.memref_slice %arg12[%dma_start3A_1053] : memref<2048xf32, #tpu.memory_space<vmem>> -> memref<1024xf32, #tpu.memory_space<vmem>>
        tpu.enqueue_dma source(%dma_start3A_1054 : memref<1024xf32, #tpu.memory_space<vmem>>) target(%dma_start3A_1052 : memref<1024xf32, #tpu.memory_space<hbm>>) target_semaphore(%arg18 : memref<!tpu.dma_semaphore, #tpu.memory_space<semaphore_mem>>)
      } else {
      }
      %add3A_470 = arith.constant 1 : i32
      %add3A_471 = arith.addi %mul3A_273, %add3A_470 : i32
      %add3A_472 = arith.addi %mul3A_2, %add3A_471 : i32
      %mul3A_473 = arith.constant 2560 : i32
      %mul3A_474 = arith.muli %add3A_472, %mul3A_473 : i32
      %dma_wait3A_475 = tpu.memref_slice %arg3[%mul3A_474] : memref<2129920xi32, #tpu.memory_space<hbm>> -> memref<2560xi32, #tpu.memory_space<hbm>>
      %dma_wait3A_476 = tpu.memref_slice %arg3[%mul3A_474] : memref<2129920xi32, #tpu.memory_space<hbm>> -> memref<2560xi32, #tpu.memory_space<hbm>>
      tpu.wait_dma2 semaphore(%arg14 : memref<!tpu.dma_semaphore, #tpu.memory_space<semaphore_mem>>) src(%dma_wait3A_476 : memref<2560xi32, #tpu.memory_space<hbm>>) dst(%arg6 : memref<2560xi32, #tpu.memory_space<vmem>>)
      %add3A_477 = arith.addi %mul3A_2, %add3A_471 : i32
      %jit3A_478 = arith.constant 32 : i32
      %div3A_479 = arith.divsi %add3A_477, %jit3A_478 : i32
      %sign3A_480 = arith.constant 0 : i32
      %sign3A_481 = arith.cmpi sgt, %add3A_477, %sign3A_480 : i32
      %sign3A_482 = arith.extui %sign3A_481 : i1 to i32
      %sign3A_483 = arith.constant 0 : i32
      %sign3A_484 = arith.cmpi slt, %add3A_477, %sign3A_483 : i32
      %sign3A_485 = arith.extui %sign3A_484 : i1 to i32
      %sign3A_486 = arith.subi %sign3A_482, %sign3A_485 : i32
      %sign3A_487 = arith.constant 0 : i32
      %sign3A_488 = arith.cmpi sgt, %jit3A_478, %sign3A_487 : i32
      %sign3A_489 = arith.extui %sign3A_488 : i1 to i32
      %sign3A_490 = arith.constant 0 : i32
      %sign3A_491 = arith.cmpi slt, %jit3A_478, %sign3A_490 : i32
      %sign3A_492 = arith.extui %sign3A_491 : i1 to i32
      %sign3A_493 = arith.subi %sign3A_489, %sign3A_492 : i32
      %ne3A_494 = arith.cmpi ne, %sign3A_486, %sign3A_493 : i32
      %rem3A_495 = arith.remsi %add3A_477, %jit3A_478 : i32
      %ne3A_496 = arith.constant 0 : i32
      %ne3A_497 = arith.cmpi ne, %rem3A_495, %ne3A_496 : i32
      %and3A_498 = arith.andi %ne3A_494, %ne3A_497 : i1
      %sub3A_499 = arith.constant 1 : i32
      %sub3A_500 = arith.subi %div3A_479, %sub3A_499 : i32
      %select_n3A_501 = arith.select %and3A_498, %sub3A_500, %div3A_479 : i32
      %broadcast_in_dim3A_502 = arith.constant 0 : i32
      %broadcast_in_dim3A_503 = vector.broadcast %broadcast_in_dim3A_502 : i32 to vector<16xi32>
      %mul3A_504 = arith.constant 100000 : i32
      %mul3A_505 = arith.muli %select_n3A_501, %mul3A_504 : i32
      %add3A_506 = vector.broadcast %mul3A_505 : i32 to vector<16xi32>
      %add3A_507 = arith.addi %broadcast_in_dim3A_503, %add3A_506 : vector<16xi32>
      %parallel_loop3A_508 = arith.constant 0 : i32
      %parallel_loop3A_509 = arith.constant 160 : i32
      %parallel_loop3A_510 = arith.constant 1 : i32
      scf.for %parallel_loop3A_864 = %parallel_loop3A_508 to %parallel_loop3A_509 step %parallel_loop3A_510  : i32 {
        %parallel_loop3A_865 = arith.constant 16 : i32
        %parallel_loop3A_866 = arith.muli %parallel_loop3A_864, %parallel_loop3A_865 : i32
        %parallel_loop3A_867 = arith.index_cast %parallel_loop3A_866 : i32 to index
        %parallel_loop3A_868 = tpu.vector_load %arg6[%parallel_loop3A_867] {strides = array<i32>} : memref<2560xi32, #tpu.memory_space<vmem>>, vector<16xi32>,
        %parallel_loop3A_869 = arith.addi %parallel_loop3A_868, %add3A_507 : vector<16xi32>
        %parallel_loop3A_870 = arith.index_cast %parallel_loop3A_866 : i32 to index
        %parallel_loop3A_871 = tpu.vector_load %arg8[%parallel_loop3A_870] {strides = array<i32>} : memref<2560xi32, #tpu.memory_space<vmem>>, vector<16xi32>,
        tpu.vector_store %arg8[%parallel_loop3A_870], %parallel_loop3A_869 {strides = array<i32>} : memref<2560xi32, #tpu.memory_space<vmem>>, vector<16xi32>,
      } {sc.loop_unroll_factor = 4 : i64, sc.parallel_access}
      %dma_start3A_511 = arith.constant 0 : i32
      %dma_start3A_512 = arith.constant 0 : i32
      %dma_start3A_513 = tpu.memref_slice %arg10[%dma_start3A_511, %dma_start3A_512] : memref<2560x16xf32, #tpu.memory_space<vmem>> -> memref<128x16xf32, #tpu.memory_space<vmem>>
      %dma_start3A_514 = arith.constant 0 : i32
      %dma_start3A_515 = tpu.memref_slice %arg8[%dma_start3A_514] : memref<2560xi32, #tpu.memory_space<vmem>> -> memref<128xi32, #tpu.memory_space<vmem>>
      %dma_start3A_516 = arith.constant 0 : i32
      %dma_start3A_517 = arith.constant 0 : i32
      %dma_start3A_518 = tpu.memref_slice %arg2[%dma_start3A_516, %dma_start3A_517] : memref<2600000x16xf32, #tpu.memory_space<hbm>> -> memref<2600000x16xf32, #tpu.memory_space<hbm>>
      tpu.enqueue_indirect_dma source(%dma_start3A_518 : memref<2600000x16xf32, #tpu.memory_space<hbm>>) target(%dma_start3A_513 : memref<128x16xf32, #tpu.memory_space<vmem>>) offsets(%dma_start3A_515 : memref<128xi32, #tpu.memory_space<vmem>>) semaphore(%arg16 : memref<!tpu.dma_semaphore, #tpu.memory_space<semaphore_mem>>)
      %dma_start3A_519 = arith.constant 128 : i32
      %dma_start3A_520 = arith.constant 0 : i32
      %dma_start3A_521 = tpu.memref_slice %arg10[%dma_start3A_519, %dma_start3A_520] : memref<2560x16xf32, #tpu.memory_space<vmem>> -> memref<128x16xf32, #tpu.memory_space<vmem>>
      %dma_start3A_522 = arith.constant 128 : i32
      %dma_start3A_523 = tpu.memref_slice %arg8[%dma_start3A_522] : memref<2560xi32, #tpu.memory_space<vmem>> -> memref<128xi32, #tpu.memory_space<vmem>>
      %dma_start3A_524 = arith.constant 0 : i32
      %dma_start3A_525 = arith.constant 0 : i32
      %dma_start3A_526 = tpu.memref_slice %arg2[%dma_start3A_524, %dma_start3A_525] : memref<2600000x16xf32, #tpu.memory_space<hbm>> -> memref<2600000x16xf32, #tpu.memory_space<hbm>>
      tpu.enqueue_indirect_dma source(%dma_start3A_526 : memref<2600000x16xf32, #tpu.memory_space<hbm>>) target(%dma_start3A_521 : memref<128x16xf32, #tpu.memory_space<vmem>>) offsets(%dma_start3A_523 : memref<128xi32, #tpu.memory_space<vmem>>) semaphore(%arg16 : memref<!tpu.dma_semaphore, #tpu.memory_space<semaphore_mem>>)
      %dma_start3A_527 = arith.constant 256 : i32
      %dma_start3A_528 = arith.constant 0 : i32
      %dma_start3A_529 = tpu.memref_slice %arg10[%dma_start3A_527, %dma_start3A_528] : memref<2560x16xf32, #tpu.memory_space<vmem>> -> memref<128x16xf32, #tpu.memory_space<vmem>>
      %dma_start3A_530 = arith.constant 256 : i32
      %dma_start3A_531 = tpu.memref_slice %arg8[%dma_start3A_530] : memref<2560xi32, #tpu.memory_space<vmem>> -> memref<128xi32, #tpu.memory_space<vmem>>
      %dma_start3A_532 = arith.constant 0 : i32
      %dma_start3A_533 = arith.constant 0 : i32
      %dma_start3A_534 = tpu.memref_slice %arg2[%dma_start3A_532, %dma_start3A_533] : memref<2600000x16xf32, #tpu.memory_space<hbm>> -> memref<2600000x16xf32, #tpu.memory_space<hbm>>
      tpu.enqueue_indirect_dma source(%dma_start3A_534 : memref<2600000x16xf32, #tpu.memory_space<hbm>>) target(%dma_start3A_529 : memref<128x16xf32, #tpu.memory_space<vmem>>) offsets(%dma_start3A_531 : memref<128xi32, #tpu.memory_space<vmem>>) semaphore(%arg16 : memref<!tpu.dma_semaphore, #tpu.memory_space<semaphore_mem>>)
      %dma_start3A_535 = arith.constant 384 : i32
      %dma_start3A_536 = arith.constant 0 : i32
      %dma_start3A_537 = tpu.memref_slice %arg10[%dma_start3A_535, %dma_start3A_536] : memref<2560x16xf32, #tpu.memory_space<vmem>> -> memref<128x16xf32, #tpu.memory_space<vmem>>
      %dma_start3A_538 = arith.constant 384 : i32
      %dma_start3A_539 = tpu.memref_slice %arg8[%dma_start3A_538] : memref<2560xi32, #tpu.memory_space<vmem>> -> memref<128xi32, #tpu.memory_space<vmem>>
      %dma_start3A_540 = arith.constant 0 : i32
      %dma_start3A_541 = arith.constant 0 : i32
      %dma_start3A_542 = tpu.memref_slice %arg2[%dma_start3A_540, %dma_start3A_541] : memref<2600000x16xf32, #tpu.memory_space<hbm>> -> memref<2600000x16xf32, #tpu.memory_space<hbm>>
      tpu.enqueue_indirect_dma source(%dma_start3A_542 : memref<2600000x16xf32, #tpu.memory_space<hbm>>) target(%dma_start3A_537 : memref<128x16xf32, #tpu.memory_space<vmem>>) offsets(%dma_start3A_539 : memref<128xi32, #tpu.memory_space<vmem>>) semaphore(%arg16 : memref<!tpu.dma_semaphore, #tpu.memory_space<semaphore_mem>>)
      %dma_start3A_543 = arith.constant 512 : i32
      %dma_start3A_544 = arith.constant 0 : i32
      %dma_start3A_545 = tpu.memref_slice %arg10[%dma_start3A_543, %dma_start3A_544] : memref<2560x16xf32, #tpu.memory_space<vmem>> -> memref<128x16xf32, #tpu.memory_space<vmem>>
      %dma_start3A_546 = arith.constant 512 : i32
      %dma_start3A_547 = tpu.memref_slice %arg8[%dma_start3A_546] : memref<2560xi32, #tpu.memory_space<vmem>> -> memref<128xi32, #tpu.memory_space<vmem>>
      %dma_start3A_548 = arith.constant 0 : i32
      %dma_start3A_549 = arith.constant 0 : i32
      %dma_start3A_550 = tpu.memref_slice %arg2[%dma_start3A_548, %dma_start3A_549] : memref<2600000x16xf32, #tpu.memory_space<hbm>> -> memref<2600000x16xf32, #tpu.memory_space<hbm>>
      tpu.enqueue_indirect_dma source(%dma_start3A_550 : memref<2600000x16xf32, #tpu.memory_space<hbm>>) target(%dma_start3A_545 : memref<128x16xf32, #tpu.memory_space<vmem>>) offsets(%dma_start3A_547 : memref<128xi32, #tpu.memory_space<vmem>>) semaphore(%arg16 : memref<!tpu.dma_semaphore, #tpu.memory_space<semaphore_mem>>)
      %dma_start3A_551 = arith.constant 640 : i32
      %dma_start3A_552 = arith.constant 0 : i32
      %dma_start3A_553 = tpu.memref_slice %arg10[%dma_start3A_551, %dma_start3A_552] : memref<2560x16xf32, #tpu.memory_space<vmem>> -> memref<128x16xf32, #tpu.memory_space<vmem>>
      %dma_start3A_554 = arith.constant 640 : i32
      %dma_start3A_555 = tpu.memref_slice %arg8[%dma_start3A_554] : memref<2560xi32, #tpu.memory_space<vmem>> -> memref<128xi32, #tpu.memory_space<vmem>>
      %dma_start3A_556 = arith.constant 0 : i32
      %dma_start3A_557 = arith.constant 0 : i32
      %dma_start3A_558 = tpu.memref_slice %arg2[%dma_start3A_556, %dma_start3A_557] : memref<2600000x16xf32, #tpu.memory_space<hbm>> -> memref<2600000x16xf32, #tpu.memory_space<hbm>>
      tpu.enqueue_indirect_dma source(%dma_start3A_558 : memref<2600000x16xf32, #tpu.memory_space<hbm>>) target(%dma_start3A_553 : memref<128x16xf32, #tpu.memory_space<vmem>>) offsets(%dma_start3A_555 : memref<128xi32, #tpu.memory_space<vmem>>) semaphore(%arg16 : memref<!tpu.dma_semaphore, #tpu.memory_space<semaphore_mem>>)
      %dma_start3A_559 = arith.constant 768 : i32
      %dma_start3A_560 = arith.constant 0 : i32
      %dma_start3A_561 = tpu.memref_slice %arg10[%dma_start3A_559, %dma_start3A_560] : memref<2560x16xf32, #tpu.memory_space<vmem>> -> memref<128x16xf32, #tpu.memory_space<vmem>>
      %dma_start3A_562 = arith.constant 768 : i32
      %dma_start3A_563 = tpu.memref_slice %arg8[%dma_start3A_562] : memref<2560xi32, #tpu.memory_space<vmem>> -> memref<128xi32, #tpu.memory_space<vmem>>
      %dma_start3A_564 = arith.constant 0 : i32
      %dma_start3A_565 = arith.constant 0 : i32
      %dma_start3A_566 = tpu.memref_slice %arg2[%dma_start3A_564, %dma_start3A_565] : memref<2600000x16xf32, #tpu.memory_space<hbm>> -> memref<2600000x16xf32, #tpu.memory_space<hbm>>
      tpu.enqueue_indirect_dma source(%dma_start3A_566 : memref<2600000x16xf32, #tpu.memory_space<hbm>>) target(%dma_start3A_561 : memref<128x16xf32, #tpu.memory_space<vmem>>) offsets(%dma_start3A_563 : memref<128xi32, #tpu.memory_space<vmem>>) semaphore(%arg16 : memref<!tpu.dma_semaphore, #tpu.memory_space<semaphore_mem>>)
      %dma_start3A_567 = arith.constant 896 : i32
      %dma_start3A_568 = arith.constant 0 : i32
      %dma_start3A_569 = tpu.memref_slice %arg10[%dma_start3A_567, %dma_start3A_568] : memref<2560x16xf32, #tpu.memory_space<vmem>> -> memref<128x16xf32, #tpu.memory_space<vmem>>
      %dma_start3A_570 = arith.constant 896 : i32
      %dma_start3A_571 = tpu.memref_slice %arg8[%dma_start3A_570] : memref<2560xi32, #tpu.memory_space<vmem>> -> memref<128xi32, #tpu.memory_space<vmem>>
      %dma_start3A_572 = arith.constant 0 : i32
      %dma_start3A_573 = arith.constant 0 : i32
      %dma_start3A_574 = tpu.memref_slice %arg2[%dma_start3A_572, %dma_start3A_573] : memref<2600000x16xf32, #tpu.memory_space<hbm>> -> memref<2600000x16xf32, #tpu.memory_space<hbm>>
      tpu.enqueue_indirect_dma source(%dma_start3A_574 : memref<2600000x16xf32, #tpu.memory_space<hbm>>) target(%dma_start3A_569 : memref<128x16xf32, #tpu.memory_space<vmem>>) offsets(%dma_start3A_571 : memref<128xi32, #tpu.memory_space<vmem>>) semaphore(%arg16 : memref<!tpu.dma_semaphore, #tpu.memory_space<semaphore_mem>>)
      %dma_start3A_575 = arith.constant 1024 : i32
      %dma_start3A_576 = arith.constant 0 : i32
      %dma_start3A_577 = tpu.memref_slice %arg10[%dma_start3A_575, %dma_start3A_576] : memref<2560x16xf32, #tpu.memory_space<vmem>> -> memref<128x16xf32, #tpu.memory_space<vmem>>
      %dma_start3A_578 = arith.constant 1024 : i32
      %dma_start3A_579 = tpu.memref_slice %arg8[%dma_start3A_578] : memref<2560xi32, #tpu.memory_space<vmem>> -> memref<128xi32, #tpu.memory_space<vmem>>
      %dma_start3A_580 = arith.constant 0 : i32
      %dma_start3A_581 = arith.constant 0 : i32
      %dma_start3A_582 = tpu.memref_slice %arg2[%dma_start3A_580, %dma_start3A_581] : memref<2600000x16xf32, #tpu.memory_space<hbm>> -> memref<2600000x16xf32, #tpu.memory_space<hbm>>
      tpu.enqueue_indirect_dma source(%dma_start3A_582 : memref<2600000x16xf32, #tpu.memory_space<hbm>>) target(%dma_start3A_577 : memref<128x16xf32, #tpu.memory_space<vmem>>) offsets(%dma_start3A_579 : memref<128xi32, #tpu.memory_space<vmem>>) semaphore(%arg16 : memref<!tpu.dma_semaphore, #tpu.memory_space<semaphore_mem>>)
      %dma_start3A_583 = arith.constant 1152 : i32
      %dma_start3A_584 = arith.constant 0 : i32
      %dma_start3A_585 = tpu.memref_slice %arg10[%dma_start3A_583, %dma_start3A_584] : memref<2560x16xf32, #tpu.memory_space<vmem>> -> memref<128x16xf32, #tpu.memory_space<vmem>>
      %dma_start3A_586 = arith.constant 1152 : i32
      %dma_start3A_587 = tpu.memref_slice %arg8[%dma_start3A_586] : memref<2560xi32, #tpu.memory_space<vmem>> -> memref<128xi32, #tpu.memory_space<vmem>>
      %dma_start3A_588 = arith.constant 0 : i32
      %dma_start3A_589 = arith.constant 0 : i32
      %dma_start3A_590 = tpu.memref_slice %arg2[%dma_start3A_588, %dma_start3A_589] : memref<2600000x16xf32, #tpu.memory_space<hbm>> -> memref<2600000x16xf32, #tpu.memory_space<hbm>>
      tpu.enqueue_indirect_dma source(%dma_start3A_590 : memref<2600000x16xf32, #tpu.memory_space<hbm>>) target(%dma_start3A_585 : memref<128x16xf32, #tpu.memory_space<vmem>>) offsets(%dma_start3A_587 : memref<128xi32, #tpu.memory_space<vmem>>) semaphore(%arg16 : memref<!tpu.dma_semaphore, #tpu.memory_space<semaphore_mem>>)
      %dma_start3A_591 = arith.constant 1280 : i32
      %dma_start3A_592 = arith.constant 0 : i32
      %dma_start3A_593 = tpu.memref_slice %arg10[%dma_start3A_591, %dma_start3A_592] : memref<2560x16xf32, #tpu.memory_space<vmem>> -> memref<128x16xf32, #tpu.memory_space<vmem>>
      %dma_start3A_594 = arith.constant 1280 : i32
      %dma_start3A_595 = tpu.memref_slice %arg8[%dma_start3A_594] : memref<2560xi32, #tpu.memory_space<vmem>> -> memref<128xi32, #tpu.memory_space<vmem>>
      %dma_start3A_596 = arith.constant 0 : i32
      %dma_start3A_597 = arith.constant 0 : i32
      %dma_start3A_598 = tpu.memref_slice %arg2[%dma_start3A_596, %dma_start3A_597] : memref<2600000x16xf32, #tpu.memory_space<hbm>> -> memref<2600000x16xf32, #tpu.memory_space<hbm>>
      tpu.enqueue_indirect_dma source(%dma_start3A_598 : memref<2600000x16xf32, #tpu.memory_space<hbm>>) target(%dma_start3A_593 : memref<128x16xf32, #tpu.memory_space<vmem>>) offsets(%dma_start3A_595 : memref<128xi32, #tpu.memory_space<vmem>>) semaphore(%arg16 : memref<!tpu.dma_semaphore, #tpu.memory_space<semaphore_mem>>)
      %dma_start3A_599 = arith.constant 1408 : i32
      %dma_start3A_600 = arith.constant 0 : i32
      %dma_start3A_601 = tpu.memref_slice %arg10[%dma_start3A_599, %dma_start3A_600] : memref<2560x16xf32, #tpu.memory_space<vmem>> -> memref<128x16xf32, #tpu.memory_space<vmem>>
      %dma_start3A_602 = arith.constant 1408 : i32
      %dma_start3A_603 = tpu.memref_slice %arg8[%dma_start3A_602] : memref<2560xi32, #tpu.memory_space<vmem>> -> memref<128xi32, #tpu.memory_space<vmem>>
      %dma_start3A_604 = arith.constant 0 : i32
      %dma_start3A_605 = arith.constant 0 : i32
      %dma_start3A_606 = tpu.memref_slice %arg2[%dma_start3A_604, %dma_start3A_605] : memref<2600000x16xf32, #tpu.memory_space<hbm>> -> memref<2600000x16xf32, #tpu.memory_space<hbm>>
      tpu.enqueue_indirect_dma source(%dma_start3A_606 : memref<2600000x16xf32, #tpu.memory_space<hbm>>) target(%dma_start3A_601 : memref<128x16xf32, #tpu.memory_space<vmem>>) offsets(%dma_start3A_603 : memref<128xi32, #tpu.memory_space<vmem>>) semaphore(%arg16 : memref<!tpu.dma_semaphore, #tpu.memory_space<semaphore_mem>>)
      %dma_start3A_607 = arith.constant 1536 : i32
      %dma_start3A_608 = arith.constant 0 : i32
      %dma_start3A_609 = tpu.memref_slice %arg10[%dma_start3A_607, %dma_start3A_608] : memref<2560x16xf32, #tpu.memory_space<vmem>> -> memref<128x16xf32, #tpu.memory_space<vmem>>
      %dma_start3A_610 = arith.constant 1536 : i32
      %dma_start3A_611 = tpu.memref_slice %arg8[%dma_start3A_610] : memref<2560xi32, #tpu.memory_space<vmem>> -> memref<128xi32, #tpu.memory_space<vmem>>
      %dma_start3A_612 = arith.constant 0 : i32
      %dma_start3A_613 = arith.constant 0 : i32
      %dma_start3A_614 = tpu.memref_slice %arg2[%dma_start3A_612, %dma_start3A_613] : memref<2600000x16xf32, #tpu.memory_space<hbm>> -> memref<2600000x16xf32, #tpu.memory_space<hbm>>
      tpu.enqueue_indirect_dma source(%dma_start3A_614 : memref<2600000x16xf32, #tpu.memory_space<hbm>>) target(%dma_start3A_609 : memref<128x16xf32, #tpu.memory_space<vmem>>) offsets(%dma_start3A_611 : memref<128xi32, #tpu.memory_space<vmem>>) semaphore(%arg16 : memref<!tpu.dma_semaphore, #tpu.memory_space<semaphore_mem>>)
      %dma_start3A_615 = arith.constant 1664 : i32
      %dma_start3A_616 = arith.constant 0 : i32
      %dma_start3A_617 = tpu.memref_slice %arg10[%dma_start3A_615, %dma_start3A_616] : memref<2560x16xf32, #tpu.memory_space<vmem>> -> memref<128x16xf32, #tpu.memory_space<vmem>>
      %dma_start3A_618 = arith.constant 1664 : i32
      %dma_start3A_619 = tpu.memref_slice %arg8[%dma_start3A_618] : memref<2560xi32, #tpu.memory_space<vmem>> -> memref<128xi32, #tpu.memory_space<vmem>>
      %dma_start3A_620 = arith.constant 0 : i32
      %dma_start3A_621 = arith.constant 0 : i32
      %dma_start3A_622 = tpu.memref_slice %arg2[%dma_start3A_620, %dma_start3A_621] : memref<2600000x16xf32, #tpu.memory_space<hbm>> -> memref<2600000x16xf32, #tpu.memory_space<hbm>>
      tpu.enqueue_indirect_dma source(%dma_start3A_622 : memref<2600000x16xf32, #tpu.memory_space<hbm>>) target(%dma_start3A_617 : memref<128x16xf32, #tpu.memory_space<vmem>>) offsets(%dma_start3A_619 : memref<128xi32, #tpu.memory_space<vmem>>) semaphore(%arg16 : memref<!tpu.dma_semaphore, #tpu.memory_space<semaphore_mem>>)
      %dma_start3A_623 = arith.constant 1792 : i32
      %dma_start3A_624 = arith.constant 0 : i32
      %dma_start3A_625 = tpu.memref_slice %arg10[%dma_start3A_623, %dma_start3A_624] : memref<2560x16xf32, #tpu.memory_space<vmem>> -> memref<128x16xf32, #tpu.memory_space<vmem>>
      %dma_start3A_626 = arith.constant 1792 : i32
      %dma_start3A_627 = tpu.memref_slice %arg8[%dma_start3A_626] : memref<2560xi32, #tpu.memory_space<vmem>> -> memref<128xi32, #tpu.memory_space<vmem>>
      %dma_start3A_628 = arith.constant 0 : i32
      %dma_start3A_629 = arith.constant 0 : i32
      %dma_start3A_630 = tpu.memref_slice %arg2[%dma_start3A_628, %dma_start3A_629] : memref<2600000x16xf32, #tpu.memory_space<hbm>> -> memref<2600000x16xf32, #tpu.memory_space<hbm>>
      tpu.enqueue_indirect_dma source(%dma_start3A_630 : memref<2600000x16xf32, #tpu.memory_space<hbm>>) target(%dma_start3A_625 : memref<128x16xf32, #tpu.memory_space<vmem>>) offsets(%dma_start3A_627 : memref<128xi32, #tpu.memory_space<vmem>>) semaphore(%arg16 : memref<!tpu.dma_semaphore, #tpu.memory_space<semaphore_mem>>)
      %dma_start3A_631 = arith.constant 1920 : i32
      %dma_start3A_632 = arith.constant 0 : i32
      %dma_start3A_633 = tpu.memref_slice %arg10[%dma_start3A_631, %dma_start3A_632] : memref<2560x16xf32, #tpu.memory_space<vmem>> -> memref<128x16xf32, #tpu.memory_space<vmem>>
      %dma_start3A_634 = arith.constant 1920 : i32
      %dma_start3A_635 = tpu.memref_slice %arg8[%dma_start3A_634] : memref<2560xi32, #tpu.memory_space<vmem>> -> memref<128xi32, #tpu.memory_space<vmem>>
      %dma_start3A_636 = arith.constant 0 : i32
      %dma_start3A_637 = arith.constant 0 : i32
      %dma_start3A_638 = tpu.memref_slice %arg2[%dma_start3A_636, %dma_start3A_637] : memref<2600000x16xf32, #tpu.memory_space<hbm>> -> memref<2600000x16xf32, #tpu.memory_space<hbm>>
      tpu.enqueue_indirect_dma source(%dma_start3A_638 : memref<2600000x16xf32, #tpu.memory_space<hbm>>) target(%dma_start3A_633 : memref<128x16xf32, #tpu.memory_space<vmem>>) offsets(%dma_start3A_635 : memref<128xi32, #tpu.memory_space<vmem>>) semaphore(%arg16 : memref<!tpu.dma_semaphore, #tpu.memory_space<semaphore_mem>>)
      %dma_start3A_639 = arith.constant 2048 : i32
      %dma_start3A_640 = arith.constant 0 : i32
      %dma_start3A_641 = tpu.memref_slice %arg10[%dma_start3A_639, %dma_start3A_640] : memref<2560x16xf32, #tpu.memory_space<vmem>> -> memref<128x16xf32, #tpu.memory_space<vmem>>
      %dma_start3A_642 = arith.constant 2048 : i32
      %dma_start3A_643 = tpu.memref_slice %arg8[%dma_start3A_642] : memref<2560xi32, #tpu.memory_space<vmem>> -> memref<128xi32, #tpu.memory_space<vmem>>
      %dma_start3A_644 = arith.constant 0 : i32
      %dma_start3A_645 = arith.constant 0 : i32
      %dma_start3A_646 = tpu.memref_slice %arg2[%dma_start3A_644, %dma_start3A_645] : memref<2600000x16xf32, #tpu.memory_space<hbm>> -> memref<2600000x16xf32, #tpu.memory_space<hbm>>
      tpu.enqueue_indirect_dma source(%dma_start3A_646 : memref<2600000x16xf32, #tpu.memory_space<hbm>>) target(%dma_start3A_641 : memref<128x16xf32, #tpu.memory_space<vmem>>) offsets(%dma_start3A_643 : memref<128xi32, #tpu.memory_space<vmem>>) semaphore(%arg16 : memref<!tpu.dma_semaphore, #tpu.memory_space<semaphore_mem>>)
      %dma_start3A_647 = arith.constant 2176 : i32
      %dma_start3A_648 = arith.constant 0 : i32
      %dma_start3A_649 = tpu.memref_slice %arg10[%dma_start3A_647, %dma_start3A_648] : memref<2560x16xf32, #tpu.memory_space<vmem>> -> memref<128x16xf32, #tpu.memory_space<vmem>>
      %dma_start3A_650 = arith.constant 2176 : i32
      %dma_start3A_651 = tpu.memref_slice %arg8[%dma_start3A_650] : memref<2560xi32, #tpu.memory_space<vmem>> -> memref<128xi32, #tpu.memory_space<vmem>>
      %dma_start3A_652 = arith.constant 0 : i32
      %dma_start3A_653 = arith.constant 0 : i32
      %dma_start3A_654 = tpu.memref_slice %arg2[%dma_start3A_652, %dma_start3A_653] : memref<2600000x16xf32, #tpu.memory_space<hbm>> -> memref<2600000x16xf32, #tpu.memory_space<hbm>>
      tpu.enqueue_indirect_dma source(%dma_start3A_654 : memref<2600000x16xf32, #tpu.memory_space<hbm>>) target(%dma_start3A_649 : memref<128x16xf32, #tpu.memory_space<vmem>>) offsets(%dma_start3A_651 : memref<128xi32, #tpu.memory_space<vmem>>) semaphore(%arg16 : memref<!tpu.dma_semaphore, #tpu.memory_space<semaphore_mem>>)
      %dma_start3A_655 = arith.constant 2304 : i32
      %dma_start3A_656 = arith.constant 0 : i32
      %dma_start3A_657 = tpu.memref_slice %arg10[%dma_start3A_655, %dma_start3A_656] : memref<2560x16xf32, #tpu.memory_space<vmem>> -> memref<128x16xf32, #tpu.memory_space<vmem>>
      %dma_start3A_658 = arith.constant 2304 : i32
      %dma_start3A_659 = tpu.memref_slice %arg8[%dma_start3A_658] : memref<2560xi32, #tpu.memory_space<vmem>> -> memref<128xi32, #tpu.memory_space<vmem>>
      %dma_start3A_660 = arith.constant 0 : i32
      %dma_start3A_661 = arith.constant 0 : i32
      %dma_start3A_662 = tpu.memref_slice %arg2[%dma_start3A_660, %dma_start3A_661] : memref<2600000x16xf32, #tpu.memory_space<hbm>> -> memref<2600000x16xf32, #tpu.memory_space<hbm>>
      tpu.enqueue_indirect_dma source(%dma_start3A_662 : memref<2600000x16xf32, #tpu.memory_space<hbm>>) target(%dma_start3A_657 : memref<128x16xf32, #tpu.memory_space<vmem>>) offsets(%dma_start3A_659 : memref<128xi32, #tpu.memory_space<vmem>>) semaphore(%arg16 : memref<!tpu.dma_semaphore, #tpu.memory_space<semaphore_mem>>)
      %dma_start3A_663 = arith.constant 2432 : i32
      %dma_start3A_664 = arith.constant 0 : i32
      %dma_start3A_665 = tpu.memref_slice %arg10[%dma_start3A_663, %dma_start3A_664] : memref<2560x16xf32, #tpu.memory_space<vmem>> -> memref<128x16xf32, #tpu.memory_space<vmem>>
      %dma_start3A_666 = arith.constant 2432 : i32
      %dma_start3A_667 = tpu.memref_slice %arg8[%dma_start3A_666] : memref<2560xi32, #tpu.memory_space<vmem>> -> memref<128xi32, #tpu.memory_space<vmem>>
      %dma_start3A_668 = arith.constant 0 : i32
      %dma_start3A_669 = arith.constant 0 : i32
      %dma_start3A_670 = tpu.memref_slice %arg2[%dma_start3A_668, %dma_start3A_669] : memref<2600000x16xf32, #tpu.memory_space<hbm>> -> memref<2600000x16xf32, #tpu.memory_space<hbm>>
      tpu.enqueue_indirect_dma source(%dma_start3A_670 : memref<2600000x16xf32, #tpu.memory_space<hbm>>) target(%dma_start3A_665 : memref<128x16xf32, #tpu.memory_space<vmem>>) offsets(%dma_start3A_667 : memref<128xi32, #tpu.memory_space<vmem>>) semaphore(%arg16 : memref<!tpu.dma_semaphore, #tpu.memory_space<semaphore_mem>>)
      %lt3A_671 = arith.constant 12 : i32
      %lt3A_672 = arith.cmpi slt, %scan3A_271, %lt3A_671 : i32
      %convert_element_type3A_673 = arith.extui %lt3A_672 : i1 to i32
      %cond3A_674 = arith.constant 0 : i32
      %cond3A_675 = arith.cmpi ne, %convert_element_type3A_673, %cond3A_674 : i32
      scf.if %cond3A_675 {
        %add3A_864 = arith.constant 2 : i32
        %add3A_865 = arith.addi %add3A_471, %add3A_864 : i32
        %add3A_866 = arith.addi %mul3A_2, %add3A_865 : i32
        %mul3A_867 = arith.constant 2560 : i32
        %mul3A_868 = arith.muli %add3A_866, %mul3A_867 : i32
        %dma_start3A_869 = tpu.memref_slice %arg3[%mul3A_868] : memref<2129920xi32, #tpu.memory_space<hbm>> -> memref<2560xi32, #tpu.memory_space<hbm>>
        %dma_start3A_870 = tpu.memref_slice %arg3[%mul3A_868] : memref<2129920xi32, #tpu.memory_space<hbm>> -> memref<2560xi32, #tpu.memory_space<hbm>>
        tpu.enqueue_dma source(%dma_start3A_870 : memref<2560xi32, #tpu.memory_space<hbm>>) target(%arg6 : memref<2560xi32, #tpu.memory_space<vmem>>) target_semaphore(%arg14 : memref<!tpu.dma_semaphore, #tpu.memory_space<semaphore_mem>>)
      } else {
      }
      %ge3A = arith.constant 2 : i32
      %ge3A_676 = arith.cmpi sge, %mul3A_273, %ge3A : i32
      %convert_element_type3A_677 = arith.extui %ge3A_676 : i1 to i32
      %cond3A_678 = arith.constant 0 : i32
      %cond3A_679 = arith.cmpi ne, %convert_element_type3A_677, %cond3A_678 : i32
      scf.if %cond3A_679 {
        %sub3A_864 = arith.constant 2 : i32
        %sub3A_865 = arith.subi %mul3A_273, %sub3A_864 : i32
        %add3A_866 = arith.addi %mul3A_2, %sub3A_865 : i32
        %add3A_867 = arith.constant 0 : i32
        %add3A_868 = arith.addi %add3A_867, %add3A_866 : i32
        %mul3A_869 = arith.constant 1024 : i32
        %mul3A_870 = arith.muli %add3A_868, %mul3A_869 : i32
        %add3A_871 = arith.constant 832 : i32
        %add3A_872 = arith.addi %add3A_871, %add3A_866 : i32
        %mul3A_873 = arith.constant 1024 : i32
        %mul3A_874 = arith.muli %add3A_872, %mul3A_873 : i32
        %dma_wait3A_875 = arith.constant 0 : i32
        %dma_wait3A_876 = tpu.memref_slice %arg11[%dma_wait3A_875] : memref<2048xf32, #tpu.memory_space<vmem>> -> memref<1024xf32, #tpu.memory_space<vmem>>
        %dma_wait3A_877 = tpu.memref_slice %arg4[%mul3A_870] : memref<1703936xf32, #tpu.memory_space<hbm>> -> memref<1024xf32, #tpu.memory_space<hbm>>
        %dma_wait3A_878 = tpu.memref_slice %arg4[%mul3A_870] : memref<1703936xf32, #tpu.memory_space<hbm>> -> memref<1024xf32, #tpu.memory_space<hbm>>
        %dma_wait3A_879 = arith.constant 0 : i32
        %dma_wait3A_880 = tpu.memref_slice %arg11[%dma_wait3A_879] : memref<2048xf32, #tpu.memory_space<vmem>> -> memref<1024xf32, #tpu.memory_space<vmem>>
        tpu.wait_dma2 semaphore(%arg17 : memref<!tpu.dma_semaphore, #tpu.memory_space<semaphore_mem>>) src(%dma_wait3A_880 : memref<1024xf32, #tpu.memory_space<vmem>>) dst(%dma_wait3A_878 : memref<1024xf32, #tpu.memory_space<hbm>>)
        %dma_wait3A_881 = arith.constant 1024 : i32
        %dma_wait3A_882 = tpu.memref_slice %arg11[%dma_wait3A_881] : memref<2048xf32, #tpu.memory_space<vmem>> -> memref<1024xf32, #tpu.memory_space<vmem>>
        %dma_wait3A_883 = tpu.memref_slice %arg4[%mul3A_874] : memref<1703936xf32, #tpu.memory_space<hbm>> -> memref<1024xf32, #tpu.memory_space<hbm>>
        %dma_wait3A_884 = tpu.memref_slice %arg4[%mul3A_874] : memref<1703936xf32, #tpu.memory_space<hbm>> -> memref<1024xf32, #tpu.memory_space<hbm>>
        %dma_wait3A_885 = arith.constant 1024 : i32
        %dma_wait3A_886 = tpu.memref_slice %arg11[%dma_wait3A_885] : memref<2048xf32, #tpu.memory_space<vmem>> -> memref<1024xf32, #tpu.memory_space<vmem>>
        tpu.wait_dma2 semaphore(%arg17 : memref<!tpu.dma_semaphore, #tpu.memory_space<semaphore_mem>>) src(%dma_wait3A_886 : memref<1024xf32, #tpu.memory_space<vmem>>) dst(%dma_wait3A_884 : memref<1024xf32, #tpu.memory_space<hbm>>)
      } else {
      }
      %dma_wait3A_680 = arith.constant 0 : i32
      %dma_wait3A_681 = arith.constant 0 : i32
      %dma_wait3A_682 = tpu.memref_slice %arg9[%dma_wait3A_680, %dma_wait3A_681] : memref<2560x16xf32, #tpu.memory_space<vmem>> -> memref<128x16xf32, #tpu.memory_space<vmem>>
      %dma_wait3A_683 = arith.constant 0 : i32
      %dma_wait3A_684 = tpu.memref_slice %arg7[%dma_wait3A_683] : memref<2560xi32, #tpu.memory_space<vmem>> -> memref<128xi32, #tpu.memory_space<vmem>>
      %dma_wait3A_685 = arith.constant 0 : i32
      %dma_wait3A_686 = arith.constant 0 : i32
      %dma_wait3A_687 = tpu.memref_slice %arg2[%dma_wait3A_685, %dma_wait3A_686] : memref<2600000x16xf32, #tpu.memory_space<hbm>> -> memref<2600000x16xf32, #tpu.memory_space<hbm>>
      tpu.wait_indirect_dma semaphore(%arg15 : memref<!tpu.dma_semaphore, #tpu.memory_space<semaphore_mem>>) src(%dma_wait3A_687 : memref<2600000x16xf32, #tpu.memory_space<hbm>>) dst(%dma_wait3A_682 : memref<128x16xf32, #tpu.memory_space<vmem>>)
      %dma_wait3A_688 = arith.constant 128 : i32
      %dma_wait3A_689 = arith.constant 0 : i32
      %dma_wait3A_690 = tpu.memref_slice %arg9[%dma_wait3A_688, %dma_wait3A_689] : memref<2560x16xf32, #tpu.memory_space<vmem>> -> memref<128x16xf32, #tpu.memory_space<vmem>>
      %dma_wait3A_691 = arith.constant 128 : i32
      %dma_wait3A_692 = tpu.memref_slice %arg7[%dma_wait3A_691] : memref<2560xi32, #tpu.memory_space<vmem>> -> memref<128xi32, #tpu.memory_space<vmem>>
      %dma_wait3A_693 = arith.constant 0 : i32
      %dma_wait3A_694 = arith.constant 0 : i32
      %dma_wait3A_695 = tpu.memref_slice %arg2[%dma_wait3A_693, %dma_wait3A_694] : memref<2600000x16xf32, #tpu.memory_space<hbm>> -> memref<2600000x16xf32, #tpu.memory_space<hbm>>
      tpu.wait_indirect_dma semaphore(%arg15 : memref<!tpu.dma_semaphore, #tpu.memory_space<semaphore_mem>>) src(%dma_wait3A_695 : memref<2600000x16xf32, #tpu.memory_space<hbm>>) dst(%dma_wait3A_690 : memref<128x16xf32, #tpu.memory_space<vmem>>)
      %dma_wait3A_696 = arith.constant 256 : i32
      %dma_wait3A_697 = arith.constant 0 : i32
      %dma_wait3A_698 = tpu.memref_slice %arg9[%dma_wait3A_696, %dma_wait3A_697] : memref<2560x16xf32, #tpu.memory_space<vmem>> -> memref<128x16xf32, #tpu.memory_space<vmem>>
      %dma_wait3A_699 = arith.constant 256 : i32
      %dma_wait3A_700 = tpu.memref_slice %arg7[%dma_wait3A_699] : memref<2560xi32, #tpu.memory_space<vmem>> -> memref<128xi32, #tpu.memory_space<vmem>>
      %dma_wait3A_701 = arith.constant 0 : i32
      %dma_wait3A_702 = arith.constant 0 : i32
      %dma_wait3A_703 = tpu.memref_slice %arg2[%dma_wait3A_701, %dma_wait3A_702] : memref<2600000x16xf32, #tpu.memory_space<hbm>> -> memref<2600000x16xf32, #tpu.memory_space<hbm>>
      tpu.wait_indirect_dma semaphore(%arg15 : memref<!tpu.dma_semaphore, #tpu.memory_space<semaphore_mem>>) src(%dma_wait3A_703 : memref<2600000x16xf32, #tpu.memory_space<hbm>>) dst(%dma_wait3A_698 : memref<128x16xf32, #tpu.memory_space<vmem>>)
      %dma_wait3A_704 = arith.constant 384 : i32
      %dma_wait3A_705 = arith.constant 0 : i32
      %dma_wait3A_706 = tpu.memref_slice %arg9[%dma_wait3A_704, %dma_wait3A_705] : memref<2560x16xf32, #tpu.memory_space<vmem>> -> memref<128x16xf32, #tpu.memory_space<vmem>>
      %dma_wait3A_707 = arith.constant 384 : i32
      %dma_wait3A_708 = tpu.memref_slice %arg7[%dma_wait3A_707] : memref<2560xi32, #tpu.memory_space<vmem>> -> memref<128xi32, #tpu.memory_space<vmem>>
      %dma_wait3A_709 = arith.constant 0 : i32
      %dma_wait3A_710 = arith.constant 0 : i32
      %dma_wait3A_711 = tpu.memref_slice %arg2[%dma_wait3A_709, %dma_wait3A_710] : memref<2600000x16xf32, #tpu.memory_space<hbm>> -> memref<2600000x16xf32, #tpu.memory_space<hbm>>
      tpu.wait_indirect_dma semaphore(%arg15 : memref<!tpu.dma_semaphore, #tpu.memory_space<semaphore_mem>>) src(%dma_wait3A_711 : memref<2600000x16xf32, #tpu.memory_space<hbm>>) dst(%dma_wait3A_706 : memref<128x16xf32, #tpu.memory_space<vmem>>)
      %dma_wait3A_712 = arith.constant 512 : i32
      %dma_wait3A_713 = arith.constant 0 : i32
      %dma_wait3A_714 = tpu.memref_slice %arg9[%dma_wait3A_712, %dma_wait3A_713] : memref<2560x16xf32, #tpu.memory_space<vmem>> -> memref<128x16xf32, #tpu.memory_space<vmem>>
      %dma_wait3A_715 = arith.constant 512 : i32
      %dma_wait3A_716 = tpu.memref_slice %arg7[%dma_wait3A_715] : memref<2560xi32, #tpu.memory_space<vmem>> -> memref<128xi32, #tpu.memory_space<vmem>>
      %dma_wait3A_717 = arith.constant 0 : i32
      %dma_wait3A_718 = arith.constant 0 : i32
      %dma_wait3A_719 = tpu.memref_slice %arg2[%dma_wait3A_717, %dma_wait3A_718] : memref<2600000x16xf32, #tpu.memory_space<hbm>> -> memref<2600000x16xf32, #tpu.memory_space<hbm>>
      tpu.wait_indirect_dma semaphore(%arg15 : memref<!tpu.dma_semaphore, #tpu.memory_space<semaphore_mem>>) src(%dma_wait3A_719 : memref<2600000x16xf32, #tpu.memory_space<hbm>>) dst(%dma_wait3A_714 : memref<128x16xf32, #tpu.memory_space<vmem>>)
      %dma_wait3A_720 = arith.constant 640 : i32
      %dma_wait3A_721 = arith.constant 0 : i32
      %dma_wait3A_722 = tpu.memref_slice %arg9[%dma_wait3A_720, %dma_wait3A_721] : memref<2560x16xf32, #tpu.memory_space<vmem>> -> memref<128x16xf32, #tpu.memory_space<vmem>>
      %dma_wait3A_723 = arith.constant 640 : i32
      %dma_wait3A_724 = tpu.memref_slice %arg7[%dma_wait3A_723] : memref<2560xi32, #tpu.memory_space<vmem>> -> memref<128xi32, #tpu.memory_space<vmem>>
      %dma_wait3A_725 = arith.constant 0 : i32
      %dma_wait3A_726 = arith.constant 0 : i32
      %dma_wait3A_727 = tpu.memref_slice %arg2[%dma_wait3A_725, %dma_wait3A_726] : memref<2600000x16xf32, #tpu.memory_space<hbm>> -> memref<2600000x16xf32, #tpu.memory_space<hbm>>
      tpu.wait_indirect_dma semaphore(%arg15 : memref<!tpu.dma_semaphore, #tpu.memory_space<semaphore_mem>>) src(%dma_wait3A_727 : memref<2600000x16xf32, #tpu.memory_space<hbm>>) dst(%dma_wait3A_722 : memref<128x16xf32, #tpu.memory_space<vmem>>)
      %dma_wait3A_728 = arith.constant 768 : i32
      %dma_wait3A_729 = arith.constant 0 : i32
      %dma_wait3A_730 = tpu.memref_slice %arg9[%dma_wait3A_728, %dma_wait3A_729] : memref<2560x16xf32, #tpu.memory_space<vmem>> -> memref<128x16xf32, #tpu.memory_space<vmem>>
      %dma_wait3A_731 = arith.constant 768 : i32
      %dma_wait3A_732 = tpu.memref_slice %arg7[%dma_wait3A_731] : memref<2560xi32, #tpu.memory_space<vmem>> -> memref<128xi32, #tpu.memory_space<vmem>>
      %dma_wait3A_733 = arith.constant 0 : i32
      %dma_wait3A_734 = arith.constant 0 : i32
      %dma_wait3A_735 = tpu.memref_slice %arg2[%dma_wait3A_733, %dma_wait3A_734] : memref<2600000x16xf32, #tpu.memory_space<hbm>> -> memref<2600000x16xf32, #tpu.memory_space<hbm>>
      tpu.wait_indirect_dma semaphore(%arg15 : memref<!tpu.dma_semaphore, #tpu.memory_space<semaphore_mem>>) src(%dma_wait3A_735 : memref<2600000x16xf32, #tpu.memory_space<hbm>>) dst(%dma_wait3A_730 : memref<128x16xf32, #tpu.memory_space<vmem>>)
      %dma_wait3A_736 = arith.constant 896 : i32
      %dma_wait3A_737 = arith.constant 0 : i32
      %dma_wait3A_738 = tpu.memref_slice %arg9[%dma_wait3A_736, %dma_wait3A_737] : memref<2560x16xf32, #tpu.memory_space<vmem>> -> memref<128x16xf32, #tpu.memory_space<vmem>>
      %dma_wait3A_739 = arith.constant 896 : i32
      %dma_wait3A_740 = tpu.memref_slice %arg7[%dma_wait3A_739] : memref<2560xi32, #tpu.memory_space<vmem>> -> memref<128xi32, #tpu.memory_space<vmem>>
      %dma_wait3A_741 = arith.constant 0 : i32
      %dma_wait3A_742 = arith.constant 0 : i32
      %dma_wait3A_743 = tpu.memref_slice %arg2[%dma_wait3A_741, %dma_wait3A_742] : memref<2600000x16xf32, #tpu.memory_space<hbm>> -> memref<2600000x16xf32, #tpu.memory_space<hbm>>
      tpu.wait_indirect_dma semaphore(%arg15 : memref<!tpu.dma_semaphore, #tpu.memory_space<semaphore_mem>>) src(%dma_wait3A_743 : memref<2600000x16xf32, #tpu.memory_space<hbm>>) dst(%dma_wait3A_738 : memref<128x16xf32, #tpu.memory_space<vmem>>)
      %dma_wait3A_744 = arith.constant 1024 : i32
      %dma_wait3A_745 = arith.constant 0 : i32
      %dma_wait3A_746 = tpu.memref_slice %arg9[%dma_wait3A_744, %dma_wait3A_745] : memref<2560x16xf32, #tpu.memory_space<vmem>> -> memref<128x16xf32, #tpu.memory_space<vmem>>
      %dma_wait3A_747 = arith.constant 1024 : i32
      %dma_wait3A_748 = tpu.memref_slice %arg7[%dma_wait3A_747] : memref<2560xi32, #tpu.memory_space<vmem>> -> memref<128xi32, #tpu.memory_space<vmem>>
      %dma_wait3A_749 = arith.constant 0 : i32
      %dma_wait3A_750 = arith.constant 0 : i32
      %dma_wait3A_751 = tpu.memref_slice %arg2[%dma_wait3A_749, %dma_wait3A_750] : memref<2600000x16xf32, #tpu.memory_space<hbm>> -> memref<2600000x16xf32, #tpu.memory_space<hbm>>
      tpu.wait_indirect_dma semaphore(%arg15 : memref<!tpu.dma_semaphore, #tpu.memory_space<semaphore_mem>>) src(%dma_wait3A_751 : memref<2600000x16xf32, #tpu.memory_space<hbm>>) dst(%dma_wait3A_746 : memref<128x16xf32, #tpu.memory_space<vmem>>)
      %dma_wait3A_752 = arith.constant 1152 : i32
      %dma_wait3A_753 = arith.constant 0 : i32
      %dma_wait3A_754 = tpu.memref_slice %arg9[%dma_wait3A_752, %dma_wait3A_753] : memref<2560x16xf32, #tpu.memory_space<vmem>> -> memref<128x16xf32, #tpu.memory_space<vmem>>
      %dma_wait3A_755 = arith.constant 1152 : i32
      %dma_wait3A_756 = tpu.memref_slice %arg7[%dma_wait3A_755] : memref<2560xi32, #tpu.memory_space<vmem>> -> memref<128xi32, #tpu.memory_space<vmem>>
      %dma_wait3A_757 = arith.constant 0 : i32
      %dma_wait3A_758 = arith.constant 0 : i32
      %dma_wait3A_759 = tpu.memref_slice %arg2[%dma_wait3A_757, %dma_wait3A_758] : memref<2600000x16xf32, #tpu.memory_space<hbm>> -> memref<2600000x16xf32, #tpu.memory_space<hbm>>
      tpu.wait_indirect_dma semaphore(%arg15 : memref<!tpu.dma_semaphore, #tpu.memory_space<semaphore_mem>>) src(%dma_wait3A_759 : memref<2600000x16xf32, #tpu.memory_space<hbm>>) dst(%dma_wait3A_754 : memref<128x16xf32, #tpu.memory_space<vmem>>)
      %dma_wait3A_760 = arith.constant 1280 : i32
      %dma_wait3A_761 = arith.constant 0 : i32
      %dma_wait3A_762 = tpu.memref_slice %arg9[%dma_wait3A_760, %dma_wait3A_761] : memref<2560x16xf32, #tpu.memory_space<vmem>> -> memref<128x16xf32, #tpu.memory_space<vmem>>
      %dma_wait3A_763 = arith.constant 1280 : i32
      %dma_wait3A_764 = tpu.memref_slice %arg7[%dma_wait3A_763] : memref<2560xi32, #tpu.memory_space<vmem>> -> memref<128xi32, #tpu.memory_space<vmem>>
      %dma_wait3A_765 = arith.constant 0 : i32
      %dma_wait3A_766 = arith.constant 0 : i32
      %dma_wait3A_767 = tpu.memref_slice %arg2[%dma_wait3A_765, %dma_wait3A_766] : memref<2600000x16xf32, #tpu.memory_space<hbm>> -> memref<2600000x16xf32, #tpu.memory_space<hbm>>
      tpu.wait_indirect_dma semaphore(%arg15 : memref<!tpu.dma_semaphore, #tpu.memory_space<semaphore_mem>>) src(%dma_wait3A_767 : memref<2600000x16xf32, #tpu.memory_space<hbm>>) dst(%dma_wait3A_762 : memref<128x16xf32, #tpu.memory_space<vmem>>)
      %dma_wait3A_768 = arith.constant 1408 : i32
      %dma_wait3A_769 = arith.constant 0 : i32
      %dma_wait3A_770 = tpu.memref_slice %arg9[%dma_wait3A_768, %dma_wait3A_769] : memref<2560x16xf32, #tpu.memory_space<vmem>> -> memref<128x16xf32, #tpu.memory_space<vmem>>
      %dma_wait3A_771 = arith.constant 1408 : i32
      %dma_wait3A_772 = tpu.memref_slice %arg7[%dma_wait3A_771] : memref<2560xi32, #tpu.memory_space<vmem>> -> memref<128xi32, #tpu.memory_space<vmem>>
      %dma_wait3A_773 = arith.constant 0 : i32
      %dma_wait3A_774 = arith.constant 0 : i32
      %dma_wait3A_775 = tpu.memref_slice %arg2[%dma_wait3A_773, %dma_wait3A_774] : memref<2600000x16xf32, #tpu.memory_space<hbm>> -> memref<2600000x16xf32, #tpu.memory_space<hbm>>
      tpu.wait_indirect_dma semaphore(%arg15 : memref<!tpu.dma_semaphore, #tpu.memory_space<semaphore_mem>>) src(%dma_wait3A_775 : memref<2600000x16xf32, #tpu.memory_space<hbm>>) dst(%dma_wait3A_770 : memref<128x16xf32, #tpu.memory_space<vmem>>)
      %dma_wait3A_776 = arith.constant 1536 : i32
      %dma_wait3A_777 = arith.constant 0 : i32
      %dma_wait3A_778 = tpu.memref_slice %arg9[%dma_wait3A_776, %dma_wait3A_777] : memref<2560x16xf32, #tpu.memory_space<vmem>> -> memref<128x16xf32, #tpu.memory_space<vmem>>
      %dma_wait3A_779 = arith.constant 1536 : i32
      %dma_wait3A_780 = tpu.memref_slice %arg7[%dma_wait3A_779] : memref<2560xi32, #tpu.memory_space<vmem>> -> memref<128xi32, #tpu.memory_space<vmem>>
      %dma_wait3A_781 = arith.constant 0 : i32
      %dma_wait3A_782 = arith.constant 0 : i32
      %dma_wait3A_783 = tpu.memref_slice %arg2[%dma_wait3A_781, %dma_wait3A_782] : memref<2600000x16xf32, #tpu.memory_space<hbm>> -> memref<2600000x16xf32, #tpu.memory_space<hbm>>
      tpu.wait_indirect_dma semaphore(%arg15 : memref<!tpu.dma_semaphore, #tpu.memory_space<semaphore_mem>>) src(%dma_wait3A_783 : memref<2600000x16xf32, #tpu.memory_space<hbm>>) dst(%dma_wait3A_778 : memref<128x16xf32, #tpu.memory_space<vmem>>)
      %dma_wait3A_784 = arith.constant 1664 : i32
      %dma_wait3A_785 = arith.constant 0 : i32
      %dma_wait3A_786 = tpu.memref_slice %arg9[%dma_wait3A_784, %dma_wait3A_785] : memref<2560x16xf32, #tpu.memory_space<vmem>> -> memref<128x16xf32, #tpu.memory_space<vmem>>
      %dma_wait3A_787 = arith.constant 1664 : i32
      %dma_wait3A_788 = tpu.memref_slice %arg7[%dma_wait3A_787] : memref<2560xi32, #tpu.memory_space<vmem>> -> memref<128xi32, #tpu.memory_space<vmem>>
      %dma_wait3A_789 = arith.constant 0 : i32
      %dma_wait3A_790 = arith.constant 0 : i32
      %dma_wait3A_791 = tpu.memref_slice %arg2[%dma_wait3A_789, %dma_wait3A_790] : memref<2600000x16xf32, #tpu.memory_space<hbm>> -> memref<2600000x16xf32, #tpu.memory_space<hbm>>
      tpu.wait_indirect_dma semaphore(%arg15 : memref<!tpu.dma_semaphore, #tpu.memory_space<semaphore_mem>>) src(%dma_wait3A_791 : memref<2600000x16xf32, #tpu.memory_space<hbm>>) dst(%dma_wait3A_786 : memref<128x16xf32, #tpu.memory_space<vmem>>)
      %dma_wait3A_792 = arith.constant 1792 : i32
      %dma_wait3A_793 = arith.constant 0 : i32
      %dma_wait3A_794 = tpu.memref_slice %arg9[%dma_wait3A_792, %dma_wait3A_793] : memref<2560x16xf32, #tpu.memory_space<vmem>> -> memref<128x16xf32, #tpu.memory_space<vmem>>
      %dma_wait3A_795 = arith.constant 1792 : i32
      %dma_wait3A_796 = tpu.memref_slice %arg7[%dma_wait3A_795] : memref<2560xi32, #tpu.memory_space<vmem>> -> memref<128xi32, #tpu.memory_space<vmem>>
      %dma_wait3A_797 = arith.constant 0 : i32
      %dma_wait3A_798 = arith.constant 0 : i32
      %dma_wait3A_799 = tpu.memref_slice %arg2[%dma_wait3A_797, %dma_wait3A_798] : memref<2600000x16xf32, #tpu.memory_space<hbm>> -> memref<2600000x16xf32, #tpu.memory_space<hbm>>
      tpu.wait_indirect_dma semaphore(%arg15 : memref<!tpu.dma_semaphore, #tpu.memory_space<semaphore_mem>>) src(%dma_wait3A_799 : memref<2600000x16xf32, #tpu.memory_space<hbm>>) dst(%dma_wait3A_794 : memref<128x16xf32, #tpu.memory_space<vmem>>)
      %dma_wait3A_800 = arith.constant 1920 : i32
      %dma_wait3A_801 = arith.constant 0 : i32
      %dma_wait3A_802 = tpu.memref_slice %arg9[%dma_wait3A_800, %dma_wait3A_801] : memref<2560x16xf32, #tpu.memory_space<vmem>> -> memref<128x16xf32, #tpu.memory_space<vmem>>
      %dma_wait3A_803 = arith.constant 1920 : i32
      %dma_wait3A_804 = tpu.memref_slice %arg7[%dma_wait3A_803] : memref<2560xi32, #tpu.memory_space<vmem>> -> memref<128xi32, #tpu.memory_space<vmem>>
      %dma_wait3A_805 = arith.constant 0 : i32
      %dma_wait3A_806 = arith.constant 0 : i32
      %dma_wait3A_807 = tpu.memref_slice %arg2[%dma_wait3A_805, %dma_wait3A_806] : memref<2600000x16xf32, #tpu.memory_space<hbm>> -> memref<2600000x16xf32, #tpu.memory_space<hbm>>
      tpu.wait_indirect_dma semaphore(%arg15 : memref<!tpu.dma_semaphore, #tpu.memory_space<semaphore_mem>>) src(%dma_wait3A_807 : memref<2600000x16xf32, #tpu.memory_space<hbm>>) dst(%dma_wait3A_802 : memref<128x16xf32, #tpu.memory_space<vmem>>)
      %dma_wait3A_808 = arith.constant 2048 : i32
      %dma_wait3A_809 = arith.constant 0 : i32
      %dma_wait3A_810 = tpu.memref_slice %arg9[%dma_wait3A_808, %dma_wait3A_809] : memref<2560x16xf32, #tpu.memory_space<vmem>> -> memref<128x16xf32, #tpu.memory_space<vmem>>
      %dma_wait3A_811 = arith.constant 2048 : i32
      %dma_wait3A_812 = tpu.memref_slice %arg7[%dma_wait3A_811] : memref<2560xi32, #tpu.memory_space<vmem>> -> memref<128xi32, #tpu.memory_space<vmem>>
      %dma_wait3A_813 = arith.constant 0 : i32
      %dma_wait3A_814 = arith.constant 0 : i32
      %dma_wait3A_815 = tpu.memref_slice %arg2[%dma_wait3A_813, %dma_wait3A_814] : memref<2600000x16xf32, #tpu.memory_space<hbm>> -> memref<2600000x16xf32, #tpu.memory_space<hbm>>
      tpu.wait_indirect_dma semaphore(%arg15 : memref<!tpu.dma_semaphore, #tpu.memory_space<semaphore_mem>>) src(%dma_wait3A_815 : memref<2600000x16xf32, #tpu.memory_space<hbm>>) dst(%dma_wait3A_810 : memref<128x16xf32, #tpu.memory_space<vmem>>)
      %dma_wait3A_816 = arith.constant 2176 : i32
      %dma_wait3A_817 = arith.constant 0 : i32
      %dma_wait3A_818 = tpu.memref_slice %arg9[%dma_wait3A_816, %dma_wait3A_817] : memref<2560x16xf32, #tpu.memory_space<vmem>> -> memref<128x16xf32, #tpu.memory_space<vmem>>
      %dma_wait3A_819 = arith.constant 2176 : i32
      %dma_wait3A_820 = tpu.memref_slice %arg7[%dma_wait3A_819] : memref<2560xi32, #tpu.memory_space<vmem>> -> memref<128xi32, #tpu.memory_space<vmem>>
      %dma_wait3A_821 = arith.constant 0 : i32
      %dma_wait3A_822 = arith.constant 0 : i32
      %dma_wait3A_823 = tpu.memref_slice %arg2[%dma_wait3A_821, %dma_wait3A_822] : memref<2600000x16xf32, #tpu.memory_space<hbm>> -> memref<2600000x16xf32, #tpu.memory_space<hbm>>
      tpu.wait_indirect_dma semaphore(%arg15 : memref<!tpu.dma_semaphore, #tpu.memory_space<semaphore_mem>>) src(%dma_wait3A_823 : memref<2600000x16xf32, #tpu.memory_space<hbm>>) dst(%dma_wait3A_818 : memref<128x16xf32, #tpu.memory_space<vmem>>)
      %dma_wait3A_824 = arith.constant 2304 : i32
      %dma_wait3A_825 = arith.constant 0 : i32
      %dma_wait3A_826 = tpu.memref_slice %arg9[%dma_wait3A_824, %dma_wait3A_825] : memref<2560x16xf32, #tpu.memory_space<vmem>> -> memref<128x16xf32, #tpu.memory_space<vmem>>
      %dma_wait3A_827 = arith.constant 2304 : i32
      %dma_wait3A_828 = tpu.memref_slice %arg7[%dma_wait3A_827] : memref<2560xi32, #tpu.memory_space<vmem>> -> memref<128xi32, #tpu.memory_space<vmem>>
      %dma_wait3A_829 = arith.constant 0 : i32
      %dma_wait3A_830 = arith.constant 0 : i32
      %dma_wait3A_831 = tpu.memref_slice %arg2[%dma_wait3A_829, %dma_wait3A_830] : memref<2600000x16xf32, #tpu.memory_space<hbm>> -> memref<2600000x16xf32, #tpu.memory_space<hbm>>
      tpu.wait_indirect_dma semaphore(%arg15 : memref<!tpu.dma_semaphore, #tpu.memory_space<semaphore_mem>>) src(%dma_wait3A_831 : memref<2600000x16xf32, #tpu.memory_space<hbm>>) dst(%dma_wait3A_826 : memref<128x16xf32, #tpu.memory_space<vmem>>)
      %dma_wait3A_832 = arith.constant 2432 : i32
      %dma_wait3A_833 = arith.constant 0 : i32
      %dma_wait3A_834 = tpu.memref_slice %arg9[%dma_wait3A_832, %dma_wait3A_833] : memref<2560x16xf32, #tpu.memory_space<vmem>> -> memref<128x16xf32, #tpu.memory_space<vmem>>
      %dma_wait3A_835 = arith.constant 2432 : i32
      %dma_wait3A_836 = tpu.memref_slice %arg7[%dma_wait3A_835] : memref<2560xi32, #tpu.memory_space<vmem>> -> memref<128xi32, #tpu.memory_space<vmem>>
      %dma_wait3A_837 = arith.constant 0 : i32
      %dma_wait3A_838 = arith.constant 0 : i32
      %dma_wait3A_839 = tpu.memref_slice %arg2[%dma_wait3A_837, %dma_wait3A_838] : memref<2600000x16xf32, #tpu.memory_space<hbm>> -> memref<2600000x16xf32, #tpu.memory_space<hbm>>
      tpu.wait_indirect_dma semaphore(%arg15 : memref<!tpu.dma_semaphore, #tpu.memory_space<semaphore_mem>>) src(%dma_wait3A_839 : memref<2600000x16xf32, #tpu.memory_space<hbm>>) dst(%dma_wait3A_834 : memref<128x16xf32, #tpu.memory_space<vmem>>)
      %parallel_loop3A_840 = arith.constant 0 : i32
      %parallel_loop3A_841 = arith.constant 128 : i32
      %parallel_loop3A_842 = arith.constant 1 : i32
      scf.for %parallel_loop3A_864 = %parallel_loop3A_840 to %parallel_loop3A_841 step %parallel_loop3A_842  : i32 {
        %parallel_loop3A_865 = arith.constant 20 : i32
        %parallel_loop3A_866 = arith.muli %parallel_loop3A_864, %parallel_loop3A_865 : i32
        %parallel_loop3A_867 = arith.index_cast %parallel_loop3A_866 : i32 to index
        %parallel_loop3A_868 = arith.constant 0 : index
        %parallel_loop3A_869 = tpu.vector_load %arg9[%parallel_loop3A_867, %parallel_loop3A_868] {strides = array<i32>} : memref<2560x16xf32, #tpu.memory_space<vmem>>, vector<16xf32>,
        %parallel_loop3A_870 = arith.constant 1 : i32
        %parallel_loop3A_871 = arith.addi %parallel_loop3A_866, %parallel_loop3A_870 : i32
        %parallel_loop3A_872 = arith.index_cast %parallel_loop3A_871 : i32 to index
        %parallel_loop3A_873 = arith.constant 0 : index
        %parallel_loop3A_874 = tpu.vector_load %arg9[%parallel_loop3A_872, %parallel_loop3A_873] {strides = array<i32>} : memref<2560x16xf32, #tpu.memory_space<vmem>>, vector<16xf32>,
        %parallel_loop3A_875 = arith.addf %parallel_loop3A_869, %parallel_loop3A_874 : vector<16xf32>
        %parallel_loop3A_876 = arith.constant 2 : i32
        %parallel_loop3A_877 = arith.addi %parallel_loop3A_866, %parallel_loop3A_876 : i32
        %parallel_loop3A_878 = arith.index_cast %parallel_loop3A_877 : i32 to index
        %parallel_loop3A_879 = arith.constant 0 : index
        %parallel_loop3A_880 = tpu.vector_load %arg9[%parallel_loop3A_878, %parallel_loop3A_879] {strides = array<i32>} : memref<2560x16xf32, #tpu.memory_space<vmem>>, vector<16xf32>,
        %parallel_loop3A_881 = arith.addf %parallel_loop3A_875, %parallel_loop3A_880 : vector<16xf32>
        %parallel_loop3A_882 = arith.constant 3 : i32
        %parallel_loop3A_883 = arith.addi %parallel_loop3A_866, %parallel_loop3A_882 : i32
        %parallel_loop3A_884 = arith.index_cast %parallel_loop3A_883 : i32 to index
        %parallel_loop3A_885 = arith.constant 0 : index
        %parallel_loop3A_886 = tpu.vector_load %arg9[%parallel_loop3A_884, %parallel_loop3A_885] {strides = array<i32>} : memref<2560x16xf32, #tpu.memory_space<vmem>>, vector<16xf32>,
        %parallel_loop3A_887 = arith.addf %parallel_loop3A_881, %parallel_loop3A_886 : vector<16xf32>
        %parallel_loop3A_888 = arith.constant 4 : i32
        %parallel_loop3A_889 = arith.addi %parallel_loop3A_866, %parallel_loop3A_888 : i32
        %parallel_loop3A_890 = arith.index_cast %parallel_loop3A_889 : i32 to index
        %parallel_loop3A_891 = arith.constant 0 : index
        %parallel_loop3A_892 = tpu.vector_load %arg9[%parallel_loop3A_890, %parallel_loop3A_891] {strides = array<i32>} : memref<2560x16xf32, #tpu.memory_space<vmem>>, vector<16xf32>,
        %parallel_loop3A_893 = arith.addf %parallel_loop3A_887, %parallel_loop3A_892 : vector<16xf32>
        %parallel_loop3A_894 = arith.constant 5 : i32
        %parallel_loop3A_895 = arith.addi %parallel_loop3A_866, %parallel_loop3A_894 : i32
        %parallel_loop3A_896 = arith.index_cast %parallel_loop3A_895 : i32 to index
        %parallel_loop3A_897 = arith.constant 0 : index
        %parallel_loop3A_898 = tpu.vector_load %arg9[%parallel_loop3A_896, %parallel_loop3A_897] {strides = array<i32>} : memref<2560x16xf32, #tpu.memory_space<vmem>>, vector<16xf32>,
        %parallel_loop3A_899 = arith.addf %parallel_loop3A_893, %parallel_loop3A_898 : vector<16xf32>
        %parallel_loop3A_900 = arith.constant 6 : i32
        %parallel_loop3A_901 = arith.addi %parallel_loop3A_866, %parallel_loop3A_900 : i32
        %parallel_loop3A_902 = arith.index_cast %parallel_loop3A_901 : i32 to index
        %parallel_loop3A_903 = arith.constant 0 : index
        %parallel_loop3A_904 = tpu.vector_load %arg9[%parallel_loop3A_902, %parallel_loop3A_903] {strides = array<i32>} : memref<2560x16xf32, #tpu.memory_space<vmem>>, vector<16xf32>,
        %parallel_loop3A_905 = arith.addf %parallel_loop3A_899, %parallel_loop3A_904 : vector<16xf32>
        %parallel_loop3A_906 = arith.constant 7 : i32
        %parallel_loop3A_907 = arith.addi %parallel_loop3A_866, %parallel_loop3A_906 : i32
        %parallel_loop3A_908 = arith.index_cast %parallel_loop3A_907 : i32 to index
        %parallel_loop3A_909 = arith.constant 0 : index
        %parallel_loop3A_910 = tpu.vector_load %arg9[%parallel_loop3A_908, %parallel_loop3A_909] {strides = array<i32>} : memref<2560x16xf32, #tpu.memory_space<vmem>>, vector<16xf32>,
        %parallel_loop3A_911 = arith.addf %parallel_loop3A_905, %parallel_loop3A_910 : vector<16xf32>
        %parallel_loop3A_912 = arith.constant 8 : i32
        %parallel_loop3A_913 = arith.addi %parallel_loop3A_866, %parallel_loop3A_912 : i32
        %parallel_loop3A_914 = arith.index_cast %parallel_loop3A_913 : i32 to index
        %parallel_loop3A_915 = arith.constant 0 : index
        %parallel_loop3A_916 = tpu.vector_load %arg9[%parallel_loop3A_914, %parallel_loop3A_915] {strides = array<i32>} : memref<2560x16xf32, #tpu.memory_space<vmem>>, vector<16xf32>,
        %parallel_loop3A_917 = arith.addf %parallel_loop3A_911, %parallel_loop3A_916 : vector<16xf32>
        %parallel_loop3A_918 = arith.constant 9 : i32
        %parallel_loop3A_919 = arith.addi %parallel_loop3A_866, %parallel_loop3A_918 : i32
        %parallel_loop3A_920 = arith.index_cast %parallel_loop3A_919 : i32 to index
        %parallel_loop3A_921 = arith.constant 0 : index
        %parallel_loop3A_922 = tpu.vector_load %arg9[%parallel_loop3A_920, %parallel_loop3A_921] {strides = array<i32>} : memref<2560x16xf32, #tpu.memory_space<vmem>>, vector<16xf32>,
        %parallel_loop3A_923 = arith.addf %parallel_loop3A_917, %parallel_loop3A_922 : vector<16xf32>
        %parallel_loop3A_924 = arith.constant 10 : i32
        %parallel_loop3A_925 = arith.addi %parallel_loop3A_866, %parallel_loop3A_924 : i32
        %parallel_loop3A_926 = arith.index_cast %parallel_loop3A_925 : i32 to index
        %parallel_loop3A_927 = arith.constant 0 : index
        %parallel_loop3A_928 = tpu.vector_load %arg9[%parallel_loop3A_926, %parallel_loop3A_927] {strides = array<i32>} : memref<2560x16xf32, #tpu.memory_space<vmem>>, vector<16xf32>,
        %parallel_loop3A_929 = arith.addf %parallel_loop3A_923, %parallel_loop3A_928 : vector<16xf32>
        %parallel_loop3A_930 = arith.constant 11 : i32
        %parallel_loop3A_931 = arith.addi %parallel_loop3A_866, %parallel_loop3A_930 : i32
        %parallel_loop3A_932 = arith.index_cast %parallel_loop3A_931 : i32 to index
        %parallel_loop3A_933 = arith.constant 0 : index
        %parallel_loop3A_934 = tpu.vector_load %arg9[%parallel_loop3A_932, %parallel_loop3A_933] {strides = array<i32>} : memref<2560x16xf32, #tpu.memory_space<vmem>>, vector<16xf32>,
        %parallel_loop3A_935 = arith.addf %parallel_loop3A_929, %parallel_loop3A_934 : vector<16xf32>
        %parallel_loop3A_936 = arith.constant 12 : i32
        %parallel_loop3A_937 = arith.addi %parallel_loop3A_866, %parallel_loop3A_936 : i32
        %parallel_loop3A_938 = arith.index_cast %parallel_loop3A_937 : i32 to index
        %parallel_loop3A_939 = arith.constant 0 : index
        %parallel_loop3A_940 = tpu.vector_load %arg9[%parallel_loop3A_938, %parallel_loop3A_939] {strides = array<i32>} : memref<2560x16xf32, #tpu.memory_space<vmem>>, vector<16xf32>,
        %parallel_loop3A_941 = arith.addf %parallel_loop3A_935, %parallel_loop3A_940 : vector<16xf32>
        %parallel_loop3A_942 = arith.constant 13 : i32
        %parallel_loop3A_943 = arith.addi %parallel_loop3A_866, %parallel_loop3A_942 : i32
        %parallel_loop3A_944 = arith.index_cast %parallel_loop3A_943 : i32 to index
        %parallel_loop3A_945 = arith.constant 0 : index
        %parallel_loop3A_946 = tpu.vector_load %arg9[%parallel_loop3A_944, %parallel_loop3A_945] {strides = array<i32>} : memref<2560x16xf32, #tpu.memory_space<vmem>>, vector<16xf32>,
        %parallel_loop3A_947 = arith.addf %parallel_loop3A_941, %parallel_loop3A_946 : vector<16xf32>
        %parallel_loop3A_948 = arith.constant 14 : i32
        %parallel_loop3A_949 = arith.addi %parallel_loop3A_866, %parallel_loop3A_948 : i32
        %parallel_loop3A_950 = arith.index_cast %parallel_loop3A_949 : i32 to index
        %parallel_loop3A_951 = arith.constant 0 : index
        %parallel_loop3A_952 = tpu.vector_load %arg9[%parallel_loop3A_950, %parallel_loop3A_951] {strides = array<i32>} : memref<2560x16xf32, #tpu.memory_space<vmem>>, vector<16xf32>,
        %parallel_loop3A_953 = arith.addf %parallel_loop3A_947, %parallel_loop3A_952 : vector<16xf32>
        %parallel_loop3A_954 = arith.constant 15 : i32
        %parallel_loop3A_955 = arith.addi %parallel_loop3A_866, %parallel_loop3A_954 : i32
        %parallel_loop3A_956 = arith.index_cast %parallel_loop3A_955 : i32 to index
        %parallel_loop3A_957 = arith.constant 0 : index
        %parallel_loop3A_958 = tpu.vector_load %arg9[%parallel_loop3A_956, %parallel_loop3A_957] {strides = array<i32>} : memref<2560x16xf32, #tpu.memory_space<vmem>>, vector<16xf32>,
        %parallel_loop3A_959 = arith.addf %parallel_loop3A_953, %parallel_loop3A_958 : vector<16xf32>
        %parallel_loop3A_960 = arith.constant 16 : i32
        %parallel_loop3A_961 = arith.addi %parallel_loop3A_866, %parallel_loop3A_960 : i32
        %parallel_loop3A_962 = arith.index_cast %parallel_loop3A_961 : i32 to index
        %parallel_loop3A_963 = arith.constant 0 : index
        %parallel_loop3A_964 = tpu.vector_load %arg9[%parallel_loop3A_962, %parallel_loop3A_963] {strides = array<i32>} : memref<2560x16xf32, #tpu.memory_space<vmem>>, vector<16xf32>,
        %parallel_loop3A_965 = arith.addf %parallel_loop3A_959, %parallel_loop3A_964 : vector<16xf32>
        %parallel_loop3A_966 = arith.constant 17 : i32
        %parallel_loop3A_967 = arith.addi %parallel_loop3A_866, %parallel_loop3A_966 : i32
        %parallel_loop3A_968 = arith.index_cast %parallel_loop3A_967 : i32 to index
        %parallel_loop3A_969 = arith.constant 0 : index
        %parallel_loop3A_970 = tpu.vector_load %arg9[%parallel_loop3A_968, %parallel_loop3A_969] {strides = array<i32>} : memref<2560x16xf32, #tpu.memory_space<vmem>>, vector<16xf32>,
        %parallel_loop3A_971 = arith.addf %parallel_loop3A_965, %parallel_loop3A_970 : vector<16xf32>
        %parallel_loop3A_972 = arith.constant 18 : i32
        %parallel_loop3A_973 = arith.addi %parallel_loop3A_866, %parallel_loop3A_972 : i32
        %parallel_loop3A_974 = arith.index_cast %parallel_loop3A_973 : i32 to index
        %parallel_loop3A_975 = arith.constant 0 : index
        %parallel_loop3A_976 = tpu.vector_load %arg9[%parallel_loop3A_974, %parallel_loop3A_975] {strides = array<i32>} : memref<2560x16xf32, #tpu.memory_space<vmem>>, vector<16xf32>,
        %parallel_loop3A_977 = arith.addf %parallel_loop3A_971, %parallel_loop3A_976 : vector<16xf32>
        %parallel_loop3A_978 = arith.constant 19 : i32
        %parallel_loop3A_979 = arith.addi %parallel_loop3A_866, %parallel_loop3A_978 : i32
        %parallel_loop3A_980 = arith.index_cast %parallel_loop3A_979 : i32 to index
        %parallel_loop3A_981 = arith.constant 0 : index
        %parallel_loop3A_982 = tpu.vector_load %arg9[%parallel_loop3A_980, %parallel_loop3A_981] {strides = array<i32>} : memref<2560x16xf32, #tpu.memory_space<vmem>>, vector<16xf32>,
        %parallel_loop3A_983 = arith.addf %parallel_loop3A_977, %parallel_loop3A_982 : vector<16xf32>
        %parallel_loop3A_984 = vector.broadcast %parallel_loop3A_864 : i32 to vector<16xi32>
        %parallel_loop3A_985 = arith.addi %mul3A_5, %parallel_loop3A_984 : vector<16xi32>
        tpu.vector_store_idx %arg11[%parallel_loop3A_985], %parallel_loop3A_983 : memref<2048xf32, #tpu.memory_space<vmem>>[vector<16xi32>], vector<16xf32>,
      } {sc.loop_unroll_factor = 2 : i64, sc.parallel_access}
      %add3A_843 = arith.addi %mul3A_2, %mul3A_273 : i32
      %add3A_844 = arith.constant 0 : i32
      %add3A_845 = arith.addi %add3A_844, %add3A_843 : i32
      %mul3A_846 = arith.constant 1024 : i32
      %mul3A_847 = arith.muli %add3A_845, %mul3A_846 : i32
      %add3A_848 = arith.constant 832 : i32
      %add3A_849 = arith.addi %add3A_848, %add3A_843 : i32
      %mul3A_850 = arith.constant 1024 : i32
      %mul3A_851 = arith.muli %add3A_849, %mul3A_850 : i32
      %dma_start3A_852 = arith.constant 0 : i32
      %dma_start3A_853 = tpu.memref_slice %arg11[%dma_start3A_852] : memref<2048xf32, #tpu.memory_space<vmem>> -> memref<1024xf32, #tpu.memory_space<vmem>>
      %dma_start3A_854 = tpu.memref_slice %arg4[%mul3A_847] : memref<1703936xf32, #tpu.memory_space<hbm>> -> memref<1024xf32, #tpu.memory_space<hbm>>
      %dma_start3A_855 = tpu.memref_slice %arg4[%mul3A_847] : memref<1703936xf32, #tpu.memory_space<hbm>> -> memref<1024xf32, #tpu.memory_space<hbm>>
      %dma_start3A_856 = arith.constant 0 : i32
      %dma_start3A_857 = tpu.memref_slice %arg11[%dma_start3A_856] : memref<2048xf32, #tpu.memory_space<vmem>> -> memref<1024xf32, #tpu.memory_space<vmem>>
      tpu.enqueue_dma source(%dma_start3A_857 : memref<1024xf32, #tpu.memory_space<vmem>>) target(%dma_start3A_855 : memref<1024xf32, #tpu.memory_space<hbm>>) target_semaphore(%arg17 : memref<!tpu.dma_semaphore, #tpu.memory_space<semaphore_mem>>)
      %dma_start3A_858 = arith.constant 1024 : i32
      %dma_start3A_859 = tpu.memref_slice %arg11[%dma_start3A_858] : memref<2048xf32, #tpu.memory_space<vmem>> -> memref<1024xf32, #tpu.memory_space<vmem>>
      %dma_start3A_860 = tpu.memref_slice %arg4[%mul3A_851] : memref<1703936xf32, #tpu.memory_space<hbm>> -> memref<1024xf32, #tpu.memory_space<hbm>>
      %dma_start3A_861 = tpu.memref_slice %arg4[%mul3A_851] : memref<1703936xf32, #tpu.memory_space<hbm>> -> memref<1024xf32, #tpu.memory_space<hbm>>
      %dma_start3A_862 = arith.constant 1024 : i32
      %dma_start3A_863 = tpu.memref_slice %arg11[%dma_start3A_862] : memref<2048xf32, #tpu.memory_space<vmem>> -> memref<1024xf32, #tpu.memory_space<vmem>>
      tpu.enqueue_dma source(%dma_start3A_863 : memref<1024xf32, #tpu.memory_space<vmem>>) target(%dma_start3A_861 : memref<1024xf32, #tpu.memory_space<hbm>>) target_semaphore(%arg17 : memref<!tpu.dma_semaphore, #tpu.memory_space<semaphore_mem>>)
    }
    %scan3A_21 = arith.constant 13 : i32
    %add3A_22 = arith.constant 23 : i32
    %add3A_23 = arith.addi %mul3A_2, %add3A_22 : i32
    %add3A_24 = arith.constant 0 : i32
    %add3A_25 = arith.addi %add3A_24, %add3A_23 : i32
    %mul3A_26 = arith.constant 1024 : i32
    %mul3A_27 = arith.muli %add3A_25, %mul3A_26 : i32
    %add3A_28 = arith.constant 832 : i32
    %add3A_29 = arith.addi %add3A_28, %add3A_23 : i32
    %mul3A_30 = arith.constant 1024 : i32
    %mul3A_31 = arith.muli %add3A_29, %mul3A_30 : i32
    %dma_wait3A = arith.constant 0 : i32
    %dma_wait3A_32 = tpu.memref_slice %arg12[%dma_wait3A] : memref<2048xf32, #tpu.memory_space<vmem>> -> memref<1024xf32, #tpu.memory_space<vmem>>
    %dma_wait3A_33 = tpu.memref_slice %arg4[%mul3A_27] : memref<1703936xf32, #tpu.memory_space<hbm>> -> memref<1024xf32, #tpu.memory_space<hbm>>
    %dma_wait3A_34 = tpu.memref_slice %arg4[%mul3A_27] : memref<1703936xf32, #tpu.memory_space<hbm>> -> memref<1024xf32, #tpu.memory_space<hbm>>
    %dma_wait3A_35 = arith.constant 0 : i32
    %dma_wait3A_36 = tpu.memref_slice %arg12[%dma_wait3A_35] : memref<2048xf32, #tpu.memory_space<vmem>> -> memref<1024xf32, #tpu.memory_space<vmem>>
    tpu.wait_dma2 semaphore(%arg18 : memref<!tpu.dma_semaphore, #tpu.memory_space<semaphore_mem>>) src(%dma_wait3A_36 : memref<1024xf32, #tpu.memory_space<vmem>>) dst(%dma_wait3A_34 : memref<1024xf32, #tpu.memory_space<hbm>>)
    %dma_wait3A_37 = arith.constant 1024 : i32
    %dma_wait3A_38 = tpu.memref_slice %arg12[%dma_wait3A_37] : memref<2048xf32, #tpu.memory_space<vmem>> -> memref<1024xf32, #tpu.memory_space<vmem>>
    %dma_wait3A_39 = tpu.memref_slice %arg4[%mul3A_31] : memref<1703936xf32, #tpu.memory_space<hbm>> -> memref<1024xf32, #tpu.memory_space<hbm>>
    %dma_wait3A_40 = tpu.memref_slice %arg4[%mul3A_31] : memref<1703936xf32, #tpu.memory_space<hbm>> -> memref<1024xf32, #tpu.memory_space<hbm>>
    %dma_wait3A_41 = arith.constant 1024 : i32
    %dma_wait3A_42 = tpu.memref_slice %arg12[%dma_wait3A_41] : memref<2048xf32, #tpu.memory_space<vmem>> -> memref<1024xf32, #tpu.memory_space<vmem>>
    tpu.wait_dma2 semaphore(%arg18 : memref<!tpu.dma_semaphore, #tpu.memory_space<semaphore_mem>>) src(%dma_wait3A_42 : memref<1024xf32, #tpu.memory_space<vmem>>) dst(%dma_wait3A_40 : memref<1024xf32, #tpu.memory_space<hbm>>)
    %dma_wait3A_43 = arith.constant 0 : i32
    %dma_wait3A_44 = arith.constant 0 : i32
    %dma_wait3A_45 = tpu.memref_slice %arg10[%dma_wait3A_43, %dma_wait3A_44] : memref<2560x16xf32, #tpu.memory_space<vmem>> -> memref<128x16xf32, #tpu.memory_space<vmem>>
    %dma_wait3A_46 = arith.constant 0 : i32
    %dma_wait3A_47 = tpu.memref_slice %arg8[%dma_wait3A_46] : memref<2560xi32, #tpu.memory_space<vmem>> -> memref<128xi32, #tpu.memory_space<vmem>>
    %dma_wait3A_48 = arith.constant 0 : i32
    %dma_wait3A_49 = arith.constant 0 : i32
    %dma_wait3A_50 = tpu.memref_slice %arg2[%dma_wait3A_48, %dma_wait3A_49] : memref<2600000x16xf32, #tpu.memory_space<hbm>> -> memref<2600000x16xf32, #tpu.memory_space<hbm>>
    tpu.wait_indirect_dma semaphore(%arg16 : memref<!tpu.dma_semaphore, #tpu.memory_space<semaphore_mem>>) src(%dma_wait3A_50 : memref<2600000x16xf32, #tpu.memory_space<hbm>>) dst(%dma_wait3A_45 : memref<128x16xf32, #tpu.memory_space<vmem>>)
    %dma_wait3A_51 = arith.constant 128 : i32
    %dma_wait3A_52 = arith.constant 0 : i32
    %dma_wait3A_53 = tpu.memref_slice %arg10[%dma_wait3A_51, %dma_wait3A_52] : memref<2560x16xf32, #tpu.memory_space<vmem>> -> memref<128x16xf32, #tpu.memory_space<vmem>>
    %dma_wait3A_54 = arith.constant 128 : i32
    %dma_wait3A_55 = tpu.memref_slice %arg8[%dma_wait3A_54] : memref<2560xi32, #tpu.memory_space<vmem>> -> memref<128xi32, #tpu.memory_space<vmem>>
    %dma_wait3A_56 = arith.constant 0 : i32
    %dma_wait3A_57 = arith.constant 0 : i32
    %dma_wait3A_58 = tpu.memref_slice %arg2[%dma_wait3A_56, %dma_wait3A_57] : memref<2600000x16xf32, #tpu.memory_space<hbm>> -> memref<2600000x16xf32, #tpu.memory_space<hbm>>
    tpu.wait_indirect_dma semaphore(%arg16 : memref<!tpu.dma_semaphore, #tpu.memory_space<semaphore_mem>>) src(%dma_wait3A_58 : memref<2600000x16xf32, #tpu.memory_space<hbm>>) dst(%dma_wait3A_53 : memref<128x16xf32, #tpu.memory_space<vmem>>)
    %dma_wait3A_59 = arith.constant 256 : i32
    %dma_wait3A_60 = arith.constant 0 : i32
    %dma_wait3A_61 = tpu.memref_slice %arg10[%dma_wait3A_59, %dma_wait3A_60] : memref<2560x16xf32, #tpu.memory_space<vmem>> -> memref<128x16xf32, #tpu.memory_space<vmem>>
    %dma_wait3A_62 = arith.constant 256 : i32
    %dma_wait3A_63 = tpu.memref_slice %arg8[%dma_wait3A_62] : memref<2560xi32, #tpu.memory_space<vmem>> -> memref<128xi32, #tpu.memory_space<vmem>>
    %dma_wait3A_64 = arith.constant 0 : i32
    %dma_wait3A_65 = arith.constant 0 : i32
    %dma_wait3A_66 = tpu.memref_slice %arg2[%dma_wait3A_64, %dma_wait3A_65] : memref<2600000x16xf32, #tpu.memory_space<hbm>> -> memref<2600000x16xf32, #tpu.memory_space<hbm>>
    tpu.wait_indirect_dma semaphore(%arg16 : memref<!tpu.dma_semaphore, #tpu.memory_space<semaphore_mem>>) src(%dma_wait3A_66 : memref<2600000x16xf32, #tpu.memory_space<hbm>>) dst(%dma_wait3A_61 : memref<128x16xf32, #tpu.memory_space<vmem>>)
    %dma_wait3A_67 = arith.constant 384 : i32
    %dma_wait3A_68 = arith.constant 0 : i32
    %dma_wait3A_69 = tpu.memref_slice %arg10[%dma_wait3A_67, %dma_wait3A_68] : memref<2560x16xf32, #tpu.memory_space<vmem>> -> memref<128x16xf32, #tpu.memory_space<vmem>>
    %dma_wait3A_70 = arith.constant 384 : i32
    %dma_wait3A_71 = tpu.memref_slice %arg8[%dma_wait3A_70] : memref<2560xi32, #tpu.memory_space<vmem>> -> memref<128xi32, #tpu.memory_space<vmem>>
    %dma_wait3A_72 = arith.constant 0 : i32
    %dma_wait3A_73 = arith.constant 0 : i32
    %dma_wait3A_74 = tpu.memref_slice %arg2[%dma_wait3A_72, %dma_wait3A_73] : memref<2600000x16xf32, #tpu.memory_space<hbm>> -> memref<2600000x16xf32, #tpu.memory_space<hbm>>
    tpu.wait_indirect_dma semaphore(%arg16 : memref<!tpu.dma_semaphore, #tpu.memory_space<semaphore_mem>>) src(%dma_wait3A_74 : memref<2600000x16xf32, #tpu.memory_space<hbm>>) dst(%dma_wait3A_69 : memref<128x16xf32, #tpu.memory_space<vmem>>)
    %dma_wait3A_75 = arith.constant 512 : i32
    %dma_wait3A_76 = arith.constant 0 : i32
    %dma_wait3A_77 = tpu.memref_slice %arg10[%dma_wait3A_75, %dma_wait3A_76] : memref<2560x16xf32, #tpu.memory_space<vmem>> -> memref<128x16xf32, #tpu.memory_space<vmem>>
    %dma_wait3A_78 = arith.constant 512 : i32
    %dma_wait3A_79 = tpu.memref_slice %arg8[%dma_wait3A_78] : memref<2560xi32, #tpu.memory_space<vmem>> -> memref<128xi32, #tpu.memory_space<vmem>>
    %dma_wait3A_80 = arith.constant 0 : i32
    %dma_wait3A_81 = arith.constant 0 : i32
    %dma_wait3A_82 = tpu.memref_slice %arg2[%dma_wait3A_80, %dma_wait3A_81] : memref<2600000x16xf32, #tpu.memory_space<hbm>> -> memref<2600000x16xf32, #tpu.memory_space<hbm>>
    tpu.wait_indirect_dma semaphore(%arg16 : memref<!tpu.dma_semaphore, #tpu.memory_space<semaphore_mem>>) src(%dma_wait3A_82 : memref<2600000x16xf32, #tpu.memory_space<hbm>>) dst(%dma_wait3A_77 : memref<128x16xf32, #tpu.memory_space<vmem>>)
    %dma_wait3A_83 = arith.constant 640 : i32
    %dma_wait3A_84 = arith.constant 0 : i32
    %dma_wait3A_85 = tpu.memref_slice %arg10[%dma_wait3A_83, %dma_wait3A_84] : memref<2560x16xf32, #tpu.memory_space<vmem>> -> memref<128x16xf32, #tpu.memory_space<vmem>>
    %dma_wait3A_86 = arith.constant 640 : i32
    %dma_wait3A_87 = tpu.memref_slice %arg8[%dma_wait3A_86] : memref<2560xi32, #tpu.memory_space<vmem>> -> memref<128xi32, #tpu.memory_space<vmem>>
    %dma_wait3A_88 = arith.constant 0 : i32
    %dma_wait3A_89 = arith.constant 0 : i32
    %dma_wait3A_90 = tpu.memref_slice %arg2[%dma_wait3A_88, %dma_wait3A_89] : memref<2600000x16xf32, #tpu.memory_space<hbm>> -> memref<2600000x16xf32, #tpu.memory_space<hbm>>
    tpu.wait_indirect_dma semaphore(%arg16 : memref<!tpu.dma_semaphore, #tpu.memory_space<semaphore_mem>>) src(%dma_wait3A_90 : memref<2600000x16xf32, #tpu.memory_space<hbm>>) dst(%dma_wait3A_85 : memref<128x16xf32, #tpu.memory_space<vmem>>)
    %dma_wait3A_91 = arith.constant 768 : i32
    %dma_wait3A_92 = arith.constant 0 : i32
    %dma_wait3A_93 = tpu.memref_slice %arg10[%dma_wait3A_91, %dma_wait3A_92] : memref<2560x16xf32, #tpu.memory_space<vmem>> -> memref<128x16xf32, #tpu.memory_space<vmem>>
    %dma_wait3A_94 = arith.constant 768 : i32
    %dma_wait3A_95 = tpu.memref_slice %arg8[%dma_wait3A_94] : memref<2560xi32, #tpu.memory_space<vmem>> -> memref<128xi32, #tpu.memory_space<vmem>>
    %dma_wait3A_96 = arith.constant 0 : i32
    %dma_wait3A_97 = arith.constant 0 : i32
    %dma_wait3A_98 = tpu.memref_slice %arg2[%dma_wait3A_96, %dma_wait3A_97] : memref<2600000x16xf32, #tpu.memory_space<hbm>> -> memref<2600000x16xf32, #tpu.memory_space<hbm>>
    tpu.wait_indirect_dma semaphore(%arg16 : memref<!tpu.dma_semaphore, #tpu.memory_space<semaphore_mem>>) src(%dma_wait3A_98 : memref<2600000x16xf32, #tpu.memory_space<hbm>>) dst(%dma_wait3A_93 : memref<128x16xf32, #tpu.memory_space<vmem>>)
    %dma_wait3A_99 = arith.constant 896 : i32
    %dma_wait3A_100 = arith.constant 0 : i32
    %dma_wait3A_101 = tpu.memref_slice %arg10[%dma_wait3A_99, %dma_wait3A_100] : memref<2560x16xf32, #tpu.memory_space<vmem>> -> memref<128x16xf32, #tpu.memory_space<vmem>>
    %dma_wait3A_102 = arith.constant 896 : i32
    %dma_wait3A_103 = tpu.memref_slice %arg8[%dma_wait3A_102] : memref<2560xi32, #tpu.memory_space<vmem>> -> memref<128xi32, #tpu.memory_space<vmem>>
    %dma_wait3A_104 = arith.constant 0 : i32
    %dma_wait3A_105 = arith.constant 0 : i32
    %dma_wait3A_106 = tpu.memref_slice %arg2[%dma_wait3A_104, %dma_wait3A_105] : memref<2600000x16xf32, #tpu.memory_space<hbm>> -> memref<2600000x16xf32, #tpu.memory_space<hbm>>
    tpu.wait_indirect_dma semaphore(%arg16 : memref<!tpu.dma_semaphore, #tpu.memory_space<semaphore_mem>>) src(%dma_wait3A_106 : memref<2600000x16xf32, #tpu.memory_space<hbm>>) dst(%dma_wait3A_101 : memref<128x16xf32, #tpu.memory_space<vmem>>)
    %dma_wait3A_107 = arith.constant 1024 : i32
    %dma_wait3A_108 = arith.constant 0 : i32
    %dma_wait3A_109 = tpu.memref_slice %arg10[%dma_wait3A_107, %dma_wait3A_108] : memref<2560x16xf32, #tpu.memory_space<vmem>> -> memref<128x16xf32, #tpu.memory_space<vmem>>
    %dma_wait3A_110 = arith.constant 1024 : i32
    %dma_wait3A_111 = tpu.memref_slice %arg8[%dma_wait3A_110] : memref<2560xi32, #tpu.memory_space<vmem>> -> memref<128xi32, #tpu.memory_space<vmem>>
    %dma_wait3A_112 = arith.constant 0 : i32
    %dma_wait3A_113 = arith.constant 0 : i32
    %dma_wait3A_114 = tpu.memref_slice %arg2[%dma_wait3A_112, %dma_wait3A_113] : memref<2600000x16xf32, #tpu.memory_space<hbm>> -> memref<2600000x16xf32, #tpu.memory_space<hbm>>
    tpu.wait_indirect_dma semaphore(%arg16 : memref<!tpu.dma_semaphore, #tpu.memory_space<semaphore_mem>>) src(%dma_wait3A_114 : memref<2600000x16xf32, #tpu.memory_space<hbm>>) dst(%dma_wait3A_109 : memref<128x16xf32, #tpu.memory_space<vmem>>)
    %dma_wait3A_115 = arith.constant 1152 : i32
    %dma_wait3A_116 = arith.constant 0 : i32
    %dma_wait3A_117 = tpu.memref_slice %arg10[%dma_wait3A_115, %dma_wait3A_116] : memref<2560x16xf32, #tpu.memory_space<vmem>> -> memref<128x16xf32, #tpu.memory_space<vmem>>
    %dma_wait3A_118 = arith.constant 1152 : i32
    %dma_wait3A_119 = tpu.memref_slice %arg8[%dma_wait3A_118] : memref<2560xi32, #tpu.memory_space<vmem>> -> memref<128xi32, #tpu.memory_space<vmem>>
    %dma_wait3A_120 = arith.constant 0 : i32
    %dma_wait3A_121 = arith.constant 0 : i32
    %dma_wait3A_122 = tpu.memref_slice %arg2[%dma_wait3A_120, %dma_wait3A_121] : memref<2600000x16xf32, #tpu.memory_space<hbm>> -> memref<2600000x16xf32, #tpu.memory_space<hbm>>
    tpu.wait_indirect_dma semaphore(%arg16 : memref<!tpu.dma_semaphore, #tpu.memory_space<semaphore_mem>>) src(%dma_wait3A_122 : memref<2600000x16xf32, #tpu.memory_space<hbm>>) dst(%dma_wait3A_117 : memref<128x16xf32, #tpu.memory_space<vmem>>)
    %dma_wait3A_123 = arith.constant 1280 : i32
    %dma_wait3A_124 = arith.constant 0 : i32
    %dma_wait3A_125 = tpu.memref_slice %arg10[%dma_wait3A_123, %dma_wait3A_124] : memref<2560x16xf32, #tpu.memory_space<vmem>> -> memref<128x16xf32, #tpu.memory_space<vmem>>
    %dma_wait3A_126 = arith.constant 1280 : i32
    %dma_wait3A_127 = tpu.memref_slice %arg8[%dma_wait3A_126] : memref<2560xi32, #tpu.memory_space<vmem>> -> memref<128xi32, #tpu.memory_space<vmem>>
    %dma_wait3A_128 = arith.constant 0 : i32
    %dma_wait3A_129 = arith.constant 0 : i32
    %dma_wait3A_130 = tpu.memref_slice %arg2[%dma_wait3A_128, %dma_wait3A_129] : memref<2600000x16xf32, #tpu.memory_space<hbm>> -> memref<2600000x16xf32, #tpu.memory_space<hbm>>
    tpu.wait_indirect_dma semaphore(%arg16 : memref<!tpu.dma_semaphore, #tpu.memory_space<semaphore_mem>>) src(%dma_wait3A_130 : memref<2600000x16xf32, #tpu.memory_space<hbm>>) dst(%dma_wait3A_125 : memref<128x16xf32, #tpu.memory_space<vmem>>)
    %dma_wait3A_131 = arith.constant 1408 : i32
    %dma_wait3A_132 = arith.constant 0 : i32
    %dma_wait3A_133 = tpu.memref_slice %arg10[%dma_wait3A_131, %dma_wait3A_132] : memref<2560x16xf32, #tpu.memory_space<vmem>> -> memref<128x16xf32, #tpu.memory_space<vmem>>
    %dma_wait3A_134 = arith.constant 1408 : i32
    %dma_wait3A_135 = tpu.memref_slice %arg8[%dma_wait3A_134] : memref<2560xi32, #tpu.memory_space<vmem>> -> memref<128xi32, #tpu.memory_space<vmem>>
    %dma_wait3A_136 = arith.constant 0 : i32
    %dma_wait3A_137 = arith.constant 0 : i32
    %dma_wait3A_138 = tpu.memref_slice %arg2[%dma_wait3A_136, %dma_wait3A_137] : memref<2600000x16xf32, #tpu.memory_space<hbm>> -> memref<2600000x16xf32, #tpu.memory_space<hbm>>
    tpu.wait_indirect_dma semaphore(%arg16 : memref<!tpu.dma_semaphore, #tpu.memory_space<semaphore_mem>>) src(%dma_wait3A_138 : memref<2600000x16xf32, #tpu.memory_space<hbm>>) dst(%dma_wait3A_133 : memref<128x16xf32, #tpu.memory_space<vmem>>)
    %dma_wait3A_139 = arith.constant 1536 : i32
    %dma_wait3A_140 = arith.constant 0 : i32
    %dma_wait3A_141 = tpu.memref_slice %arg10[%dma_wait3A_139, %dma_wait3A_140] : memref<2560x16xf32, #tpu.memory_space<vmem>> -> memref<128x16xf32, #tpu.memory_space<vmem>>
    %dma_wait3A_142 = arith.constant 1536 : i32
    %dma_wait3A_143 = tpu.memref_slice %arg8[%dma_wait3A_142] : memref<2560xi32, #tpu.memory_space<vmem>> -> memref<128xi32, #tpu.memory_space<vmem>>
    %dma_wait3A_144 = arith.constant 0 : i32
    %dma_wait3A_145 = arith.constant 0 : i32
    %dma_wait3A_146 = tpu.memref_slice %arg2[%dma_wait3A_144, %dma_wait3A_145] : memref<2600000x16xf32, #tpu.memory_space<hbm>> -> memref<2600000x16xf32, #tpu.memory_space<hbm>>
    tpu.wait_indirect_dma semaphore(%arg16 : memref<!tpu.dma_semaphore, #tpu.memory_space<semaphore_mem>>) src(%dma_wait3A_146 : memref<2600000x16xf32, #tpu.memory_space<hbm>>) dst(%dma_wait3A_141 : memref<128x16xf32, #tpu.memory_space<vmem>>)
    %dma_wait3A_147 = arith.constant 1664 : i32
    %dma_wait3A_148 = arith.constant 0 : i32
    %dma_wait3A_149 = tpu.memref_slice %arg10[%dma_wait3A_147, %dma_wait3A_148] : memref<2560x16xf32, #tpu.memory_space<vmem>> -> memref<128x16xf32, #tpu.memory_space<vmem>>
    %dma_wait3A_150 = arith.constant 1664 : i32
    %dma_wait3A_151 = tpu.memref_slice %arg8[%dma_wait3A_150] : memref<2560xi32, #tpu.memory_space<vmem>> -> memref<128xi32, #tpu.memory_space<vmem>>
    %dma_wait3A_152 = arith.constant 0 : i32
    %dma_wait3A_153 = arith.constant 0 : i32
    %dma_wait3A_154 = tpu.memref_slice %arg2[%dma_wait3A_152, %dma_wait3A_153] : memref<2600000x16xf32, #tpu.memory_space<hbm>> -> memref<2600000x16xf32, #tpu.memory_space<hbm>>
    tpu.wait_indirect_dma semaphore(%arg16 : memref<!tpu.dma_semaphore, #tpu.memory_space<semaphore_mem>>) src(%dma_wait3A_154 : memref<2600000x16xf32, #tpu.memory_space<hbm>>) dst(%dma_wait3A_149 : memref<128x16xf32, #tpu.memory_space<vmem>>)
    %dma_wait3A_155 = arith.constant 1792 : i32
    %dma_wait3A_156 = arith.constant 0 : i32
    %dma_wait3A_157 = tpu.memref_slice %arg10[%dma_wait3A_155, %dma_wait3A_156] : memref<2560x16xf32, #tpu.memory_space<vmem>> -> memref<128x16xf32, #tpu.memory_space<vmem>>
    %dma_wait3A_158 = arith.constant 1792 : i32
    %dma_wait3A_159 = tpu.memref_slice %arg8[%dma_wait3A_158] : memref<2560xi32, #tpu.memory_space<vmem>> -> memref<128xi32, #tpu.memory_space<vmem>>
    %dma_wait3A_160 = arith.constant 0 : i32
    %dma_wait3A_161 = arith.constant 0 : i32
    %dma_wait3A_162 = tpu.memref_slice %arg2[%dma_wait3A_160, %dma_wait3A_161] : memref<2600000x16xf32, #tpu.memory_space<hbm>> -> memref<2600000x16xf32, #tpu.memory_space<hbm>>
    tpu.wait_indirect_dma semaphore(%arg16 : memref<!tpu.dma_semaphore, #tpu.memory_space<semaphore_mem>>) src(%dma_wait3A_162 : memref<2600000x16xf32, #tpu.memory_space<hbm>>) dst(%dma_wait3A_157 : memref<128x16xf32, #tpu.memory_space<vmem>>)
    %dma_wait3A_163 = arith.constant 1920 : i32
    %dma_wait3A_164 = arith.constant 0 : i32
    %dma_wait3A_165 = tpu.memref_slice %arg10[%dma_wait3A_163, %dma_wait3A_164] : memref<2560x16xf32, #tpu.memory_space<vmem>> -> memref<128x16xf32, #tpu.memory_space<vmem>>
    %dma_wait3A_166 = arith.constant 1920 : i32
    %dma_wait3A_167 = tpu.memref_slice %arg8[%dma_wait3A_166] : memref<2560xi32, #tpu.memory_space<vmem>> -> memref<128xi32, #tpu.memory_space<vmem>>
    %dma_wait3A_168 = arith.constant 0 : i32
    %dma_wait3A_169 = arith.constant 0 : i32
    %dma_wait3A_170 = tpu.memref_slice %arg2[%dma_wait3A_168, %dma_wait3A_169] : memref<2600000x16xf32, #tpu.memory_space<hbm>> -> memref<2600000x16xf32, #tpu.memory_space<hbm>>
    tpu.wait_indirect_dma semaphore(%arg16 : memref<!tpu.dma_semaphore, #tpu.memory_space<semaphore_mem>>) src(%dma_wait3A_170 : memref<2600000x16xf32, #tpu.memory_space<hbm>>) dst(%dma_wait3A_165 : memref<128x16xf32, #tpu.memory_space<vmem>>)
    %dma_wait3A_171 = arith.constant 2048 : i32
    %dma_wait3A_172 = arith.constant 0 : i32
    %dma_wait3A_173 = tpu.memref_slice %arg10[%dma_wait3A_171, %dma_wait3A_172] : memref<2560x16xf32, #tpu.memory_space<vmem>> -> memref<128x16xf32, #tpu.memory_space<vmem>>
    %dma_wait3A_174 = arith.constant 2048 : i32
    %dma_wait3A_175 = tpu.memref_slice %arg8[%dma_wait3A_174] : memref<2560xi32, #tpu.memory_space<vmem>> -> memref<128xi32, #tpu.memory_space<vmem>>
    %dma_wait3A_176 = arith.constant 0 : i32
    %dma_wait3A_177 = arith.constant 0 : i32
    %dma_wait3A_178 = tpu.memref_slice %arg2[%dma_wait3A_176, %dma_wait3A_177] : memref<2600000x16xf32, #tpu.memory_space<hbm>> -> memref<2600000x16xf32, #tpu.memory_space<hbm>>
    tpu.wait_indirect_dma semaphore(%arg16 : memref<!tpu.dma_semaphore, #tpu.memory_space<semaphore_mem>>) src(%dma_wait3A_178 : memref<2600000x16xf32, #tpu.memory_space<hbm>>) dst(%dma_wait3A_173 : memref<128x16xf32, #tpu.memory_space<vmem>>)
    %dma_wait3A_179 = arith.constant 2176 : i32
    %dma_wait3A_180 = arith.constant 0 : i32
    %dma_wait3A_181 = tpu.memref_slice %arg10[%dma_wait3A_179, %dma_wait3A_180] : memref<2560x16xf32, #tpu.memory_space<vmem>> -> memref<128x16xf32, #tpu.memory_space<vmem>>
    %dma_wait3A_182 = arith.constant 2176 : i32
    %dma_wait3A_183 = tpu.memref_slice %arg8[%dma_wait3A_182] : memref<2560xi32, #tpu.memory_space<vmem>> -> memref<128xi32, #tpu.memory_space<vmem>>
    %dma_wait3A_184 = arith.constant 0 : i32
    %dma_wait3A_185 = arith.constant 0 : i32
    %dma_wait3A_186 = tpu.memref_slice %arg2[%dma_wait3A_184, %dma_wait3A_185] : memref<2600000x16xf32, #tpu.memory_space<hbm>> -> memref<2600000x16xf32, #tpu.memory_space<hbm>>
    tpu.wait_indirect_dma semaphore(%arg16 : memref<!tpu.dma_semaphore, #tpu.memory_space<semaphore_mem>>) src(%dma_wait3A_186 : memref<2600000x16xf32, #tpu.memory_space<hbm>>) dst(%dma_wait3A_181 : memref<128x16xf32, #tpu.memory_space<vmem>>)
    %dma_wait3A_187 = arith.constant 2304 : i32
    %dma_wait3A_188 = arith.constant 0 : i32
    %dma_wait3A_189 = tpu.memref_slice %arg10[%dma_wait3A_187, %dma_wait3A_188] : memref<2560x16xf32, #tpu.memory_space<vmem>> -> memref<128x16xf32, #tpu.memory_space<vmem>>
    %dma_wait3A_190 = arith.constant 2304 : i32
    %dma_wait3A_191 = tpu.memref_slice %arg8[%dma_wait3A_190] : memref<2560xi32, #tpu.memory_space<vmem>> -> memref<128xi32, #tpu.memory_space<vmem>>
    %dma_wait3A_192 = arith.constant 0 : i32
    %dma_wait3A_193 = arith.constant 0 : i32
    %dma_wait3A_194 = tpu.memref_slice %arg2[%dma_wait3A_192, %dma_wait3A_193] : memref<2600000x16xf32, #tpu.memory_space<hbm>> -> memref<2600000x16xf32, #tpu.memory_space<hbm>>
    tpu.wait_indirect_dma semaphore(%arg16 : memref<!tpu.dma_semaphore, #tpu.memory_space<semaphore_mem>>) src(%dma_wait3A_194 : memref<2600000x16xf32, #tpu.memory_space<hbm>>) dst(%dma_wait3A_189 : memref<128x16xf32, #tpu.memory_space<vmem>>)
    %dma_wait3A_195 = arith.constant 2432 : i32
    %dma_wait3A_196 = arith.constant 0 : i32
    %dma_wait3A_197 = tpu.memref_slice %arg10[%dma_wait3A_195, %dma_wait3A_196] : memref<2560x16xf32, #tpu.memory_space<vmem>> -> memref<128x16xf32, #tpu.memory_space<vmem>>
    %dma_wait3A_198 = arith.constant 2432 : i32
    %dma_wait3A_199 = tpu.memref_slice %arg8[%dma_wait3A_198] : memref<2560xi32, #tpu.memory_space<vmem>> -> memref<128xi32, #tpu.memory_space<vmem>>
    %dma_wait3A_200 = arith.constant 0 : i32
    %dma_wait3A_201 = arith.constant 0 : i32
    %dma_wait3A_202 = tpu.memref_slice %arg2[%dma_wait3A_200, %dma_wait3A_201] : memref<2600000x16xf32, #tpu.memory_space<hbm>> -> memref<2600000x16xf32, #tpu.memory_space<hbm>>
    tpu.wait_indirect_dma semaphore(%arg16 : memref<!tpu.dma_semaphore, #tpu.memory_space<semaphore_mem>>) src(%dma_wait3A_202 : memref<2600000x16xf32, #tpu.memory_space<hbm>>) dst(%dma_wait3A_197 : memref<128x16xf32, #tpu.memory_space<vmem>>)
    %parallel_loop3A = arith.constant 0 : i32
    %parallel_loop3A_203 = arith.constant 128 : i32
    %parallel_loop3A_204 = arith.constant 1 : i32
    scf.for %parallel_loop3A_271 = %parallel_loop3A to %parallel_loop3A_203 step %parallel_loop3A_204  : i32 {
      %parallel_loop3A_272 = arith.constant 20 : i32
      %parallel_loop3A_273 = arith.muli %parallel_loop3A_271, %parallel_loop3A_272 : i32
      %parallel_loop3A_274 = arith.index_cast %parallel_loop3A_273 : i32 to index
      %parallel_loop3A_275 = arith.constant 0 : index
      %parallel_loop3A_276 = tpu.vector_load %arg10[%parallel_loop3A_274, %parallel_loop3A_275] {strides = array<i32>} : memref<2560x16xf32, #tpu.memory_space<vmem>>, vector<16xf32>,
      %parallel_loop3A_277 = arith.constant 1 : i32
      %parallel_loop3A_278 = arith.addi %parallel_loop3A_273, %parallel_loop3A_277 : i32
      %parallel_loop3A_279 = arith.index_cast %parallel_loop3A_278 : i32 to index
      %parallel_loop3A_280 = arith.constant 0 : index
      %parallel_loop3A_281 = tpu.vector_load %arg10[%parallel_loop3A_279, %parallel_loop3A_280] {strides = array<i32>} : memref<2560x16xf32, #tpu.memory_space<vmem>>, vector<16xf32>,
      %parallel_loop3A_282 = arith.addf %parallel_loop3A_276, %parallel_loop3A_281 : vector<16xf32>
      %parallel_loop3A_283 = arith.constant 2 : i32
      %parallel_loop3A_284 = arith.addi %parallel_loop3A_273, %parallel_loop3A_283 : i32
      %parallel_loop3A_285 = arith.index_cast %parallel_loop3A_284 : i32 to index
      %parallel_loop3A_286 = arith.constant 0 : index
      %parallel_loop3A_287 = tpu.vector_load %arg10[%parallel_loop3A_285, %parallel_loop3A_286] {strides = array<i32>} : memref<2560x16xf32, #tpu.memory_space<vmem>>, vector<16xf32>,
      %parallel_loop3A_288 = arith.addf %parallel_loop3A_282, %parallel_loop3A_287 : vector<16xf32>
      %parallel_loop3A_289 = arith.constant 3 : i32
      %parallel_loop3A_290 = arith.addi %parallel_loop3A_273, %parallel_loop3A_289 : i32
      %parallel_loop3A_291 = arith.index_cast %parallel_loop3A_290 : i32 to index
      %parallel_loop3A_292 = arith.constant 0 : index
      %parallel_loop3A_293 = tpu.vector_load %arg10[%parallel_loop3A_291, %parallel_loop3A_292] {strides = array<i32>} : memref<2560x16xf32, #tpu.memory_space<vmem>>, vector<16xf32>,
      %parallel_loop3A_294 = arith.addf %parallel_loop3A_288, %parallel_loop3A_293 : vector<16xf32>
      %parallel_loop3A_295 = arith.constant 4 : i32
      %parallel_loop3A_296 = arith.addi %parallel_loop3A_273, %parallel_loop3A_295 : i32
      %parallel_loop3A_297 = arith.index_cast %parallel_loop3A_296 : i32 to index
      %parallel_loop3A_298 = arith.constant 0 : index
      %parallel_loop3A_299 = tpu.vector_load %arg10[%parallel_loop3A_297, %parallel_loop3A_298] {strides = array<i32>} : memref<2560x16xf32, #tpu.memory_space<vmem>>, vector<16xf32>,
      %parallel_loop3A_300 = arith.addf %parallel_loop3A_294, %parallel_loop3A_299 : vector<16xf32>
      %parallel_loop3A_301 = arith.constant 5 : i32
      %parallel_loop3A_302 = arith.addi %parallel_loop3A_273, %parallel_loop3A_301 : i32
      %parallel_loop3A_303 = arith.index_cast %parallel_loop3A_302 : i32 to index
      %parallel_loop3A_304 = arith.constant 0 : index
      %parallel_loop3A_305 = tpu.vector_load %arg10[%parallel_loop3A_303, %parallel_loop3A_304] {strides = array<i32>} : memref<2560x16xf32, #tpu.memory_space<vmem>>, vector<16xf32>,
      %parallel_loop3A_306 = arith.addf %parallel_loop3A_300, %parallel_loop3A_305 : vector<16xf32>
      %parallel_loop3A_307 = arith.constant 6 : i32
      %parallel_loop3A_308 = arith.addi %parallel_loop3A_273, %parallel_loop3A_307 : i32
      %parallel_loop3A_309 = arith.index_cast %parallel_loop3A_308 : i32 to index
      %parallel_loop3A_310 = arith.constant 0 : index
      %parallel_loop3A_311 = tpu.vector_load %arg10[%parallel_loop3A_309, %parallel_loop3A_310] {strides = array<i32>} : memref<2560x16xf32, #tpu.memory_space<vmem>>, vector<16xf32>,
      %parallel_loop3A_312 = arith.addf %parallel_loop3A_306, %parallel_loop3A_311 : vector<16xf32>
      %parallel_loop3A_313 = arith.constant 7 : i32
      %parallel_loop3A_314 = arith.addi %parallel_loop3A_273, %parallel_loop3A_313 : i32
      %parallel_loop3A_315 = arith.index_cast %parallel_loop3A_314 : i32 to index
      %parallel_loop3A_316 = arith.constant 0 : index
      %parallel_loop3A_317 = tpu.vector_load %arg10[%parallel_loop3A_315, %parallel_loop3A_316] {strides = array<i32>} : memref<2560x16xf32, #tpu.memory_space<vmem>>, vector<16xf32>,
      %parallel_loop3A_318 = arith.addf %parallel_loop3A_312, %parallel_loop3A_317 : vector<16xf32>
      %parallel_loop3A_319 = arith.constant 8 : i32
      %parallel_loop3A_320 = arith.addi %parallel_loop3A_273, %parallel_loop3A_319 : i32
      %parallel_loop3A_321 = arith.index_cast %parallel_loop3A_320 : i32 to index
      %parallel_loop3A_322 = arith.constant 0 : index
      %parallel_loop3A_323 = tpu.vector_load %arg10[%parallel_loop3A_321, %parallel_loop3A_322] {strides = array<i32>} : memref<2560x16xf32, #tpu.memory_space<vmem>>, vector<16xf32>,
      %parallel_loop3A_324 = arith.addf %parallel_loop3A_318, %parallel_loop3A_323 : vector<16xf32>
      %parallel_loop3A_325 = arith.constant 9 : i32
      %parallel_loop3A_326 = arith.addi %parallel_loop3A_273, %parallel_loop3A_325 : i32
      %parallel_loop3A_327 = arith.index_cast %parallel_loop3A_326 : i32 to index
      %parallel_loop3A_328 = arith.constant 0 : index
      %parallel_loop3A_329 = tpu.vector_load %arg10[%parallel_loop3A_327, %parallel_loop3A_328] {strides = array<i32>} : memref<2560x16xf32, #tpu.memory_space<vmem>>, vector<16xf32>,
      %parallel_loop3A_330 = arith.addf %parallel_loop3A_324, %parallel_loop3A_329 : vector<16xf32>
      %parallel_loop3A_331 = arith.constant 10 : i32
      %parallel_loop3A_332 = arith.addi %parallel_loop3A_273, %parallel_loop3A_331 : i32
      %parallel_loop3A_333 = arith.index_cast %parallel_loop3A_332 : i32 to index
      %parallel_loop3A_334 = arith.constant 0 : index
      %parallel_loop3A_335 = tpu.vector_load %arg10[%parallel_loop3A_333, %parallel_loop3A_334] {strides = array<i32>} : memref<2560x16xf32, #tpu.memory_space<vmem>>, vector<16xf32>,
      %parallel_loop3A_336 = arith.addf %parallel_loop3A_330, %parallel_loop3A_335 : vector<16xf32>
      %parallel_loop3A_337 = arith.constant 11 : i32
      %parallel_loop3A_338 = arith.addi %parallel_loop3A_273, %parallel_loop3A_337 : i32
      %parallel_loop3A_339 = arith.index_cast %parallel_loop3A_338 : i32 to index
      %parallel_loop3A_340 = arith.constant 0 : index
      %parallel_loop3A_341 = tpu.vector_load %arg10[%parallel_loop3A_339, %parallel_loop3A_340] {strides = array<i32>} : memref<2560x16xf32, #tpu.memory_space<vmem>>, vector<16xf32>,
      %parallel_loop3A_342 = arith.addf %parallel_loop3A_336, %parallel_loop3A_341 : vector<16xf32>
      %parallel_loop3A_343 = arith.constant 12 : i32
      %parallel_loop3A_344 = arith.addi %parallel_loop3A_273, %parallel_loop3A_343 : i32
      %parallel_loop3A_345 = arith.index_cast %parallel_loop3A_344 : i32 to index
      %parallel_loop3A_346 = arith.constant 0 : index
      %parallel_loop3A_347 = tpu.vector_load %arg10[%parallel_loop3A_345, %parallel_loop3A_346] {strides = array<i32>} : memref<2560x16xf32, #tpu.memory_space<vmem>>, vector<16xf32>,
      %parallel_loop3A_348 = arith.addf %parallel_loop3A_342, %parallel_loop3A_347 : vector<16xf32>
      %parallel_loop3A_349 = arith.constant 13 : i32
      %parallel_loop3A_350 = arith.addi %parallel_loop3A_273, %parallel_loop3A_349 : i32
      %parallel_loop3A_351 = arith.index_cast %parallel_loop3A_350 : i32 to index
      %parallel_loop3A_352 = arith.constant 0 : index
      %parallel_loop3A_353 = tpu.vector_load %arg10[%parallel_loop3A_351, %parallel_loop3A_352] {strides = array<i32>} : memref<2560x16xf32, #tpu.memory_space<vmem>>, vector<16xf32>,
      %parallel_loop3A_354 = arith.addf %parallel_loop3A_348, %parallel_loop3A_353 : vector<16xf32>
      %parallel_loop3A_355 = arith.constant 14 : i32
      %parallel_loop3A_356 = arith.addi %parallel_loop3A_273, %parallel_loop3A_355 : i32
      %parallel_loop3A_357 = arith.index_cast %parallel_loop3A_356 : i32 to index
      %parallel_loop3A_358 = arith.constant 0 : index
      %parallel_loop3A_359 = tpu.vector_load %arg10[%parallel_loop3A_357, %parallel_loop3A_358] {strides = array<i32>} : memref<2560x16xf32, #tpu.memory_space<vmem>>, vector<16xf32>,
      %parallel_loop3A_360 = arith.addf %parallel_loop3A_354, %parallel_loop3A_359 : vector<16xf32>
      %parallel_loop3A_361 = arith.constant 15 : i32
      %parallel_loop3A_362 = arith.addi %parallel_loop3A_273, %parallel_loop3A_361 : i32
      %parallel_loop3A_363 = arith.index_cast %parallel_loop3A_362 : i32 to index
      %parallel_loop3A_364 = arith.constant 0 : index
      %parallel_loop3A_365 = tpu.vector_load %arg10[%parallel_loop3A_363, %parallel_loop3A_364] {strides = array<i32>} : memref<2560x16xf32, #tpu.memory_space<vmem>>, vector<16xf32>,
      %parallel_loop3A_366 = arith.addf %parallel_loop3A_360, %parallel_loop3A_365 : vector<16xf32>
      %parallel_loop3A_367 = arith.constant 16 : i32
      %parallel_loop3A_368 = arith.addi %parallel_loop3A_273, %parallel_loop3A_367 : i32
      %parallel_loop3A_369 = arith.index_cast %parallel_loop3A_368 : i32 to index
      %parallel_loop3A_370 = arith.constant 0 : index
      %parallel_loop3A_371 = tpu.vector_load %arg10[%parallel_loop3A_369, %parallel_loop3A_370] {strides = array<i32>} : memref<2560x16xf32, #tpu.memory_space<vmem>>, vector<16xf32>,
      %parallel_loop3A_372 = arith.addf %parallel_loop3A_366, %parallel_loop3A_371 : vector<16xf32>
      %parallel_loop3A_373 = arith.constant 17 : i32
      %parallel_loop3A_374 = arith.addi %parallel_loop3A_273, %parallel_loop3A_373 : i32
      %parallel_loop3A_375 = arith.index_cast %parallel_loop3A_374 : i32 to index
      %parallel_loop3A_376 = arith.constant 0 : index
      %parallel_loop3A_377 = tpu.vector_load %arg10[%parallel_loop3A_375, %parallel_loop3A_376] {strides = array<i32>} : memref<2560x16xf32, #tpu.memory_space<vmem>>, vector<16xf32>,
      %parallel_loop3A_378 = arith.addf %parallel_loop3A_372, %parallel_loop3A_377 : vector<16xf32>
      %parallel_loop3A_379 = arith.constant 18 : i32
      %parallel_loop3A_380 = arith.addi %parallel_loop3A_273, %parallel_loop3A_379 : i32
      %parallel_loop3A_381 = arith.index_cast %parallel_loop3A_380 : i32 to index
      %parallel_loop3A_382 = arith.constant 0 : index
      %parallel_loop3A_383 = tpu.vector_load %arg10[%parallel_loop3A_381, %parallel_loop3A_382] {strides = array<i32>} : memref<2560x16xf32, #tpu.memory_space<vmem>>, vector<16xf32>,
      %parallel_loop3A_384 = arith.addf %parallel_loop3A_378, %parallel_loop3A_383 : vector<16xf32>
      %parallel_loop3A_385 = arith.constant 19 : i32
      %parallel_loop3A_386 = arith.addi %parallel_loop3A_273, %parallel_loop3A_385 : i32
      %parallel_loop3A_387 = arith.index_cast %parallel_loop3A_386 : i32 to index
      %parallel_loop3A_388 = arith.constant 0 : index
      %parallel_loop3A_389 = tpu.vector_load %arg10[%parallel_loop3A_387, %parallel_loop3A_388] {strides = array<i32>} : memref<2560x16xf32, #tpu.memory_space<vmem>>, vector<16xf32>,
      %parallel_loop3A_390 = arith.addf %parallel_loop3A_384, %parallel_loop3A_389 : vector<16xf32>
      %parallel_loop3A_391 = vector.broadcast %parallel_loop3A_271 : i32 to vector<16xi32>
      %parallel_loop3A_392 = arith.addi %mul3A_5, %parallel_loop3A_391 : vector<16xi32>
      tpu.vector_store_idx %arg12[%parallel_loop3A_392], %parallel_loop3A_390 : memref<2048xf32, #tpu.memory_space<vmem>>[vector<16xi32>], vector<16xf32>,
    } {sc.loop_unroll_factor = 2 : i64, sc.parallel_access}
    %add3A_205 = arith.constant 25 : i32
    %add3A_206 = arith.addi %mul3A_2, %add3A_205 : i32
    %add3A_207 = arith.constant 0 : i32
    %add3A_208 = arith.addi %add3A_207, %add3A_206 : i32
    %mul3A_209 = arith.constant 1024 : i32
    %mul3A_210 = arith.muli %add3A_208, %mul3A_209 : i32
    %add3A_211 = arith.constant 832 : i32
    %add3A_212 = arith.addi %add3A_211, %add3A_206 : i32
    %mul3A_213 = arith.constant 1024 : i32
    %mul3A_214 = arith.muli %add3A_212, %mul3A_213 : i32
    %dma_start3A_215 = arith.constant 0 : i32
    %dma_start3A_216 = tpu.memref_slice %arg12[%dma_start3A_215] : memref<2048xf32, #tpu.memory_space<vmem>> -> memref<1024xf32, #tpu.memory_space<vmem>>
    %dma_start3A_217 = tpu.memref_slice %arg4[%mul3A_210] : memref<1703936xf32, #tpu.memory_space<hbm>> -> memref<1024xf32, #tpu.memory_space<hbm>>
    %dma_start3A_218 = tpu.memref_slice %arg4[%mul3A_210] : memref<1703936xf32, #tpu.memory_space<hbm>> -> memref<1024xf32, #tpu.memory_space<hbm>>
    %dma_start3A_219 = arith.constant 0 : i32
    %dma_start3A_220 = tpu.memref_slice %arg12[%dma_start3A_219] : memref<2048xf32, #tpu.memory_space<vmem>> -> memref<1024xf32, #tpu.memory_space<vmem>>
    tpu.enqueue_dma source(%dma_start3A_220 : memref<1024xf32, #tpu.memory_space<vmem>>) target(%dma_start3A_218 : memref<1024xf32, #tpu.memory_space<hbm>>) target_semaphore(%arg18 : memref<!tpu.dma_semaphore, #tpu.memory_space<semaphore_mem>>)
    %dma_start3A_221 = arith.constant 1024 : i32
    %dma_start3A_222 = tpu.memref_slice %arg12[%dma_start3A_221] : memref<2048xf32, #tpu.memory_space<vmem>> -> memref<1024xf32, #tpu.memory_space<vmem>>
    %dma_start3A_223 = tpu.memref_slice %arg4[%mul3A_214] : memref<1703936xf32, #tpu.memory_space<hbm>> -> memref<1024xf32, #tpu.memory_space<hbm>>
    %dma_start3A_224 = tpu.memref_slice %arg4[%mul3A_214] : memref<1703936xf32, #tpu.memory_space<hbm>> -> memref<1024xf32, #tpu.memory_space<hbm>>
    %dma_start3A_225 = arith.constant 1024 : i32
    %dma_start3A_226 = tpu.memref_slice %arg12[%dma_start3A_225] : memref<2048xf32, #tpu.memory_space<vmem>> -> memref<1024xf32, #tpu.memory_space<vmem>>
    tpu.enqueue_dma source(%dma_start3A_226 : memref<1024xf32, #tpu.memory_space<vmem>>) target(%dma_start3A_224 : memref<1024xf32, #tpu.memory_space<hbm>>) target_semaphore(%arg18 : memref<!tpu.dma_semaphore, #tpu.memory_space<semaphore_mem>>)
    %add3A_227 = arith.constant 24 : i32
    %add3A_228 = arith.addi %mul3A_2, %add3A_227 : i32
    %add3A_229 = arith.constant 0 : i32
    %add3A_230 = arith.addi %add3A_229, %add3A_228 : i32
    %mul3A_231 = arith.constant 1024 : i32
    %mul3A_232 = arith.muli %add3A_230, %mul3A_231 : i32
    %add3A_233 = arith.constant 832 : i32
    %add3A_234 = arith.addi %add3A_233, %add3A_228 : i32
    %mul3A_235 = arith.constant 1024 : i32
    %mul3A_236 = arith.muli %add3A_234, %mul3A_235 : i32
    %dma_wait3A_237 = arith.constant 0 : i32
    %dma_wait3A_238 = tpu.memref_slice %arg11[%dma_wait3A_237] : memref<2048xf32, #tpu.memory_space<vmem>> -> memref<1024xf32, #tpu.memory_space<vmem>>
    %dma_wait3A_239 = tpu.memref_slice %arg4[%mul3A_232] : memref<1703936xf32, #tpu.memory_space<hbm>> -> memref<1024xf32, #tpu.memory_space<hbm>>
    %dma_wait3A_240 = tpu.memref_slice %arg4[%mul3A_232] : memref<1703936xf32, #tpu.memory_space<hbm>> -> memref<1024xf32, #tpu.memory_space<hbm>>
    %dma_wait3A_241 = arith.constant 0 : i32
    %dma_wait3A_242 = tpu.memref_slice %arg11[%dma_wait3A_241] : memref<2048xf32, #tpu.memory_space<vmem>> -> memref<1024xf32, #tpu.memory_space<vmem>>
    tpu.wait_dma2 semaphore(%arg17 : memref<!tpu.dma_semaphore, #tpu.memory_space<semaphore_mem>>) src(%dma_wait3A_242 : memref<1024xf32, #tpu.memory_space<vmem>>) dst(%dma_wait3A_240 : memref<1024xf32, #tpu.memory_space<hbm>>)
    %dma_wait3A_243 = arith.constant 1024 : i32
    %dma_wait3A_244 = tpu.memref_slice %arg11[%dma_wait3A_243] : memref<2048xf32, #tpu.memory_space<vmem>> -> memref<1024xf32, #tpu.memory_space<vmem>>
    %dma_wait3A_245 = tpu.memref_slice %arg4[%mul3A_236] : memref<1703936xf32, #tpu.memory_space<hbm>> -> memref<1024xf32, #tpu.memory_space<hbm>>
    %dma_wait3A_246 = tpu.memref_slice %arg4[%mul3A_236] : memref<1703936xf32, #tpu.memory_space<hbm>> -> memref<1024xf32, #tpu.memory_space<hbm>>
    %dma_wait3A_247 = arith.constant 1024 : i32
    %dma_wait3A_248 = tpu.memref_slice %arg11[%dma_wait3A_247] : memref<2048xf32, #tpu.memory_space<vmem>> -> memref<1024xf32, #tpu.memory_space<vmem>>
    tpu.wait_dma2 semaphore(%arg17 : memref<!tpu.dma_semaphore, #tpu.memory_space<semaphore_mem>>) src(%dma_wait3A_248 : memref<1024xf32, #tpu.memory_space<vmem>>) dst(%dma_wait3A_246 : memref<1024xf32, #tpu.memory_space<hbm>>)
    %add3A_249 = arith.constant 25 : i32
    %add3A_250 = arith.addi %mul3A_2, %add3A_249 : i32
    %add3A_251 = arith.constant 0 : i32
    %add3A_252 = arith.addi %add3A_251, %add3A_250 : i32
    %mul3A_253 = arith.constant 1024 : i32
    %mul3A_254 = arith.muli %add3A_252, %mul3A_253 : i32
    %add3A_255 = arith.constant 832 : i32
    %add3A_256 = arith.addi %add3A_255, %add3A_250 : i32
    %mul3A_257 = arith.constant 1024 : i32
    %mul3A_258 = arith.muli %add3A_256, %mul3A_257 : i32
    %dma_wait3A_259 = arith.constant 0 : i32
    %dma_wait3A_260 = tpu.memref_slice %arg12[%dma_wait3A_259] : memref<2048xf32, #tpu.memory_space<vmem>> -> memref<1024xf32, #tpu.memory_space<vmem>>
    %dma_wait3A_261 = tpu.memref_slice %arg4[%mul3A_254] : memref<1703936xf32, #tpu.memory_space<hbm>> -> memref<1024xf32, #tpu.memory_space<hbm>>
    %dma_wait3A_262 = tpu.memref_slice %arg4[%mul3A_254] : memref<1703936xf32, #tpu.memory_space<hbm>> -> memref<1024xf32, #tpu.memory_space<hbm>>
    %dma_wait3A_263 = arith.constant 0 : i32
    %dma_wait3A_264 = tpu.memref_slice %arg12[%dma_wait3A_263] : memref<2048xf32, #tpu.memory_space<vmem>> -> memref<1024xf32, #tpu.memory_space<vmem>>
    tpu.wait_dma2 semaphore(%arg18 : memref<!tpu.dma_semaphore, #tpu.memory_space<semaphore_mem>>) src(%dma_wait3A_264 : memref<1024xf32, #tpu.memory_space<vmem>>) dst(%dma_wait3A_262 : memref<1024xf32, #tpu.memory_space<hbm>>)
    %dma_wait3A_265 = arith.constant 1024 : i32
    %dma_wait3A_266 = tpu.memref_slice %arg12[%dma_wait3A_265] : memref<2048xf32, #tpu.memory_space<vmem>> -> memref<1024xf32, #tpu.memory_space<vmem>>
    %dma_wait3A_267 = tpu.memref_slice %arg4[%mul3A_258] : memref<1703936xf32, #tpu.memory_space<hbm>> -> memref<1024xf32, #tpu.memory_space<hbm>>
    %dma_wait3A_268 = tpu.memref_slice %arg4[%mul3A_258] : memref<1703936xf32, #tpu.memory_space<hbm>> -> memref<1024xf32, #tpu.memory_space<hbm>>
    %dma_wait3A_269 = arith.constant 1024 : i32
    %dma_wait3A_270 = tpu.memref_slice %arg12[%dma_wait3A_269] : memref<2048xf32, #tpu.memory_space<vmem>> -> memref<1024xf32, #tpu.memory_space<vmem>>
    tpu.wait_dma2 semaphore(%arg18 : memref<!tpu.dma_semaphore, #tpu.memory_space<semaphore_mem>>) src(%dma_wait3A_270 : memref<1024xf32, #tpu.memory_space<vmem>>) dst(%dma_wait3A_268 : memref<1024xf32, #tpu.memory_space<hbm>>)
    return
  }
}

</mosaic_0001>

<sc_bundles>
// kernel: kernel.4.cloned.1.call-start
scs
__scs_entry_jumppad:
0x0: {  	(pc) =	sbr.rel $0x88, $3  }
0x1: {  	(tag) =	ssettag $0x0;
	lr =	simm.s32 $0x1  }
0x2: {  	[smem:$0x3F9F] =	sst lr;
	_ =	strace $0xD0000000  }
0x3: {  	_ = 	snop  }
0x4: {  	_ = 	snop  }
0x5: {  	_ = 	snop  }
0x6: {  	_ = 	snop  }
0x7: {  	_ = 	snop  }
__scs_overlays_trampoline_lowered:
0x8: {  	[smem:$0x3FAE] =	sst s0  }
0x9: {  	[smem:$0x3FAF] =	sst s1  }
0xa: {  	[smem:$0x3FB0] =	sst s2  }
0xb: {  	[smem:$0x3FB1] =	sst s3  }
0xc: {  	[smem:$0x3FB2] =	sst s4  }
0xd: {  	[smem:$0x3FB3] =	sst s5  }
0xe: {  	[smem:$0x3FB4] =	sst s6  }
0xf: {  	[smem:$0x3FB5] =	sst s7  }
0x10: {  	[smem:$0x3FB6] =	sst s8  }
0x11: {  	[smem:$0x3FB7] =	sst s9;
	s0 =	simm.s32 @!p0 $0x0  }
0x12: {  	s1 =	sld [smem:$0x3F9D];
	s0 =	simm.s32 @p0 $0x1  }
0x13: {  	[smem:$0x3FB8] =	sst s0;
	s0 =	simm.s32 @!p1 $0x0  }
0x14: {  	s2 =	sld [smem:$0x3F9C];
	s0 =	simm.s32 @p1 $0x1  }
0x15: {  	[smem:$0x3FB9] =	sst s0;
	s0 =	simm.s32 @!p2 $0x0  }
0x16: {  	s3 =	sld [smem:$0x3FDB];
	s0 =	simm.s32 @p2 $0x1  }
0x17: {  	s4 =	simm.s32 $0x1BF5;
	[smem:$0x3FBB] =	sst s0  }
0x18: {  	s0 =	sld [smem:$0x3F9E];
	_ =	swait.ge [sflag:s4], $0x0  }
0x19: {  	s7 =	sld [smem:$0x3F9F]  }
0x1a: {  	s8 =	sadd.s32 $0xFFFFE003, lr  }
0x1b: {  	s9 =	sadd.s32 $0xFFFFFEF7, lr;
	s5 =	simm.s32 $0xFFFFFFFF;
	p2 =	slt.u32 s8, $0xFFFFF086  }
0x1c: {  	p1 =	slt.u32 s9, $0xF7A;
	s5 =	simm.s32 @!p2 $0x0  }
0x1d: {  	s5 =	simm.s32 @p1 $0x1;
	p0 =	seq.s32 s7, s2  }
0x1e: {  	s7 =	smul.u32 @!p0 $0xF7A, s2;
	p2 =	seq.s32 @!p0 s5, $0x0  }
0x1f: {  	s9 =	smul.u32 $0xF7A, s1;
	s8 =	simm.s32 @!p0 $0x1BF5;
	p2 =	por !p2, p0  }
0x20: {  	[sflag:s8] =	ssyncset.s32 @!p0 $0xFFFFF086;
	s6 =	sadd.s32 @!p0 s3, s7;
	s7 =	simm.s32 @!p0 $0x108  }
0x21: {  	s3 =	sadd.s32 s3, s9;
	s6 =	sadd.s32 @!p0 $0x88, s6;
	s7 =	simm.s32 @p2 $0x1082  }
0x22: {  	[simem:s7], [sflag:s8] =	dma.local @!p0 [hbm:s6], $0xF7A  }
0x23: {  	s9 =	sor.u32 $0xD0000000, s2;
	s6 =	simm.s32 $0x108;
	_ =	swait.ge @!p0 [sflag:s8], $0x0  }
0x24: {  	s3 =	sadd.s32 $0x88, s3;
	s6 =	simm.s32 @!p1 $0x1082;
	[sflag:s4] =	ssyncset.s32 $0xFFFFF086  }
0x25: {  	[simem:s6], [sflag:s4] =	dma.local [hbm:s3], $0xF7A  }
0x26: {  	[smem:$0x3F9F] =	sst s1;
	(tag) =	ssettag s2;
	_ =	strace s9  }
0x27: {  	s1 =	sld [smem:$0x3FAF]  }
0x28: {  	s2 =	sld [smem:$0x3FB0]  }
0x29: {  	s4 =	sld [smem:$0x3FB2]  }
0x2a: {  	p0 =	seq.s32 s5, $0x0;
	s5 =	sld [smem:$0x3FB3]  }
0x2b: {  	s6 =	sld [smem:$0x3FB4]  }
0x2c: {  	s7 =	sld [smem:$0x3FB5]  }
0x2d: {  	s3 =	simm.s32 $0x108;
	s8 =	sld [smem:$0x3FB6]  }
0x2e: {  	s3 =	simm.s32 @!p0 $0x1082;
	s9 =	sld [smem:$0x3FB7]  }
0x2f: {  	lr =	sadd.s32 s0, s3;
	s0 =	sld [smem:$0x3FAE]  }
0x30: {  	s3 =	sld [smem:$0x3FB1]  }
0x31: {  	[smem:$0x3FBA] =	sst s10  }
0x32: {  	s10 =	sld [smem:$0x3FB8];
	_ =	sdelay $0x3  }
0x33: {  	p0 =	seq.s32 s10, $0x1;
	s10 =	sld [smem:$0x3FBA];
	_ =	sdelay $0x3  }
0x34: {  	[smem:$0x3FBA] =	sst s10  }
0x35: {  	s10 =	sld [smem:$0x3FB9];
	_ =	sdelay $0x3  }
0x36: {  	p1 =	seq.s32 s10, $0x1;
	s10 =	sld [smem:$0x3FBA];
	_ =	sdelay $0x3  }
0x37: {  	[smem:$0x3FBA] =	sst s10  }
0x38: {  	s10 =	sld [smem:$0x3FBB]  }
0x39: {  	_ = 	snop;
	(pc) =	sbr.ind lr, $3  }
0x3a: {  	_ = 	snop  }
0x3b: {  	_ = 	snop  }
0x3c: {  	p2 =	seq.s32 s10, $0x1;
	s10 =	sld [smem:$0x3FBA]  }
0x3d: {  	_ =	shalt  }
0x3e: {  	_ =	shalt  }
0x3f: {  	_ =	shalt  }
0x40: {  	_ =	shalt  }
0x41: {  	_ =	shalt  }
0x42: {  	_ =	shalt  }
0x43: {  	_ =	shalt  }
0x44: {  	_ =	shalt  }
0x45: {  	_ =	shalt  }
0x46: {  	_ =	shalt  }
0x47: {  	_ =	shalt  }
0x48: {  	_ =	shalt  }
0x49: {  	_ =	shalt  }
0x4a: {  	_ =	shalt  }
0x4b: {  	_ =	shalt  }
0x4c: {  	_ =	shalt  }
0x4d: {  	_ =	shalt  }
0x4e: {  	_ =	shalt  }
0x4f: {  	_ =	shalt  }
0x50: {  	_ =	shalt  }
0x51: {  	_ =	shalt  }
0x52: {  	_ =	shalt  }
0x53: {  	_ =	shalt  }
0x54: {  	_ =	shalt  }
0x55: {  	_ =	shalt  }
0x56: {  	_ =	shalt  }
0x57: {  	_ =	shalt  }
0x58: {  	_ =	shalt  }
0x59: {  	_ =	shalt  }
0x5a: {  	_ =	shalt  }
0x5b: {  	_ =	shalt  }
0x5c: {  	_ =	shalt  }
0x5d: {  	_ =	shalt  }
0x5e: {  	_ =	shalt  }
0x5f: {  	_ =	shalt  }
0x60: {  	_ =	shalt  }
0x61: {  	_ =	shalt  }
0x62: {  	_ =	shalt  }
0x63: {  	_ =	shalt  }
0x64: {  	_ =	shalt  }
0x65: {  	_ =	shalt  }
0x66: {  	_ =	shalt  }
0x67: {  	_ =	shalt  }
0x68: {  	_ =	shalt  }
0x69: {  	_ =	shalt  }
0x6a: {  	_ =	shalt  }
0x6b: {  	_ =	shalt  }
0x6c: {  	_ =	shalt  }
0x6d: {  	_ =	shalt  }
0x6e: {  	_ =	shalt  }
0x6f: {  	_ =	shalt  }
0x70: {  	_ =	shalt  }
0x71: {  	_ =	shalt  }
0x72: {  	_ =	shalt  }
0x73: {  	_ =	shalt  }
0x74: {  	_ =	shalt  }
0x75: {  	_ =	shalt  }
0x76: {  	_ =	shalt  }
0x77: {  	_ =	shalt  }
0x78: {  	_ =	shalt  }
0x79: {  	_ =	shalt  }
0x7a: {  	_ =	shalt  }
0x7b: {  	_ =	shalt  }
0x7c: {  	_ =	shalt  }
0x7d: {  	_ =	shalt  }
0x7e: {  	_ =	shalt  }
0x7f: {  	_ =	shalt  }
0x80: {  	_ =	shalt  }
0x81: {  	_ =	shalt  }
0x82: {  	_ =	shalt  }
0x83: {  	_ =	shalt  }
0x84: {  	_ =	shalt  }
0x85: {  	_ =	shalt  }
0x86: {  	_ =	shalt  }
0x87: {  	_ =	shalt  }
.Lfunc_end0:
.L_simem_size_0:
called_computation_lowered:
.L_overlay_start_0:
0x88: {  	s2 =	sld [smem:$0x3FD9]  }
0x89: {  	s3 =	sld [smem:$0x3FFE];
	_ =	sdelay $0x1  }
0x8a: {  	s1 =	srdreg.scid  }
0x8b: {  	s0 =	sand.u32 $0x1, s1  }
0x8c: {  	s17 =	sshll.u32 s0, $0xA;
	s2 =	sadd.s32 s3, s2  }
0x8d: {  	s2 =	sadd.s32 s2, s17  }
0x8e: {  	[smem:$0x3FC6] =	sst s2  }
0x8f: {  	_ = 	snop  }
0x90: {  	s2 =	sld [smem:$0x3FC9]  }
0x91: {  	s18 =	sld [smem:$0x3FD0];
	(tm) =	ssettm $0x1  }
0x92: {  	s4 =	sld [smem:$0x3FFB];
	_ =	sdelay $0x3  }
0x93: {  	_ =	strace s4  }
0x94: {  	s4 =	sld [smem:$0x3FFC];
	_ =	sdelay $0x3  }
0x95: {  	_ =	strace s4  }
0x96: {  	s4 =	sld [smem:$0x3FFD];
	_ =	sdelay $0x3  }
0x97: {  	_ =	strace s4  }
0x98: {  	_ =	strace $0x8FFFFFFF  }
0x99: {  	s19 =	sld [smem:$0x3FDB];
	_ =	sdelay $0x1  }
0x9a: {  	s5 =	simm.s32 $_scs_section_size  }
0x9b: {  	s6 =	simm.s32 $_size__tile_overlayer_lowered;
	s7 =	simm.s32 $_tile_overlayer_lowered  }
0x9c: {  	s22 =	simm.s32 $0x1BFF;
	s21 =	sshll.u32 s7, $0x1;
	s4 =	sadd.s32 s5, s19  }
0x9d: {  	s8 =	simm.s32 $0x0;
	s20 =	sshll.u32 s6, $0x1;
	s6 =	sadd.s32 s21, s4  }
0x9e: {  	[timem:s8], [sflag:s22] =	dma.local [hbm:s6], s20  }
0x9f: {  	_ =	swait.ge [sflag:s22], s20  }
0xa0: {  	s5 =	ssub.s32 $0x0, s20;
	[sflag:s22] =	ssyncset.done $0x0  }
0xa1: {  	[sflag:s22] =	ssyncadd.s32 s5;
	_ =	sdelay $0x1  }
0xa2: {  	s23 =	simm.s32 $0x1B8B  }
0xa3: {  	_ =	swait.ge [sflag:s23], $0x1  }
0xa4: {  	[sflag:s23] =	ssyncset.done $0x0  }
0xa5: {  	s25 =	simm.s32 $0x1B8E;
	s24 =	sld [smem:$0x3FFE];
	[sflag:s23] =	ssyncadd.s32 $0xFFFFFFFF  }
0xa6: {  	s26 =	simm.s32 $execute0_lowered;
	[smem:$0x3FD2] =	sst s25  }
0xa7: {  	s6 =	sshll.u32 s26, $0x1;
	_ =	strace $0x80000046;
	[dreg:$0x1] =	wrdreg $0xFFFFFFFF  }
0xa8: {  	s28 =	simm.s32 $_size_execute0_lowered;
	s4 =	sadd.s32 s4, s6;
	[dreg:$0x0] =	wrdreg $0x0  }
0xa9: {  	s6 =	sshll.u32 s28, $0x1;
	[dreg:$0x2] =	wrdreg s4  }
0xaa: {  	[dreg:$0x3] =	wrdreg s6  }
0xab: {  	[dreg:$0x4] =	wrdreg $0xC0  }
0xac: {  	_ =	task [dreg:s8], $0x5FFFF  }
0xad: {  	[dreg:$0x1] =	wrdreg $0xFFFFFFFF  }
0xae: {  	[dreg:$0x0] =	wrdreg $0x60  }
0xaf: {  	[dreg:$0x2] =	wrdreg s2  }
0xb0: {  	[dreg:$0x3] =	wrdreg s18  }
0xb1: {  	[dreg:$0x4] =	wrdreg s24  }
0xb2: {  	[dreg:$0x5] =	wrdreg $0x9  }
0xb3: {  	_ =	task.clear_ibuf [dreg:s8], $0x6FFFF;
	_ =	strace $0x90000046  }
0xb4: {  	s29 =	simm.s32 $0x9;
	_ =	strace $0x80000048  }
0xb5: {  	_ =	swait.ge [sflag:s29], $0x1  }
0xb6: {  	[sflag:s29] =	ssyncadd.s32 $0xFFFFFFFF  }
0xb7: {  	_ =	strace $0x90000048  }
0xb8: {  	_ =	sfence  }
0xb9: {  	s30 =	sld [smem:$0x0];
	_ =	sdelay $0x2  }
0xba: {  	s31 =	sshll.u32 s1, $0xD;
	s1 =	sshrl.u32 s1, $0x2  }
0xbb: {  	s3 =	sand.u32 $0x4000, s31;
	s1 =	sadd.s32 s1, s30  }
0xbc: {  	s0 =	sor.u32 s3, s0;
	s1 =	sshll.u32 s1, $0x11  }
0xbd: {  	s0 =	sor.u32 s1, s0  }
0xbe: {  	s0 =	sadd.s32 $0x8F2B, s0  }
0xbf: {  	[sflag:s0] =	ssyncadd.remote.s32 $0x1  }
0xc0: {  	_ =	sfence.sel $0xFFFF  }
0xc1: {  	[dreg:$0x0] =	wrdreg $0xFFFFFFFF;
	(pc) =	sbr.abs _section_cstart, $3  }
0xc2: {  	[dreg:$0x1] =	wrdreg $0xFFFFFFFF  }
0xc3: {  	_ =	task.clear_ibuf [dreg:s8], $0x2FFFF;
	_ =	strace $0x9FFFFFFF  }
0xc4: {  	(tm) =	ssettm $0x7FFFFFFF  }
0xc5: {  	_ =	shalt  }
tec
execute0_lowered:
.L_overlay_start_1:
0x0: {  	(tag) =	ssettag $0x1  }
0x1: {  	s4 =	rddreg [dreg:$0x0]  }
0x2: {  	s0 =	srdreg.scid;
	s2 =	stileid.u32  }
0x3: {  	s1 =	rddreg [dreg:$0x2];
	s3 =	simm.s32 $0x0;
	s0 =	sand.u32 $0x1, s0  }
0x4: {  	s2 =	sshll.u32 s2, $0x1;
	[smem:$0x7FF] =	sst s3;
	s29 =	sadd.s32 $0x800, s1  }
0x5: {  	s1 =	sadd.s32 $0x4F6000, s1;
	_ =	strace $0x80000047;
	[smem:$0x7F6] =	sst s29  }
0x6: {  	s5 =	sor.u32 s0, s2;
	s0 =	ssub.s32 $0x2, s0;
	[smem:$0x7FB] =	sst s1  }
0x7: {  	s2 =	sshll.u32 s5, $0xA;
	s30 =	sor.u32 $0x40, s5;
	[smem:$0x7FD] =	sst s5  }
.Ltmp0:
0x8: {  	s31 =	sor.u32 $0x60, s5;
	[smem:$0x7F9] =	sst s30;
	(pc) =	sbr.rel .LBB2_1-.Ltmp0, $4  }
0x9: {  	s26 =	sshrl.u32 s0, $0x1;
	s2 =	sadd.s32 s4, s2;
	[smem:$0x7FA] =	sst s31  }
0xa: {  	s0 =	ssub.s32 s0, s26;
	[smem:$0x7F7] =	sst s2;
	s2 =	sadd.s32 $0x8000, s2  }
0xb: {  	s28 =	simm.s32 $0x8000;
	v0 =	vlaneseq.u32;
	s0 =	smax.u32 s0, $0x1;
	[smem:$0x7F8] =	sst s2  }
0xc: {  	v0 =	vmul.u32 $0x10, v0;
	s1 =	simm.s32 $0x0;
	p0 =	sne.s32 s5, $0x1F;
	[smem:$0x7FC] =	sst s0  }
.LBB2_9:
0xd: {  	s0 =	simm.s32 $0x3  }
0xe: {  	_ =	swait.ge [sflag:s0], $0x4000  }
0xf: {  	[sflag:s0] =	ssyncset.done $0x0  }
0x10: {  	s29 =	simm.s32 $0x4;
	[sflag:s0] =	ssyncadd.s32 $0xFFFFC000  }
0x11: {  	_ =	swait.ge [sflag:s29], $0x4000  }
0x12: {  	[sflag:s29] =	ssyncset.done $0x0  }
0x13: {  	[sflag:s29] =	ssyncadd.s32 $0xFFFFC000  }
0x14: {  	s1 =	simm.s32 @!p0 $0x10000;
	s0 =	simm.s32 @!p0 $0x0;
	s2 =	rddreg [dreg:$0x1]  }
0x15: {  	[tilespmem:s1], [sflag:$0x5] =	stream.linear.gather @!p0 [hbm4b:s2+s0], $0x400, $0x38;
	[tilespmem:$0x10400] =	vst v63  }
0x16: {  	s2 =	simm.s32 @!p0 $0x5  }
0x17: {  	_ =	swait.ge @!p0 [sflag:s2], $0x400  }
0x18: {  	s3 =	sld [smem:$0x7FB]  }
0x19: {  	[sflag:s2] =	ssyncset.done @!p0 $0x0  }
0x1a: {  	[sflag:s2] =	ssyncadd.s32 @!p0 $0xFFFFFC00  }
0x1b: {  	[hbm4b:s3+s0] =	stream.linear.scatter @!p0 [tilespmem:s1], [sflag:$0x5], $0x400, $0x38;
	[tilespmem:$0x10400] =	vst v63  }
0x1c: {  	_ =	swait.ge @!p0 [sflag:s2], $0x400  }
0x1d: {  	s30 =	sld [smem:$0x7F5]  }
0x1e: {  	s31 =	sld [smem:$0x7FC];
	_ =	sdelay $0x1  }
0x1f: {  	s1 =	sadd.s32 $0x1, s30  }
0x20: {  	p1 =	sne.s32 s1, s31  }
.Ltmp1:
0x21: {  	_ = 	snop;
	(pc) =	sbr.rel @!p1 .LBB2_10-.Ltmp1, $3  }
0x22: {  	_ =	sdelay $0x1  }
0x23: {  	[sflag:s2] =	ssyncset.done @!p0 $0x0  }
0x24: {  	[sflag:s2] =	ssyncadd.s32 @!p0 $0xFFFFFC00  }
.LBB2_1:
0x25: {  	s29 =	sld [smem:$0x7F7]  }
.Ltmp2:
0x26: {  	s0 =	simm.s32 $0x0;
	(pc) =	sbr.rel .LBB2_2-.Ltmp2, $4  }
0x27: {  	s2 =	simm.s32 $0x2000;
	s3 =	simm.s32 $0x13D6400;
	s30 =	sld [smem:$0x7F8]  }
0x28: {  	[tilespmem:s0], [sflag:$0x1] =	stream.strided.gather [hbm4b:s29+s2], $0x4000, s3, s2, $0x38;
	[tilespmem:$0x10400] =	vst v63  }
0x29: {  	[smem:$0x7F5] =	sst s1;
	s31 =	simm.s32 $0x4000;
	s0 =	simm.s32 $0x0  }
0x2a: {  	[tilespmem:s31], [sflag:$0x2] =	stream.strided.gather [hbm4b:s30+s2], $0x4000, s3, s2, $0x38;
	[tilespmem:$0x10400] =	vst v63  }
.LBB2_8:
0x2b: {  	s0 =	sld [smem:$0x7FA]  }
0x2c: {  	s1 =	sld [smem:$0x7F1];
	_ =	sdelay $0x2  }
0x2d: {  	s0 =	sadd.s32 s0, s1  }
0x2e: {  	s31 =	sld [smem:$0x7F0];
	p1 =	sgt.u32 s0, $0x9EA  }
0x2f: {  	s1 =	rddreg [dreg:$0x0];
	s0 =	sshll.u32 @!p1 s0, $0xA;
	s2 =	simm.s32 @!p1 $0x13D6400  }
0x30: {  	s3 =	simm.s32 @!p1 $0x4000;
	s0 =	sadd.s32 @!p1 s1, s0;
	s1 =	simm.s32 @!p1 $0x2000  }
0x31: {  	[tilespmem:s3], [sflag:$0x2] =	stream.strided.gather @!p1 [hbm4b:s0+s1], $0x4000, s2, s1, $0x38;
	[tilespmem:$0x10400] =	vst v63  }
0x32: {  	s0 =	sadd.s32 $0x1, s31  }
0x33: {  	p1 =	sne.s32 s0, $0x28  }
.Ltmp3:
0x34: {  	_ = 	snop;
	(pc) =	sbr.rel @!p1 .LBB2_9-.Ltmp3, $1  }
0x35: {  	_ =	sdelay $0x3  }
.LBB2_2:
0x36: {  	p1 =	seq.s32 s0, $0x0  }
0x37: {  	[smem:$0x7F0] =	sst s0;
	s0 =	simm.s32 @!p1 $0x3  }
0x38: {  	_ =	swait.ge @!p1 [sflag:s0], $0x4000  }
0x39: {  	[sflag:s0] =	ssyncset.done @!p1 $0x0  }
0x3a: {  	s20 =	simm.s32 $0x1;
	[sflag:s0] =	ssyncadd.s32 @!p1 $0xFFFFC000  }
0x3b: {  	s3 =	simm.s32 $0x0;
	s9 =	simm.s32 $0x0;
	_ =	swait.ge [sflag:s20], $0x4000  }
0x3c: {  	s5 =	sand.u32 $0x1C00, s3;
	s4 =	sand.u32 $0x40, s9;
	[sflag:s20] =	ssyncset.done $0x0  }
0x3d: {  	s21 =	simm.s32 $0x0;
	s6 =	sor.u32 s4, s5;
	[sflag:s20] =	ssyncadd.s32 $0xFFFFC000  }
0x3e: {  	v2 =	vor.u32 s21, v0;
	v1 =	vld [tilespmem:s6+$0x0];
	_ =	sdelay $0x4  }
0x3f: {  	s22 =	simm.s32 $0x1;
	[tilespmem:v2+s28+$0x0] =	vst.idx.msk $0xffff, v1  }
0x40: {  	s1 =	simm.s32 $0x10;
	v1 =	vor.u32 s22, v0;
	v2 =	vld [tilespmem:s6+$0x80]  }
0x41: {  	s17 =	sand.u32 $0x50, s1  }
0x42: {  	s2 =	simm.s32 $0x100;
	s11 =	sor.u32 s17, s5  }
0x43: {  	v4 =	vor.u32 s2, v0;
	v3 =	vld [tilespmem:s11+$0x0];
	_ =	sdelay $0x1  }
0x44: {  	s23 =	simm.s32 $0x2;
	[tilespmem:v1+s28+$0x0] =	vst.idx.msk $0xffff, v2  }
0x45: {  	v1 =	vor.u32 s23, v0;
	v2 =	vld [tilespmem:s6+$0x100];
	_ =	sdelay $0x1  }
0x46: {  	s8 =	simm.s32 $0x20;
	s7 =	simm.s32 $0x101;
	[tilespmem:v4+s28+$0x0] =	vst.idx.msk $0xffff, v3  }
0x47: {  	s2 =	sand.u32 $0x60, s8;
	v4 =	vor.u32 s7, v0;
	v3 =	vld [tilespmem:s11+$0x80]  }
0x48: {  	s10 =	simm.s32 $0x200;
	s12 =	sor.u32 s2, s5  }
0x49: {  	s24 =	simm.s32 $0x3;
	v5 =	vor.u32 s10, v0;
	v6 =	vld [tilespmem:s12+$0x0];
	[tilespmem:v1+s28+$0x0] =	vst.idx.msk $0xffff, v2  }
0x4a: {  	v2 =	vor.u32 s24, v0;
	v1 =	vld [tilespmem:s6+$0x180]  }
0x4b: {  	p2 =	por $0x0, $0x0;
	s6 =	simm.s32 $0x1  }
0x4c: {  	s25 =	simm.s32 $0x102;
	[tilespmem:v4+s28+$0x0] =	vst.idx.msk $0xffff, v3;
	s6 =	simm.s32 @!p2 $0x0  }
0x4d: {  	v4 =	vor.u32 s25, v0;
	v3 =	vld [tilespmem:s11+$0x100];
	s6 =	sshll.u32 s6, $0x6  }
0x4e: {  	s26 =	simm.s32 $0x201;
	s21 =	simm.s32 $0x30;
	[tilespmem:v5+s28+$0x0] =	vst.idx.msk $0xffff, v6;
	s13 =	sadd.s32 $0x0, s6  }
0x4f: {  	s15 =	simm.s32 $0x4;
	v5 =	vor.u32 s26, v0;
	v6 =	vld [tilespmem:s12+$0x80];
	s6 =	sand.u32 $0x70, s21;
	s14 =	sor.u32 $0x200, s13;
	[tilespmem:v2+s28+$0x0] =	vst.idx.msk $0xffff, v1  }
0x50: {  	s16 =	simm.s32 $0x300;
	s10 =	sor.u32 s6, s5;
	v2 =	vor.u32 s15, v0;
	v1 =	vld [tilespmem:s14+$0x0]  }
0x51: {  	v8 =	vor.u32 s16, v0;
	v7 =	vld [tilespmem:s10+$0x0]  }
0x52: {  	s0 =	simm.s32 $0x103;
	[tilespmem:v4+s28+$0x0] =	vst.idx.msk $0xffff, v3  }
0x53: {  	v4 =	vor.u32 s0, v0;
	v3 =	vld [tilespmem:s11+$0x180]  }
0x54: {  	s7 =	simm.s32 $0x202;
	[tilespmem:v5+s28+$0x0] =	vst.idx.msk $0xffff, v6;
	s15 =	sand.u32 $0x7, s3  }
0x55: {  	s18 =	simm.s32 $0x5;
	v5 =	vor.u32 s7, v0;
	v6 =	vld [tilespmem:s12+$0x100];
	s16 =	sor.u32 $0x280, s13;
	s11 =	sshll.u32 s15, $0x4;
	[tilespmem:v2+s28+$0x0] =	vst.idx.msk $0xffff, v1  }
0x56: {  	s19 =	simm.s32 $0x301;
	s11 =	sadd.s32 $0x0, s11;
	[tilespmem:v8+s28+$0x0] =	vst.idx.msk $0xffff, v7;
	v2 =	vor.u32 s18, v0;
	v1 =	vld [tilespmem:s16+$0x0]  }
0x57: {  	s14 =	sadd.s32 $0x10, s11;
	v7 =	vor.u32 s19, v0;
	v8 =	vld [tilespmem:s10+$0x80]  }
0x58: {  	s22 =	simm.s32 $0x104;
	[tilespmem:v4+s28+$0x0] =	vst.idx.msk $0xffff, v3;
	s20 =	sor.u32 $0x200, s14  }
0x59: {  	v4 =	vor.u32 s22, v0;
	v3 =	vld [tilespmem:s20+$0x0]  }
0x5a: {  	s23 =	simm.s32 $0x203;
	[tilespmem:v5+s28+$0x0] =	vst.idx.msk $0xffff, v6  }
0x5b: {  	s25 =	simm.s32 $0x6;
	v6 =	vor.u32 s23, v0;
	v5 =	vld [tilespmem:s12+$0x180];
	s13 =	sor.u32 $0x300, s13;
	[tilespmem:v2+s28+$0x0] =	vst.idx.msk $0xffff, v1  }
0x5c: {  	s26 =	simm.s32 $0x302;
	s24 =	sand.u32 $0x3, s3;
	[tilespmem:v7+s28+$0x0] =	vst.idx.msk $0xffff, v8;
	v2 =	vor.u32 s25, v0;
	v1 =	vld [tilespmem:s13+$0x0]  }
0x5d: {  	s12 =	sshll.u32 s24, $0x5;
	v7 =	vor.u32 s26, v0;
	v8 =	vld [tilespmem:s10+$0x100]  }
0x5e: {  	s7 =	simm.s32 $0x105;
	s12 =	sadd.s32 $0x0, s12;
	s0 =	sor.u32 $0x280, s14;
	[tilespmem:v4+s28+$0x0] =	vst.idx.msk $0xffff, v3  }
0x5f: {  	s12 =	sadd.s32 $0x20, s12;
	v4 =	vor.u32 s7, v0;
	v3 =	vld [tilespmem:s0+$0x0]  }
0x60: {  	s9 =	sor.u32 s9, s3;
	[tilespmem:v6+s28+$0x0] =	vst.idx.msk $0xffff, v5;
	s15 =	sor.u32 $0x200, s12;
	s16 =	simm.s32 $0x204  }
0x61: {  	s9 =	sor.u32 $0x380, s9;
	v5 =	vld [tilespmem:s15+$0x0];
	s18 =	simm.s32 $0x7;
	v6 =	vor.u32 s16, v0;
	[tilespmem:v2+s28+$0x0] =	vst.idx.msk $0xffff, v1  }
0x62: {  	s19 =	simm.s32 $0x303;
	[tilespmem:v7+s28+$0x0] =	vst.idx.msk $0xffff, v8;
	v2 =	vor.u32 s18, v0;
	v1 =	vld [tilespmem:s9+$0x0]  }
0x63: {  	v8 =	vor.u32 s19, v0;
	v7 =	vld [tilespmem:s10+$0x180]  }
0x64: {  	s22 =	simm.s32 $0x106;
	s20 =	sor.u32 $0x300, s14;
	[tilespmem:v4+s28+$0x0] =	vst.idx.msk $0xffff, v3  }
0x65: {  	v4 =	vor.u32 s22, v0;
	v3 =	vld [tilespmem:s20+$0x0]  }
0x66: {  	s24 =	simm.s32 $0x205;
	s23 =	sor.u32 $0x280, s12;
	s14 =	sor.u32 $0x2000, s5;
	[tilespmem:v6+s28+$0x0] =	vst.idx.msk $0xffff, v5  }
0x67: {  	s26 =	simm.s32 $0x8;
	s25 =	sor.u32 s4, s14;
	v6 =	vor.u32 s24, v0;
	v5 =	vld [tilespmem:s23+$0x0];
	s10 =	sadd.s32 $0x30, s11;
	[tilespmem:v2+s28+$0x0] =	vst.idx.msk $0xffff, v1  }
0x68: {  	s7 =	simm.s32 $0x304;
	s0 =	sor.u32 $0x200, s10;
	[tilespmem:v8+s28+$0x0] =	vst.idx.msk $0xffff, v7;
	v2 =	vor.u32 s26, v0;
	v1 =	vld [tilespmem:s25+$0x0]  }
0x69: {  	s1 =	sor.u32 s1, s3;
	v8 =	vor.u32 s7, v0;
	v7 =	vld [tilespmem:s0+$0x0]  }
0x6a: {  	s1 =	sor.u32 $0x380, s1;
	s13 =	simm.s32 $0x107;
	[tilespmem:v4+s28+$0x0] =	vst.idx.msk $0xffff, v3  }
0x6b: {  	v4 =	vor.u32 s13, v0;
	v3 =	vld [tilespmem:s1+$0x0]  }
0x6c: {  	s15 =	sor.u32 $0x300, s12;
	s16 =	simm.s32 $0x206;
	s19 =	sor.u32 $0x2080, s5;
	[tilespmem:v6+s28+$0x0] =	vst.idx.msk $0xffff, v5  }
0x6d: {  	s23 =	simm.s32 $0x9;
	s22 =	sor.u32 s4, s19;
	v6 =	vor.u32 s16, v0;
	v5 =	vld [tilespmem:s15+$0x0];
	[tilespmem:v2+s28+$0x0] =	vst.idx.msk $0xffff, v1  }
0x6e: {  	s31 =	simm.s32 $0x50;
	s24 =	sor.u32 $0x280, s10;
	s26 =	simm.s32 $0x305;
	[tilespmem:v8+s28+$0x0] =	vst.idx.msk $0xffff, v7;
	v2 =	vor.u32 s23, v0;
	v1 =	vld [tilespmem:s22+$0x0]  }
0x6f: {  	s8 =	sor.u32 s8, s3;
	s3 =	sor.u32 s21, s3;
	s20 =	sor.u32 $0x2100, s5;
	v8 =	vor.u32 s26, v0;
	v7 =	vld [tilespmem:s24+$0x0]  }
0x70: {  	s18 =	sor.u32 s17, s14;
	s11 =	sor.u32 $0x380, s8;
	s7 =	simm.s32 $0x108;
	[tilespmem:v4+s28+$0x0] =	vst.idx.msk $0xffff, v3  }
0x71: {  	s8 =	simm.s32 $0x200;
	s9 =	sor.u32 s17, s19;
	s16 =	sor.u32 s4, s20;
	v4 =	vor.u32 s7, v0;
	v3 =	vld [tilespmem:s18+$0x0]  }
0x72: {  	s10 =	sor.u32 $0x300, s10;
	s8 =	sand.u32 $0x1C00, s8;
	s15 =	simm.s32 $0x207;
	[tilespmem:v6+s28+$0x0] =	vst.idx.msk $0xffff, v5  }
0x73: {  	s0 =	sor.u32 s2, s14;
	s25 =	sor.u32 $0x2180, s5;
	v6 =	vor.u32 s15, v0;
	v5 =	vld [tilespmem:s11+$0x0];
	s26 =	simm.s32 $0xA;
	[tilespmem:v2+s28+$0x0] =	vst.idx.msk $0xffff, v1  }
0x74: {  	s15 =	simm.s32 $0x60;
	s12 =	sor.u32 s2, s25;
	s7 =	sand.u32 $0x50, s31;
	[tilespmem:v8+s28+$0x0] =	vst.idx.msk $0xffff, v7;
	v2 =	vor.u32 s26, v0;
	v1 =	vld [tilespmem:s16+$0x0]  }
0x75: {  	s11 =	simm.s32 $0x500;
	s29 =	sor.u32 s7, s8;
	v7 =	vld [tilespmem:s10+$0x0];
	[smem:$0x7EB] =	sst s12  }
0x76: {  	s18 =	sor.u32 s6, s14;
	s14 =	simm.s32 $0x109;
	s23 =	sor.u32 s4, s25;
	v8 =	vor.u32 s11, v0;
	[tilespmem:v4+s28+$0x0] =	vst.idx.msk $0xffff, v3;
	v3 =	vld [tilespmem:s29+$0x0]  }
0x77: {  	s24 =	sor.u32 s17, s25;
	v9 =	vor.u32 s14, v0;
	s26 =	simm.s32 $0x306;
	v4 =	vld [tilespmem:s9+$0x0];
	s9 =	sand.u32 $0x60, s15  }
0x78: {  	s10 =	simm.s32 $0x600;
	[tilespmem:v6+s28+$0x0] =	vst.idx.msk $0xffff, v5;
	v5 =	vor.u32 s26, v0;
	s15 =	simm.s32 $0x40;
	s21 =	sor.u32 s9, s8  }
0x79: {  	s25 =	sor.u32 s6, s25;
	v10 =	vor.u32 s10, v0;
	s12 =	simm.s32 $0x208;
	s11 =	sand.u32 $0x40, s15;
	v11 =	vld [tilespmem:s21+$0x0];
	[tilespmem:v2+s28+$0x0] =	vst.idx.msk $0xffff, v1  }
0x7a: {  	s26 =	simm.s32 $0x400;
	v6 =	vld [tilespmem:s0+$0x0];
	v1 =	vor.u32 s12, v0;
	[smem:$0x7EC] =	sst s25;
	s25 =	sor.u32 s11, s8  }
0x7b: {  	v12 =	vor.u32 s26, v0;
	s0 =	simm.s32 $0x501;
	v13 =	vld [tilespmem:s25+$0x0];
	[tilespmem:v8+s28+$0x0] =	vst.idx.msk $0xffff, v3  }
0x7c: {  	s13 =	sor.u32 s17, s20;
	s1 =	simm.s32 $0x10A;
	v3 =	vor.u32 s0, v0;
	[tilespmem:v9+s28+$0x0] =	vst.idx.msk $0xffff, v4;
	v4 =	vld [tilespmem:s29+$0x80]  }
0x7d: {  	s10 =	simm.s32 $0x70;
	v9 =	vor.u32 s1, v0;
	[tilespmem:v5+s28+$0x0] =	vst.idx.msk $0xffff, v7;
	v8 =	vld [tilespmem:s13+$0x0]  }
0x7e: {  	s30 =	sor.u32 $0x2280, s5;
	s3 =	sor.u32 $0x380, s3;
	s14 =	sand.u32 $0x70, s10;
	v2 =	vld [tilespmem:s23+$0x0];
	[tilespmem:v10+s28+$0x0] =	vst.idx.msk $0xffff, v11  }
0x7f: {  	s22 =	sor.u32 s2, s19;
	s10 =	sor.u32 s14, s8;
	v5 =	vld [tilespmem:s3+$0x0];
	s13 =	simm.s32 $0x700;
	[tilespmem:v1+s28+$0x0] =	vst.idx.msk $0xffff, v6  }
0x80: {  	s26 =	simm.s32 $0xB;
	s12 =	simm.s32 $0x307;
	v10 =	vor.u32 s13, v0;
	v11 =	vld [tilespmem:s10+$0x0];
	s13 =	simm.s32 $0x401;
	[tilespmem:v12+s28+$0x0] =	vst.idx.msk $0xffff, v13  }
0x81: {  	s23 =	sor.u32 $0x2200, s5;
	s1 =	sor.u32 $0x2300, s5;
	v7 =	vor.u32 s12, v0;
	v52 =	vor.u32 s13, v0;
	s13 =	simm.s32 $0x502;
	v6 =	vld [tilespmem:s22+$0x0];
	[tilespmem:v3+s28+$0x0] =	vst.idx.msk $0xffff, v4  }
0x82: {  	s0 =	sor.u32 $0x2380, s5;
	s5 =	sor.u32 s4, s30;
	v13 =	vld [tilespmem:s25+$0x80];
	v3 =	vor.u32 s13, v0;
	[tilespmem:v9+s28+$0x0] =	vst.idx.msk $0xffff, v8;
	s13 =	sor.u32 s6, s30  }
0x83: {  	s3 =	sor.u32 s4, s23;
	v4 =	vld [tilespmem:s29+$0x100];
	[smem:$0x7ED] =	sst s13;
	s13 =	simm.s32 $0x10B  }
0x84: {  	s12 =	sor.u32 s4, s1;
	v1 =	vor.u32 s26, v0;
	s26 =	sor.u32 s4, s0;
	v9 =	vor.u32 s13, v0;
	s13 =	sor.u32 s2, s30  }
0x85: {  	s4 =	sor.u32 s17, s23;
	v8 =	vld [tilespmem:s24+$0x0];
	[smem:$0x7EE] =	sst s13;
	s13 =	simm.s32 $0x308  }
0x86: {  	s24 =	sor.u32 s17, s30;
	[tilespmem:v7+s28+$0x0] =	vst.idx.msk $0xffff, v5;
	v7 =	vor.u32 s13, v0;
	s13 =	sor.u32 s17, s1;
	s17 =	sor.u32 s17, s0  }
0x87: {  	s19 =	sor.u32 s6, s19;
	v5 =	vld [tilespmem:s18+$0x0];
	[smem:$0x7F3] =	sst s17;
	s18 =	simm.s32 $0x601  }
0x88: {  	s16 =	sor.u32 s2, s20;
	s20 =	sor.u32 s6, s20;
	[tilespmem:v10+s28+$0x0] =	vst.idx.msk $0xffff, v11;
	v10 =	vor.u32 s18, v0;
	s18 =	sor.u32 s6, s1  }
0x89: {  	s22 =	sor.u32 s6, s23;
	s6 =	sor.u32 s6, s0;
	[smem:$0x7EF] =	sst s18  }
0x8a: {  	[smem:$0x7F4] =	sst s6  }
0x8b: {  	v11 =	vld [tilespmem:s21+$0x80];
	[tilespmem:v1+s28+$0x0] =	vst.idx.msk $0xffff, v2  }
0x8c: {  	s23 =	sor.u32 s2, s23;
	[tilespmem:v52+s28+$0x0] =	vst.idx.msk $0xffff, v13  }
0x8d: {  	s30 =	sor.u32 s2, s1;
	s17 =	simm.s32 $0x200;
	s0 =	sor.u32 s2, s0;
	[tilespmem:v3+s28+$0x0] =	vst.idx.msk $0xffff, v4;
	v1 =	vld [tilespmem:s3+$0x0]  }
0x8e: {  	s2 =	sor.u32 $0x2000, s8;
	s18 =	simm.s32 $0xC;
	s6 =	simm.s32 $0x402;
	[tilespmem:v9+s28+$0x0] =	vst.idx.msk $0xffff, v8;
	v13 =	vld [tilespmem:s25+$0x100]  }
0x8f: {  	s1 =	sor.u32 s11, s2;
	v2 =	vor.u32 s18, v0;
	v53 =	vor.u32 s6, v0;
	s18 =	sor.u32 s15, s17;
	s6 =	simm.s32 $0x209;
	v4 =	vld [tilespmem:s29+$0x180];
	[tilespmem:v7+s28+$0x0] =	vst.idx.msk $0xffff, v5  }
0x90: {  	v3 =	vor.u32 s6, v0;
	s6 =	sor.u32 s31, s17;
	v9 =	vld [tilespmem:s4+$0x0];
	s17 =	simm.s32 $0x10C;
	s4 =	sor.u32 s9, s2;
	[tilespmem:v10+s28+$0x0] =	vst.idx.msk $0xffff, v11  }
0x91: {  	s15 =	simm.s32 $0x503;
	v5 =	vor.u32 s17, v0;
	s17 =	simm.s32 $0x4;
	v7 =	vld [tilespmem:s19+$0x0];
	[dreg:$0x16] =	wrdreg s4  }
0x92: {  	s29 =	sor.u32 s7, s2;
	s2 =	sor.u32 s14, s2;
	[dreg:$0x4] =	wrdreg s17  }
0x93: {  	v8 =	vor.u32 s15, v0;
	s3 =	simm.s32 $0x701;
	[dreg:$0x12] =	wrdreg s2  }
0x94: {  	s15 =	simm.s32 $0x4;
	v10 =	vor.u32 s3, v0;
	v11 =	vld [tilespmem:s10+$0x80];
	[tilespmem:v2+s28+$0x0] =	vst.idx.msk $0xffff, v1  }
0x95: {  	s19 =	sand.u32 $0x7, s15;
	[tilespmem:v53+s28+$0x0] =	vst.idx.msk $0xffff, v13  }
0x96: {  	s15 =	sshll.u32 s19, $0x4;
	[tilespmem:v5+s28+$0x0] =	vst.idx.msk $0xffff, v9;
	v9 =	vld [tilespmem:s21+$0x100]  }
0x97: {  	s19 =	simm.s32 $0xD;
	s15 =	sadd.s32 $0x200, s15;
	s17 =	simm.s32 $0x309;
	[tilespmem:v3+s28+$0x0] =	vst.idx.msk $0xffff, v6;
	v2 =	vld [tilespmem:s5+$0x0]  }
0x98: {  	s3 =	sor.u32 $0x2080, s8;
	s2 =	sadd.s32 $0x10, s15;
	v1 =	vor.u32 s17, v0;
	[tilespmem:v8+s28+$0x0] =	vst.idx.msk $0xffff, v4;
	v13 =	vld [tilespmem:s25+$0x180];
	s25 =	simm.s32 $0x403  }
0x99: {  	v54 =	vor.u32 s19, v0;
	v6 =	vld [tilespmem:s16+$0x0];
	s5 =	simm.s32 $0x20A;
	s16 =	sor.u32 $0x200, s2;
	v3 =	vor.u32 s25, v0;
	s25 =	sor.u32 s7, s3;
	[tilespmem:v10+s28+$0x0] =	vst.idx.msk $0xffff, v11  }
0x9a: {  	v4 =	vor.u32 s5, v0;
	v8 =	vld [tilespmem:s16+$0x0];
	s5 =	sor.u32 s9, s3;
	[dreg:$0x9] =	wrdreg s25  }
0x9b: {  	s16 =	sor.u32 s11, s3;
	s3 =	sor.u32 s14, s3;
	[dreg:$0x13] =	wrdreg s5  }
0x9c: {  	[dreg:$0xe] =	wrdreg s3  }
0x9d: {  	p2 =	por !p2, !p2;
	s19 =	simm.s32 $0x602;
	s17 =	simm.s32 $0x1;
	[tilespmem:v1+s28+$0x0] =	vst.idx.msk $0xffff, v7  }
0x9e: {  	v5 =	vor.u32 s19, v0;
	s19 =	simm.s32 $0x702;
	s17 =	simm.s32 @!p2 $0x0;
	s3 =	sor.u32 $0x2100, s8;
	v11 =	vld [tilespmem:s10+$0x100];
	[tilespmem:v54+s28+$0x0] =	vst.idx.msk $0xffff, v2  }
0x9f: {  	v10 =	vor.u32 s19, v0;
	s25 =	sshll.u32 s17, $0x6;
	s5 =	simm.s32 $0x30A;
	[tilespmem:v3+s28+$0x0] =	vst.idx.msk $0xffff, v13;
	s19 =	sor.u32 s11, s3;
	v1 =	vld [tilespmem:s20+$0x0]  }
0xa0: {  	v7 =	vor.u32 s5, v0;
	s5 =	sadd.s32 $0x200, s25;
	v2 =	vld [tilespmem:s12+$0x0];
	[dreg:$0xa] =	wrdreg s19  }
0xa1: {  	s20 =	sor.u32 $0x200, s5;
	[tilespmem:v4+s28+$0x0] =	vst.idx.msk $0xffff, v6  }
0xa2: {  	s17 =	simm.s32 $0xE;
	s12 =	sor.u32 s7, s3;
	v3 =	vld [tilespmem:s20+$0x0];
	s20 =	sld [smem:$0x7EB]  }
0xa3: {  	v55 =	vor.u32 s17, v0;
	s17 =	sor.u32 s9, s3;
	[dreg:$0x17] =	wrdreg s12  }
0xa4: {  	s3 =	sor.u32 s14, s3;
	[dreg:$0xb] =	wrdreg s17  }
0xa5: {  	v4 =	vld [tilespmem:s20+$0x0];
	[dreg:$0xc] =	wrdreg s3  }
0xa6: {  	s3 =	sor.u32 $0x2180, s8;
	[tilespmem:v5+s28+$0x0] =	vst.idx.msk $0xffff, v9  }
0xa7: {  	[tilespmem:v10+s28+$0x0] =	vst.idx.msk $0xffff, v11;
	s12 =	sor.u32 s7, s3  }
0xa8: {  	v9 =	vld [tilespmem:s21+$0x180];
	[dreg:$0x15] =	wrdreg s12  }
0xa9: {  	[tilespmem:v7+s28+$0x0] =	vst.idx.msk $0xffff, v1  }
0xaa: {  	s25 =	simm.s32 $0x404;
	s19 =	simm.s32 $0x20B;
	s21 =	sld [smem:$0x7EC]  }
0xab: {  	v56 =	vor.u32 s25, v0;
	s25 =	simm.s32 $0x504;
	v6 =	vor.u32 s19, v0;
	s19 =	sor.u32 s9, s3  }
0xac: {  	v5 =	vor.u32 s25, v0;
	s25 =	sor.u32 s11, s3;
	s3 =	sor.u32 s14, s3;
	v11 =	vld [tilespmem:s10+$0x180];
	[dreg:$0x7] =	wrdreg s19  }
0xad: {  	s17 =	simm.s32 $0x603;
	v1 =	vld [tilespmem:s21+$0x0];
	[dreg:$0x8] =	wrdreg s3  }
0xae: {  	s20 =	simm.s32 $0x30B;
	v10 =	vor.u32 s17, v0;
	s19 =	simm.s32 $0x2;
	[tilespmem:v55+s28+$0x0] =	vst.idx.msk $0xffff, v2  }
0xaf: {  	s17 =	simm.s32 $0xF;
	v7 =	vor.u32 s20, v0;
	[dreg:$0xd] =	wrdreg s19  }
0xb0: {  	v57 =	vor.u32 s17, v0;
	s21 =	sor.u32 $0x280, s5;
	v2 =	vld [tilespmem:s26+$0x0];
	[tilespmem:v56+s28+$0x0] =	vst.idx.msk $0xffff, v3;
	s26 =	simm.s32 $0x405  }
0xb1: {  	s10 =	simm.s32 $0x2;
	[tilespmem:v6+s28+$0x0] =	vst.idx.msk $0xffff, v4;
	v3 =	vld [tilespmem:s21+$0x0];
	v58 =	vor.u32 s26, v0  }
0xb2: {  	s4 =	sor.u32 $0x2200, s8;
	s17 =	sor.u32 $0x2280, s8;
	s20 =	sand.u32 $0x3, s10;
	[tilespmem:v5+s28+$0x0] =	vst.idx.msk $0xffff, v8  }
0xb3: {  	s12 =	simm.s32 $0x703;
	s10 =	sor.u32 $0x2300, s8;
	s3 =	sshll.u32 s20, $0x5;
	[tilespmem:v10+s28+$0x0] =	vst.idx.msk $0xffff, v9;
	v9 =	vld [tilespmem:s24+$0x0]  }
0xb4: {  	s20 =	simm.s32 $0x505;
	s19 =	sor.u32 $0x280, s2;
	v4 =	vor.u32 s12, v0;
	v6 =	vld [tilespmem:s23+$0x0];
	s21 =	sadd.s32 $0x200, s3;
	[tilespmem:v7+s28+$0x0] =	vst.idx.msk $0xffff, v1  }
0xb5: {  	v8 =	vor.u32 s20, v0;
	s12 =	sor.u32 $0x2380, s8;
	v5 =	vld [tilespmem:s19+$0x0];
	s23 =	simm.s32 $0x10D;
	s8 =	sadd.s32 $0x20, s21;
	[tilespmem:v57+s28+$0x0] =	vst.idx.msk $0xffff, v2  }
0xb6: {  	v10 =	vor.u32 s23, v0;
	s21 =	sor.u32 s11, s4;
	v1 =	vld [tilespmem:s22+$0x0];
	s19 =	sor.u32 $0x200, s8;
	[tilespmem:v58+s28+$0x0] =	vst.idx.msk $0xffff, v3  }
0xb7: {  	s22 =	sor.u32 s11, s17;
	v2 =	vld [tilespmem:s19+$0x0];
	[dreg:$0x19] =	wrdreg s21  }
0xb8: {  	s26 =	simm.s32 $0x30C;
	[dreg:$0x14] =	wrdreg s22  }
0xb9: {  	s5 =	sor.u32 $0x300, s5;
	s20 =	simm.s32 $0x604;
	s3 =	sadd.s32 $0x30, s15;
	v7 =	vor.u32 s26, v0;
	[tilespmem:v4+s28+$0x0] =	vst.idx.msk $0xffff, v11  }
0xba: {  	v59 =	vor.u32 s20, v0;
	s23 =	simm.s32 $0x406;
	s24 =	sor.u32 $0x200, s3;
	v3 =	vld [tilespmem:s5+$0x0];
	[tilespmem:v8+s28+$0x0] =	vst.idx.msk $0xffff, v5  }
0xbb: {  	s2 =	sor.u32 $0x300, s2;
	v60 =	vor.u32 s23, v0;
	s19 =	sor.u32 s7, s4;
	[tilespmem:v10+s28+$0x0] =	vst.idx.msk $0xffff, v9;
	v4 =	vld [tilespmem:s24+$0x0]  }
0xbc: {  	s26 =	simm.s32 $0x704;
	s22 =	sor.u32 s9, s4;
	v5 =	vld [tilespmem:s2+$0x0];
	[dreg:$0x18] =	wrdreg s19  }
0xbd: {  	v11 =	vor.u32 s26, v0;
	v10 =	vld [tilespmem:s13+$0x0];
	[dreg:$0xf] =	wrdreg s22  }
0xbe: {  	s15 =	simm.s32 $0x506;
	s20 =	simm.s32 $0x20C;
	s23 =	sor.u32 s11, s10;
	[tilespmem:v7+s28+$0x0] =	vst.idx.msk $0xffff, v1  }
0xbf: {  	s21 =	sor.u32 s11, s12;
	s11 =	sor.u32 $0x280, s8;
	v8 =	vor.u32 s15, v0;
	s5 =	sld [smem:$0x7ED];
	[tilespmem:v59+s28+$0x0] =	vst.idx.msk $0xffff, v2  }
0xc0: {  	s26 =	sor.u32 s14, s4;
	v9 =	vor.u32 s20, v0;
	s15 =	sor.u32 $0x380, s18;
	v2 =	vld [tilespmem:s11+$0x0];
	[tilespmem:v60+s28+$0x0] =	vst.idx.msk $0xffff, v3  }
0xc1: {  	s18 =	sor.u32 $0x280, s3;
	s4 =	sor.u32 s7, s12;
	s24 =	simm.s32 $0x30D;
	v3 =	vld [tilespmem:s15+$0x0]  }
0xc2: {  	s19 =	sor.u32 s14, s17;
	s13 =	simm.s32 $0x605;
	s22 =	sor.u32 s9, s17;
	v7 =	vor.u32 s24, v0;
	[tilespmem:v11+s28+$0x0] =	vst.idx.msk $0xffff, v4;
	v1 =	vld [tilespmem:s5+$0x0]  }
0xc3: {  	s24 =	sor.u32 s7, s17;
	v61 =	vor.u32 s13, v0;
	s17 =	simm.s32 $0x407;
	v4 =	vld [tilespmem:s18+$0x0];
	[dreg:$0x10] =	wrdreg s4  }
0xc4: {  	s20 =	simm.s32 $0x705;
	v62 =	vor.u32 s17, v0;
	[tilespmem:v8+s28+$0x0] =	vst.idx.msk $0xffff, v5  }
0xc5: {  	s11 =	sor.u32 s9, s10;
	v11 =	vor.u32 s20, v0;
	s5 =	sor.u32 $0x380, s6;
	s6 =	simm.s32 $0x507;
	[tilespmem:v9+s28+$0x0] =	vst.idx.msk $0xffff, v6  }
0xc6: {  	s15 =	sor.u32 s9, s12;
	v14 =	vor.u32 s6, v0;
	v8 =	vld [tilespmem:s5+$0x0];
	[dreg:$0x11] =	wrdreg s11  }
0xc7: {  	s18 =	sor.u32 s14, s10;
	s14 =	sor.u32 s14, s12;
	s12 =	sld [smem:$0x7EE];
	[tilespmem:v7+s28+$0x0] =	vst.idx.msk $0xffff, v1  }
0xc8: {  	s20 =	sld [smem:$0x7EF];
	[tilespmem:v61+s28+$0x0] =	vst.idx.msk $0xffff, v2  }
0xc9: {  	[tilespmem:v62+s28+$0x0] =	vst.idx.msk $0xffff, v3  }
0xca: {  	s17 =	sor.u32 s7, s10;
	[tilespmem:v11+s28+$0x0] =	vst.idx.msk $0xffff, v4  }
0xcb: {  	s7 =	simm.s32 $0x10E;
	s5 =	sor.u32 $0x300, s8;
	v15 =	vld [tilespmem:s12+$0x0];
	s9 =	sld [smem:$0x7F0];
	[tilespmem:v14+s28+$0x0] =	vst.idx.msk $0xffff, v8  }
0xcc: {  	s13 =	simm.s32 $0x30E;
	v9 =	vor.u32 s7, v0;
	v2 =	vld [tilespmem:s5+$0x0];
	s12 =	sld [smem:$0x7FD]  }
0xcd: {  	s31 =	simm.s32 $0x200;
	s3 =	sor.u32 $0x300, s3;
	v16 =	vor.u32 s13, v0;
	s6 =	simm.s32 $0x606;
	v7 =	vld [tilespmem:s20+$0x0]  }
0xce: {  	s13 =	simm.s32 $0x30F;
	v63 =	vor.u32 s6, v0;
	s8 =	simm.s32 $0x408;
	v13 =	vld [tilespmem:s1+$0x0];
	s10 =	sshll.u32 s9, $0x6  }
0xcf: {  	s4 =	simm.s32 $0x60;
	v17 =	vor.u32 s8, v0;
	v5 =	vld [tilespmem:s3+$0x0];
	[smem:$0x7F1] =	sst s10;
	s1 =	sor.u32 s12, s10  }
0xd0: {  	s2 =	sor.u32 s4, s31;
	s7 =	simm.s32 $0x70;
	[smem:$0x7F2] =	sst s1  }
0xd1: {  	s4 =	sor.u32 $0x380, s2;
	s11 =	simm.s32 $0x20D;
	s6 =	simm.s32 $0x20F;
	[tilespmem:v9+s28+$0x0] =	vst.idx.msk $0xffff, v10  }
0xd2: {  	s2 =	simm.s32 $0x40A;
	v18 =	vor.u32 s11, v0;
	s8 =	simm.s32 $0x10F;
	s5 =	sld [smem:$0x7F3];
	[tilespmem:v16+s28+$0x0] =	vst.idx.msk $0xffff, v7  }
0xd3: {  	s11 =	simm.s32 $0x50A;
	v4 =	vor.u32 s13, v0;
	s13 =	simm.s32 $0x409;
	v6 =	vld [tilespmem:s29+$0x0];
	s12 =	sld [smem:$0x7F4];
	[tilespmem:v63+s28+$0x0] =	vst.idx.msk $0xffff, v2  }
0xd4: {  	s3 =	simm.s32 $0xB0;
	s20 =	sor.u32 s7, s31;
	s7 =	simm.s32 $0x70F;
	[tilespmem:v17+s28+$0x0] =	vst.idx.msk $0xffff, v13;
	v10 =	vld [tilespmem:s4+$0x0]  }
0xd5: {  	s31 =	simm.s32 $0xB0F;
	s9 =	simm.s32 $0x508;
	s10 =	simm.s32 $0x20E;
	v8 =	vld [tilespmem:s16+$0x0]  }
0xd6: {  	s1 =	simm.s32 $0x608;
	s29 =	simm.s32 $0x4;
	v9 =	vor.u32 s13, v0;
	v7 =	vor.u32 s9, v0;
	v3 =	vld [tilespmem:s12+$0x0];
	s12 =	simm.s32 $0x607  }
0xd7: {  	s13 =	simm.s32 $0x400;
	s9 =	simm.s32 $0x509;
	v2 =	vor.u32 s10, v0;
	s10 =	simm.s32 $0x706;
	[tilespmem:v18+s28+$0x0] =	vst.idx.msk $0xffff, v15;
	v1 =	vld [tilespmem:s5+$0x0];
	v11 =	vor.u32 s12, v0  }
.LBB2_3:
0xd8: {  	[smem:$0x7D8] =	sst s21  }
0xd9: {  	[smem:$0x7DA] =	sst s26  }
0xda: {  	[smem:$0x7D9] =	sst s24  }
0xdb: {  	[smem:$0x7DE] =	sst s14  }
0xdc: {  	[smem:$0x7DC] =	sst s15  }
0xdd: {  	[smem:$0x7DF] =	sst s17  }
0xde: {  	[smem:$0x7E1] =	sst s19  }
0xdf: {  	[smem:$0x7E5] =	sst s22  }
0xe0: {  	[smem:$0x7E7] =	sst s18  }
0xe1: {  	s15 =	sadd.s32 $0xFFFFFFD0, s3;
	s16 =	sand.u32 $0x1C00, s13;
	s12 =	sand.u32 $0x70, s3  }
0xe2: {  	s17 =	sadd.s32 $0xFFFFFFE0, s3;
	s19 =	sadd.s32 $0xFFFFFFF0, s3;
	s21 =	rddreg [dreg:$0x9]  }
0xe3: {  	v14 =	vor.u32 s6, v0;
	s6 =	sadd.s32 $0xFFFFFCF1, s31;
	s5 =	sand.u32 $0x40, s15;
	s15 =	sor.u32 s15, s13  }
0xe4: {  	s24 =	sadd.s32 $0xFFFFFDF1, s31;
	[smem:$0x7E3] =	sst s15;
	s15 =	sor.u32 s19, s13  }
0xe5: {  	s26 =	sadd.s32 $0xFFFFFEF1, s31;
	s20 =	sor.u32 $0x380, s20;
	[tilespmem:v7+s28+$0x0] =	vst.idx.msk $0xffff, v6;
	[dreg:$0x1f] =	wrdreg s15  }
0xe6: {  	v12 =	vld [tilespmem:s30+$0x0];
	s4 =	sand.u32 $0x50, s17;
	s18 =	sor.u32 s5, s16;
	[tilespmem:v4+s28+$0x0] =	vst.idx.msk $0xffff, v3;
	s15 =	rddreg [dreg:$0x16]  }
0xe7: {  	v4 =	vor.u32 s10, v0;
	s10 =	sor.u32 $0x2000, s16;
	v7 =	vld [tilespmem:s21+$0x0];
	[tilespmem:v11+s28+$0x0] =	vst.idx.msk $0xffff, v10;
	v11 =	vor.u32 s24, v0;
	s21 =	sor.u32 s17, s13;
	s24 =	rddreg [dreg:$0xa]  }
0xe8: {  	s22 =	sand.u32 $0x60, s19;
	v3 =	vld [tilespmem:s18+$0x0];
	[tilespmem:v9+s28+$0x0] =	vst.idx.msk $0xffff, v8;
	v8 =	vor.u32 s26, v0;
	s26 =	sor.u32 s5, s10;
	[smem:$0x7E4] =	sst s21  }
0xe9: {  	v13 =	vor.u32 s9, v0;
	s30 =	sor.u32 s12, s16;
	v6 =	vor.u32 s8, v0;
	s9 =	sor.u32 s4, s10;
	[smem:$0x7E9] =	sst s26  }
0xea: {  	v15 =	vor.u32 s2, v0;
	s2 =	sor.u32 $0x2100, s16;
	s17 =	sor.u32 s22, s10;
	[smem:$0x7EA] =	sst s9  }
0xeb: {  	s8 =	sor.u32 s4, s16;
	s10 =	sor.u32 s12, s10;
	[smem:$0x7D1] =	sst s17  }
0xec: {  	v10 =	vld [tilespmem:s8+$0x0];
	s9 =	sor.u32 $0x2080, s16;
	s17 =	sadd.s32 $0xFFFFFDF2, s31;
	[smem:$0x7D4] =	sst s10  }
0xed: {  	s14 =	sor.u32 s22, s16;
	v9 =	vld [tilespmem:s24+$0x0];
	[tilespmem:v2+s28+$0x0] =	vst.idx.msk $0xffff, v12;
	s24 =	sor.u32 s5, s9;
	v45 =	vor.u32 s17, v0;
	s17 =	rddreg [dreg:$0x17]  }
0xee: {  	s19 =	sadd.s32 $0xFFFFFFF2, s31;
	v2 =	vld [tilespmem:s0+$0x0];
	s26 =	sor.u32 s4, s9;
	[dreg:$0x1e] =	wrdreg s24;
	[tilespmem:v6+s28+$0x0] =	vst.idx.msk $0xffff, v1  }
0xef: {  	s21 =	sadd.s32 $0xFFFFFCF2, s31;
	s0 =	sor.u32 $0x2180, s16;
	[dreg:$0x9] =	wrdreg s26;
	v6 =	vld [tilespmem:s14+$0x0];
	[tilespmem:v4+s28+$0x0] =	vst.idx.msk $0xffff, v5  }
0xf0: {  	v12 =	vld [tilespmem:s15+$0x0];
	s24 =	sadd.s32 $0xFFFFFFF1, s31;
	s26 =	sor.u32 s22, s9;
	s15 =	sor.u32 s4, s0;
	v1 =	vor.u32 s19, v0;
	[tilespmem:v13+s28+$0x0] =	vst.idx.msk $0xffff, v7;
	v7 =	vor.u32 s6, v0  }
0xf1: {  	v4 =	vor.u32 s21, v0;
	s19 =	sor.u32 s5, s2;
	s21 =	sadd.s32 $0xFFFFFEF2, s31;
	[smem:$0x7D2] =	sst s26;
	v5 =	vld [tilespmem:s30+$0x0];
	[tilespmem:v11+s28+$0x0] =	vst.idx.msk $0xffff, v10;
	v10 =	vor.u32 s1, v0  }
0xf2: {  	v46 =	vor.u32 s24, v0;
	[smem:$0x7D3] =	sst s15;
	s24 =	sadd.s32 $0xFFFFFFF3, s31;
	s26 =	sadd.s32 $0xFFFFFCF3, s31;
	[tilespmem:v15+s28+$0x0] =	vst.idx.msk $0xffff, v9;
	v11 =	vld [tilespmem:s8+$0x80]  }
0xf3: {  	[dreg:$0xa] =	wrdreg s19;
	s6 =	sor.u32 s5, s0;
	s1 =	sor.u32 $0x2200, s16;
	v16 =	vld [tilespmem:s25+$0x0];
	[tilespmem:v14+s28+$0x0] =	vst.idx.msk $0xffff, v2  }
0xf4: {  	v9 =	vor.u32 s21, v0;
	[smem:$0x7D6] =	sst s6;
	s21 =	sadd.s32 $0xFFFFFFF8, s7;
	s15 =	sor.u32 s5, s1;
	[tilespmem:v8+s28+$0x0] =	vst.idx.msk $0xffff, v6;
	v6 =	vld [tilespmem:s17+$0x0];
	v8 =	vor.u32 s11, v0  }
0xf5: {  	s6 =	sor.u32 s12, s0;
	s25 =	sadd.s32 $0xFFFFFCFC, s7;
	[smem:$0x7D5] =	sst s15;
	[tilespmem:v7+s28+$0x0] =	vst.idx.msk $0xffff, v3;
	v3 =	vld [tilespmem:s20+$0x0];
	v7 =	vor.u32 s21, v0  }
0xf6: {  	v2 =	vor.u32 s24, v0;
	s24 =	sor.u32 s4, s1;
	s15 =	rddreg [dreg:$0x4];
	s21 =	sor.u32 s22, s0;
	[tilespmem:v10+s28+$0x0] =	vst.idx.msk $0xffff, v12  }
0xf7: {  	s11 =	sor.u32 s12, s9;
	s20 =	sadd.s32 $0xFFFFFEF3, s31;
	[smem:$0x7D7] =	sst s21;
	[tilespmem:v45+s28+$0x0] =	vst.idx.msk $0xffff, v11;
	v11 =	vld [tilespmem:s14+$0x80]  }
0xf8: {  	v17 =	vor.u32 s25, v0;
	s17 =	sadd.s32 $0xFFFFFDF3, s31;
	s9 =	smov.u32 s23;
	[tilespmem:v46+s28+$0x0] =	vst.idx.msk $0xffff, v5;
	v5 =	vor.u32 s20, v0;
	s20 =	rddreg [dreg:$0x13];
	v48 =	vld [tilespmem:s8+$0x100]  }
0xf9: {  	v10 =	vor.u32 s26, v0;
	s26 =	sadd.s32 $0xFFFFFDFC, s7;
	s21 =	rddreg [dreg:$0x15];
	[tilespmem:v8+s28+$0x0] =	vst.idx.msk $0xffff, v6;
	v6 =	vld [tilespmem:s20+$0x0];
	s20 =	sadd.s32 $0xFFFFFFF9, s7  }
0xfa: {  	s23 =	sor.u32 $0x2280, s16;
	v50 =	vor.u32 s26, v0;
	s26 =	rddreg [dreg:$0x12];
	[tilespmem:v7+s28+$0x0] =	vst.idx.msk $0xffff, v3;
	v7 =	vor.u32 s20, v0;
	s20 =	sor.u32 s12, s1  }
0xfb: {  	v49 =	vor.u32 s17, v0;
	s10 =	sor.u32 s5, s23;
	s17 =	sor.u32 $0x2300, s16;
	v47 =	vld [tilespmem:s18+$0x80];
	[smem:$0x7DB] =	sst s20  }
0xfc: {  	s0 =	sadd.s32 $0xFFFFFEFA, s7;
	v3 =	vld [tilespmem:s26+$0x0];
	s26 =	rddreg [dreg:$0x19];
	s20 =	sor.u32 s4, s17  }
0xfd: {  	s16 =	sor.u32 $0x2380, s16;
	[tilespmem:v17+s28+$0x0] =	vst.idx.msk $0xffff, v16;
	v8 =	vld [tilespmem:s21+$0x0];
	[smem:$0x7E0] =	sst s20;
	s20 =	sor.u32 s12, s23  }
0xfe: {  	s21 =	sor.u32 s5, s17;
	[tilespmem:v9+s28+$0x0] =	vst.idx.msk $0xffff, v11;
	v9 =	vld [tilespmem:s26+$0x0];
	s26 =	sadd.s32 $0xFFFFFCFD, s7;
	[smem:$0x7E2] =	sst s20  }
0xff: {  	v11 =	vor.u32 s0, v0;
	s0 =	sadd.s32 $0x4, s15;
	s15 =	sor.u32 s5, s16;
	s20 =	rddreg [dreg:$0xd]  }
0x100: {  	s5 =	sor.u32 s22, s1;
	v51 =	vor.u32 s26, v0;
	s26 =	sadd.s32 $0xFFFFFDF4, s31;
	[dreg:$0x4] =	wrdreg s0  }
0x101: {  	s1 =	sadd.s32 $0x2, s20;
	s20 =	sor.u32 s4, s23;
	s23 =	sor.u32 s22, s23  }
0x102: {  	s19 =	sor.u32 s4, s2;
	v52 =	vor.u32 s26, v0;
	s26 =	sor.u32 s12, s17;
	[smem:$0x7E6] =	sst s23  }
0x103: {  	s25 =	sor.u32 s22, s2;
	s2 =	sor.u32 s12, s2;
	[tilespmem:v49+s28+$0x0] =	vst.idx.msk $0xffff, v48;
	[smem:$0x7E8] =	sst s26  }
0x104: {  	[tilespmem:v4+s28+$0x0] =	vst.idx.msk $0xffff, v47;
	v12 =	vld [tilespmem:s8+$0x180];
	s8 =	sadd.s32 $0xFFFFFDFD, s7;
	s4 =	sor.u32 s4, s16;
	s26 =	rddreg [dreg:$0x18]  }
0x105: {  	v16 =	vld [tilespmem:s18+$0x100];
	v53 =	vor.u32 s8, v0;
	s8 =	sor.u32 s22, s16;
	s16 =	sor.u32 s12, s16;
	s12 =	rddreg [dreg:$0x14]  }
0x106: {  	v4 =	vld [tilespmem:s30+$0x80];
	[tilespmem:v50+s28+$0x0] =	vst.idx.msk $0xffff, v8;
	s22 =	sor.u32 s22, s17;
	s17 =	rddreg [dreg:$0xb]  }
0x107: {  	s0 =	sand.u32 $0x7, s0;
	s23 =	sadd.s32 $0xFFFFFFFA, s7;
	[dreg:$0xd] =	wrdreg s1;
	v8 =	vld [tilespmem:s26+$0x0];
	[tilespmem:v7+s28+$0x0] =	vst.idx.msk $0xffff, v3  }
0x108: {  	v3 =	vld [tilespmem:s14+$0x100];
	s26 =	sshll.u32 s0, $0x4;
	[smem:$0x7DD] =	sst s8;
	s0 =	simm.s32 $0x8000;
	[tilespmem:v11+s28+$0x0] =	vst.idx.msk $0xffff, v6  }
0x109: {  	s8 =	rddreg [dreg:$0xe];
	v7 =	vor.u32 s23, v0;
	s23 =	sadd.s32 s13, s26;
	[tilespmem:v51+s28+$0x0] =	vst.idx.msk $0xffff, v9;
	s28 =	sadd.s32 $0xFFFFFCFE, s7  }
0x10a: {  	v6 =	vld [tilespmem:s8+$0x0];
	s8 =	sadd.s32 $0xFFFFFCF4, s31;
	s26 =	sadd.s32 $0xFFFFFEFB, s7;
	[tilespmem:v10+s0+$0x0] =	vst.idx.msk $0xffff, v16;
	v10 =	vor.u32 s28, v0;
	s28 =	simm.s32 $0x8000  }
0x10b: {  	v55 =	vor.u32 s26, v0;
	s26 =	smov.u32 s19;
	s0 =	sld [smem:$0x7D1];
	v11 =	vld [tilespmem:s18+$0x180];
	[tilespmem:v52+s28+$0x0] =	vst.idx.msk $0xffff, v12;
	s18 =	sadd.s32 $0x10, s23  }
0x10c: {  	v54 =	vor.u32 s8, v0;
	[dreg:$0x17] =	wrdreg s26;
	v9 =	vld [tilespmem:s12+$0x0];
	s8 =	sor.u32 $0x200, s18;
	[tilespmem:v53+s28+$0x0] =	vst.idx.msk $0xffff, v8  }
0x10d: {  	v13 =	vld [tilespmem:s8+$0x0];
	s8 =	rddreg [dreg:$0xc]  }
0x10e: {  	s12 =	sadd.s32 $0x30, s23;
	[tilespmem:v1+s28+$0x0] =	vst.idx.msk $0xffff, v4;
	v8 =	vld [tilespmem:s17+$0x0];
	s23 =	smov.u32 s0;
	s0 =	sld [smem:$0x7D7]  }
0x10f: {  	v1 =	vld [tilespmem:s30+$0x100];
	[tilespmem:v7+s28+$0x0] =	vst.idx.msk $0xffff, v6;
	[dreg:$0x16] =	wrdreg s23;
	s23 =	sadd.s32 $0xFFFFFFFB, s7  }
0x110: {  	v4 =	vld [tilespmem:s8+$0x0];
	s8 =	smov.u32 s11;
	v6 =	vor.u32 s23, v0;
	s23 =	sld [smem:$0x7D2]  }
0x111: {  	p2 =	por !p2, !p2;
	s17 =	simm.s32 $0x1;
	[dreg:$0xe] =	wrdreg s8;
	[tilespmem:v10+s28+$0x0] =	vst.idx.msk $0xffff, v9  }
0x112: {  	s17 =	simm.s32 @!p2 $0x0;
	s11 =	sadd.s32 $0xFFFFFDF5, s31;
	s8 =	sld [smem:$0x7D8];
	[tilespmem:v54+s28+$0x0] =	vst.idx.msk $0xffff, v11  }
0x113: {  	s17 =	sshll.u32 s17, $0x6;
	[tilespmem:v55+s28+$0x0] =	vst.idx.msk $0xffff, v8;
	v8 =	vor.u32 s11, v0;
	s11 =	smov.u32 s2;
	v7 =	vld [tilespmem:s9+$0x0];
	s9 =	sld [smem:$0x7D3]  }
0x114: {  	s19 =	sadd.s32 s17, s13;
	s26 =	smov.u32 s23;
	[dreg:$0xc] =	wrdreg s11  }
0x115: {  	s23 =	sor.u32 $0x200, s19;
	[dreg:$0x13] =	wrdreg s26  }
0x116: {  	s17 =	sadd.s32 $0xFFFFFCFF, s7;
	v10 =	vld [tilespmem:s23+$0x0];
	s23 =	sld [smem:$0x7D4]  }
0x117: {  	v9 =	vor.u32 s17, v0;
	s17 =	smov.u32 s9;
	s9 =	rddreg [dreg:$0x7]  }
0x118: {  	s26 =	sadd.s32 $0xFFFFFCF5, s31;
	[dreg:$0x15] =	wrdreg s17  }
0x119: {  	[tilespmem:v5+s28+$0x0] =	vst.idx.msk $0xffff, v3;
	v11 =	vor.u32 s26, v0;
	s26 =	smov.u32 s23;
	s23 =	sld [smem:$0x7D5]  }
0x11a: {  	v3 =	vld [tilespmem:s9+$0x0];
	s9 =	smov.u32 s25;
	s25 =	sld [smem:$0x7D6]  }
0x11b: {  	[dreg:$0x12] =	wrdreg s26  }
0x11c: {  	v12 =	vld [tilespmem:s14+$0x180];
	s14 =	sadd.s32 $0xFFFFFD00, s7;
	[dreg:$0xb] =	wrdreg s9  }
0x11d: {  	s17 =	sadd.s32 $0xFFFFFEFC, s7;
	s9 =	smov.u32 s0;
	[tilespmem:v9+s28+$0x0] =	vst.idx.msk $0xffff, v7;
	v9 =	vor.u32 s14, v0;
	s14 =	rddreg [dreg:$0x10]  }
0x11e: {  	v5 =	vor.u32 s17, v0;
	s17 =	sadd.s32 $0xFFFFFEF4, s31;
	[dreg:$0x7] =	wrdreg s9  }
0x11f: {  	[tilespmem:v2+s28+$0x0] =	vst.idx.msk $0xffff, v1;
	v1 =	vor.u32 s17, v0;
	s17 =	rddreg [dreg:$0x8];
	s26 =	smov.u32 s23  }
0x120: {  	s23 =	smov.u32 s24;
	[dreg:$0x19] =	wrdreg s26  }
0x121: {  	v2 =	vld [tilespmem:s30+$0x180];
	s11 =	sadd.s32 $0xFFFFFFF4, s31;
	[tilespmem:v6+s28+$0x0] =	vst.idx.msk $0xffff, v4;
	s24 =	smov.u32 s10;
	[dreg:$0x18] =	wrdreg s23  }
0x122: {  	s9 =	smov.u32 s14;
	s14 =	sadd.s32 $0xFFFFFEF5, s31;
	v4 =	vld [tilespmem:s17+$0x0];
	[tilespmem:v11+s28+$0x0] =	vst.idx.msk $0xffff, v10;
	[dreg:$0x14] =	wrdreg s24  }
0x123: {  	s17 =	sadd.s32 $0xFFFFFDF6, s31;
	s26 =	sadd.s32 $0xFFFFFFFC, s7;
	v7 =	vld [tilespmem:s8+$0x0];
	s8 =	sld [smem:$0x7D9]  }
0x124: {  	s23 =	smov.u32 s21;
	s21 =	smov.u32 s6;
	v56 =	vor.u32 s17, v0;
	s17 =	sld [smem:$0x7DB]  }
0x125: {  	s24 =	sor.u32 $0x280, s19;
	s6 =	smov.u32 s5;
	s5 =	sld [smem:$0x7DF]  }
0x126: {  	[tilespmem:v8+s28+$0x0] =	vst.idx.msk $0xffff, v13;
	[dreg:$0x8] =	wrdreg s21;
	s21 =	smov.u32 s15;
	v10 =	vld [tilespmem:s24+$0x0];
	s15 =	sor.u32 $0x280, s18  }
0x127: {  	s10 =	sand.u32 $0x3, s1;
	v6 =	vor.u32 s26, v0;
	s26 =	sadd.s32 $0xFFFFFCF6, s31;
	s24 =	rddreg [dreg:$0xf];
	[tilespmem:v5+s28+$0x0] =	vst.idx.msk $0xffff, v3;
	v8 =	vld [tilespmem:s15+$0x0]  }
0x128: {  	s0 =	sshll.u32 s10, $0x5;
	s10 =	sadd.s32 $0xFFFFFFFD, s7;
	[dreg:$0xf] =	wrdreg s6;
	v11 =	vor.u32 s26, v0;
	v5 =	vld [tilespmem:s24+$0x0]  }
0x129: {  	s0 =	sadd.s32 s13, s0;
	s15 =	sld [smem:$0x7DA];
	[tilespmem:v1+s28+$0x0] =	vst.idx.msk $0xffff, v12;
	v1 =	vld [tilespmem:s8+$0x0];
	s8 =	smov.u32 s4  }
0x12a: {  	s19 =	sor.u32 $0x300, s19;
	v3 =	vor.u32 s11, v0;
	s1 =	sadd.s32 $0x20, s0;
	[dreg:$0x10] =	wrdreg s8  }
0x12b: {  	s26 =	sadd.s32 $0xFFFFFDFE, s7;
	s11 =	sor.u32 $0x200, s1;
	s8 =	sld [smem:$0x7E3];
	[tilespmem:v9+s28+$0x0] =	vst.idx.msk $0xffff, v7  }
0x12c: {  	s24 =	smov.u32 s20;
	s20 =	sadd.s32 $0xFFFFFCF7, s31;
	v7 =	vld [tilespmem:s11+$0x0];
	v9 =	vor.u32 s14, v0;
	s14 =	sld [smem:$0x7DC];
	[tilespmem:v6+s28+$0x0] =	vst.idx.msk $0xffff, v4  }
0x12d: {  	s6 =	sadd.s32 $0xFFFFFFFE, s7;
	v57 =	vor.u32 s26, v0;
	s26 =	smov.u32 s17;
	v4 =	vld [tilespmem:s15+$0x0];
	[tilespmem:v11+s28+$0x0] =	vst.idx.msk $0xffff, v10;
	v11 =	vor.u32 s20, v0;
	s20 =	sld [smem:$0x7DE]  }
0x12e: {  	s17 =	sadd.s32 $0xFFFFFDF7, s31;
	s11 =	sadd.s32 $0xFFFFFFF5, s31;
	v6 =	vor.u32 s10, v0;
	v10 =	vld [tilespmem:s19+$0x0];
	s19 =	sld [smem:$0x7DD]  }
0x12f: {  	s10 =	sor.u32 $0x200, s12;
	[tilespmem:v3+s28+$0x0] =	vst.idx.msk $0xffff, v2;
	s15 =	sor.u32 $0x300, s18;
	v3 =	vor.u32 s11, v0;
	s11 =	rddreg [dreg:$0x11]  }
0x130: {  	[tilespmem:v56+s28+$0x0] =	vst.idx.msk $0xffff, v8;
	s18 =	sadd.s32 $0xFFFFFEFD, s7;
	v2 =	vld [tilespmem:s10+$0x0];
	s4 =	smov.u32 s20;
	s20 =	sld [smem:$0x7E2]  }
0x131: {  	s0 =	smov.u32 s14;
	v8 =	vld [tilespmem:s15+$0x0];
	s15 =	smov.u32 s19;
	s19 =	sld [smem:$0x7E1]  }
0x132: {  	v58 =	vor.u32 s17, v0;
	[tilespmem:v57+s28+$0x0] =	vst.idx.msk $0xffff, v1;
	s10 =	sld [smem:$0x7E0];
	s30 =	smov.u32 s11;
	s11 =	smov.u32 s22  }
0x133: {  	s14 =	smov.u32 s16;
	s16 =	sor.u32 $0x280, s1;
	v12 =	vld [tilespmem:s5+$0x0];
	[dreg:$0x11] =	wrdreg s11;
	[tilespmem:v6+s28+$0x0] =	vst.idx.msk $0xffff, v4  }
0x134: {  	v1 =	vor.u32 s18, v0;
	s18 =	sadd.s32 $0xFFFFFEF6, s31;
	[tilespmem:v9+s28+$0x0] =	vst.idx.msk $0xffff, v7;
	v6 =	vor.u32 s6, v0;
	v4 =	vld [tilespmem:s19+$0x0];
	s19 =	smov.u32 s20;
	s20 =	sld [smem:$0x7E4]  }
0x135: {  	s2 =	sor.u32 $0x380, s8;
	s11 =	sld [smem:$0x7E6];
	v9 =	vor.u32 s18, v0;
	s18 =	sadd.s32 $0xFFFFFFF6, s31;
	v7 =	vld [tilespmem:s16+$0x0];
	[tilespmem:v11+s28+$0x0] =	vst.idx.msk $0xffff, v10  }
0x136: {  	s17 =	smov.u32 s10;
	s10 =	sadd.s32 $0xFFFFFCF8, s31;
	s16 =	sor.u32 $0x280, s12;
	v10 =	vld [tilespmem:s2+$0x0];
	[tilespmem:v3+s28+$0x0] =	vst.idx.msk $0xffff, v2  }
0x137: {  	s29 =	sadd.s32 $0x4, s29;
	v11 =	vor.u32 s10, v0;
	[tilespmem:v58+s28+$0x0] =	vst.idx.msk $0xffff, v8;
	v3 =	vor.u32 s18, v0;
	s18 =	sld [smem:$0x7E7];
	v2 =	vld [tilespmem:s16+$0x0];
	s6 =	sor.u32 $0x380, s20  }
0x138: {  	s22 =	sadd.s32 $0xFFFFFDF8, s31;
	s10 =	smov.u32 s7;
	v8 =	vld [tilespmem:s6+$0x0];
	s6 =	sld [smem:$0x7E5]  }
0x139: {  	p3 =	slt.u32 s29, $0x3C;
	v59 =	vor.u32 s22, v0;
	s5 =	sadd.s32 $0xFFFFFDFF, s10;
	s20 =	sld [smem:$0x7E8];
	[tilespmem:v6+s28+$0x0] =	vst.idx.msk $0xffff, v4  }
0x13a: {  	s22 =	smov.u32 s11;
	s11 =	sld [smem:$0x7E9];
	[tilespmem:v1+s28+$0x0] =	vst.idx.msk $0xffff, v5;
	s8 =	sadd.s32 $0xFFFFFFFF, s10;
	v1 =	vor.u32 s5, v0;
	v4 =	vld [tilespmem:s18+$0x0]  }
0x13b: {  	s1 =	sor.u32 $0x300, s1;
	s7 =	smov.u32 s31;
	s16 =	sadd.s32 $0xFFFFFEF7, s31;
	v60 =	vld [tilespmem:s6+$0x0];
	[tilespmem:v9+s28+$0x0] =	vst.idx.msk $0xffff, v7;
	v9 =	vor.u32 s8, v0  }
0x13c: {  	[tilespmem:v11+s28+$0x0] =	vst.idx.msk $0xffff, v10;
	v11 =	vor.u32 s16, v0;
	s18 =	smov.u32 s20;
	s20 =	sld [smem:$0x7EA];
	s6 =	sadd.s32 $0xFFFFFCF9, s31;
	v10 =	vld [tilespmem:s1+$0x0]  }
0x13d: {  	s2 =	sadd.s32 $0xFFFFFDF9, s31;
	s16 =	sor.u32 $0x300, s12;
	v61 =	vld [tilespmem:s11+$0x0];
	[tilespmem:v3+s28+$0x0] =	vst.idx.msk $0xffff, v2;
	s8 =	sadd.s32 $0xFFFFFEFE, s10;
	v62 =	vor.u32 s6, v0  }
0x13e: {  	s5 =	sadd.s32 $0xFFFFFEFF, s10;
	s12 =	rddreg [dreg:$0x1f];
	s11 =	sadd.s32 $0xFFFFFDFB, s31;
	v5 =	vld [tilespmem:s16+$0x0];
	v63 =	vor.u32 s8, v0;
	[tilespmem:v59+s28+$0x0] =	vst.idx.msk $0xffff, v8  }
.Ltmp4:
0x13f: {  	v2 =	vor.u32 s5, v0;
	s5 =	sor.u32 $0x380, s12;
	v7 =	vor.u32 s2, v0;
	s2 =	sadd.s32 $0xFFFFFCFB, s31;
	v6 =	vld [tilespmem:s20+$0x0];
	[tilespmem:v1+s28+$0x0] =	vst.idx.msk $0xffff, v12;
	(pc) =	sbr.rel @p3 .LBB2_3-.Ltmp4, $4  }
0x140: {  	s16 =	sadd.s32 $0xFFFFFEF8, s31;
	s8 =	sadd.s32 $0xFFFFFE00, s10;
	s6 =	sadd.s32 $0xFFFFFF00, s10;
	v1 =	vld [tilespmem:s9+$0x0];
	[tilespmem:v9+s28+$0x0] =	vst.idx.msk $0xffff, v4  }
0x141: {  	s1 =	sadd.s32 $0xFFFFFEF9, s31;
	s20 =	sor.u32 s3, s13;
	s3 =	sadd.s32 $0x40, s3;
	[tilespmem:v11+s28+$0x0] =	vst.idx.msk $0xffff, v10;
	v3 =	vld [tilespmem:s4+$0x0]  }
0x142: {  	s13 =	sadd.s32 $0x200, s13;
	[tilespmem:v62+s28+$0x0] =	vst.idx.msk $0xffff, v61;
	s4 =	sadd.s32 $0xFFFFFCFA, s31;
	v11 =	vor.u32 s16, v0;
	s16 =	rddreg [dreg:$0x1e];
	v10 =	vld [tilespmem:s5+$0x0]  }
0x143: {  	s9 =	sadd.s32 $0xFFFFFDFA, s31;
	v4 =	vor.u32 s10, v0;
	s10 =	sadd.s32 $0xFFFFFFF7, s31;
	s31 =	sadd.s32 $0x400, s31;
	v8 =	vld [tilespmem:s16+$0x0];
	v9 =	vor.u32 s4, v0;
	[tilespmem:v63+s28+$0x0] =	vst.idx.msk $0xffff, v60  }
0x144: {  	v12 =	vor.u32 s10, v0;
	_ =	sdelay $0x4  }
0x145: {  	s3 =	sor.u32 $0x380, s20;
	s4 =	sadd.s32 $0xFFFFFFF8, s7;
	[tilespmem:v12+s28+$0x0] =	vst.idx.msk $0xffff, v5  }
0x146: {  	v34 =	vor.u32 s4, v0;
	v5 =	vld [tilespmem:s3+$0x0];
	_ =	sdelay $0x4  }
0x147: {  	[tilespmem:v34+s28+$0x0] =	vst.idx.msk $0xffff, v5  }
0x148: {  	s16 =	sadd.s32 $0xFFFFFFF9, s7;
	s20 =	rddreg [dreg:$0x12]  }
0x149: {  	v35 =	vor.u32 s16, v0;
	[tilespmem:v11+s28+$0x0] =	vst.idx.msk $0xffff, v10;
	v5 =	vld [tilespmem:s20+$0x0]  }
0x14a: {  	s29 =	rddreg [dreg:$0x16]  }
0x14b: {  	v36 =	vor.u32 s1, v0;
	v10 =	vld [tilespmem:s29+$0x0];
	_ =	sdelay $0x2  }
0x14c: {  	[tilespmem:v35+s28+$0x0] =	vst.idx.msk $0xffff, v5  }
0x14d: {  	s31 =	sadd.s32 $0xFFFFFFFA, s7;
	s4 =	rddreg [dreg:$0xe];
	[tilespmem:v7+s28+$0x0] =	vst.idx.msk $0xffff, v6  }
0x14e: {  	v37 =	vor.u32 s31, v0;
	v5 =	vld [tilespmem:s4+$0x0];
	s5 =	rddreg [dreg:$0x9];
	[tilespmem:v36+s28+$0x0] =	vst.idx.msk $0xffff, v10  }
0x14f: {  	v38 =	vor.u32 s9, v0;
	s10 =	sadd.s32 $0xFFFFFEFA, s7;
	v6 =	vld [tilespmem:s5+$0x0];
	s12 =	rddreg [dreg:$0x13]  }
0x150: {  	v39 =	vor.u32 s10, v0;
	v10 =	vld [tilespmem:s12+$0x0];
	_ =	sdelay $0x1  }
0x151: {  	[tilespmem:v9+s28+$0x0] =	vst.idx.msk $0xffff, v8  }
0x152: {  	s13 =	rddreg [dreg:$0xa];
	[tilespmem:v37+s28+$0x0] =	vst.idx.msk $0xffff, v5  }
0x153: {  	v40 =	vor.u32 s2, v0;
	s16 =	sadd.s32 $0xFFFFFFFB, s7;
	v8 =	vld [tilespmem:s13+$0x0];
	s20 =	rddreg [dreg:$0xc];
	[tilespmem:v38+s28+$0x0] =	vst.idx.msk $0xffff, v6  }
0x154: {  	v41 =	vor.u32 s16, v0;
	v5 =	vld [tilespmem:s20+$0x0];
	s29 =	rddreg [dreg:$0x17];
	[tilespmem:v39+s28+$0x0] =	vst.idx.msk $0xffff, v10  }
0x155: {  	v42 =	vor.u32 s11, v0;
	s31 =	sadd.s32 $0xFFFFFEFB, s7;
	v6 =	vld [tilespmem:s29+$0x0];
	s3 =	rddreg [dreg:$0xb]  }
0x156: {  	v43 =	vor.u32 s31, v0;
	v10 =	vld [tilespmem:s3+$0x0];
	_ =	sdelay $0x1  }
0x157: {  	s4 =	sadd.s32 $0xFFFFFCFC, s7;
	[tilespmem:v40+s28+$0x0] =	vst.idx.msk $0xffff, v8  }
0x158: {  	v44 =	vor.u32 s4, v0;
	v8 =	vld [tilespmem:s25+$0x0];
	[tilespmem:v41+s28+$0x0] =	vst.idx.msk $0xffff, v5  }
0x159: {  	s5 =	sadd.s32 $0xFFFFFFFC, s7;
	s9 =	rddreg [dreg:$0x8];
	[tilespmem:v42+s28+$0x0] =	vst.idx.msk $0xffff, v6  }
0x15a: {  	s10 =	sadd.s32 $0xFFFFFDFC, s7;
	v45 =	vor.u32 s5, v0;
	v5 =	vld [tilespmem:s9+$0x0];
	s11 =	rddreg [dreg:$0x15];
	[tilespmem:v43+s28+$0x0] =	vst.idx.msk $0xffff, v10  }
0x15b: {  	v46 =	vor.u32 s10, v0;
	s12 =	sadd.s32 $0xFFFFFEFC, s7;
	v7 =	vld [tilespmem:s11+$0x0];
	s13 =	rddreg [dreg:$0x7]  }
0x15c: {  	v47 =	vor.u32 s12, v0;
	v10 =	vld [tilespmem:s13+$0x0]  }
0x15d: {  	[tilespmem:v44+s28+$0x0] =	vst.idx.msk $0xffff, v8  }
0x15e: {  	s16 =	sadd.s32 $0xFFFFFCFD, s7;
	s20 =	rddreg [dreg:$0x19]  }
0x15f: {  	v48 =	vor.u32 s16, v0;
	v8 =	vld [tilespmem:s20+$0x0];
	[tilespmem:v45+s28+$0x0] =	vst.idx.msk $0xffff, v5  }
0x160: {  	s25 =	sadd.s32 $0xFFFFFFFD, s7;
	[tilespmem:v46+s28+$0x0] =	vst.idx.msk $0xffff, v7  }
0x161: {  	v49 =	vor.u32 s25, v0;
	v5 =	vld [tilespmem:s26+$0x0];
	s26 =	sadd.s32 $0xFFFFFDFD, s7;
	s29 =	rddreg [dreg:$0x18];
	[tilespmem:v47+s28+$0x0] =	vst.idx.msk $0xffff, v10  }
0x162: {  	s31 =	sadd.s32 $0xFFFFFEFD, s7;
	v50 =	vor.u32 s26, v0;
	v7 =	vld [tilespmem:s29+$0x0];
	s3 =	rddreg [dreg:$0xf]  }
0x163: {  	v51 =	vor.u32 s31, v0;
	v10 =	vld [tilespmem:s3+$0x0]  }
0x164: {  	[tilespmem:v48+s28+$0x0] =	vst.idx.msk $0xffff, v8  }
0x165: {  	s4 =	sadd.s32 $0xFFFFFCFE, s7;
	s5 =	rddreg [dreg:$0x14]  }
0x166: {  	v52 =	vor.u32 s4, v0;
	s9 =	sadd.s32 $0xFFFFFFFE, s7;
	v8 =	vld [tilespmem:s5+$0x0];
	[tilespmem:v49+s28+$0x0] =	vst.idx.msk $0xffff, v5  }
0x167: {  	s10 =	sadd.s32 $0xFFFFFDFE, s7;
	v53 =	vor.u32 s9, v0;
	v5 =	vld [tilespmem:s19+$0x0];
	[tilespmem:v50+s28+$0x0] =	vst.idx.msk $0xffff, v7  }
0x168: {  	v54 =	vor.u32 s10, v0;
	s11 =	sadd.s32 $0xFFFFFEFE, s7;
	v7 =	vld [tilespmem:s24+$0x0];
	[tilespmem:v51+s28+$0x0] =	vst.idx.msk $0xffff, v10  }
0x169: {  	v55 =	vor.u32 s11, v0;
	v10 =	vld [tilespmem:s22+$0x0];
	_ =	sdelay $0x1  }
0x16a: {  	v13 =	vld [tilespmem:s30+$0x0];
	s12 =	sadd.s32 $0xFFFFFCFF, s7;
	[tilespmem:v52+s28+$0x0] =	vst.idx.msk $0xffff, v8  }
0x16b: {  	v56 =	vor.u32 s12, v0;
	s13 =	sadd.s32 $0xFFFFFFFF, s7;
	v8 =	vld [tilespmem:s23+$0x0];
	[tilespmem:v53+s28+$0x0] =	vst.idx.msk $0xffff, v5  }
0x16c: {  	s16 =	sadd.s32 $0xFFFFFDFF, s7;
	v57 =	vor.u32 s13, v0;
	v5 =	vld [tilespmem:s18+$0x0];
	[tilespmem:v54+s28+$0x0] =	vst.idx.msk $0xffff, v7  }
0x16d: {  	v58 =	vor.u32 s16, v0;
	v7 =	vld [tilespmem:s17+$0x0];
	[tilespmem:v55+s28+$0x0] =	vst.idx.msk $0xffff, v10  }
0x16e: {  	s18 =	sadd.s32 $0xFFFFFEFF, s7;
	s19 =	rddreg [dreg:$0x11];
	[tilespmem:v4+s28+$0x0] =	vst.idx.msk $0xffff, v3  }
0x16f: {  	v59 =	vor.u32 s18, v0;
	[tilespmem:v2+s28+$0x0] =	vst.idx.msk $0xffff, v13;
	v11 =	vld [tilespmem:s19+$0x0]  }
0x170: {  	v3 =	vor.u32 s8, v0;
	[tilespmem:v56+s28+$0x0] =	vst.idx.msk $0xffff, v8  }
0x171: {  	s20 =	sadd.s32 $0xFFFFFD00, s7;
	v2 =	vor.u32 s6, v0;
	v60 =	vld [tilespmem:s0+$0x0];
	[tilespmem:v57+s28+$0x0] =	vst.idx.msk $0xffff, v5  }
0x172: {  	v61 =	vor.u32 s20, v0;
	v8 =	vld [tilespmem:s21+$0x0];
	[tilespmem:v58+s28+$0x0] =	vst.idx.msk $0xffff, v7  }
0x173: {  	v62 =	vor.u32 s7, v0;
	s21 =	sadd.s32 $0xFFFFFE00, s7;
	v5 =	vld [tilespmem:s14+$0x0];
	s23 =	rddreg [dreg:$0x10]  }
0x174: {  	s22 =	sadd.s32 $0xFFFFFF00, s7;
	v63 =	vor.u32 s21, v0;
	v7 =	vld [tilespmem:s23+$0x0];
	[tilespmem:v59+s28+$0x0] =	vst.idx.msk $0xffff, v11  }
0x175: {  	[tilespmem:v3+s28+$0x0] =	vst.idx.msk $0xffff, v1;
	v1 =	vor.u32 s22, v0;
	v3 =	vld [tilespmem:s15+$0x0]  }
0x176: {  	[tilespmem:v2+s28+$0x0] =	vst.idx.msk $0xffff, v60  }
0x177: {  	[tilespmem:v61+s28+$0x0] =	vst.idx.msk $0xffff, v8  }
0x178: {  	[tilespmem:v62+s28+$0x0] =	vst.idx.msk $0xffff, v5  }
0x179: {  	[tilespmem:v63+s28+$0x0] =	vst.idx.msk $0xffff, v7  }
0x17a: {  	s24 =	sld [smem:$0x7F2];
	[tilespmem:v1+s28+$0x0] =	vst.idx.msk $0xffff, v3  }
0x17b: {  	s26 =	sld [smem:$0x7F6]  }
0x17c: {  	s30 =	sld [smem:$0x7F9]  }
0x17d: {  	s31 =	sld [smem:$0x7F1];
	s25 =	sshll.u32 s24, $0xB  }
0x17e: {  	s29 =	simm.s32 $0x0;
	s0 =	sadd.s32 s26, s25  }
0x17f: {  	[hbm4b:s0+s29] =	stream.linear.scatter [tilespmem:s28], [sflag:$0x3], $0x4000, $0x38;
	[tilespmem:$0x10400] =	vst v63  }
0x180: {  	s0 =	sadd.s32 s30, s31  }
0x181: {  	p2 =	sgt.u32 s0, $0x9EA  }
0x182: {  	s1 =	rddreg [dreg:$0x0];
	s0 =	sshll.u32 @!p2 s0, $0xA;
	s2 =	simm.s32 @!p2 $0x13D6400  }
0x183: {  	s3 =	simm.s32 @!p2 $0x0;
	s0 =	sadd.s32 @!p2 s1, s0;
	s1 =	simm.s32 @!p2 $0x2000  }
0x184: {  	[tilespmem:s3], [sflag:$0x1] =	stream.strided.gather @!p2 [hbm4b:s0+s1], $0x4000, s2, s1, $0x38;
	[tilespmem:$0x10400] =	vst v63  }
0x185: {  	s0 =	sor.u32 $0x20, s24  }
0x186: {  	p2 =	sgt.u32 s0, $0x9EA  }
.Ltmp5:
0x187: {  	_ = 	snop;
	(pc) =	sbr.rel @p2 .LBB2_8-.Ltmp5, $1  }
0x188: {  	_ =	sdelay $0x3  }
0x189: {  	[smem:$0x7D0] =	sst s0;
	s0 =	simm.s32 @!p1 $0x4  }
0x18a: {  	_ =	swait.ge @!p1 [sflag:s0], $0x4000  }
0x18b: {  	[sflag:s0] =	ssyncset.done @!p1 $0x0  }
0x18c: {  	s1 =	simm.s32 $0x2;
	[sflag:s0] =	ssyncadd.s32 @!p1 $0xFFFFC000;
	s0 =	simm.s32 $0x0  }
0x18d: {  	s9 =	simm.s32 $0x0;
	_ =	swait.ge [sflag:s1], $0x4000;
	s6 =	sand.u32 $0x1C00, s0  }
0x18e: {  	s3 =	sand.u32 $0x40, s9;
	[sflag:s1] =	ssyncset.done $0x0;
	s10 =	sor.u32 $0x4000, s6  }
0x18f: {  	s2 =	simm.s32 $0x0;
	[sflag:s1] =	ssyncadd.s32 $0xFFFFC000;
	s11 =	sor.u32 s3, s10  }
0x190: {  	v2 =	vor.u32 s2, v0;
	s1 =	simm.s32 $0x30;
	v1 =	vld [tilespmem:s11+$0x0]  }
0x191: {  	s5 =	simm.s32 $0x300;
	s2 =	simm.s32 $0x10;
	s4 =	sand.u32 $0x70, s1  }
0x192: {  	s8 =	simm.s32 $0x20;
	v4 =	vor.u32 s5, v0;
	s5 =	sand.u32 $0x50, s2;
	s12 =	sor.u32 s4, s10  }
0x193: {  	s14 =	simm.s32 $0x100;
	s7 =	sand.u32 $0x60, s8;
	s13 =	sor.u32 s5, s10;
	v3 =	vld [tilespmem:s12+$0x0]  }
0x194: {  	s20 =	simm.s32 $0x200;
	s23 =	simm.s32 $0xC000;
	v6 =	vor.u32 s14, v0;
	v5 =	vld [tilespmem:s13+$0x0];
	s10 =	sor.u32 s7, s10  }
0x195: {  	s21 =	simm.s32 $0x1;
	v8 =	vor.u32 s20, v0;
	v7 =	vld [tilespmem:s10+$0x0];
	[tilespmem:v2+s23+$0x0] =	vst.idx.msk $0xffff, v1  }
0x196: {  	v2 =	vor.u32 s21, v0;
	v1 =	vld [tilespmem:s11+$0x80];
	_ =	sdelay $0x1  }
0x197: {  	s22 =	simm.s32 $0x301;
	[tilespmem:v4+s23+$0x0] =	vst.idx.msk $0xffff, v3  }
0x198: {  	s24 =	simm.s32 $0x101;
	[tilespmem:v6+s23+$0x0] =	vst.idx.msk $0xffff, v5;
	v4 =	vor.u32 s22, v0;
	v3 =	vld [tilespmem:s12+$0x80]  }
0x199: {  	s25 =	simm.s32 $0x201;
	v6 =	vor.u32 s24, v0;
	v5 =	vld [tilespmem:s13+$0x80];
	[tilespmem:v8+s23+$0x0] =	vst.idx.msk $0xffff, v7  }
0x19a: {  	s26 =	simm.s32 $0x2;
	v8 =	vor.u32 s25, v0;
	v7 =	vld [tilespmem:s10+$0x80];
	[tilespmem:v2+s23+$0x0] =	vst.idx.msk $0xffff, v1  }
0x19b: {  	v2 =	vor.u32 s26, v0;
	v1 =	vld [tilespmem:s11+$0x100];
	_ =	sdelay $0x1  }
0x19c: {  	s28 =	simm.s32 $0x302;
	[tilespmem:v4+s23+$0x0] =	vst.idx.msk $0xffff, v3  }
0x19d: {  	s29 =	simm.s32 $0x102;
	[tilespmem:v6+s23+$0x0] =	vst.idx.msk $0xffff, v5;
	v4 =	vor.u32 s28, v0;
	v3 =	vld [tilespmem:s12+$0x100]  }
0x19e: {  	s31 =	simm.s32 $0x202;
	v6 =	vor.u32 s29, v0;
	v5 =	vld [tilespmem:s13+$0x100];
	[tilespmem:v8+s23+$0x0] =	vst.idx.msk $0xffff, v7  }
0x19f: {  	s15 =	simm.s32 $0x3;
	v8 =	vor.u32 s31, v0;
	v7 =	vld [tilespmem:s10+$0x100];
	[tilespmem:v2+s23+$0x0] =	vst.idx.msk $0xffff, v1  }
0x1a0: {  	v2 =	vor.u32 s15, v0;
	v1 =	vld [tilespmem:s11+$0x180]  }
0x1a1: {  	s14 =	simm.s32 $0x1;
	p1 =	por $0x0, $0x0  }
0x1a2: {  	s16 =	simm.s32 $0x303;
	s14 =	simm.s32 @!p1 $0x0;
	[tilespmem:v4+s23+$0x0] =	vst.idx.msk $0xffff, v3  }
0x1a3: {  	s18 =	simm.s32 $0x103;
	s14 =	sshll.u32 s14, $0x6;
	[tilespmem:v6+s23+$0x0] =	vst.idx.msk $0xffff, v5;
	v4 =	vor.u32 s16, v0;
	v3 =	vld [tilespmem:s12+$0x180]  }
0x1a4: {  	s19 =	simm.s32 $0x203;
	s17 =	sand.u32 $0x7, s0;
	v6 =	vor.u32 s18, v0;
	v5 =	vld [tilespmem:s13+$0x180];
	s13 =	sadd.s32 $0x0, s14;
	[tilespmem:v8+s23+$0x0] =	vst.idx.msk $0xffff, v7  }
0x1a5: {  	s20 =	simm.s32 $0x4;
	s11 =	sshll.u32 s17, $0x4;
	v8 =	vor.u32 s19, v0;
	s21 =	sor.u32 $0x200, s13;
	v7 =	vld [tilespmem:s10+$0x180];
	[tilespmem:v2+s23+$0x0] =	vst.idx.msk $0xffff, v1  }
0x1a6: {  	s15 =	sand.u32 $0x3, s0;
	s11 =	sadd.s32 $0x0, s11;
	v2 =	vor.u32 s20, v0;
	v1 =	vld [tilespmem:s21+$0x4000]  }
0x1a7: {  	s24 =	simm.s32 $0x304;
	s15 =	sshll.u32 s15, $0x5;
	s12 =	sadd.s32 $0x30, s11  }
0x1a8: {  	s25 =	sadd.s32 $0x0, s15;
	s11 =	sadd.s32 $0x10, s11;
	s22 =	sor.u32 $0x200, s12;
	[tilespmem:v4+s23+$0x0] =	vst.idx.msk $0xffff, v3  }
0x1a9: {  	s28 =	simm.s32 $0x104;
	s10 =	sadd.s32 $0x20, s25;
	s26 =	sor.u32 $0x200, s11;
	[tilespmem:v6+s23+$0x0] =	vst.idx.msk $0xffff, v5;
	v4 =	vor.u32 s24, v0;
	v3 =	vld [tilespmem:s22+$0x4000]  }
0x1aa: {  	s31 =	simm.s32 $0x204;
	s29 =	sor.u32 $0x200, s10;
	v6 =	vor.u32 s28, v0;
	v5 =	vld [tilespmem:s26+$0x4000];
	[tilespmem:v8+s23+$0x0] =	vst.idx.msk $0xffff, v7  }
0x1ab: {  	s15 =	sor.u32 $0x280, s13;
	s16 =	simm.s32 $0x5;
	v8 =	vor.u32 s31, v0;
	v7 =	vld [tilespmem:s29+$0x4000];
	[tilespmem:v2+s23+$0x0] =	vst.idx.msk $0xffff, v1  }
0x1ac: {  	v2 =	vor.u32 s16, v0;
	v1 =	vld [tilespmem:s15+$0x4000];
	_ =	sdelay $0x1  }
0x1ad: {  	s18 =	simm.s32 $0x305;
	s17 =	sor.u32 $0x280, s12;
	[tilespmem:v4+s23+$0x0] =	vst.idx.msk $0xffff, v3  }
0x1ae: {  	s19 =	sor.u32 $0x280, s11;
	s20 =	simm.s32 $0x105;
	[tilespmem:v6+s23+$0x0] =	vst.idx.msk $0xffff, v5;
	v4 =	vor.u32 s18, v0;
	v3 =	vld [tilespmem:s17+$0x4000]  }
0x1af: {  	s21 =	sor.u32 $0x280, s10;
	s22 =	simm.s32 $0x205;
	v6 =	vor.u32 s20, v0;
	v5 =	vld [tilespmem:s19+$0x4000];
	[tilespmem:v8+s23+$0x0] =	vst.idx.msk $0xffff, v7  }
0x1b0: {  	s13 =	sor.u32 $0x300, s13;
	s24 =	simm.s32 $0x6;
	v8 =	vor.u32 s22, v0;
	v7 =	vld [tilespmem:s21+$0x4000];
	[tilespmem:v2+s23+$0x0] =	vst.idx.msk $0xffff, v1  }
0x1b1: {  	v2 =	vor.u32 s24, v0;
	v1 =	vld [tilespmem:s13+$0x4000];
	_ =	sdelay $0x1  }
0x1b2: {  	s25 =	simm.s32 $0x306;
	s12 =	sor.u32 $0x300, s12;
	[tilespmem:v4+s23+$0x0] =	vst.idx.msk $0xffff, v3  }
0x1b3: {  	s11 =	sor.u32 $0x300, s11;
	s26 =	simm.s32 $0x106;
	[tilespmem:v6+s23+$0x0] =	vst.idx.msk $0xffff, v5;
	v4 =	vor.u32 s25, v0;
	v3 =	vld [tilespmem:s12+$0x4000]  }
0x1b4: {  	s9 =	sor.u32 s9, s0;
	s28 =	simm.s32 $0x206;
	s10 =	sor.u32 $0x300, s10;
	v6 =	vor.u32 s26, v0;
	v5 =	vld [tilespmem:s11+$0x4000];
	[tilespmem:v8+s23+$0x0] =	vst.idx.msk $0xffff, v7  }
0x1b5: {  	s9 =	sor.u32 $0x380, s9;
	s29 =	simm.s32 $0x7;
	v8 =	vor.u32 s28, v0;
	v7 =	vld [tilespmem:s10+$0x4000];
	[tilespmem:v2+s23+$0x0] =	vst.idx.msk $0xffff, v1  }
0x1b6: {  	v2 =	vor.u32 s29, v0;
	v1 =	vld [tilespmem:s9+$0x4000]  }
0x1b7: {  	s1 =	sor.u32 s1, s0  }
0x1b8: {  	s2 =	sor.u32 s2, s0;
	s1 =	sor.u32 $0x380, s1;
	s31 =	simm.s32 $0x307;
	[tilespmem:v4+s23+$0x0] =	vst.idx.msk $0xffff, v3  }
0x1b9: {  	s0 =	sor.u32 s8, s0;
	[tilespmem:v6+s23+$0x0] =	vst.idx.msk $0xffff, v5;
	s9 =	simm.s32 $0x107;
	v4 =	vor.u32 s31, v0;
	v3 =	vld [tilespmem:s1+$0x4000];
	s1 =	sor.u32 $0x380, s2  }
0x1ba: {  	s0 =	sor.u32 $0x380, s0;
	s11 =	simm.s32 $0x207;
	s10 =	sor.u32 $0x6000, s6;
	v6 =	vor.u32 s9, v0;
	[tilespmem:v8+s23+$0x0] =	vst.idx.msk $0xffff, v7;
	v5 =	vld [tilespmem:s1+$0x4000]  }
0x1bb: {  	s13 =	simm.s32 $0x8;
	s12 =	sor.u32 s3, s10;
	v8 =	vor.u32 s11, v0;
	v7 =	vld [tilespmem:s0+$0x4000];
	[tilespmem:v2+s23+$0x0] =	vst.idx.msk $0xffff, v1  }
0x1bc: {  	v2 =	vor.u32 s13, v0;
	v1 =	vld [tilespmem:s12+$0x0];
	_ =	sdelay $0x1  }
0x1bd: {  	s15 =	simm.s32 $0x308;
	s14 =	sor.u32 s4, s10;
	[tilespmem:v4+s23+$0x0] =	vst.idx.msk $0xffff, v3  }
0x1be: {  	s17 =	simm.s32 $0x108;
	s16 =	sor.u32 s5, s10;
	v4 =	vor.u32 s15, v0;
	v3 =	vld [tilespmem:s14+$0x0];
	[tilespmem:v6+s23+$0x0] =	vst.idx.msk $0xffff, v5  }
0x1bf: {  	s20 =	simm.s32 $0x208;
	s19 =	sor.u32 $0x6080, s6;
	s18 =	sor.u32 s7, s10;
	[tilespmem:v8+s23+$0x0] =	vst.idx.msk $0xffff, v7;
	v6 =	vor.u32 s17, v0;
	v5 =	vld [tilespmem:s16+$0x0]  }
0x1c0: {  	s22 =	simm.s32 $0x9;
	s21 =	sor.u32 s3, s19;
	v8 =	vor.u32 s20, v0;
	v7 =	vld [tilespmem:s18+$0x0];
	[tilespmem:v2+s23+$0x0] =	vst.idx.msk $0xffff, v1  }
0x1c1: {  	v2 =	vor.u32 s22, v0;
	v1 =	vld [tilespmem:s21+$0x0]  }
0x1c2: {  	s8 =	simm.s32 $0x70;
	s24 =	sor.u32 s4, s19;
	s26 =	sor.u32 s5, s19  }
0x1c3: {  	s25 =	simm.s32 $0x309;
	s28 =	sor.u32 s7, s19;
	s0 =	sor.u32 $0x6100, s6;
	[tilespmem:v4+s23+$0x0] =	vst.idx.msk $0xffff, v3  }
0x1c4: {  	s9 =	simm.s32 $0x200;
	s11 =	simm.s32 $0x50;
	s29 =	sor.u32 s3, s0;
	v4 =	vor.u32 s25, v0;
	v3 =	vld [tilespmem:s24+$0x0];
	[tilespmem:v6+s23+$0x0] =	vst.idx.msk $0xffff, v5  }
0x1c5: {  	s12 =	simm.s32 $0x40;
	s14 =	simm.s32 $0x109;
	[tilespmem:v8+s23+$0x0] =	vst.idx.msk $0xffff, v7;
	s25 =	sand.u32 $0x1C00, s9;
	v5 =	vld [tilespmem:s26+$0x0]  }
0x1c6: {  	s16 =	simm.s32 $0xA;
	v6 =	vor.u32 s14, v0;
	s17 =	sor.u32 $0x4000, s25;
	s24 =	sand.u32 $0x50, s11;
	[tilespmem:v2+s23+$0x0] =	vst.idx.msk $0xffff, v1;
	v1 =	vld [tilespmem:s28+$0x0]  }
0x1c7: {  	s19 =	simm.s32 $0x500;
	v7 =	vor.u32 s16, v0;
	s16 =	sor.u32 s24, s17;
	s28 =	sand.u32 $0x40, s12;
	v2 =	vld [tilespmem:s29+$0x0]  }
0x1c8: {  	v11 =	vor.u32 s19, v0;
	s10 =	simm.s32 $0x60;
	s18 =	simm.s32 $0x400;
	v10 =	vld [tilespmem:s16+$0x0];
	s2 =	sor.u32 s28, s17  }
0x1c9: {  	s30 =	sand.u32 $0x60, s10;
	s31 =	sor.u32 s4, s0;
	s15 =	simm.s32 $0x30A;
	v9 =	vor.u32 s18, v0;
	[tilespmem:v4+s23+$0x0] =	vst.idx.msk $0xffff, v3;
	v8 =	vld [tilespmem:s2+$0x0]  }
0x1ca: {  	s20 =	simm.s32 $0x600;
	v4 =	vor.u32 s15, v0;
	s15 =	sor.u32 s30, s17;
	v3 =	vld [tilespmem:s31+$0x0];
	s31 =	sand.u32 $0x70, s8  }
0x1cb: {  	s21 =	simm.s32 $0x700;
	s14 =	sor.u32 $0x6180, s6;
	[tilespmem:v6+s23+$0x0] =	vst.idx.msk $0xffff, v5;
	v5 =	vld [tilespmem:s15+$0x0];
	v6 =	vor.u32 s20, v0;
	s18 =	sor.u32 s31, s17  }
0x1cc: {  	s22 =	simm.s32 $0xB;
	s17 =	sor.u32 s3, s14;
	[tilespmem:v7+s23+$0x0] =	vst.idx.msk $0xffff, v2;
	v2 =	vld [tilespmem:s18+$0x0];
	v7 =	vor.u32 s21, v0  }
0x1cd: {  	s13 =	simm.s32 $0x501;
	v13 =	vor.u32 s22, v0;
	[tilespmem:v11+s23+$0x0] =	vst.idx.msk $0xffff, v10;
	v12 =	vld [tilespmem:s17+$0x0]  }
0x1ce: {  	s29 =	simm.s32 $0x401;
	v11 =	vor.u32 s13, v0;
	v10 =	vld [tilespmem:s16+$0x80];
	[tilespmem:v9+s23+$0x0] =	vst.idx.msk $0xffff, v8  }
0x1cf: {  	s26 =	simm.s32 $0x30B;
	s19 =	sor.u32 s4, s14;
	v9 =	vor.u32 s29, v0;
	[tilespmem:v4+s23+$0x0] =	vst.idx.msk $0xffff, v3;
	v8 =	vld [tilespmem:s2+$0x80]  }
0x1d0: {  	s17 =	simm.s32 $0x601;
	v4 =	vor.u32 s26, v0;
	[tilespmem:v6+s23+$0x0] =	vst.idx.msk $0xffff, v5;
	v3 =	vld [tilespmem:s19+$0x0]  }
0x1d1: {  	s1 =	sor.u32 $0x6200, s6;
	v6 =	vor.u32 s17, v0;
	v5 =	vld [tilespmem:s15+$0x80];
	s19 =	simm.s32 $0x701;
	[tilespmem:v7+s23+$0x0] =	vst.idx.msk $0xffff, v2  }
0x1d2: {  	s20 =	simm.s32 $0xC;
	s21 =	sor.u32 s3, s1;
	v7 =	vor.u32 s19, v0;
	v2 =	vld [tilespmem:s18+$0x80];
	[tilespmem:v13+s23+$0x0] =	vst.idx.msk $0xffff, v12  }
0x1d3: {  	[tilespmem:v11+s23+$0x0] =	vst.idx.msk $0xffff, v10;
	v13 =	vor.u32 s20, v0;
	s20 =	simm.s32 $0x502;
	v12 =	vld [tilespmem:s21+$0x0]  }
0x1d4: {  	s29 =	simm.s32 $0x402;
	v10 =	vld [tilespmem:s16+$0x100];
	[tilespmem:v9+s23+$0x0] =	vst.idx.msk $0xffff, v8;
	v11 =	vor.u32 s20, v0  }
0x1d5: {  	s22 =	simm.s32 $0x30C;
	s26 =	sor.u32 s4, s1;
	v9 =	vor.u32 s29, v0;
	[tilespmem:v4+s23+$0x0] =	vst.idx.msk $0xffff, v3;
	v8 =	vld [tilespmem:s2+$0x100]  }
0x1d6: {  	s21 =	simm.s32 $0x602;
	v4 =	vor.u32 s22, v0;
	[tilespmem:v6+s23+$0x0] =	vst.idx.msk $0xffff, v5;
	v3 =	vld [tilespmem:s26+$0x0]  }
0x1d7: {  	p1 =	por !p1, !p1;
	v6 =	vor.u32 s21, v0;
	v5 =	vld [tilespmem:s15+$0x100];
	[tilespmem:v7+s23+$0x0] =	vst.idx.msk $0xffff, v2  }
0x1d8: {  	s13 =	sor.u32 $0x6280, s6;
	s17 =	sor.u32 s5, s0;
	s22 =	simm.s32 $0x702;
	[tilespmem:v13+s23+$0x0] =	vst.idx.msk $0xffff, v12  }
0x1d9: {  	s19 =	simm.s32 $0x209;
	s29 =	simm.s32 $0xD;
	s26 =	sor.u32 s3, s13;
	v7 =	vor.u32 s22, v0;
	v2 =	vld [tilespmem:s18+$0x100];
	[tilespmem:v11+s23+$0x0] =	vst.idx.msk $0xffff, v10  }
0x1da: {  	s20 =	sor.u32 s7, s0;
	s0 =	simm.s32 $0x603;
	s21 =	simm.s32 $0x403;
	v13 =	vor.u32 s29, v0;
	v12 =	vld [tilespmem:s26+$0x0];
	[tilespmem:v9+s23+$0x0] =	vst.idx.msk $0xffff, v8  }
0x1db: {  	s22 =	sor.u32 s4, s13;
	s29 =	simm.s32 $0x4;
	s26 =	simm.s32 $0x503;
	v10 =	vld [tilespmem:s16+$0x180];
	[tilespmem:v4+s23+$0x0] =	vst.idx.msk $0xffff, v3  }
0x1dc: {  	v9 =	vor.u32 s21, v0;
	s21 =	simm.s32 $0x1;
	s16 =	simm.s32 $0x4;
	v3 =	vor.u32 s19, v0;
	s19 =	simm.s32 $0x10A;
	v8 =	vld [tilespmem:s2+$0x180];
	[tilespmem:v6+s23+$0x0] =	vst.idx.msk $0xffff, v5  }
0x1dd: {  	v11 =	vor.u32 s26, v0;
	s21 =	simm.s32 @!p1 $0x0;
	s26 =	sand.u32 $0x7, s29;
	v4 =	vld [tilespmem:s22+$0x0];
	[dreg:$0x5] =	wrdreg s16  }
0x1de: {  	v6 =	vor.u32 s0, v0;
	s29 =	simm.s32 $0x2;
	s0 =	simm.s32 $0x703;
	s22 =	simm.s32 $0x20A;
	v5 =	vld [tilespmem:s15+$0x180];
	[tilespmem:v7+s23+$0x0] =	vst.idx.msk $0xffff, v2  }
0x1df: {  	s29 =	sand.u32 $0x3, s29;
	s15 =	sshll.u32 s26, $0x4;
	s26 =	simm.s32 $0x2;
	[tilespmem:v13+s23+$0x0] =	vst.idx.msk $0xffff, v12  }
0x1e0: {  	s16 =	sshll.u32 s21, $0x6;
	v7 =	vor.u32 s0, v0;
	s0 =	sshll.u32 s29, $0x5;
	v2 =	vld [tilespmem:s18+$0x180];
	[dreg:$0x6] =	wrdreg s26  }
0x1e1: {  	s21 =	simm.s32 $0x404;
	v13 =	vor.u32 s19, v0;
	s18 =	sadd.s32 $0x200, s16;
	s2 =	sadd.s32 $0x200, s0;
	v12 =	vld [tilespmem:s17+$0x0];
	[tilespmem:v3+s23+$0x0] =	vst.idx.msk $0xffff, v1  }
0x1e2: {  	s16 =	sadd.s32 $0x20, s2;
	s17 =	sadd.s32 $0x200, s15;
	[tilespmem:v9+s23+$0x0] =	vst.idx.msk $0xffff, v8;
	v3 =	vor.u32 s22, v0;
	v1 =	vld [tilespmem:s20+$0x0];
	s20 =	sor.u32 $0x200, s18  }
0x1e3: {  	s2 =	simm.s32 $0x604;
	v9 =	vor.u32 s21, v0;
	s0 =	sor.u32 $0x200, s16;
	s15 =	sadd.s32 $0x10, s17;
	[tilespmem:v6+s23+$0x0] =	vst.idx.msk $0xffff, v5;
	v8 =	vld [tilespmem:s20+$0x4000]  }
0x1e4: {  	s29 =	simm.s32 $0x504;
	[tilespmem:v11+s23+$0x0] =	vst.idx.msk $0xffff, v10;
	s17 =	sadd.s32 $0x30, s17;
	v6 =	vor.u32 s2, v0;
	s26 =	sor.u32 $0x200, s15;
	v5 =	vld [tilespmem:s0+$0x4000]  }
0x1e5: {  	v11 =	vor.u32 s29, v0;
	s22 =	simm.s32 $0x704;
	s21 =	sor.u32 $0x200, s17;
	v10 =	vld [tilespmem:s26+$0x4000];
	[tilespmem:v7+s23+$0x0] =	vst.idx.msk $0xffff, v2  }
0x1e6: {  	s29 =	simm.s32 $0x10B;
	s26 =	sor.u32 s5, s14;
	v7 =	vor.u32 s22, v0;
	v2 =	vld [tilespmem:s21+$0x4000];
	[tilespmem:v13+s23+$0x0] =	vst.idx.msk $0xffff, v12  }
0x1e7: {  	s0 =	simm.s32 $0x20B;
	s14 =	sor.u32 s7, s14;
	v13 =	vor.u32 s29, v0;
	v12 =	vld [tilespmem:s26+$0x0];
	[tilespmem:v3+s23+$0x0] =	vst.idx.msk $0xffff, v1  }
0x1e8: {  	s19 =	simm.s32 $0x30D;
	s2 =	sor.u32 $0x280, s18;
	v3 =	vor.u32 s0, v0;
	[tilespmem:v9+s23+$0x0] =	vst.idx.msk $0xffff, v8;
	v1 =	vld [tilespmem:s14+$0x0]  }
0x1e9: {  	s20 =	simm.s32 $0x405;
	s26 =	sor.u32 $0x280, s16;
	v9 =	vor.u32 s19, v0;
	[tilespmem:v6+s23+$0x0] =	vst.idx.msk $0xffff, v5;
	v8 =	vld [tilespmem:s2+$0x4000]  }
0x1ea: {  	s22 =	simm.s32 $0x505;
	s21 =	sor.u32 $0x280, s15;
	[tilespmem:v11+s23+$0x0] =	vst.idx.msk $0xffff, v10;
	v10 =	vor.u32 s20, v0;
	v6 =	vld [tilespmem:s26+$0x4000]  }
0x1eb: {  	s29 =	simm.s32 $0x605;
	s0 =	sor.u32 $0x280, s17;
	v5 =	vor.u32 s22, v0;
	v11 =	vld [tilespmem:s21+$0x4000];
	[tilespmem:v7+s23+$0x0] =	vst.idx.msk $0xffff, v2  }
0x1ec: {  	s2 =	sor.u32 s5, s1;
	v2 =	vor.u32 s29, v0;
	s21 =	simm.s32 $0x705;
	v7 =	vld [tilespmem:s0+$0x4000];
	[tilespmem:v13+s23+$0x0] =	vst.idx.msk $0xffff, v12  }
0x1ed: {  	s14 =	sor.u32 $0x6300, s6;
	s22 =	simm.s32 $0x20C;
	s1 =	sor.u32 s7, s1;
	v12 =	vor.u32 s21, v0;
	v13 =	vld [tilespmem:s2+$0x0];
	[tilespmem:v3+s23+$0x0] =	vst.idx.msk $0xffff, v1  }
0x1ee: {  	s26 =	simm.s32 $0x10C;
	s29 =	sor.u32 s4, s14;
	v3 =	vor.u32 s22, v0;
	[tilespmem:v9+s23+$0x0] =	vst.idx.msk $0xffff, v4;
	v1 =	vld [tilespmem:s1+$0x0]  }
0x1ef: {  	s18 =	sor.u32 $0x300, s18;
	s0 =	simm.s32 $0x406;
	v4 =	vor.u32 s26, v0;
	[tilespmem:v10+s23+$0x0] =	vst.idx.msk $0xffff, v8;
	v8 =	vld [tilespmem:s29+$0x0]  }
0x1f0: {  	s15 =	sor.u32 $0x300, s15;
	s2 =	simm.s32 $0x506;
	v10 =	vor.u32 s0, v0;
	v9 =	vld [tilespmem:s18+$0x4000];
	[tilespmem:v5+s23+$0x0] =	vst.idx.msk $0xffff, v11  }
0x1f1: {  	s19 =	sor.u32 $0x300, s16;
	s20 =	simm.s32 $0x606;
	v11 =	vor.u32 s2, v0;
	[tilespmem:v2+s23+$0x0] =	vst.idx.msk $0xffff, v6;
	v5 =	vld [tilespmem:s15+$0x4000]  }
0x1f2: {  	s10 =	sor.u32 s10, s9;
	s22 =	sor.u32 $0x300, s17;
	s26 =	simm.s32 $0x706;
	v6 =	vor.u32 s20, v0;
	v2 =	vld [tilespmem:s19+$0x4000];
	[tilespmem:v12+s23+$0x0] =	vst.idx.msk $0xffff, v7  }
0x1f3: {  	s10 =	sor.u32 $0x380, s10;
	s29 =	sor.u32 s7, s13;
	s0 =	simm.s32 $0x20D;
	v12 =	vor.u32 s26, v0;
	v7 =	vld [tilespmem:s22+$0x4000];
	[tilespmem:v3+s23+$0x0] =	vst.idx.msk $0xffff, v1  }
0x1f4: {  	s12 =	sor.u32 s12, s9;
	s13 =	sor.u32 s5, s13;
	s2 =	simm.s32 $0x10D;
	[tilespmem:v4+s23+$0x0] =	vst.idx.msk $0xffff, v13;
	v3 =	vor.u32 s0, v0;
	v1 =	vld [tilespmem:s29+$0x0]  }
0x1f5: {  	s11 =	sor.u32 s11, s9;
	s12 =	sor.u32 $0x380, s12;
	s19 =	simm.s32 $0x407;
	v4 =	vld [tilespmem:s13+$0x0];
	[tilespmem:v10+s23+$0x0] =	vst.idx.msk $0xffff, v9;
	v9 =	vor.u32 s2, v0  }
0x1f6: {  	s11 =	sor.u32 $0x380, s11;
	s8 =	sor.u32 s8, s9;
	s26 =	simm.s32 $0x507;
	v13 =	vor.u32 s19, v0;
	v10 =	vld [tilespmem:s12+$0x4000];
	[tilespmem:v11+s23+$0x0] =	vst.idx.msk $0xffff, v5  }
0x1f7: {  	s8 =	sor.u32 $0x380, s8;
	s16 =	sor.u32 s7, s14;
	s29 =	simm.s32 $0x607;
	v11 =	vor.u32 s26, v0;
	[tilespmem:v6+s23+$0x0] =	vst.idx.msk $0xffff, v2;
	v5 =	vld [tilespmem:s11+$0x4000]  }
0x1f8: {  	s21 =	sor.u32 $0x6000, s25;
	s17 =	simm.s32 $0x20E;
	s1 =	simm.s32 $0x30F;
	v6 =	vor.u32 s29, v0;
	v2 =	vld [tilespmem:s10+$0x4000];
	[tilespmem:v12+s23+$0x0] =	vst.idx.msk $0xffff, v7  }
0x1f9: {  	s20 =	sor.u32 s24, s21;
	s15 =	sor.u32 s28, s21;
	s0 =	simm.s32 $0x707;
	[tilespmem:v3+s23+$0x0] =	vst.idx.msk $0xffff, v1  }
0x1fa: {  	s19 =	sor.u32 s31, s21;
	s12 =	sor.u32 s30, s21;
	s21 =	sor.u32 s3, s14;
	v12 =	vor.u32 s0, v0;
	v7 =	vld [tilespmem:s8+$0x4000];
	[tilespmem:v9+s23+$0x0] =	vst.idx.msk $0xffff, v4  }
0x1fb: {  	s18 =	simm.s32 $0x508;
	s22 =	simm.s32 $0x30E;
	s13 =	simm.s32 $0x70A;
	v4 =	vld [tilespmem:s21+$0x0];
	[tilespmem:v13+s23+$0x0] =	vst.idx.msk $0xffff, v10  }
0x1fc: {  	s2 =	sor.u32 $0x6080, s25;
	s26 =	simm.s32 $0x408;
	s29 =	sor.u32 $0x6100, s25;
	v3 =	vor.u32 s17, v0;
	v1 =	vld [tilespmem:s16+$0x0];
	[tilespmem:v11+s23+$0x0] =	vst.idx.msk $0xffff, v5  }
0x1fd: {  	s11 =	sor.u32 s28, s2;
	s9 =	sor.u32 s28, s29;
	s21 =	sor.u32 s31, s29;
	v10 =	vld [tilespmem:s15+$0x0];
	[tilespmem:v6+s23+$0x0] =	vst.idx.msk $0xffff, v2  }
0x1fe: {  	s10 =	simm.s32 $0x70F;
	s0 =	simm.s32 $0x409;
	v5 =	vld [tilespmem:s20+$0x0];
	[dreg:$0x1d] =	wrdreg s21  }
0x1ff: {  	s8 =	sor.u32 s30, s2;
	s17 =	sor.u32 s24, s2;
	v9 =	vor.u32 s22, v0;
	s15 =	sor.u32 s24, s29;
	[tilespmem:v12+s23+$0x0] =	vst.idx.msk $0xffff, v7  }
0x200: {  	s2 =	sor.u32 s31, s2;
	v13 =	vor.u32 s26, v0;
	s20 =	simm.s32 $0x608;
	v2 =	vld [tilespmem:s12+$0x0];
	[dreg:$0x1b] =	wrdreg s15  }
0x201: {  	s22 =	simm.s32 $0x708;
	s26 =	sor.u32 $0x6380, s6;
	v11 =	vor.u32 s18, v0;
	v6 =	vor.u32 s20, v0;
	s20 =	sor.u32 s30, s29;
	[tilespmem:v3+s23+$0x0] =	vst.idx.msk $0xffff, v1  }
0x202: {  	s6 =	smov.u32 s24;
	s21 =	simm.s32 $0x4;
	v7 =	vld [tilespmem:s19+$0x0];
	[dreg:$0x1c] =	wrdreg s20  }
0x203: {  	s18 =	simm.s32 $0xE;
	s7 =	sor.u32 s7, s26;
	v12 =	vor.u32 s22, v0;
	[dreg:$0x1a] =	wrdreg s21  }
0x204: {  	s16 =	simm.s32 $0xF;
	s24 =	smov.u32 s30;
	s4 =	sor.u32 s4, s26;
	v3 =	vor.u32 s18, v0;
	v1 =	vld [tilespmem:s7+$0x0];
	[tilespmem:v9+s23+$0x0] =	vst.idx.msk $0xffff, v8  }
0x205: {  	s22 =	sor.u32 s5, s14;
	s29 =	simm.s32 $0x10E;
	s12 =	simm.s32 $0x20F;
	[tilespmem:v13+s23+$0x0] =	vst.idx.msk $0xffff, v10;
	v13 =	vor.u32 s1, v0;
	v8 =	vld [tilespmem:s4+$0x0]  }
0x206: {  	v15 =	vor.u32 s0, v0;
	s14 =	simm.s32 $0x70C;
	s30 =	simm.s32 $0x40C;
	[tilespmem:v11+s23+$0x0] =	vst.idx.msk $0xffff, v5;
	v14 =	vld [tilespmem:s11+$0x0];
	s11 =	simm.s32 $0x509  }
0x207: {  	s19 =	simm.s32 $0x40B;
	s21 =	simm.s32 $0x709;
	s20 =	sor.u32 $0x6200, s25;
	v16 =	vld [tilespmem:s17+$0x0];
	[tilespmem:v6+s23+$0x0] =	vst.idx.msk $0xffff, v2;
	v17 =	vor.u32 s11, v0  }
0x208: {  	v10 =	vor.u32 s21, v0;
	s21 =	sor.u32 $0x6180, s25;
	s18 =	sor.u32 s28, s20;
	v5 =	vor.u32 s12, v0;
	s12 =	smov.u32 s28;
	v6 =	vld [tilespmem:s22+$0x0];
	[tilespmem:v12+s23+$0x0] =	vst.idx.msk $0xffff, v7  }
0x209: {  	s4 =	sor.u32 s3, s26;
	s26 =	sor.u32 s5, s26;
	s17 =	simm.s32 $0x10F;
	v2 =	vld [tilespmem:s8+$0x0];
	[tilespmem:v3+s23+$0x0] =	vst.idx.msk $0xffff, v4  }
0x20a: {  	s22 =	simm.s32 $0x70B;
	s1 =	sor.u32 s31, s21;
	s3 =	simm.s32 $0xB0F;
	v9 =	vld [tilespmem:s2+$0x0];
	[tilespmem:v13+s23+$0x0] =	vst.idx.msk $0xffff, v8  }
0x20b: {  	s7 =	sor.u32 s28, s21;
	s8 =	simm.s32 $0xC000;
	v4 =	vor.u32 s29, v0;
	v3 =	vor.u32 s17, v0;
	s29 =	simm.s32 $0x40A;
	v7 =	vld [tilespmem:s4+$0x0];
	[tilespmem:v15+s23+$0x0] =	vst.idx.msk $0xffff, v14  }
0x20c: {  	s5 =	simm.s32 $0x400;
	s2 =	smov.u32 s31;
	v12 =	vor.u32 s29, v0;
	s4 =	simm.s32 $0xB0;
	v8 =	vor.u32 s16, v0;
	v11 =	vld [tilespmem:s9+$0x0];
	[tilespmem:v17+s8+$0x0] =	vst.idx.msk $0xffff, v16  }
.LBB2_6:
0x20d: {  	[smem:$0x7C0] =	sst s14  }
0x20e: {  	s17 =	sadd.s32 $0xFFFFFFD0, s4;
	s11 =	sand.u32 $0x1C00, s5;
	s28 =	sadd.s32 $0xFFFFFFF0, s4  }
0x20f: {  	s15 =	smov.u32 s25;
	s23 =	sadd.s32 $0xFFFFFFE0, s4;
	s29 =	simm.s32 $0xC000  }
0x210: {  	s31 =	sadd.s32 $0xFFFFFCF1, s3;
	s0 =	rddreg [dreg:$0x1d];
	p1 =	por !p1, !p1  }
0x211: {  	s14 =	sand.u32 $0x40, s17;
	s25 =	sor.u32 $0x4000, s11;
	[tilespmem:v10+s8+$0x0] =	vst.idx.msk $0xffff, v9;
	s9 =	sand.u32 $0x50, s23  }
0x212: {  	v9 =	vor.u32 s13, v0;
	[tilespmem:v8+s29+$0x0] =	vst.idx.msk $0xffff, v7;
	v8 =	vor.u32 s31, v0;
	s13 =	sadd.s32 $0xFFFFFDF1, s3;
	s31 =	smov.u32 s6;
	s17 =	sor.u32 s17, s5  }
0x213: {  	[tilespmem:v5+s29+$0x0] =	vst.idx.msk $0xffff, v1;
	s23 =	sor.u32 s23, s5;
	s16 =	sor.u32 s14, s25;
	[smem:$0x7C1] =	sst s17  }
0x214: {  	v5 =	vor.u32 s13, v0;
	s13 =	smov.u32 s24;
	s17 =	sadd.s32 $0xFFFFFFF1, s3;
	[smem:$0x7C2] =	sst s23;
	[tilespmem:v4+s8+$0x0] =	vst.idx.msk $0xffff, v6  }
0x215: {  	[smem:$0x7C8] =	sst s14;
	v4 =	vld [tilespmem:s26+$0x0];
	s26 =	sand.u32 $0x60, s28;
	s28 =	sor.u32 s28, s5  }
0x216: {  	v6 =	vld [tilespmem:s0+$0x0];
	s24 =	sor.u32 s26, s25;
	s6 =	smov.u32 s26;
	s26 =	sadd.s32 $0xFFFFFEF1, s3  }
0x217: {  	v7 =	vld [tilespmem:s16+$0x0];
	s8 =	sor.u32 s9, s25;
	[tilespmem:v12+s29+$0x0] =	vst.idx.msk $0xffff, v11;
	[smem:$0x7C3] =	sst s28;
	v11 =	vor.u32 s26, v0;
	s26 =	sor.u32 $0x6000, s11  }
0x218: {  	s0 =	smov.u32 s9;
	[smem:$0x7CA] =	sst s6;
	s23 =	sor.u32 s14, s26  }
0x219: {  	s9 =	sand.u32 $0x70, s4;
	s28 =	sor.u32 s0, s26;
	[smem:$0x7C4] =	sst s23  }
0x21a: {  	v13 =	vor.u32 s17, v0;
	s17 =	sor.u32 $0x6080, s11;
	v1 =	vld [tilespmem:s8+$0x0];
	[smem:$0x7C5] =	sst s28;
	s23 =	sor.u32 s6, s26  }
0x21b: {  	s25 =	sor.u32 s9, s25;
	v10 =	vld [tilespmem:s24+$0x0];
	[smem:$0x7C6] =	sst s23;
	s23 =	sor.u32 s9, s26  }
0x21c: {  	v12 =	vld [tilespmem:s25+$0x0];
	[tilespmem:v9+s29+$0x0] =	vst.idx.msk $0xffff, v6;
	s28 =	sadd.s32 $0xFFFFFCF2, s3;
	s26 =	sor.u32 s14, s17;
	[smem:$0x7C7] =	sst s23  }
0x21d: {  	[tilespmem:v3+s29+$0x0] =	vst.idx.msk $0xffff, v4;
	v4 =	vor.u32 s19, v0;
	v9 =	vor.u32 s28, v0;
	s28 =	sadd.s32 $0xFFFFFDF2, s3;
	s19 =	sor.u32 s0, s17;
	[smem:$0x7C9] =	sst s26  }
0x21e: {  	v3 =	vld [tilespmem:s7+$0x0];
	[tilespmem:v8+s29+$0x0] =	vst.idx.msk $0xffff, v7;
	v7 =	vor.u32 s22, v0;
	s22 =	sadd.s32 $0xFFFFFEF2, s3;
	[smem:$0x7CB] =	sst s19;
	s26 =	sor.u32 s6, s17  }
0x21f: {  	[tilespmem:v5+s29+$0x0] =	vst.idx.msk $0xffff, v1;
	v5 =	vor.u32 s28, v0;
	s28 =	sor.u32 s9, s17;
	s23 =	sor.u32 $0x6100, s11;
	[smem:$0x7CD] =	sst s26  }
0x220: {  	v6 =	vld [tilespmem:s1+$0x0];
	s17 =	sadd.s32 $0xFFFFFFF2, s3;
	s19 =	sor.u32 s31, s21;
	[tilespmem:v11+s29+$0x0] =	vst.idx.msk $0xffff, v10;
	[smem:$0x7CC] =	sst s28  }
0x221: {  	v8 =	vld [tilespmem:s16+$0x80];
	v11 =	vor.u32 s22, v0;
	[tilespmem:v13+s29+$0x0] =	vst.idx.msk $0xffff, v12;
	s22 =	sor.u32 s14, s23;
	v13 =	vor.u32 s17, v0;
	s26 =	sor.u32 s9, s23;
	s17 =	sor.u32 s13, s21  }
0x222: {  	v1 =	vld [tilespmem:s8+$0x80];
	s7 =	sor.u32 s0, s23;
	s1 =	sor.u32 s6, s23;
	s23 =	sld [smem:$0x7C0]  }
0x223: {  	s28 =	sor.u32 s2, s20;
	s14 =	sadd.s32 $0xFFFFFCF3, s3;
	v10 =	vld [tilespmem:s24+$0x80];
	[smem:$0x7CF] =	sst s22  }
0x224: {  	s6 =	sadd.s32 $0xFFFFFEF3, s3;
	v12 =	vld [tilespmem:s25+$0x80];
	[dreg:$0x1d] =	wrdreg s26;
	s22 =	sor.u32 s31, s20;
	[tilespmem:v4+s29+$0x0] =	vst.idx.msk $0xffff, v3  }
0x225: {  	s26 =	sadd.s32 $0xFFFFFDF3, s3;
	v4 =	vor.u32 s30, v0;
	[tilespmem:v7+s29+$0x0] =	vst.idx.msk $0xffff, v6;
	v7 =	vor.u32 s23, v0;
	s23 =	sadd.s32 $0xFFFFFFF3, s3;
	s30 =	smov.u32 s10;
	v3 =	vld [tilespmem:s18+$0x0]  }
0x226: {  	s10 =	sadd.s32 $0xFFFFFCF4, s3;
	s18 =	sor.u32 s13, s20;
	[tilespmem:v9+s29+$0x0] =	vst.idx.msk $0xffff, v8;
	v6 =	vld [tilespmem:s28+$0x0];
	s28 =	rddreg [dreg:$0x1a]  }
0x227: {  	v9 =	vor.u32 s14, v0;
	s14 =	smov.u32 s2;
	s2 =	sadd.s32 $0xFFFFFCFE, s30;
	v8 =	vld [tilespmem:s16+$0x100];
	[tilespmem:v5+s29+$0x0] =	vst.idx.msk $0xffff, v1;
	s21 =	sadd.s32 $0x4, s28  }
0x228: {  	v5 =	vor.u32 s26, v0;
	s26 =	sor.u32 $0x6280, s15;
	v1 =	vld [tilespmem:s8+$0x100];
	[tilespmem:v11+s29+$0x0] =	vst.idx.msk $0xffff, v10;
	[dreg:$0x1a] =	wrdreg s21;
	p2 =	slt.u32 s21, $0x3C  }
0x229: {  	s21 =	smov.u32 s9;
	[tilespmem:v13+s29+$0x0] =	vst.idx.msk $0xffff, v12;
	s28 =	sor.u32 s12, s26;
	s20 =	sor.u32 s31, s26  }
0x22a: {  	v11 =	vor.u32 s6, v0;
	v13 =	vor.u32 s23, v0;
	s6 =	sadd.s32 $0xFFFFFEFA, s30;
	s23 =	sor.u32 s14, s26;
	[smem:$0x7CE] =	sst s21;
	v10 =	vld [tilespmem:s24+$0x100];
	[tilespmem:v4+s29+$0x0] =	vst.idx.msk $0xffff, v3  }
0x22b: {  	s9 =	sadd.s32 $0xFFFFFEFB, s30;
	v12 =	vld [tilespmem:s25+$0x100];
	s21 =	sor.u32 s13, s26;
	s26 =	rddreg [dreg:$0x5];
	v4 =	vor.u32 s2, v0;
	[tilespmem:v7+s29+$0x0] =	vst.idx.msk $0xffff, v6  }
0x22c: {  	v6 =	vor.u32 s6, v0;
	s2 =	sadd.s32 $0xFFFFFDF4, s3;
	v3 =	vld [tilespmem:s28+$0x0];
	[tilespmem:v9+s29+$0x0] =	vst.idx.msk $0xffff, v8;
	s28 =	sadd.s32 $0xFFFFFDFB, s30;
	v9 =	vor.u32 s10, v0;
	s10 =	rddreg [dreg:$0x6]  }
0x22d: {  	v7 =	vld [tilespmem:s23+$0x0];
	s23 =	sadd.s32 $0xFFFFFCF5, s3;
	[tilespmem:v5+s29+$0x0] =	vst.idx.msk $0xffff, v1;
	s6 =	sadd.s32 $0x2, s10;
	v5 =	vor.u32 s2, v0;
	s2 =	sadd.s32 $0x4, s26  }
0x22e: {  	v8 =	vld [tilespmem:s16+$0x180];
	s16 =	sadd.s32 $0xFFFFFEF4, s3;
	s26 =	simm.s32 $0x1;
	[dreg:$0x5] =	wrdreg s2  }
0x22f: {  	v1 =	vld [tilespmem:s8+$0x180];
	[tilespmem:v11+s29+$0x0] =	vst.idx.msk $0xffff, v10;
	s10 =	sand.u32 $0x7, s2;
	s26 =	simm.s32 @!p1 $0x0;
	s2 =	sadd.s32 $0xFFFFFFF4, s3  }
0x230: {  	v11 =	vor.u32 s16, v0;
	[tilespmem:v13+s29+$0x0] =	vst.idx.msk $0xffff, v12;
	[dreg:$0x6] =	wrdreg s6;
	v10 =	vld [tilespmem:s24+$0x180];
	s16 =	sshll.u32 s10, $0x4;
	s10 =	sand.u32 $0x3, s6  }
0x231: {  	s26 =	sshll.u32 s26, $0x6;
	v12 =	vld [tilespmem:s25+$0x180];
	v13 =	vor.u32 s2, v0;
	s6 =	rddreg [dreg:$0x1b];
	s25 =	sadd.s32 s5, s16;
	[tilespmem:v6+s29+$0x0] =	vst.idx.msk $0xffff, v2  }
0x232: {  	s24 =	sshll.u32 s10, $0x5;
	s16 =	sadd.s32 s26, s5;
	s10 =	rddreg [dreg:$0x1c];
	[tilespmem:v4+s29+$0x0] =	vst.idx.msk $0xffff, v3;
	v3 =	vld [tilespmem:s6+$0x0];
	v4 =	vor.u32 s28, v0  }
0x233: {  	v6 =	vor.u32 s9, v0;
	s24 =	sadd.s32 s5, s24;
	s26 =	sor.u32 $0x200, s16;
	s8 =	sadd.s32 $0x10, s25;
	v2 =	vld [tilespmem:s10+$0x0];
	[tilespmem:v9+s29+$0x0] =	vst.idx.msk $0xffff, v8  }
0x234: {  	s2 =	sadd.s32 $0xFFFFFDF5, s3;
	v9 =	vor.u32 s23, v0;
	s28 =	sor.u32 $0x200, s8;
	s24 =	sadd.s32 $0x20, s24;
	v8 =	vld [tilespmem:s26+$0x4000];
	[tilespmem:v5+s29+$0x0] =	vst.idx.msk $0xffff, v1  }
0x235: {  	s10 =	sadd.s32 $0xFFFFFEF5, s3;
	s25 =	sadd.s32 $0x30, s25;
	v5 =	vor.u32 s2, v0;
	s6 =	sor.u32 $0x200, s24;
	v1 =	vld [tilespmem:s28+$0x4000];
	[tilespmem:v11+s29+$0x0] =	vst.idx.msk $0xffff, v10  }
0x236: {  	s26 =	sor.u32 $0x200, s25;
	v11 =	vor.u32 s10, v0;
	[tilespmem:v13+s29+$0x0] =	vst.idx.msk $0xffff, v12;
	s28 =	sadd.s32 $0xFFFFFFF5, s3;
	v10 =	vld [tilespmem:s6+$0x4000]  }
0x237: {  	s9 =	sadd.s32 $0xFFFFFDFC, s30;
	v12 =	vld [tilespmem:s26+$0x4000];
	v13 =	vor.u32 s28, v0;
	[tilespmem:v4+s29+$0x0] =	vst.idx.msk $0xffff, v3  }
0x238: {  	s2 =	sadd.s32 $0xFFFFFCF6, s3;
	v4 =	vor.u32 s9, v0;
	[tilespmem:v6+s29+$0x0] =	vst.idx.msk $0xffff, v2;
	v3 =	vld [tilespmem:s19+$0x0];
	s19 =	sadd.s32 $0xFFFFFEFC, s30  }
0x239: {  	s6 =	smov.u32 s7;
	s26 =	sor.u32 $0x280, s16;
	s28 =	sadd.s32 $0xFFFFFFFE, s30;
	v2 =	vld [tilespmem:s17+$0x0];
	[tilespmem:v9+s29+$0x0] =	vst.idx.msk $0xffff, v8;
	v6 =	vor.u32 s19, v0  }
0x23a: {  	s10 =	smov.u32 s1;
	[dreg:$0x1b] =	wrdreg s6;
	s6 =	sor.u32 $0x280, s8;
	v8 =	vld [tilespmem:s26+$0x4000];
	[tilespmem:v5+s29+$0x0] =	vst.idx.msk $0xffff, v1;
	v1 =	vor.u32 s28, v0  }
0x23b: {  	[dreg:$0x1c] =	wrdreg s10;
	s10 =	sor.u32 $0x280, s24;
	s9 =	sadd.s32 $0xFFFFFDF6, s3;
	v5 =	vor.u32 s2, v0;
	v9 =	vld [tilespmem:s6+$0x4000];
	[tilespmem:v11+s29+$0x0] =	vst.idx.msk $0xffff, v10  }
0x23c: {  	s17 =	sadd.s32 $0xFFFFFEF6, s3;
	s19 =	sor.u32 $0x280, s25;
	v10 =	vor.u32 s9, v0;
	[tilespmem:v13+s29+$0x0] =	vst.idx.msk $0xffff, v12;
	v11 =	vld [tilespmem:s10+$0x4000]  }
0x23d: {  	s26 =	sadd.s32 $0xFFFFFFF6, s3;
	v12 =	vor.u32 s17, v0;
	v13 =	vld [tilespmem:s19+$0x4000];
	[tilespmem:v4+s29+$0x0] =	vst.idx.msk $0xffff, v3  }
0x23e: {  	s9 =	sor.u32 $0x6300, s15;
	s6 =	sadd.s32 $0xFFFFFDFD, s30;
	v3 =	vor.u32 s26, v0;
	v4 =	vld [tilespmem:s22+$0x0];
	[tilespmem:v6+s29+$0x0] =	vst.idx.msk $0xffff, v2  }
0x23f: {  	s28 =	sadd.s32 $0xFFFFFEFD, s30;
	s10 =	sor.u32 s14, s9;
	v2 =	vld [tilespmem:s18+$0x0];
	[tilespmem:v1+s29+$0x0] =	vst.idx.msk $0xffff, v7;
	v1 =	vor.u32 s6, v0  }
0x240: {  	s16 =	sor.u32 $0x300, s16;
	v6 =	vor.u32 s28, v0;
	[tilespmem:v5+s29+$0x0] =	vst.idx.msk $0xffff, v8;
	v5 =	vld [tilespmem:s10+$0x0]  }
0x241: {  	s2 =	smov.u32 s15;
	s15 =	sadd.s32 $0xFFFFFCF7, s3;
	s22 =	sor.u32 $0x300, s8;
	v7 =	vld [tilespmem:s16+$0x4000];
	[tilespmem:v10+s29+$0x0] =	vst.idx.msk $0xffff, v9  }
0x242: {  	s26 =	sadd.s32 $0xFFFFFDF7, s3;
	s28 =	sor.u32 $0x300, s24;
	v8 =	vor.u32 s15, v0;
	v9 =	vld [tilespmem:s22+$0x4000];
	[tilespmem:v12+s29+$0x0] =	vst.idx.msk $0xffff, v11  }
0x243: {  	s15 =	sadd.s32 $0xFFFFFFF7, s3;
	v10 =	vor.u32 s26, v0;
	s10 =	sor.u32 $0x300, s25;
	v11 =	vld [tilespmem:s28+$0x4000];
	[tilespmem:v3+s29+$0x0] =	vst.idx.msk $0xffff, v13  }
0x244: {  	s6 =	sadd.s32 $0xFFFFFEF7, s3;
	s18 =	sld [smem:$0x7C1];
	v13 =	vor.u32 s15, v0;
	v3 =	vld [tilespmem:s10+$0x4000];
	[tilespmem:v1+s29+$0x0] =	vst.idx.msk $0xffff, v4  }
0x245: {  	s17 =	sadd.s32 $0xFFFFFDFE, s30;
	s16 =	sadd.s32 $0xFFFFFEFE, s30;
	v12 =	vor.u32 s6, v0;
	[tilespmem:v6+s29+$0x0] =	vst.idx.msk $0xffff, v2;
	v4 =	vld [tilespmem:s20+$0x0];
	s20 =	sld [smem:$0x7C2]  }
0x246: {  	s1 =	sor.u32 s13, s9;
	s7 =	sor.u32 s12, s9;
	s19 =	sadd.s32 $0xFFFFFCF8, s3;
	v2 =	vor.u32 s16, v0;
	v1 =	vld [tilespmem:s21+$0x0]  }
0x247: {  	s8 =	sor.u32 s31, s9;
	s22 =	sld [smem:$0x7C3];
	s9 =	sor.u32 $0x380, s18;
	v6 =	vor.u32 s17, v0;
	[tilespmem:v8+s29+$0x0] =	vst.idx.msk $0xffff, v7  }
0x248: {  	s25 =	sor.u32 s4, s5;
	v8 =	vor.u32 s19, v0;
	s21 =	sadd.s32 $0xFFFFFDF8, s3;
	v7 =	vld [tilespmem:s9+$0x4000];
	[tilespmem:v10+s29+$0x0] =	vst.idx.msk $0xffff, v9;
	s9 =	sor.u32 $0x380, s20  }
0x249: {  	s26 =	sor.u32 $0x380, s25;
	s28 =	sadd.s32 $0xFFFFFFF8, s3;
	v10 =	vor.u32 s21, v0;
	[tilespmem:v13+s29+$0x0] =	vst.idx.msk $0xffff, v3;
	v9 =	vld [tilespmem:s9+$0x4000]  }
0x24a: {  	s23 =	smov.u32 s3;
	s24 =	sadd.s32 $0xFFFFFEF8, s3;
	[tilespmem:v12+s29+$0x0] =	vst.idx.msk $0xffff, v11;
	v13 =	vor.u32 s28, v0;
	s9 =	sor.u32 $0x380, s22;
	v3 =	vld [tilespmem:s26+$0x4000]  }
0x24b: {  	s4 =	sadd.s32 $0x40, s4;
	s10 =	sadd.s32 $0xFFFFFFFF, s30;
	s16 =	sld [smem:$0x7C4];
	v12 =	vor.u32 s24, v0;
	v11 =	vld [tilespmem:s9+$0x4000];
	[tilespmem:v2+s29+$0x0] =	vst.idx.msk $0xffff, v1  }
0x24c: {  	s6 =	sadd.s32 $0xFFFFFEFF, s30;
	s15 =	sadd.s32 $0xFFFFFCF9, s3;
	s18 =	sld [smem:$0x7C5];
	[tilespmem:v6+s29+$0x0] =	vst.idx.msk $0xffff, v4;
	v6 =	vor.u32 s10, v0  }
0x24d: {  	s5 =	sadd.s32 $0x200, s5;
	s25 =	sld [smem:$0x7C7];
	v14 =	vor.u32 s15, v0;
	s15 =	sadd.s32 $0xFFFFFD00, s30;
	v2 =	vor.u32 s6, v0;
	v1 =	vld [tilespmem:s1+$0x0];
	[tilespmem:v8+s29+$0x0] =	vst.idx.msk $0xffff, v7  }
0x24e: {  	s17 =	sadd.s32 $0xFFFFFDF9, s3;
	s19 =	sadd.s32 $0xFFFFFEF9, s3;
	s20 =	sld [smem:$0x7C6];
	v8 =	vld [tilespmem:s16+$0x0];
	[tilespmem:v10+s29+$0x0] =	vst.idx.msk $0xffff, v9  }
0x24f: {  	s21 =	sadd.s32 $0xFFFFFFF9, s3;
	s24 =	sadd.s32 $0xFFFFFDFF, s30;
	s6 =	sld [smem:$0x7C8];
	v10 =	vor.u32 s17, v0;
	[tilespmem:v13+s29+$0x0] =	vst.idx.msk $0xffff, v3;
	v9 =	vld [tilespmem:s18+$0x0]  }
0x250: {  	s22 =	sor.u32 $0x6380, s2;
	s26 =	sadd.s32 $0xFFFFFCFF, s30;
	s9 =	sld [smem:$0x7C9];
	v13 =	vor.u32 s21, v0;
	[tilespmem:v12+s29+$0x0] =	vst.idx.msk $0xffff, v11;
	v3 =	vld [tilespmem:s25+$0x0]  }
0x251: {  	s2 =	sadd.s32 $0xFFFFFCFA, s3;
	s28 =	sor.u32 s13, s22;
	s13 =	sld [smem:$0x7CA];
	v12 =	vor.u32 s19, v0;
	[tilespmem:v6+s29+$0x0] =	vst.idx.msk $0xffff, v5;
	v11 =	vld [tilespmem:s20+$0x0]  }
0x252: {  	s10 =	sadd.s32 $0xFFFFFDFA, s3;
	v7 =	vld [tilespmem:s7+$0x0];
	[tilespmem:v2+s29+$0x0] =	vst.idx.msk $0xffff, v1;
	v2 =	vor.u32 s26, v0;
	s26 =	sor.u32 s31, s22;
	s31 =	sor.u32 s14, s22  }
0x253: {  	v18 =	vor.u32 s10, v0;
	s10 =	smov.u32 s23;
	s23 =	sadd.s32 $0xFFFFFCFB, s23;
	s16 =	sor.u32 s12, s22;
	[tilespmem:v14+s29+$0x0] =	vst.idx.msk $0xffff, v8;
	v5 =	vld [tilespmem:s31+$0x0];
	v14 =	vor.u32 s30, v0  }
0x254: {  	v4 =	vor.u32 s24, v0;
	v16 =	vor.u32 s2, v0;
	s12 =	sadd.s32 $0xFFFFFF00, s30;
	s24 =	smov.u32 s13;
	s14 =	sld [smem:$0x7CB];
	v15 =	vld [tilespmem:s9+$0x0];
	[tilespmem:v10+s29+$0x0] =	vst.idx.msk $0xffff, v9  }
0x255: {  	s13 =	sadd.s32 $0xFFFFFFFB, s3;
	s17 =	sadd.s32 $0xFFFFFE00, s30;
	s22 =	sld [smem:$0x7CC];
	[tilespmem:v13+s29+$0x0] =	vst.idx.msk $0xffff, v3  }
0x256: {  	s21 =	sadd.s32 $0xFFFFFFFA, s3;
	s25 =	smov.u32 s11;
	s11 =	smov.u32 s6;
	v1 =	vld [tilespmem:s28+$0x0];
	[tilespmem:v12+s29+$0x0] =	vst.idx.msk $0xffff, v11  }
0x257: {  	s6 =	smov.u32 s0;
	s19 =	sadd.s32 $0xFFFFFCFC, s3;
	s28 =	sld [smem:$0x7CD];
	v17 =	vld [tilespmem:s14+$0x0];
	[tilespmem:v2+s29+$0x0] =	vst.idx.msk $0xffff, v7  }
.Ltmp6:
0x258: {  	s20 =	sor.u32 $0x6200, s25;
	s31 =	sld [smem:$0x7CF];
	v9 =	vld [tilespmem:s22+$0x0];
	[tilespmem:v14+s29+$0x0] =	vst.idx.msk $0xffff, v5;
	(pc) =	sbr.rel @p2 .LBB2_6-.Ltmp6, $4  }
0x259: {  	s30 =	sadd.s32 $0xFFFFFCFD, s3;
	s18 =	sor.u32 s11, s20;
	v7 =	vld [tilespmem:s16+$0x0];
	[tilespmem:v16+s29+$0x0] =	vst.idx.msk $0xffff, v15;
	s29 =	sld [smem:$0x7CE]  }
0x25a: {  	v10 =	vor.u32 s21, v0;
	s21 =	sor.u32 $0x6180, s25;
	s14 =	sadd.s32 $0xFFFFFFFD, s3;
	v6 =	vld [tilespmem:s8+$0x0];
	s22 =	sadd.s32 $0xFFFFFFFC, s3  }
0x25b: {  	v8 =	vor.u32 s15, v0;
	v3 =	vor.u32 s17, v0;
	s3 =	sadd.s32 $0x400, s3;
	s8 =	simm.s32 $0xC000;
	s7 =	sor.u32 s11, s21;
	v2 =	vld [tilespmem:s28+$0x0]  }
0x25c: {  	v12 =	vor.u32 s23, v0;
	v5 =	vor.u32 s12, v0;
	s12 =	smov.u32 s11;
	v11 =	vld [tilespmem:s31+$0x0];
	s2 =	smov.u32 s29;
	s1 =	sor.u32 s29, s21;
	[tilespmem:v18+s8+$0x0] =	vst.idx.msk $0xffff, v17  }
0x25d: {  	s0 =	sadd.s32 $0xFFFFFEFA, s10  }
0x25e: {  	v13 =	vor.u32 s0, v0;
	_ =	sdelay $0x2  }
0x25f: {  	[tilespmem:v10+s8+$0x0] =	vst.idx.msk $0xffff, v9  }
0x260: {  	s4 =	rddreg [dreg:$0x1d]  }
0x261: {  	v38 =	vor.u32 s13, v0;
	v9 =	vld [tilespmem:s4+$0x0];
	[tilespmem:v13+s8+$0x0] =	vst.idx.msk $0xffff, v2  }
0x262: {  	s5 =	sadd.s32 $0xFFFFFEFB, s10;
	s4 =	rddreg [dreg:$0x1c]  }
0x263: {  	s3 =	sadd.s32 $0xFFFFFDFB, s10;
	v39 =	vor.u32 s5, v0;
	s9 =	rddreg [dreg:$0x1b];
	v2 =	vld [tilespmem:s4+$0x0]  }
0x264: {  	v15 =	vor.u32 s3, v0;
	v14 =	vld [tilespmem:s9+$0x0];
	_ =	sdelay $0x1  }
0x265: {  	[tilespmem:v38+s8+$0x0] =	vst.idx.msk $0xffff, v9  }
0x266: {  	v40 =	vor.u32 s22, v0;
	[tilespmem:v12+s8+$0x0] =	vst.idx.msk $0xffff, v11;
	v9 =	vld [tilespmem:s1+$0x0]  }
0x267: {  	v41 =	vor.u32 s19, v0;
	s11 =	sor.u32 s24, s21;
	s13 =	sadd.s32 $0xFFFFFEFC, s10;
	v11 =	vld [tilespmem:s7+$0x0];
	[tilespmem:v39+s8+$0x0] =	vst.idx.msk $0xffff, v2  }
0x268: {  	s15 =	sor.u32 s6, s21;
	s16 =	sadd.s32 $0xFFFFFDFC, s10;
	v42 =	vor.u32 s13, v0;
	[tilespmem:v15+s8+$0x0] =	vst.idx.msk $0xffff, v14;
	v2 =	vld [tilespmem:s11+$0x0]  }
0x269: {  	v43 =	vor.u32 s16, v0;
	v14 =	vld [tilespmem:s15+$0x0];
	_ =	sdelay $0x1  }
0x26a: {  	s17 =	sor.u32 s2, s20;
	[tilespmem:v40+s8+$0x0] =	vst.idx.msk $0xffff, v9  }
0x26b: {  	v44 =	vor.u32 s14, v0;
	[tilespmem:v41+s8+$0x0] =	vst.idx.msk $0xffff, v11;
	v9 =	vld [tilespmem:s17+$0x0]  }
0x26c: {  	v45 =	vor.u32 s30, v0;
	s19 =	sadd.s32 $0xFFFFFEFD, s10;
	v11 =	vld [tilespmem:s18+$0x0];
	s18 =	sor.u32 s24, s20;
	[tilespmem:v42+s8+$0x0] =	vst.idx.msk $0xffff, v2  }
0x26d: {  	s21 =	sadd.s32 $0xFFFFFDFD, s10;
	v46 =	vor.u32 s19, v0;
	s20 =	sor.u32 s6, s20;
	[tilespmem:v43+s8+$0x0] =	vst.idx.msk $0xffff, v14;
	v2 =	vld [tilespmem:s18+$0x0]  }
0x26e: {  	v47 =	vor.u32 s21, v0;
	v14 =	vld [tilespmem:s20+$0x0]  }
0x26f: {  	s22 =	sor.u32 $0x6280, s25;
	s5 =	smov.u32 s2  }
0x270: {  	s29 =	sadd.s32 $0xFFFFFFFE, s10;
	s23 =	sor.u32 s5, s22;
	[tilespmem:v44+s8+$0x0] =	vst.idx.msk $0xffff, v9  }
0x271: {  	s31 =	sadd.s32 $0xFFFFFCFE, s10;
	s30 =	sor.u32 s12, s22;
	v48 =	vor.u32 s29, v0;
	[tilespmem:v45+s8+$0x0] =	vst.idx.msk $0xffff, v11;
	v9 =	vld [tilespmem:s23+$0x0]  }
0x272: {  	v49 =	vor.u32 s31, v0;
	s4 =	sor.u32 s24, s22;
	s7 =	sadd.s32 $0xFFFFFEFE, s10;
	v11 =	vld [tilespmem:s30+$0x0];
	[tilespmem:v46+s8+$0x0] =	vst.idx.msk $0xffff, v2  }
0x273: {  	s0 =	sor.u32 s6, s22;
	s9 =	sadd.s32 $0xFFFFFDFE, s10;
	v50 =	vor.u32 s7, v0;
	[tilespmem:v47+s8+$0x0] =	vst.idx.msk $0xffff, v14;
	v2 =	vld [tilespmem:s4+$0x0]  }
0x274: {  	v51 =	vor.u32 s9, v0;
	v14 =	vld [tilespmem:s0+$0x0]  }
0x275: {  	s11 =	sor.u32 $0x6300, s25  }
0x276: {  	s14 =	sadd.s32 $0xFFFFFFFF, s10;
	s13 =	sor.u32 s5, s11;
	[tilespmem:v48+s8+$0x0] =	vst.idx.msk $0xffff, v9  }
0x277: {  	v52 =	vor.u32 s14, v0;
	s16 =	sadd.s32 $0xFFFFFCFF, s10;
	s15 =	sor.u32 s12, s11;
	[tilespmem:v49+s8+$0x0] =	vst.idx.msk $0xffff, v11;
	v9 =	vld [tilespmem:s13+$0x0]  }
0x278: {  	v53 =	vor.u32 s16, v0;
	s17 =	sor.u32 s24, s11;
	s18 =	sadd.s32 $0xFFFFFEFF, s10;
	[tilespmem:v50+s8+$0x0] =	vst.idx.msk $0xffff, v2;
	v2 =	vld [tilespmem:s15+$0x0]  }
0x279: {  	s19 =	sadd.s32 $0xFFFFFDFF, s10;
	v55 =	vor.u32 s18, v0;
	s0 =	sor.u32 s6, s11;
	[tilespmem:v51+s8+$0x0] =	vst.idx.msk $0xffff, v14;
	v54 =	vld [tilespmem:s17+$0x0]  }
0x27a: {  	v56 =	vor.u32 s19, v0;
	[tilespmem:v4+s8+$0x0] =	vst.idx.msk $0xffff, v6;
	v57 =	vld [tilespmem:s0+$0x0]  }
0x27b: {  	[tilespmem:v8+s8+$0x0] =	vst.idx.msk $0xffff, v7;
	s20 =	sor.u32 $0x6380, s25  }
0x27c: {  	v58 =	vld [tilespmem:s26+$0x0];
	s21 =	sor.u32 s5, s20;
	[tilespmem:v52+s8+$0x0] =	vst.idx.msk $0xffff, v9  }
0x27d: {  	v60 =	vor.u32 s10, v0;
	s23 =	sadd.s32 $0xFFFFFD00, s10;
	s22 =	sor.u32 s12, s20;
	v59 =	vld [tilespmem:s21+$0x0];
	[tilespmem:v53+s8+$0x0] =	vst.idx.msk $0xffff, v2  }
0x27e: {  	s25 =	sadd.s32 $0xFFFFFF00, s10;
	s24 =	sor.u32 s24, s20;
	v61 =	vor.u32 s23, v0;
	[tilespmem:v55+s8+$0x0] =	vst.idx.msk $0xffff, v54;
	v2 =	vld [tilespmem:s22+$0x0]  }
0x27f: {  	s26 =	sadd.s32 $0xFFFFFE00, s10;
	v63 =	vor.u32 s25, v0;
	s0 =	sor.u32 s6, s20;
	[tilespmem:v56+s8+$0x0] =	vst.idx.msk $0xffff, v57;
	v62 =	vld [tilespmem:s24+$0x0]  }
0x280: {  	[tilespmem:v5+s8+$0x0] =	vst.idx.msk $0xffff, v1;
	v1 =	vor.u32 s26, v0;
	v4 =	vld [tilespmem:s0+$0x0]  }
0x281: {  	[tilespmem:v3+s8+$0x0] =	vst.idx.msk $0xffff, v58  }
0x282: {  	[tilespmem:v60+s8+$0x0] =	vst.idx.msk $0xffff, v59  }
0x283: {  	[tilespmem:v61+s8+$0x0] =	vst.idx.msk $0xffff, v2  }
0x284: {  	[tilespmem:v63+s8+$0x0] =	vst.idx.msk $0xffff, v62  }
0x285: {  	s29 =	sld [smem:$0x7D0];
	[tilespmem:v1+s8+$0x0] =	vst.idx.msk $0xffff, v4  }
.Ltmp7:
0x286: {  	s30 =	sld [smem:$0x7F6];
	(pc) =	sbr.rel .LBB2_8-.Ltmp7, $4  }
0x287: {  	_ = 	snop  }
0x288: {  	s0 =	sshll.u32 s29, $0xB  }
0x289: {  	s28 =	simm.s32 $0x8000;
	s31 =	simm.s32 $0x0;
	s0 =	sadd.s32 s30, s0  }
0x28a: {  	[hbm4b:s0+s31] =	stream.linear.scatter [tilespmem:s8], [sflag:$0x4], $0x4000, $0x38;
	[tilespmem:$0x10400] =	vst v63  }
.LBB2_10:
0x28b: {  	_ =	sfence.sel $0x180000  }
0x28c: {  	[bflag:$0x0] =	sbarrier.arrive $0xFFFF  }
0x28d: {  	_ =	strace $0x90000047  }
0x28e: {  	s0 =	stileid.u32;
	[bflag:$0x2] =	sbarrier.arrive $0xFFFF  }
0x28f: {  	p0 =	sne.s32 s0, $0x0;
	s0 =	rddreg [dreg:$0x3]  }
0x290: {  	s0 =	sadd.s32 @!p0 $0x100000, s0  }
0x291: {  	[sflag:s0] =	ssyncadd.tile.s32 @!p0 $0x1;
	_ =	shalt  }
.Lfunc_end2:
_tile_overlayer_lowered:
.L_overlay_start_2:
0x292: {  	(tag) =	ssettag $0x2  }
0x293: {  	s0 =	rddreg [dreg:$0x0];
	s2 =	stileid.u32  }
0x294: {  	s1 =	rddreg [dreg:$0x1];
	p0 =	sne.s32 s2, $0x0  }
0x295: {  	s3 =	rddreg [dreg:$0x2];
	[bflag:$0x3] =	sbarrier.arrive $0xFFFF;
	s2 =	simm.s32 @!p0 $0x1C05  }
0x296: {  	[timem:s3], [sflag:s2] =	dma.local @!p0 [hbm:s0], s1  }
0x297: {  	s0 =	simm.s32 @!p0 $0x5  }
0x298: {  	_ =	swait.ge @!p0 [sflag:s0], s1  }
0x299: {  	s1 =	ssub.s32 @!p0 $0x0, s1;
	[sflag:s0] =	ssyncset.done @!p0 $0x0  }
0x29a: {  	[sflag:s0] =	ssyncadd.s32 @!p0 s1  }
0x29b: {  	[bflag:$0x3] =	sbarrier.arrive $0xFFFF  }
0x29c: {  	_ =	shalt  }

// kernel: kernel.7.cloned.1.call-start
scs
__scs_entry_jumppad:
0x0: {  	(pc) =	sbr.rel $0x88, $3  }
0x1: {  	(tag) =	ssettag $0x0;
	lr =	simm.s32 $0x1  }
0x2: {  	[smem:$0x3F9F] =	sst lr;
	_ =	strace $0xD0000000  }
0x3: {  	_ = 	snop  }
0x4: {  	_ = 	snop  }
0x5: {  	_ = 	snop  }
0x6: {  	_ = 	snop  }
0x7: {  	_ = 	snop  }
__scs_overlays_trampoline_lowered:
0x8: {  	[smem:$0x3FAE] =	sst s0  }
0x9: {  	[smem:$0x3FAF] =	sst s1  }
0xa: {  	[smem:$0x3FB0] =	sst s2  }
0xb: {  	[smem:$0x3FB1] =	sst s3  }
0xc: {  	[smem:$0x3FB2] =	sst s4  }
0xd: {  	[smem:$0x3FB3] =	sst s5  }
0xe: {  	[smem:$0x3FB4] =	sst s6  }
0xf: {  	[smem:$0x3FB5] =	sst s7  }
0x10: {  	[smem:$0x3FB6] =	sst s8  }
0x11: {  	[smem:$0x3FB7] =	sst s9;
	s0 =	simm.s32 @!p0 $0x0  }
0x12: {  	s1 =	sld [smem:$0x3F9D];
	s0 =	simm.s32 @p0 $0x1  }
0x13: {  	[smem:$0x3FB8] =	sst s0;
	s0 =	simm.s32 @!p1 $0x0  }
0x14: {  	s2 =	sld [smem:$0x3F9C];
	s0 =	simm.s32 @p1 $0x1  }
0x15: {  	[smem:$0x3FB9] =	sst s0;
	s0 =	simm.s32 @!p2 $0x0  }
0x16: {  	s3 =	sld [smem:$0x3FDB];
	s0 =	simm.s32 @p2 $0x1  }
0x17: {  	s4 =	simm.s32 $0x1BF5;
	[smem:$0x3FBB] =	sst s0  }
0x18: {  	s0 =	sld [smem:$0x3F9E];
	_ =	swait.ge [sflag:s4], $0x0  }
0x19: {  	s7 =	sld [smem:$0x3F9F]  }
0x1a: {  	s8 =	sadd.s32 $0xFFFFE003, lr  }
0x1b: {  	s9 =	sadd.s32 $0xFFFFFEF7, lr;
	s5 =	simm.s32 $0xFFFFFFFF;
	p2 =	slt.u32 s8, $0xFFFFF086  }
0x1c: {  	p1 =	slt.u32 s9, $0xF7A;
	s5 =	simm.s32 @!p2 $0x0  }
0x1d: {  	s5 =	simm.s32 @p1 $0x1;
	p0 =	seq.s32 s7, s2  }
0x1e: {  	s7 =	smul.u32 @!p0 $0xF7A, s2;
	p2 =	seq.s32 @!p0 s5, $0x0  }
0x1f: {  	s9 =	smul.u32 $0xF7A, s1;
	s8 =	simm.s32 @!p0 $0x1BF5;
	p2 =	por !p2, p0  }
0x20: {  	[sflag:s8] =	ssyncset.s32 @!p0 $0xFFFFF086;
	s6 =	sadd.s32 @!p0 s3, s7;
	s7 =	simm.s32 @!p0 $0x108  }
0x21: {  	s3 =	sadd.s32 s3, s9;
	s6 =	sadd.s32 @!p0 $0x88, s6;
	s7 =	simm.s32 @p2 $0x1082  }
0x22: {  	[simem:s7], [sflag:s8] =	dma.local @!p0 [hbm:s6], $0xF7A  }
0x23: {  	s9 =	sor.u32 $0xD0000000, s2;
	s6 =	simm.s32 $0x108;
	_ =	swait.ge @!p0 [sflag:s8], $0x0  }
0x24: {  	s3 =	sadd.s32 $0x88, s3;
	s6 =	simm.s32 @!p1 $0x1082;
	[sflag:s4] =	ssyncset.s32 $0xFFFFF086  }
0x25: {  	[simem:s6], [sflag:s4] =	dma.local [hbm:s3], $0xF7A  }
0x26: {  	[smem:$0x3F9F] =	sst s1;
	(tag) =	ssettag s2;
	_ =	strace s9  }
0x27: {  	s1 =	sld [smem:$0x3FAF]  }
0x28: {  	s2 =	sld [smem:$0x3FB0]  }
0x29: {  	s4 =	sld [smem:$0x3FB2]  }
0x2a: {  	p0 =	seq.s32 s5, $0x0;
	s5 =	sld [smem:$0x3FB3]  }
0x2b: {  	s6 =	sld [smem:$0x3FB4]  }
0x2c: {  	s7 =	sld [smem:$0x3FB5]  }
0x2d: {  	s3 =	simm.s32 $0x108;
	s8 =	sld [smem:$0x3FB6]  }
0x2e: {  	s3 =	simm.s32 @!p0 $0x1082;
	s9 =	sld [smem:$0x3FB7]  }
0x2f: {  	lr =	sadd.s32 s0, s3;
	s0 =	sld [smem:$0x3FAE]  }
0x30: {  	s3 =	sld [smem:$0x3FB1]  }
0x31: {  	[smem:$0x3FBA] =	sst s10  }
0x32: {  	s10 =	sld [smem:$0x3FB8];
	_ =	sdelay $0x3  }
0x33: {  	p0 =	seq.s32 s10, $0x1;
	s10 =	sld [smem:$0x3FBA];
	_ =	sdelay $0x3  }
0x34: {  	[smem:$0x3FBA] =	sst s10  }
0x35: {  	s10 =	sld [smem:$0x3FB9];
	_ =	sdelay $0x3  }
0x36: {  	p1 =	seq.s32 s10, $0x1;
	s10 =	sld [smem:$0x3FBA];
	_ =	sdelay $0x3  }
0x37: {  	[smem:$0x3FBA] =	sst s10  }
0x38: {  	s10 =	sld [smem:$0x3FBB]  }
0x39: {  	_ = 	snop;
	(pc) =	sbr.ind lr, $3  }
0x3a: {  	_ = 	snop  }
0x3b: {  	_ = 	snop  }
0x3c: {  	p2 =	seq.s32 s10, $0x1;
	s10 =	sld [smem:$0x3FBA]  }
0x3d: {  	_ =	shalt  }
0x3e: {  	_ =	shalt  }
0x3f: {  	_ =	shalt  }
0x40: {  	_ =	shalt  }
0x41: {  	_ =	shalt  }
0x42: {  	_ =	shalt  }
0x43: {  	_ =	shalt  }
0x44: {  	_ =	shalt  }
0x45: {  	_ =	shalt  }
0x46: {  	_ =	shalt  }
0x47: {  	_ =	shalt  }
0x48: {  	_ =	shalt  }
0x49: {  	_ =	shalt  }
0x4a: {  	_ =	shalt  }
0x4b: {  	_ =	shalt  }
0x4c: {  	_ =	shalt  }
0x4d: {  	_ =	shalt  }
0x4e: {  	_ =	shalt  }
0x4f: {  	_ =	shalt  }
0x50: {  	_ =	shalt  }
0x51: {  	_ =	shalt  }
0x52: {  	_ =	shalt  }
0x53: {  	_ =	shalt  }
0x54: {  	_ =	shalt  }
0x55: {  	_ =	shalt  }
0x56: {  	_ =	shalt  }
0x57: {  	_ =	shalt  }
0x58: {  	_ =	shalt  }
0x59: {  	_ =	shalt  }
0x5a: {  	_ =	shalt  }
0x5b: {  	_ =	shalt  }
0x5c: {  	_ =	shalt  }
0x5d: {  	_ =	shalt  }
0x5e: {  	_ =	shalt  }
0x5f: {  	_ =	shalt  }
0x60: {  	_ =	shalt  }
0x61: {  	_ =	shalt  }
0x62: {  	_ =	shalt  }
0x63: {  	_ =	shalt  }
0x64: {  	_ =	shalt  }
0x65: {  	_ =	shalt  }
0x66: {  	_ =	shalt  }
0x67: {  	_ =	shalt  }
0x68: {  	_ =	shalt  }
0x69: {  	_ =	shalt  }
0x6a: {  	_ =	shalt  }
0x6b: {  	_ =	shalt  }
0x6c: {  	_ =	shalt  }
0x6d: {  	_ =	shalt  }
0x6e: {  	_ =	shalt  }
0x6f: {  	_ =	shalt  }
0x70: {  	_ =	shalt  }
0x71: {  	_ =	shalt  }
0x72: {  	_ =	shalt  }
0x73: {  	_ =	shalt  }
0x74: {  	_ =	shalt  }
0x75: {  	_ =	shalt  }
0x76: {  	_ =	shalt  }
0x77: {  	_ =	shalt  }
0x78: {  	_ =	shalt  }
0x79: {  	_ =	shalt  }
0x7a: {  	_ =	shalt  }
0x7b: {  	_ =	shalt  }
0x7c: {  	_ =	shalt  }
0x7d: {  	_ =	shalt  }
0x7e: {  	_ =	shalt  }
0x7f: {  	_ =	shalt  }
0x80: {  	_ =	shalt  }
0x81: {  	_ =	shalt  }
0x82: {  	_ =	shalt  }
0x83: {  	_ =	shalt  }
0x84: {  	_ =	shalt  }
0x85: {  	_ =	shalt  }
0x86: {  	_ =	shalt  }
0x87: {  	_ =	shalt  }
.Lfunc_end0:
.L_simem_size_0:
called_computation.1_lowered:
.L_overlay_start_0:
0x88: {  	s2 =	sld [smem:$0x3FD9]  }
0x89: {  	s3 =	sld [smem:$0x3FFE];
	_ =	sdelay $0x1  }
0x8a: {  	s1 =	srdreg.scid  }
0x8b: {  	s0 =	sand.u32 $0x1, s1  }
0x8c: {  	s17 =	sshll.u32 s0, $0xA;
	s2 =	sadd.s32 s3, s2  }
0x8d: {  	s2 =	sadd.s32 s2, s17  }
0x8e: {  	[smem:$0x3FC6] =	sst s2  }
0x8f: {  	_ = 	snop  }
0x90: {  	s2 =	sld [smem:$0x3FC8]  }
0x91: {  	s18 =	sld [smem:$0x3FD0];
	(tm) =	ssettm $0x1  }
0x92: {  	s4 =	sld [smem:$0x3FFB];
	_ =	sdelay $0x3  }
0x93: {  	_ =	strace s4  }
0x94: {  	s4 =	sld [smem:$0x3FFC];
	_ =	sdelay $0x3  }
0x95: {  	_ =	strace s4  }
0x96: {  	s4 =	sld [smem:$0x3FFD];
	_ =	sdelay $0x3  }
0x97: {  	_ =	strace s4  }
0x98: {  	_ =	strace $0x8FFFFFFF  }
0x99: {  	s19 =	sld [smem:$0x3FDB];
	_ =	sdelay $0x1  }
0x9a: {  	s5 =	simm.s32 $_scs_section_size  }
0x9b: {  	s6 =	simm.s32 $_size__tile_overlayer_lowered;
	s7 =	simm.s32 $_tile_overlayer_lowered  }
0x9c: {  	s22 =	simm.s32 $0x1BFF;
	s21 =	sshll.u32 s7, $0x1;
	s4 =	sadd.s32 s5, s19  }
0x9d: {  	s8 =	simm.s32 $0x0;
	s20 =	sshll.u32 s6, $0x1;
	s6 =	sadd.s32 s21, s4  }
0x9e: {  	[timem:s8], [sflag:s22] =	dma.local [hbm:s6], s20  }
0x9f: {  	_ =	swait.ge [sflag:s22], s20  }
0xa0: {  	s5 =	ssub.s32 $0x0, s20;
	[sflag:s22] =	ssyncset.done $0x0  }
0xa1: {  	[sflag:s22] =	ssyncadd.s32 s5;
	_ =	sdelay $0x1  }
0xa2: {  	s23 =	simm.s32 $0x1B8B  }
0xa3: {  	_ =	swait.ge [sflag:s23], $0x1  }
0xa4: {  	[sflag:s23] =	ssyncset.done $0x0  }
0xa5: {  	s25 =	simm.s32 $0x1B8E;
	s24 =	sld [smem:$0x3FFE];
	[sflag:s23] =	ssyncadd.s32 $0xFFFFFFFF  }
0xa6: {  	s26 =	simm.s32 $execute0_lowered;
	[smem:$0x3FD2] =	sst s25  }
0xa7: {  	s6 =	sshll.u32 s26, $0x1;
	_ =	strace $0x80000049;
	[dreg:$0x1] =	wrdreg $0xFFFFFFFF  }
0xa8: {  	s28 =	simm.s32 $_size_execute0_lowered;
	s4 =	sadd.s32 s4, s6;
	[dreg:$0x0] =	wrdreg $0x0  }
0xa9: {  	s6 =	sshll.u32 s28, $0x1;
	[dreg:$0x2] =	wrdreg s4  }
0xaa: {  	[dreg:$0x3] =	wrdreg s6  }
0xab: {  	[dreg:$0x4] =	wrdreg $0xC0  }
0xac: {  	_ =	task [dreg:s8], $0x5FFFF  }
0xad: {  	[dreg:$0x1] =	wrdreg $0xFFFFFFFF  }
0xae: {  	[dreg:$0x0] =	wrdreg $0x60  }
0xaf: {  	[dreg:$0x2] =	wrdreg s24  }
0xb0: {  	[dreg:$0x3] =	wrdreg s2  }
0xb1: {  	[dreg:$0x4] =	wrdreg s18  }
0xb2: {  	[dreg:$0x5] =	wrdreg $0x9  }
0xb3: {  	_ =	task.clear_ibuf [dreg:s8], $0x6FFFF;
	_ =	strace $0x90000049  }
0xb4: {  	s29 =	simm.s32 $0x9;
	_ =	strace $0x8000004B  }
0xb5: {  	_ =	swait.ge [sflag:s29], $0x1  }
0xb6: {  	[sflag:s29] =	ssyncadd.s32 $0xFFFFFFFF  }
0xb7: {  	_ =	strace $0x9000004B  }
0xb8: {  	_ =	sfence  }
0xb9: {  	s30 =	sld [smem:$0x0];
	_ =	sdelay $0x2  }
0xba: {  	s31 =	sshll.u32 s1, $0xD;
	s1 =	sshrl.u32 s1, $0x2  }
0xbb: {  	s3 =	sand.u32 $0x4000, s31;
	s1 =	sadd.s32 s1, s30  }
0xbc: {  	s0 =	sor.u32 s3, s0;
	s1 =	sshll.u32 s1, $0x11  }
0xbd: {  	s0 =	sor.u32 s1, s0  }
0xbe: {  	s0 =	sadd.s32 $0x8F2B, s0  }
0xbf: {  	[sflag:s0] =	ssyncadd.remote.s32 $0x1  }
0xc0: {  	_ =	sfence.sel $0xFFFF  }
0xc1: {  	[dreg:$0x0] =	wrdreg $0xFFFFFFFF;
	(pc) =	sbr.abs _section_cstart, $3  }
0xc2: {  	[dreg:$0x1] =	wrdreg $0xFFFFFFFF  }
0xc3: {  	_ =	task.clear_ibuf [dreg:s8], $0x2FFFF;
	_ =	strace $0x9FFFFFFF  }
0xc4: {  	(tm) =	ssettm $0x7FFFFFFF  }
0xc5: {  	_ =	shalt  }
tec
execute0_lowered:
.L_overlay_start_1:
0x0: {  	(tag) =	ssettag $0x1  }
0x1: {  	s0 =	rddreg [dreg:$0x0]  }
0x2: {  	s2 =	rddreg [dreg:$0x1];
	s1 =	srdreg.scid  }
0x3: {  	s4 =	stileid.u32;
	s3 =	rddreg [dreg:$0x2]  }
0x4: {  	s16 =	simm.s32 $0x1;
	s17 =	simm.s32 $0x80;
	s12 =	simm.s32 $0x6  }
0x5: {  	s13 =	simm.s32 $0x4;
	s14 =	simm.s32 $0x17000;
	s18 =	simm.s32 $0x2700  }
0x6: {  	s19 =	simm.s32 $0x15800;
	s20 =	simm.s32 $0x2780;
	s21 =	simm.s32 $0x16000  }
0x7: {  	s22 =	simm.s32 $0x3;
	s1 =	sand.u32 $0x1, s1;
	s5 =	sshll.u32 s4, $0x1  }
0x8: {  	s23 =	simm.s32 $0x16800;
	s24 =	simm.s32 $0x16C00;
	s7 =	sor.u32 s1, s5  }
0x9: {  	s4 =	simm.s32 $0x0;
	s6 =	sadd.s32 $0x800, s0;
	s5 =	smul.u32 $0x1A, s7  }
0xa: {  	s11 =	sadd.s32 $0x1A000, s3;
	s25 =	ssub.s32 $0x2, s1;
	s8 =	smul.u32 $0x10400, s7  }
0xb: {  	[smem:$0x7FF] =	sst s4;
	s26 =	smul.u32 $0x2080, s7;
	s9 =	sshrl.u32 s25, $0x1  }
0xc: {  	_ =	strace $0x8000004A;
	s7 =	smul.u32 $0x6800, s7;
	s0 =	ssub.s32 s25, s9  }
0xd: {  	s9 =	simm.s32 $0x2;
	s8 =	sshrl.u32 s8, $0x3;
	s1 =	sadd.s32 s2, s26  }
0xe: {  	s29 =	sadd.s32 $0x2, s5;
	[dreg:$0x4] =	wrdreg s1;
	s28 =	sadd.s32 s2, s8  }
0xf: {  	s30 =	sshrl.u32 s7, $0x3;
	[dreg:$0x6] =	wrdreg s29;
	s1 =	sadd.s32 $0x140, s28  }
0x10: {  	s0 =	smax.u32 s0, $0x1;
	[dreg:$0x5] =	wrdreg s1;
	s1 =	sadd.s32 s3, s30  }
0x11: {  	v0 =	vlaneseq.u32;
	s10 =	sadd.s32 $0x3, s5;
	[dreg:$0x9] =	wrdreg s0;
	s31 =	sadd.s32 $0xC80, s1  }
0x12: {  	v0 =	vmul.u32 $0x80, v0;
	s7 =	simm.s32 $0x2680;
	s1 =	sadd.s32 $0x1AC80, s1;
	[dreg:$0x7] =	wrdreg s31  }
0x13: {  	s8 =	simm.s32 $0x15000;
	[dreg:$0x8] =	wrdreg s1;
	s1 =	simm.s32 $0x0  }
.LBB2_1:
0x14: {  	[dreg:$0xa] =	wrdreg s1  }
0x15: {  	s0 =	rddreg [dreg:$0x4]  }
0x16: {  	[tilespmem:s4], [sflag:$0x1] =	stream.linear.gather [hbm4b:s0+s4], $0xA00, $0x38;
	[tilespmem:$0x17800] =	vst v63  }
0x17: {  	s30 =	rddreg [dreg:$0x5];
	s31 =	simm.s32 $0xA00;
	s25 =	simm.s32 $0x0  }
0x18: {  	[tilespmem:s31], [sflag:$0x2] =	stream.linear.gather [hbm4b:s30+s4], $0xA00, $0x38;
	[tilespmem:$0x17800] =	vst v63  }
.LBB2_2:
0x19: {  	_ =	swait.ge [sflag:s16], $0xA00  }
0x1a: {  	[sflag:s16] =	ssyncset.done $0x0  }
0x1b: {  	s28 =	sshll.u32 s25, $0x1;
	s0 =	simm.s32 $0x20;
	[sflag:s16] =	ssyncadd.s32 $0xFFFFF600  }
0x1c: {  	s26 =	sadd.s32 s5, s28;
	v2 =	vld [tilespmem:s0+$0xFFFFFFE0]  }
0x1d: {  	s1 =	sshrl.u32 s26, $0x5;
	v4 =	vld [tilespmem:s0+$0x0]  }
0x1e: {  	v3 =	vld [tilespmem:s0+$0x10];
	s1 =	smul.u32 $0x186A0, s1  }
0x1f: {  	v5 =	vld [tilespmem:s0+$0xFFFFFFF0]  }
0x20: {  	v1 =	vmov s1  }
0x21: {  	s0 =	simm.s32 $0x1420;
	s1 =	simm.s32 $0x60;
	v6 =	vadd.s32 v1, v2  }
0x22: {  	v2 =	vld [tilespmem:s1+$0xFFFFFFE0];
	v7 =	vadd.s32 v1, v4;
	[tilespmem:s0+$0xFFFFFFE0] =	vst v6  }
0x23: {  	v4 =	vld [tilespmem:s1+$0x0];
	v6 =	vadd.s32 v1, v3;
	[tilespmem:s0+$0x0] =	vst v7  }
0x24: {  	s29 =	simm.s32 $0x4;
	v5 =	vadd.s32 v1, v5;
	v3 =	vld [tilespmem:s1+$0x10];
	[tilespmem:s0+$0x10] =	vst v6  }
.LBB2_3:
0x25: {  	s29 =	sadd.s32 $0x4, s29  }
0x26: {  	v6 =	vld [tilespmem:s1+$0xFFFFFFF0];
	[tilespmem:s0+$0xFFFFFFF0] =	vst v5;
	s0 =	sadd.s32 $0x40, s0;
	p0 =	slt.u32 s29, $0x9C  }
.Ltmp0:
0x27: {  	(pc) =	sbr.rel @p0 .LBB2_3-.Ltmp0, $4  }
0x28: {  	s1 =	sadd.s32 $0x40, s1;
	v5 =	vadd.s32 v1, v2  }
0x29: {  	v2 =	vld [tilespmem:s1+$0xFFFFFFE0];
	[tilespmem:s0+$0xFFFFFFE0] =	vst v5;
	v5 =	vadd.s32 v1, v3  }
0x2a: {  	v3 =	vld [tilespmem:s1+$0x10];
	v7 =	vadd.s32 v1, v4;
	[tilespmem:s0+$0x10] =	vst v5  }
0x2b: {  	v4 =	vld [tilespmem:s1+$0x0];
	v5 =	vadd.s32 v1, v6;
	[tilespmem:s0+$0x0] =	vst v7  }
0x2c: {  	v6 =	vld [tilespmem:s1+$0xFFFFFFF0];
	_ =	sdelay $0x1  }
0x2d: {  	[tilespmem:s0+$0xFFFFFFF0] =	vst v5;
	s31 =	sadd.s32 $0x40, s0;
	v2 =	vadd.s32 v1, v2  }
0x2e: {  	[tilespmem:s31+$0xFFFFFFE0] =	vst v2;
	v2 =	vadd.s32 v1, v3  }
0x2f: {  	v3 =	vadd.s32 v1, v4;
	[tilespmem:s31+$0x10] =	vst v2  }
0x30: {  	v2 =	vadd.s32 v1, v6;
	[tilespmem:s31+$0x0] =	vst v3  }
0x31: {  	s1 =	simm.s32 $0x1400;
	s15 =	simm.s32 $0x2800;
	[tilespmem:s31+$0xFFFFFFF0] =	vst v2  }
0x32: {  	[tilespmem:s15], [sflag:$0x3] =	stream.indirect.gather [hbm4b:s6+s17], $0x10, s1, s17, $0xb8;
	[tilespmem:$0x17800] =	vst v63  }
0x33: {  	s30 =	simm.s32 $0x1480;
	s31 =	simm.s32 $0x3000  }
0x34: {  	[tilespmem:s31], [sflag:$0x3] =	stream.indirect.gather [hbm4b:s6+s17], $0x10, s30, s17, $0xb8;
	[tilespmem:$0x17800] =	vst v63  }
0x35: {  	s1 =	simm.s32 $0x1500;
	s15 =	simm.s32 $0x3800  }
0x36: {  	[tilespmem:s15], [sflag:$0x3] =	stream.indirect.gather [hbm4b:s6+s17], $0x10, s1, s17, $0xb8;
	[tilespmem:$0x17800] =	vst v63  }
0x37: {  	s30 =	simm.s32 $0x1580;
	s31 =	simm.s32 $0x4000  }
0x38: {  	[tilespmem:s31], [sflag:$0x3] =	stream.indirect.gather [hbm4b:s6+s17], $0x10, s30, s17, $0xb8;
	[tilespmem:$0x17800] =	vst v63  }
0x39: {  	s1 =	simm.s32 $0x1600;
	s15 =	simm.s32 $0x4800  }
0x3a: {  	[tilespmem:s15], [sflag:$0x3] =	stream.indirect.gather [hbm4b:s6+s17], $0x10, s1, s17, $0xb8;
	[tilespmem:$0x17800] =	vst v63  }
0x3b: {  	s30 =	simm.s32 $0x1680;
	s31 =	simm.s32 $0x5000  }
0x3c: {  	[tilespmem:s31], [sflag:$0x3] =	stream.indirect.gather [hbm4b:s6+s17], $0x10, s30, s17, $0xb8;
	[tilespmem:$0x17800] =	vst v63  }
0x3d: {  	s1 =	simm.s32 $0x1700;
	s15 =	simm.s32 $0x5800  }
0x3e: {  	[tilespmem:s15], [sflag:$0x3] =	stream.indirect.gather [hbm4b:s6+s17], $0x10, s1, s17, $0xb8;
	[tilespmem:$0x17800] =	vst v63  }
0x3f: {  	s30 =	simm.s32 $0x1780;
	s31 =	simm.s32 $0x6000  }
0x40: {  	[tilespmem:s31], [sflag:$0x3] =	stream.indirect.gather [hbm4b:s6+s17], $0x10, s30, s17, $0xb8;
	[tilespmem:$0x17800] =	vst v63  }
0x41: {  	s1 =	simm.s32 $0x1800;
	s15 =	simm.s32 $0x6800  }
0x42: {  	[tilespmem:s15], [sflag:$0x3] =	stream.indirect.gather [hbm4b:s6+s17], $0x10, s1, s17, $0xb8;
	[tilespmem:$0x17800] =	vst v63  }
0x43: {  	s30 =	simm.s32 $0x1880;
	s31 =	simm.s32 $0x7000  }
0x44: {  	[tilespmem:s31], [sflag:$0x3] =	stream.indirect.gather [hbm4b:s6+s17], $0x10, s30, s17, $0xb8;
	[tilespmem:$0x17800] =	vst v63  }
0x45: {  	s1 =	simm.s32 $0x1900;
	s15 =	simm.s32 $0x7800  }
0x46: {  	[tilespmem:s15], [sflag:$0x3] =	stream.indirect.gather [hbm4b:s6+s17], $0x10, s1, s17, $0xb8;
	[tilespmem:$0x17800] =	vst v63  }
0x47: {  	s30 =	simm.s32 $0x1980;
	s31 =	simm.s32 $0x8000  }
0x48: {  	[tilespmem:s31], [sflag:$0x3] =	stream.indirect.gather [hbm4b:s6+s17], $0x10, s30, s17, $0xb8;
	[tilespmem:$0x17800] =	vst v63  }
0x49: {  	s1 =	simm.s32 $0x1A00;
	s15 =	simm.s32 $0x8800  }
0x4a: {  	[tilespmem:s15], [sflag:$0x3] =	stream.indirect.gather [hbm4b:s6+s17], $0x10, s1, s17, $0xb8;
	[tilespmem:$0x17800] =	vst v63  }
0x4b: {  	s30 =	simm.s32 $0x1A80;
	s31 =	simm.s32 $0x9000  }
0x4c: {  	[tilespmem:s31], [sflag:$0x3] =	stream.indirect.gather [hbm4b:s6+s17], $0x10, s30, s17, $0xb8;
	[tilespmem:$0x17800] =	vst v63  }
0x4d: {  	s1 =	simm.s32 $0x1B00;
	s15 =	simm.s32 $0x9800  }
0x4e: {  	[tilespmem:s15], [sflag:$0x3] =	stream.indirect.gather [hbm4b:s6+s17], $0x10, s1, s17, $0xb8;
	[tilespmem:$0x17800] =	vst v63  }
0x4f: {  	s30 =	simm.s32 $0x1B80;
	s31 =	simm.s32 $0xA000  }
0x50: {  	[tilespmem:s31], [sflag:$0x3] =	stream.indirect.gather [hbm4b:s6+s17], $0x10, s30, s17, $0xb8;
	[tilespmem:$0x17800] =	vst v63  }
0x51: {  	s1 =	simm.s32 $0x1C00;
	s15 =	simm.s32 $0xA800  }
0x52: {  	[tilespmem:s15], [sflag:$0x3] =	stream.indirect.gather [hbm4b:s6+s17], $0x10, s1, s17, $0xb8;
	[tilespmem:$0x17800] =	vst v63  }
0x53: {  	p0 =	seq.s32 s25, $0xC;
	s30 =	simm.s32 $0x1C80;
	s31 =	simm.s32 $0xB000  }
0x54: {  	[tilespmem:s31], [sflag:$0x3] =	stream.indirect.gather [hbm4b:s6+s17], $0x10, s30, s17, $0xb8;
	[tilespmem:$0x17800] =	vst v63  }
.Ltmp1:
0x55: {  	_ = 	snop;
	(pc) =	sbr.rel @p0 .LBB2_8-.Ltmp1, $4  }
0x56: {  	s1 =	simm.s32 $0x1D00;
	s15 =	simm.s32 $0xB800  }
0x57: {  	[tilespmem:s15], [sflag:$0x3] =	stream.indirect.gather [hbm4b:s6+s17], $0x10, s1, s17, $0xb8;
	[tilespmem:$0x17800] =	vst v63  }
0x58: {  	s29 =	simm.s32 $0x17;
	s30 =	simm.s32 $0x1D80;
	s31 =	simm.s32 $0xC000  }
0x59: {  	[tilespmem:s31], [sflag:$0x3] =	stream.indirect.gather [hbm4b:s6+s17], $0x10, s30, s17, $0xb8;
	[tilespmem:$0x17800] =	vst v63  }
0x5a: {  	s0 =	rddreg [dreg:$0x6];
	p1 =	seq.s32 s25, $0x0  }
.Ltmp2:
0x5b: {  	s0 =	sadd.s32 s28, s0;
	(pc) =	sbr.rel @p1 .LBB2_6-.Ltmp2, $3  }
0x5c: {  	s0 =	smul.u32 $0x140, s0;
	_ =	sdelay $0x1  }
0x5d: {  	s0 =	sadd.s32 s2, s0  }
0x5e: {  	[tilespmem:s4], [sflag:$0x1] =	stream.linear.gather [hbm4b:s0+s4], $0xA00, $0x38;
	[tilespmem:$0x17800] =	vst v63  }
0x5f: {  	p1 =	seq.s32 s25, $0x1  }
.Ltmp3:
0x60: {  	_ = 	snop;
	(pc) =	sbr.rel @p1 .LBB2_9-.Ltmp3, $2  }
0x61: {  	_ =	sdelay $0x2  }
0x62: {  	s29 =	sadd.s32 $0xFFFFFFFF, s28  }
.LBB2_8:
0x63: {  	_ =	swait.ge [sflag:s12], $0x400  }
0x64: {  	[sflag:s12] =	ssyncset.done $0x0  }
0x65: {  	[sflag:s12] =	ssyncadd.s32 $0xFFFFFC00  }
0x66: {  	_ =	swait.ge [sflag:s12], $0x400  }
0x67: {  	[sflag:s12] =	ssyncset.done $0x0  }
0x68: {  	[sflag:s12] =	ssyncadd.s32 $0xFFFFFC00  }
.LBB2_9:
0x69: {  	_ =	swait.ge [sflag:s13], $0x800  }
0x6a: {  	[sflag:s13] =	ssyncset.done $0x0  }
0x6b: {  	[sflag:s13] =	ssyncadd.s32 $0xFFFFF800  }
0x6c: {  	_ =	swait.ge [sflag:s13], $0x800  }
0x6d: {  	[sflag:s13] =	ssyncset.done $0x0  }
0x6e: {  	[sflag:s13] =	ssyncadd.s32 $0xFFFFF800  }
0x6f: {  	_ =	swait.ge [sflag:s13], $0x800  }
0x70: {  	[sflag:s13] =	ssyncset.done $0x0  }
0x71: {  	[sflag:s13] =	ssyncadd.s32 $0xFFFFF800  }
0x72: {  	_ =	swait.ge [sflag:s13], $0x800  }
0x73: {  	[sflag:s13] =	ssyncset.done $0x0  }
0x74: {  	[sflag:s13] =	ssyncadd.s32 $0xFFFFF800  }
0x75: {  	_ =	swait.ge [sflag:s13], $0x800  }
0x76: {  	[sflag:s13] =	ssyncset.done $0x0  }
0x77: {  	[sflag:s13] =	ssyncadd.s32 $0xFFFFF800  }
0x78: {  	_ =	swait.ge [sflag:s13], $0x800  }
0x79: {  	[sflag:s13] =	ssyncset.done $0x0  }
0x7a: {  	[sflag:s13] =	ssyncadd.s32 $0xFFFFF800  }
0x7b: {  	_ =	swait.ge [sflag:s13], $0x800  }
0x7c: {  	[sflag:s13] =	ssyncset.done $0x0  }
0x7d: {  	[sflag:s13] =	ssyncadd.s32 $0xFFFFF800  }
0x7e: {  	_ =	swait.ge [sflag:s13], $0x800  }
0x7f: {  	[sflag:s13] =	ssyncset.done $0x0  }
0x80: {  	[sflag:s13] =	ssyncadd.s32 $0xFFFFF800  }
0x81: {  	_ =	swait.ge [sflag:s13], $0x800  }
0x82: {  	[sflag:s13] =	ssyncset.done $0x0  }
0x83: {  	[sflag:s13] =	ssyncadd.s32 $0xFFFFF800  }
0x84: {  	_ =	swait.ge [sflag:s13], $0x800  }
0x85: {  	[sflag:s13] =	ssyncset.done $0x0  }
0x86: {  	[sflag:s13] =	ssyncadd.s32 $0xFFFFF800  }
0x87: {  	_ =	swait.ge [sflag:s13], $0x800  }
0x88: {  	[sflag:s13] =	ssyncset.done $0x0  }
0x89: {  	[sflag:s13] =	ssyncadd.s32 $0xFFFFF800  }
0x8a: {  	_ =	swait.ge [sflag:s13], $0x800  }
0x8b: {  	[sflag:s13] =	ssyncset.done $0x0  }
0x8c: {  	[sflag:s13] =	ssyncadd.s32 $0xFFFFF800  }
0x8d: {  	_ =	swait.ge [sflag:s13], $0x800  }
0x8e: {  	[sflag:s13] =	ssyncset.done $0x0  }
0x8f: {  	[sflag:s13] =	ssyncadd.s32 $0xFFFFF800  }
0x90: {  	_ =	swait.ge [sflag:s13], $0x800  }
0x91: {  	[sflag:s13] =	ssyncset.done $0x0  }
0x92: {  	[sflag:s13] =	ssyncadd.s32 $0xFFFFF800  }
0x93: {  	_ =	swait.ge [sflag:s13], $0x800  }
0x94: {  	[sflag:s13] =	ssyncset.done $0x0  }
0x95: {  	[sflag:s13] =	ssyncadd.s32 $0xFFFFF800  }
0x96: {  	_ =	swait.ge [sflag:s13], $0x800  }
0x97: {  	[sflag:s13] =	ssyncset.done $0x0  }
0x98: {  	[sflag:s13] =	ssyncadd.s32 $0xFFFFF800  }
0x99: {  	_ =	swait.ge [sflag:s13], $0x800  }
0x9a: {  	[sflag:s13] =	ssyncset.done $0x0  }
0x9b: {  	[sflag:s13] =	ssyncadd.s32 $0xFFFFF800  }
0x9c: {  	_ =	swait.ge [sflag:s13], $0x800  }
0x9d: {  	[sflag:s13] =	ssyncset.done $0x0  }
0x9e: {  	[sflag:s13] =	ssyncadd.s32 $0xFFFFF800  }
0x9f: {  	_ =	swait.ge [sflag:s13], $0x800  }
0xa0: {  	[sflag:s13] =	ssyncset.done $0x0  }
0xa1: {  	[sflag:s13] =	ssyncadd.s32 $0xFFFFF800  }
0xa2: {  	_ =	swait.ge [sflag:s13], $0x800  }
0xa3: {  	[sflag:s13] =	ssyncset.done $0x0  }
0xa4: {  	s0 =	simm.s32 $0xC940;
	[sflag:s13] =	ssyncadd.s32 $0xFFFFF800  }
0xa5: {  	v2 =	vld [tilespmem:s0+$0x0]  }
0xa6: {  	v3 =	vld [tilespmem:s0+$0x10]  }
0xa7: {  	v4 =	vld [tilespmem:s0+$0xFFFFFED0]  }
0xa8: {  	v5 =	vld [tilespmem:s0+$0x20]  }
0xa9: {  	v6 =	vld [tilespmem:s0+$0xFFFFFEC0]  }
0xaa: {  	v7 =	vld [tilespmem:s0+$0x30]  }
0xab: {  	v8 =	vld [tilespmem:s0+$0xFFFFFEE0];
	v2 =	vadd.f32 v3, v2  }
0xac: {  	v3 =	vld [tilespmem:s0+$0x40]  }
0xad: {  	v9 =	vld [tilespmem:s0+$0xFFFFFEF0];
	v2 =	vadd.f32 v5, v2  }
0xae: {  	v4 =	vadd.f32 v4, v6;
	v5 =	vld [tilespmem:s0+$0x50]  }
0xaf: {  	v6 =	vld [tilespmem:s0+$0xFFFFFF00];
	v2 =	vadd.f32 v7, v2  }
0xb0: {  	v4 =	vadd.f32 v8, v4;
	v7 =	vld [tilespmem:s0+$0x60]  }
0xb1: {  	v8 =	vld [tilespmem:s0+$0xFFFFFF10];
	v2 =	vadd.f32 v3, v2  }
0xb2: {  	v3 =	vadd.f32 v9, v4;
	v4 =	vld [tilespmem:s0+$0x70]  }
0xb3: {  	v9 =	vld [tilespmem:s0+$0xFFFFFF20];
	v2 =	vadd.f32 v5, v2  }
0xb4: {  	v3 =	vadd.f32 v6, v3;
	v5 =	vld [tilespmem:s0+$0x80]  }
0xb5: {  	v6 =	vld [tilespmem:s0+$0xFFFFFF30];
	v2 =	vadd.f32 v7, v2  }
0xb6: {  	v3 =	vadd.f32 v8, v3;
	v7 =	vld [tilespmem:s0+$0x90]  }
0xb7: {  	v8 =	vld [tilespmem:s0+$0xFFFFFF40];
	v2 =	vadd.f32 v4, v2  }
0xb8: {  	v3 =	vadd.f32 v9, v3;
	v4 =	vld [tilespmem:s0+$0xA0]  }
0xb9: {  	v9 =	vld [tilespmem:s0+$0xFFFFFF50];
	v2 =	vadd.f32 v5, v2  }
0xba: {  	v3 =	vadd.f32 v6, v3;
	v5 =	vld [tilespmem:s0+$0xB0]  }
0xbb: {  	v6 =	vld [tilespmem:s0+$0xFFFFFF60];
	v2 =	vadd.f32 v7, v2  }
0xbc: {  	v3 =	vadd.f32 v8, v3;
	v7 =	vld [tilespmem:s0+$0xC0]  }
0xbd: {  	v8 =	vld [tilespmem:s0+$0xFFFFFF70];
	v2 =	vadd.f32 v4, v2  }
0xbe: {  	v3 =	vadd.f32 v9, v3;
	v4 =	vld [tilespmem:s0+$0xD0]  }
0xbf: {  	v9 =	vld [tilespmem:s0+$0xFFFFFF80];
	v2 =	vadd.f32 v5, v2  }
0xc0: {  	v3 =	vadd.f32 v6, v3;
	v5 =	vld [tilespmem:s0+$0xE0]  }
0xc1: {  	v6 =	vld [tilespmem:s0+$0xFFFFFF90];
	v2 =	vadd.f32 v7, v2  }
0xc2: {  	v3 =	vadd.f32 v8, v3;
	v7 =	vld [tilespmem:s0+$0xF0]  }
0xc3: {  	v8 =	vld [tilespmem:s0+$0xFFFFFFA0];
	v2 =	vadd.f32 v4, v2  }
0xc4: {  	v3 =	vadd.f32 v9, v3;
	v4 =	vld [tilespmem:s0+$0x100]  }
0xc5: {  	v9 =	vld [tilespmem:s0+$0xFFFFFFB0];
	v2 =	vadd.f32 v5, v2  }
0xc6: {  	v3 =	vadd.f32 v6, v3;
	v5 =	vld [tilespmem:s0+$0x110]  }
0xc7: {  	v6 =	vld [tilespmem:s0+$0xFFFFFFC0];
	v2 =	vadd.f32 v7, v2  }
0xc8: {  	v3 =	vadd.f32 v8, v3;
	v7 =	vld [tilespmem:s0+$0x120]  }
0xc9: {  	v10 =	vld [tilespmem:s0+$0xFFFFFFD0];
	v2 =	vadd.f32 v4, v2  }
0xca: {  	v8 =	vadd.f32 v9, v3;
	v3 =	vld [tilespmem:s0+$0x130]  }
0xcb: {  	s15 =	simm.s32 $0x1;
	v4 =	vld [tilespmem:s0+$0xFFFFFFE0];
	v9 =	vadd.f32 v5, v2  }
0xcc: {  	s31 =	simm.s32 $0xCBC0;
	v11 =	vadd.f32 v6, v8;
	v2 =	vld [tilespmem:s0+$0xFFFFFFF0];
	v5 =	vor.u32 s15, v0  }
0xcd: {  	v8 =	vld [tilespmem:s31+$0x0];
	v6 =	vadd.f32 v7, v9  }
0xce: {  	s1 =	simm.s32 $0x0;
	s30 =	simm.s32 $0x2;
	s0 =	simm.s32 $0x4;
	v9 =	vld [tilespmem:s31+$0x10];
	v7 =	vadd.f32 v10, v11  }
.LBB2_10:
0xcf: {  	p1 =	slt.u32 s0, $0x7E;
	v10 =	vld [tilespmem:s31+$0xFFFFFED0];
	v11 =	vor.u32 s1, v0;
	v3 =	vadd.f32 v3, v6;
	s1 =	smov.u32 s30;
	s30 =	smov.u32 s0  }
0xd0: {  	v6 =	vld [tilespmem:s31+$0x20];
	v4 =	vadd.f32 v4, v7  }
0xd1: {  	v7 =	vld [tilespmem:s31+$0xFFFFFEC0];
	[tilespmem:v5+s14+$0x0] =	vst.idx.msk $0xffff, v3  }
0xd2: {  	v3 =	vld [tilespmem:s31+$0x30];
	v2 =	vadd.f32 v2, v4  }
0xd3: {  	v4 =	vld [tilespmem:s31+$0xFFFFFEE0];
	v5 =	vadd.f32 v9, v8  }
0xd4: {  	v8 =	vld [tilespmem:s31+$0x40];
	[tilespmem:v11+s14+$0x0] =	vst.idx.msk $0xffff, v2  }
0xd5: {  	v2 =	vld [tilespmem:s31+$0xFFFFFEF0];
	v5 =	vadd.f32 v6, v5  }
0xd6: {  	v6 =	vadd.f32 v10, v7;
	v7 =	vld [tilespmem:s31+$0x50]  }
0xd7: {  	v9 =	vld [tilespmem:s31+$0xFFFFFF00];
	v3 =	vadd.f32 v3, v5  }
0xd8: {  	v4 =	vadd.f32 v4, v6;
	v5 =	vld [tilespmem:s31+$0x60]  }
0xd9: {  	v6 =	vld [tilespmem:s31+$0xFFFFFF10];
	v3 =	vadd.f32 v8, v3  }
0xda: {  	v2 =	vadd.f32 v2, v4;
	v4 =	vld [tilespmem:s31+$0x70]  }
0xdb: {  	v8 =	vld [tilespmem:s31+$0xFFFFFF20];
	v3 =	vadd.f32 v7, v3  }
0xdc: {  	v2 =	vadd.f32 v9, v2;
	v7 =	vld [tilespmem:s31+$0x80]  }
0xdd: {  	v9 =	vld [tilespmem:s31+$0xFFFFFF30];
	v3 =	vadd.f32 v5, v3  }
0xde: {  	v2 =	vadd.f32 v6, v2;
	v5 =	vld [tilespmem:s31+$0x90]  }
0xdf: {  	v6 =	vld [tilespmem:s31+$0xFFFFFF40];
	v3 =	vadd.f32 v4, v3  }
0xe0: {  	v2 =	vadd.f32 v8, v2;
	v4 =	vld [tilespmem:s31+$0xA0]  }
0xe1: {  	v8 =	vld [tilespmem:s31+$0xFFFFFF50];
	v3 =	vadd.f32 v7, v3  }
0xe2: {  	v2 =	vadd.f32 v9, v2;
	v7 =	vld [tilespmem:s31+$0xB0]  }
0xe3: {  	v9 =	vld [tilespmem:s31+$0xFFFFFF60];
	v3 =	vadd.f32 v5, v3  }
0xe4: {  	v2 =	vadd.f32 v6, v2;
	v5 =	vld [tilespmem:s31+$0xC0]  }
0xe5: {  	v6 =	vld [tilespmem:s31+$0xFFFFFF70];
	v3 =	vadd.f32 v4, v3  }
0xe6: {  	v2 =	vadd.f32 v8, v2;
	v4 =	vld [tilespmem:s31+$0xD0]  }
0xe7: {  	v8 =	vld [tilespmem:s31+$0xFFFFFF80];
	v3 =	vadd.f32 v7, v3  }
0xe8: {  	v2 =	vadd.f32 v9, v2;
	v7 =	vld [tilespmem:s31+$0xE0]  }
0xe9: {  	v9 =	vld [tilespmem:s31+$0xFFFFFF90];
	v3 =	vadd.f32 v5, v3  }
0xea: {  	v2 =	vadd.f32 v6, v2;
	v5 =	vld [tilespmem:s31+$0xF0]  }
0xeb: {  	v6 =	vld [tilespmem:s31+$0xFFFFFFA0];
	v3 =	vadd.f32 v4, v3  }
0xec: {  	v2 =	vadd.f32 v8, v2;
	v4 =	vld [tilespmem:s31+$0x100]  }
0xed: {  	v8 =	vld [tilespmem:s31+$0xFFFFFFB0];
	v3 =	vadd.f32 v7, v3  }
0xee: {  	v2 =	vadd.f32 v9, v2;
	v7 =	vld [tilespmem:s31+$0x110]  }
0xef: {  	v9 =	vld [tilespmem:s31+$0xFFFFFFC0];
	v3 =	vadd.f32 v5, v3  }
0xf0: {  	v2 =	vadd.f32 v6, v2;
	v6 =	vld [tilespmem:s31+$0x120]  }
0xf1: {  	v10 =	vld [tilespmem:s31+$0xFFFFFFD0];
	v5 =	vadd.f32 v4, v3  }
.Ltmp4:
0xf2: {  	v2 =	vadd.f32 v8, v2;
	v3 =	vld [tilespmem:s31+$0x130];
	(pc) =	sbr.rel @p1 .LBB2_10-.Ltmp4, $4  }
0xf3: {  	s15 =	sadd.s32 $0x1, s1;
	v4 =	vld [tilespmem:s31+$0xFFFFFFE0];
	v7 =	vadd.f32 v7, v5  }
0xf4: {  	v5 =	vor.u32 s15, v0;
	v11 =	vadd.f32 v9, v2;
	v2 =	vld [tilespmem:s31+$0xFFFFFFF0];
	s31 =	sadd.s32 $0x280, s31  }
0xf5: {  	v8 =	vld [tilespmem:s31+$0x0];
	v6 =	vadd.f32 v6, v7  }
0xf6: {  	s0 =	sadd.s32 $0x2, s0;
	v9 =	vld [tilespmem:s31+$0x10];
	v7 =	vadd.f32 v10, v11  }
0xf7: {  	v10 =	vld [tilespmem:s31+$0xFFFFFED0]  }
0xf8: {  	v11 =	vld [tilespmem:s31+$0xFFFFFEC0]  }
0xf9: {  	v12 =	vld [tilespmem:s31+$0x20]  }
0xfa: {  	v13 =	vld [tilespmem:s31+$0xFFFFFEE0]  }
0xfb: {  	v14 =	vld [tilespmem:s31+$0x30]  }
0xfc: {  	v26 =	vld [tilespmem:s31+$0xFFFFFEF0];
	v8 =	vadd.f32 v9, v8  }
0xfd: {  	v15 =	vld [tilespmem:s31+$0x40];
	v10 =	vadd.f32 v10, v11  }
0xfe: {  	v27 =	vld [tilespmem:s31+$0xFFFFFF00];
	v8 =	vadd.f32 v12, v8  }
0xff: {  	v28 =	vld [tilespmem:s31+$0x50];
	v10 =	vadd.f32 v13, v10  }
0x100: {  	v29 =	vld [tilespmem:s31+$0xFFFFFF10];
	v8 =	vadd.f32 v14, v8  }
0x101: {  	v30 =	vld [tilespmem:s31+$0x60];
	v9 =	vadd.f32 v26, v10  }
0x102: {  	v31 =	vld [tilespmem:s31+$0xFFFFFF20];
	v8 =	vadd.f32 v15, v8  }
0x103: {  	v32 =	vld [tilespmem:s31+$0x70];
	v9 =	vadd.f32 v27, v9  }
0x104: {  	v33 =	vld [tilespmem:s31+$0xFFFFFF30];
	v8 =	vadd.f32 v28, v8  }
0x105: {  	v34 =	vld [tilespmem:s31+$0x80];
	v9 =	vadd.f32 v29, v9  }
0x106: {  	v35 =	vld [tilespmem:s31+$0xFFFFFF40];
	v8 =	vadd.f32 v30, v8  }
0x107: {  	v36 =	vld [tilespmem:s31+$0x90];
	v9 =	vadd.f32 v31, v9  }
0x108: {  	v37 =	vld [tilespmem:s31+$0xFFFFFF50];
	v8 =	vadd.f32 v32, v8  }
0x109: {  	v38 =	vld [tilespmem:s31+$0xA0];
	v9 =	vadd.f32 v33, v9  }
0x10a: {  	v39 =	vld [tilespmem:s31+$0xFFFFFF60];
	v8 =	vadd.f32 v34, v8  }
0x10b: {  	v40 =	vld [tilespmem:s31+$0xB0];
	v9 =	vadd.f32 v35, v9  }
0x10c: {  	v41 =	vld [tilespmem:s31+$0xFFFFFF70];
	v8 =	vadd.f32 v36, v8  }
0x10d: {  	v42 =	vld [tilespmem:s31+$0xC0];
	v9 =	vadd.f32 v37, v9  }
0x10e: {  	v43 =	vld [tilespmem:s31+$0xFFFFFF80];
	v8 =	vadd.f32 v38, v8  }
0x10f: {  	v44 =	vld [tilespmem:s31+$0xD0];
	v9 =	vadd.f32 v39, v9  }
0x110: {  	v45 =	vld [tilespmem:s31+$0xFFFFFF90];
	v8 =	vadd.f32 v40, v8  }
0x111: {  	v46 =	vld [tilespmem:s31+$0xE0];
	v9 =	vadd.f32 v41, v9  }
0x112: {  	v47 =	vld [tilespmem:s31+$0xFFFFFFA0];
	v8 =	vadd.f32 v42, v8  }
0x113: {  	v48 =	vld [tilespmem:s31+$0xF0];
	v9 =	vadd.f32 v43, v9  }
0x114: {  	v49 =	vld [tilespmem:s31+$0xFFFFFFB0];
	v8 =	vadd.f32 v44, v8  }
0x115: {  	v50 =	vld [tilespmem:s31+$0x100];
	v9 =	vadd.f32 v45, v9  }
0x116: {  	v51 =	vld [tilespmem:s31+$0xFFFFFFC0];
	v8 =	vadd.f32 v46, v8  }
0x117: {  	v52 =	vld [tilespmem:s31+$0x110];
	v9 =	vadd.f32 v47, v9  }
0x118: {  	v53 =	vld [tilespmem:s31+$0xFFFFFFD0];
	v8 =	vadd.f32 v48, v8  }
0x119: {  	v54 =	vld [tilespmem:s31+$0x120];
	v9 =	vadd.f32 v49, v9  }
0x11a: {  	v55 =	vld [tilespmem:s31+$0xFFFFFFE0];
	v8 =	vadd.f32 v50, v8  }
0x11b: {  	v56 =	vld [tilespmem:s31+$0x130];
	v9 =	vadd.f32 v51, v9  }
0x11c: {  	v57 =	vor.u32 s1, v0;
	s0 =	sadd.s32 $0x1, s30;
	v58 =	vld [tilespmem:s31+$0xFFFFFFF0];
	v8 =	vadd.f32 v52, v8  }
0x11d: {  	v4 =	vadd.f32 v4, v7;
	v60 =	vor.u32 s0, v0;
	v59 =	vadd.f32 v53, v9  }
0x11e: {  	v3 =	vadd.f32 v3, v6;
	v62 =	vor.u32 s30, v0;
	v61 =	vadd.f32 v54, v8  }
0x11f: {  	v2 =	vadd.f32 v2, v4;
	v63 =	vadd.f32 v55, v59  }
0x120: {  	s29 =	sadd.s32 s5, s29;
	[tilespmem:v5+s14+$0x0] =	vst.idx.msk $0xffff, v3;
	v3 =	vadd.f32 v56, v61  }
0x121: {  	s30 =	sshll.u32 s29, $0x7;
	s0 =	sshll.u32 s29, $0xA;
	[tilespmem:v57+s14+$0x0] =	vst.idx.msk $0xffff, v2;
	v2 =	vadd.f32 v58, v63  }
0x122: {  	s1 =	sand.u32 $0x1FFFFF80, s30;
	s0 =	sadd.s32 $0xD0000, s0;
	[tilespmem:v60+s14+$0x0] =	vst.idx.msk $0xffff, v3  }
0x123: {  	s1 =	sadd.s32 s3, s1;
	s0 =	sshrl.u32 s0, $0x3;
	[tilespmem:v62+s14+$0x0] =	vst.idx.msk $0xffff, v2  }
0x124: {  	[hbm4b:s1+s4] =	stream.linear.scatter [tilespmem:s14], [sflag:$0x6], $0x400, $0x38;
	[tilespmem:$0x17800] =	vst v63  }
0x125: {  	s31 =	simm.s32 $0x17400;
	p1 =	por $0x0, $0x0;
	s0 =	sadd.s32 s3, s0  }
0x126: {  	[hbm4b:s0+s4] =	stream.linear.scatter [tilespmem:s31], [sflag:$0x6], $0x400, $0x38;
	[tilespmem:$0x17800] =	vst v63  }
.LBB2_12:
0x127: {  	_ =	swait.ge [sflag:s9], $0xA00  }
0x128: {  	[sflag:s9] =	ssyncset.done $0x0  }
0x129: {  	s0 =	simm.s32 $0xA20;
	[sflag:s9] =	ssyncadd.s32 $0xFFFFF600  }
0x12a: {  	v2 =	vld [tilespmem:s0+$0xFFFFFFE0]  }
0x12b: {  	v4 =	vld [tilespmem:s0+$0x0]  }
0x12c: {  	v3 =	vld [tilespmem:s0+$0x10]  }
0x12d: {  	v5 =	vld [tilespmem:s0+$0xFFFFFFF0];
	_ =	sdelay $0x1  }
0x12e: {  	s1 =	simm.s32 $0xA60;
	s0 =	simm.s32 $0x1E20;
	v6 =	vadd.s32 v1, v2  }
0x12f: {  	v2 =	vld [tilespmem:s1+$0xFFFFFFE0];
	v7 =	vadd.s32 v1, v4;
	[tilespmem:s0+$0xFFFFFFE0] =	vst v6  }
0x130: {  	v4 =	vld [tilespmem:s1+$0x0];
	v6 =	vadd.s32 v1, v3;
	[tilespmem:s0+$0x0] =	vst v7  }
0x131: {  	s29 =	simm.s32 $0x4;
	v5 =	vadd.s32 v1, v5;
	v3 =	vld [tilespmem:s1+$0x10];
	[tilespmem:s0+$0x10] =	vst v6  }
.LBB2_13:
0x132: {  	s29 =	sadd.s32 $0x4, s29  }
0x133: {  	v6 =	vld [tilespmem:s1+$0xFFFFFFF0];
	[tilespmem:s0+$0xFFFFFFF0] =	vst v5;
	s0 =	sadd.s32 $0x40, s0;
	p2 =	slt.u32 s29, $0x9C  }
.Ltmp5:
0x134: {  	(pc) =	sbr.rel @p2 .LBB2_13-.Ltmp5, $4  }
0x135: {  	s1 =	sadd.s32 $0x40, s1;
	v5 =	vadd.s32 v1, v2  }
0x136: {  	v2 =	vld [tilespmem:s1+$0xFFFFFFE0];
	[tilespmem:s0+$0xFFFFFFE0] =	vst v5;
	v5 =	vadd.s32 v1, v3  }
0x137: {  	v3 =	vld [tilespmem:s1+$0x10];
	v7 =	vadd.s32 v1, v4;
	[tilespmem:s0+$0x10] =	vst v5  }
0x138: {  	v4 =	vld [tilespmem:s1+$0x0];
	v5 =	vadd.s32 v1, v6;
	[tilespmem:s0+$0x0] =	vst v7  }
0x139: {  	v6 =	vld [tilespmem:s1+$0xFFFFFFF0];
	_ =	sdelay $0x1  }
0x13a: {  	[tilespmem:s0+$0xFFFFFFF0] =	vst v5;
	s31 =	sadd.s32 $0x40, s0;
	v2 =	vadd.s32 v1, v2  }
0x13b: {  	[tilespmem:s31+$0xFFFFFFE0] =	vst v2;
	v2 =	vadd.s32 v1, v3  }
0x13c: {  	v3 =	vadd.s32 v1, v4;
	[tilespmem:s31+$0x10] =	vst v2  }
0x13d: {  	v1 =	vadd.s32 v1, v6;
	[tilespmem:s31+$0x0] =	vst v3  }
0x13e: {  	s1 =	simm.s32 $0x1E00;
	s15 =	simm.s32 $0xC800;
	[tilespmem:s31+$0xFFFFFFF0] =	vst v1  }
0x13f: {  	[tilespmem:s15], [sflag:$0x4] =	stream.indirect.gather [hbm4b:s6+s17], $0x10, s1, s17, $0xb8;
	[tilespmem:$0x17800] =	vst v63  }
0x140: {  	s30 =	simm.s32 $0x1E80;
	s31 =	simm.s32 $0xD000  }
0x141: {  	[tilespmem:s31], [sflag:$0x4] =	stream.indirect.gather [hbm4b:s6+s17], $0x10, s30, s17, $0xb8;
	[tilespmem:$0x17800] =	vst v63  }
0x142: {  	s1 =	simm.s32 $0x1F00;
	s15 =	simm.s32 $0xD800  }
0x143: {  	[tilespmem:s15], [sflag:$0x4] =	stream.indirect.gather [hbm4b:s6+s17], $0x10, s1, s17, $0xb8;
	[tilespmem:$0x17800] =	vst v63  }
0x144: {  	s30 =	simm.s32 $0x1F80;
	s31 =	simm.s32 $0xE000  }
0x145: {  	[tilespmem:s31], [sflag:$0x4] =	stream.indirect.gather [hbm4b:s6+s17], $0x10, s30, s17, $0xb8;
	[tilespmem:$0x17800] =	vst v63  }
0x146: {  	s1 =	simm.s32 $0x2000;
	s15 =	simm.s32 $0xE800  }
0x147: {  	[tilespmem:s15], [sflag:$0x4] =	stream.indirect.gather [hbm4b:s6+s17], $0x10, s1, s17, $0xb8;
	[tilespmem:$0x17800] =	vst v63  }
0x148: {  	s30 =	simm.s32 $0x2080;
	s31 =	simm.s32 $0xF000  }
0x149: {  	[tilespmem:s31], [sflag:$0x4] =	stream.indirect.gather [hbm4b:s6+s17], $0x10, s30, s17, $0xb8;
	[tilespmem:$0x17800] =	vst v63  }
0x14a: {  	s1 =	simm.s32 $0x2100;
	s15 =	simm.s32 $0xF800  }
0x14b: {  	[tilespmem:s15], [sflag:$0x4] =	stream.indirect.gather [hbm4b:s6+s17], $0x10, s1, s17, $0xb8;
	[tilespmem:$0x17800] =	vst v63  }
0x14c: {  	s30 =	simm.s32 $0x2180;
	s31 =	simm.s32 $0x10000  }
0x14d: {  	[tilespmem:s31], [sflag:$0x4] =	stream.indirect.gather [hbm4b:s6+s17], $0x10, s30, s17, $0xb8;
	[tilespmem:$0x17800] =	vst v63  }
0x14e: {  	s1 =	simm.s32 $0x2200;
	s15 =	simm.s32 $0x10800  }
0x14f: {  	[tilespmem:s15], [sflag:$0x4] =	stream.indirect.gather [hbm4b:s6+s17], $0x10, s1, s17, $0xb8;
	[tilespmem:$0x17800] =	vst v63  }
0x150: {  	s30 =	simm.s32 $0x2280;
	s31 =	simm.s32 $0x11000  }
0x151: {  	[tilespmem:s31], [sflag:$0x4] =	stream.indirect.gather [hbm4b:s6+s17], $0x10, s30, s17, $0xb8;
	[tilespmem:$0x17800] =	vst v63  }
0x152: {  	s1 =	simm.s32 $0x2300;
	s15 =	simm.s32 $0x11800  }
0x153: {  	[tilespmem:s15], [sflag:$0x4] =	stream.indirect.gather [hbm4b:s6+s17], $0x10, s1, s17, $0xb8;
	[tilespmem:$0x17800] =	vst v63  }
0x154: {  	s30 =	simm.s32 $0x2380;
	s31 =	simm.s32 $0x12000  }
0x155: {  	[tilespmem:s31], [sflag:$0x4] =	stream.indirect.gather [hbm4b:s6+s17], $0x10, s30, s17, $0xb8;
	[tilespmem:$0x17800] =	vst v63  }
0x156: {  	s1 =	simm.s32 $0x2400;
	s15 =	simm.s32 $0x12800  }
0x157: {  	[tilespmem:s15], [sflag:$0x4] =	stream.indirect.gather [hbm4b:s6+s17], $0x10, s1, s17, $0xb8;
	[tilespmem:$0x17800] =	vst v63  }
0x158: {  	s30 =	simm.s32 $0x2480;
	s31 =	simm.s32 $0x13000  }
0x159: {  	[tilespmem:s31], [sflag:$0x4] =	stream.indirect.gather [hbm4b:s6+s17], $0x10, s30, s17, $0xb8;
	[tilespmem:$0x17800] =	vst v63  }
0x15a: {  	s1 =	simm.s32 $0x2500;
	s15 =	simm.s32 $0x13800  }
0x15b: {  	[tilespmem:s15], [sflag:$0x4] =	stream.indirect.gather [hbm4b:s6+s17], $0x10, s1, s17, $0xb8;
	[tilespmem:$0x17800] =	vst v63  }
0x15c: {  	s30 =	simm.s32 $0x2580;
	s31 =	simm.s32 $0x14000  }
0x15d: {  	[tilespmem:s31], [sflag:$0x4] =	stream.indirect.gather [hbm4b:s6+s17], $0x10, s30, s17, $0xb8;
	[tilespmem:$0x17800] =	vst v63  }
0x15e: {  	s1 =	simm.s32 $0x2600;
	s15 =	simm.s32 $0x14800  }
0x15f: {  	[tilespmem:s15], [sflag:$0x4] =	stream.indirect.gather [hbm4b:s6+s17], $0x10, s1, s17, $0xb8;
	[tilespmem:$0x17800] =	vst v63  }
0x160: {  	_ = 	snop  }
0x161: {  	[tilespmem:s8], [sflag:$0x4] =	stream.indirect.gather [hbm4b:s6+s17], $0x10, s7, s17, $0xb8;
	[tilespmem:$0x17800] =	vst v63  }
0x162: {  	s0 =	sadd.s32 @!p0 s28, s10  }
0x163: {  	[tilespmem:s19], [sflag:$0x4] =	stream.indirect.gather [hbm4b:s6+s17], $0x10, s18, s17, $0xb8;
	[tilespmem:$0x17800] =	vst v63  }
0x164: {  	s0 =	smul.u32 @!p0 $0x140, s0  }
0x165: {  	[tilespmem:s21], [sflag:$0x4] =	stream.indirect.gather [hbm4b:s6+s17], $0x10, s20, s17, $0xb8;
	[tilespmem:$0x17800] =	vst v63  }
0x166: {  	s0 =	sadd.s32 @!p0 s2, s0;
	s1 =	simm.s32 @!p0 $0x0;
	s15 =	simm.s32 @!p0 $0xA00  }
0x167: {  	[tilespmem:s15], [sflag:$0x2] =	stream.linear.gather @!p0 [hbm4b:s0+s1], $0xA00, $0x38;
	[tilespmem:$0x17800] =	vst v63  }
0x168: {  	s0 =	simm.s32 @!p1 $0x5  }
0x169: {  	_ =	swait.ge @!p1 [sflag:s0], $0x400  }
0x16a: {  	[sflag:s0] =	ssyncset.done @!p1 $0x0  }
0x16b: {  	[sflag:s0] =	ssyncadd.s32 @!p1 $0xFFFFFC00  }
0x16c: {  	_ =	swait.ge @!p1 [sflag:s0], $0x400  }
0x16d: {  	[sflag:s0] =	ssyncset.done @!p1 $0x0  }
0x16e: {  	[sflag:s0] =	ssyncadd.s32 @!p1 $0xFFFFFC00  }
0x16f: {  	_ =	swait.ge [sflag:s22], $0x800  }
0x170: {  	[sflag:s22] =	ssyncset.done $0x0  }
0x171: {  	[sflag:s22] =	ssyncadd.s32 $0xFFFFF800  }
0x172: {  	_ =	swait.ge [sflag:s22], $0x800  }
0x173: {  	[sflag:s22] =	ssyncset.done $0x0  }
0x174: {  	[sflag:s22] =	ssyncadd.s32 $0xFFFFF800  }
0x175: {  	_ =	swait.ge [sflag:s22], $0x800  }
0x176: {  	[sflag:s22] =	ssyncset.done $0x0  }
0x177: {  	[sflag:s22] =	ssyncadd.s32 $0xFFFFF800  }
0x178: {  	_ =	swait.ge [sflag:s22], $0x800  }
0x179: {  	[sflag:s22] =	ssyncset.done $0x0  }
0x17a: {  	[sflag:s22] =	ssyncadd.s32 $0xFFFFF800  }
0x17b: {  	_ =	swait.ge [sflag:s22], $0x800  }
0x17c: {  	[sflag:s22] =	ssyncset.done $0x0  }
0x17d: {  	[sflag:s22] =	ssyncadd.s32 $0xFFFFF800  }
0x17e: {  	_ =	swait.ge [sflag:s22], $0x800  }
0x17f: {  	[sflag:s22] =	ssyncset.done $0x0  }
0x180: {  	[sflag:s22] =	ssyncadd.s32 $0xFFFFF800  }
0x181: {  	_ =	swait.ge [sflag:s22], $0x800  }
0x182: {  	[sflag:s22] =	ssyncset.done $0x0  }
0x183: {  	[sflag:s22] =	ssyncadd.s32 $0xFFFFF800  }
0x184: {  	_ =	swait.ge [sflag:s22], $0x800  }
0x185: {  	[sflag:s22] =	ssyncset.done $0x0  }
0x186: {  	[sflag:s22] =	ssyncadd.s32 $0xFFFFF800  }
0x187: {  	_ =	swait.ge [sflag:s22], $0x800  }
0x188: {  	[sflag:s22] =	ssyncset.done $0x0  }
0x189: {  	[sflag:s22] =	ssyncadd.s32 $0xFFFFF800  }
0x18a: {  	_ =	swait.ge [sflag:s22], $0x800  }
0x18b: {  	[sflag:s22] =	ssyncset.done $0x0  }
0x18c: {  	[sflag:s22] =	ssyncadd.s32 $0xFFFFF800  }
0x18d: {  	_ =	swait.ge [sflag:s22], $0x800  }
0x18e: {  	[sflag:s22] =	ssyncset.done $0x0  }
0x18f: {  	[sflag:s22] =	ssyncadd.s32 $0xFFFFF800  }
0x190: {  	_ =	swait.ge [sflag:s22], $0x800  }
0x191: {  	[sflag:s22] =	ssyncset.done $0x0  }
0x192: {  	[sflag:s22] =	ssyncadd.s32 $0xFFFFF800  }
0x193: {  	_ =	swait.ge [sflag:s22], $0x800  }
0x194: {  	[sflag:s22] =	ssyncset.done $0x0  }
0x195: {  	[sflag:s22] =	ssyncadd.s32 $0xFFFFF800  }
0x196: {  	_ =	swait.ge [sflag:s22], $0x800  }
0x197: {  	[sflag:s22] =	ssyncset.done $0x0  }
0x198: {  	[sflag:s22] =	ssyncadd.s32 $0xFFFFF800  }
0x199: {  	_ =	swait.ge [sflag:s22], $0x800  }
0x19a: {  	[sflag:s22] =	ssyncset.done $0x0  }
0x19b: {  	[sflag:s22] =	ssyncadd.s32 $0xFFFFF800  }
0x19c: {  	_ =	swait.ge [sflag:s22], $0x800  }
0x19d: {  	[sflag:s22] =	ssyncset.done $0x0  }
0x19e: {  	[sflag:s22] =	ssyncadd.s32 $0xFFFFF800  }
0x19f: {  	_ =	swait.ge [sflag:s22], $0x800  }
0x1a0: {  	[sflag:s22] =	ssyncset.done $0x0  }
0x1a1: {  	[sflag:s22] =	ssyncadd.s32 $0xFFFFF800  }
0x1a2: {  	_ =	swait.ge [sflag:s22], $0x800  }
0x1a3: {  	[sflag:s22] =	ssyncset.done $0x0  }
0x1a4: {  	[sflag:s22] =	ssyncadd.s32 $0xFFFFF800  }
0x1a5: {  	_ =	swait.ge [sflag:s22], $0x800  }
0x1a6: {  	[sflag:s22] =	ssyncset.done $0x0  }
0x1a7: {  	[sflag:s22] =	ssyncadd.s32 $0xFFFFF800  }
0x1a8: {  	_ =	swait.ge [sflag:s22], $0x800  }
0x1a9: {  	[sflag:s22] =	ssyncset.done $0x0  }
0x1aa: {  	s30 =	simm.s32 $0x2940;
	[sflag:s22] =	ssyncadd.s32 $0xFFFFF800  }
0x1ab: {  	v1 =	vld [tilespmem:s30+$0x0]  }
0x1ac: {  	v2 =	vld [tilespmem:s30+$0x10]  }
0x1ad: {  	v3 =	vld [tilespmem:s30+$0xFFFFFED0]  }
0x1ae: {  	v4 =	vld [tilespmem:s30+$0x20]  }
0x1af: {  	v5 =	vld [tilespmem:s30+$0xFFFFFEC0]  }
0x1b0: {  	v6 =	vld [tilespmem:s30+$0x30]  }
0x1b1: {  	v7 =	vld [tilespmem:s30+$0xFFFFFEE0];
	v1 =	vadd.f32 v2, v1  }
0x1b2: {  	v2 =	vld [tilespmem:s30+$0x40]  }
0x1b3: {  	v8 =	vld [tilespmem:s30+$0xFFFFFEF0];
	v1 =	vadd.f32 v4, v1  }
0x1b4: {  	v3 =	vadd.f32 v3, v5;
	v4 =	vld [tilespmem:s30+$0x50]  }
0x1b5: {  	v5 =	vld [tilespmem:s30+$0xFFFFFF00];
	v1 =	vadd.f32 v6, v1  }
0x1b6: {  	v3 =	vadd.f32 v7, v3;
	v6 =	vld [tilespmem:s30+$0x60]  }
0x1b7: {  	v7 =	vld [tilespmem:s30+$0xFFFFFF10];
	v1 =	vadd.f32 v2, v1  }
0x1b8: {  	v2 =	vadd.f32 v8, v3;
	v3 =	vld [tilespmem:s30+$0x70]  }
0x1b9: {  	v8 =	vld [tilespmem:s30+$0xFFFFFF20];
	v1 =	vadd.f32 v4, v1  }
0x1ba: {  	v2 =	vadd.f32 v5, v2;
	v4 =	vld [tilespmem:s30+$0x80]  }
0x1bb: {  	v5 =	vld [tilespmem:s30+$0xFFFFFF30];
	v1 =	vadd.f32 v6, v1  }
0x1bc: {  	v2 =	vadd.f32 v7, v2;
	v6 =	vld [tilespmem:s30+$0x90]  }
0x1bd: {  	v7 =	vld [tilespmem:s30+$0xFFFFFF40];
	v1 =	vadd.f32 v3, v1  }
0x1be: {  	v2 =	vadd.f32 v8, v2;
	v3 =	vld [tilespmem:s30+$0xA0]  }
0x1bf: {  	v8 =	vld [tilespmem:s30+$0xFFFFFF50];
	v1 =	vadd.f32 v4, v1  }
0x1c0: {  	v2 =	vadd.f32 v5, v2;
	v4 =	vld [tilespmem:s30+$0xB0]  }
0x1c1: {  	v5 =	vld [tilespmem:s30+$0xFFFFFF60];
	v1 =	vadd.f32 v6, v1  }
0x1c2: {  	v2 =	vadd.f32 v7, v2;
	v6 =	vld [tilespmem:s30+$0xC0]  }
0x1c3: {  	v7 =	vld [tilespmem:s30+$0xFFFFFF70];
	v1 =	vadd.f32 v3, v1  }
0x1c4: {  	v2 =	vadd.f32 v8, v2;
	v3 =	vld [tilespmem:s30+$0xD0]  }
0x1c5: {  	v8 =	vld [tilespmem:s30+$0xFFFFFF80];
	v1 =	vadd.f32 v4, v1  }
0x1c6: {  	v2 =	vadd.f32 v5, v2;
	v4 =	vld [tilespmem:s30+$0xE0]  }
0x1c7: {  	v5 =	vld [tilespmem:s30+$0xFFFFFF90];
	v1 =	vadd.f32 v6, v1  }
0x1c8: {  	v2 =	vadd.f32 v7, v2;
	v6 =	vld [tilespmem:s30+$0xF0]  }
0x1c9: {  	v7 =	vld [tilespmem:s30+$0xFFFFFFA0];
	v1 =	vadd.f32 v3, v1  }
0x1ca: {  	v2 =	vadd.f32 v8, v2;
	v3 =	vld [tilespmem:s30+$0x100]  }
0x1cb: {  	v8 =	vld [tilespmem:s30+$0xFFFFFFB0];
	v1 =	vadd.f32 v4, v1  }
0x1cc: {  	v2 =	vadd.f32 v5, v2;
	v4 =	vld [tilespmem:s30+$0x110]  }
0x1cd: {  	v5 =	vld [tilespmem:s30+$0xFFFFFFC0];
	v1 =	vadd.f32 v6, v1  }
0x1ce: {  	v2 =	vadd.f32 v7, v2;
	v6 =	vld [tilespmem:s30+$0x120]  }
0x1cf: {  	v9 =	vld [tilespmem:s30+$0xFFFFFFD0];
	v1 =	vadd.f32 v3, v1  }
0x1d0: {  	v7 =	vadd.f32 v8, v2;
	v2 =	vld [tilespmem:s30+$0x130]  }
0x1d1: {  	s31 =	simm.s32 $0x1;
	v3 =	vld [tilespmem:s30+$0xFFFFFFE0];
	v8 =	vadd.f32 v4, v1  }
0x1d2: {  	s29 =	simm.s32 $0x2BC0;
	v10 =	vadd.f32 v5, v7;
	v1 =	vld [tilespmem:s30+$0xFFFFFFF0];
	v4 =	vor.u32 s31, v0  }
0x1d3: {  	v7 =	vld [tilespmem:s29+$0x0];
	v5 =	vadd.f32 v6, v8  }
0x1d4: {  	s28 =	simm.s32 $0x2;
	s1 =	simm.s32 $0x0;
	s0 =	simm.s32 $0x4;
	v8 =	vld [tilespmem:s29+$0x10];
	v6 =	vadd.f32 v9, v10  }
.LBB2_15:
0x1d5: {  	p0 =	slt.u32 s0, $0x7E;
	v9 =	vld [tilespmem:s29+$0xFFFFFED0];
	v10 =	vor.u32 s1, v0;
	v2 =	vadd.f32 v2, v5;
	s1 =	smov.u32 s28;
	s28 =	smov.u32 s0  }
0x1d6: {  	v5 =	vld [tilespmem:s29+$0x20];
	v3 =	vadd.f32 v3, v6  }
0x1d7: {  	v6 =	vld [tilespmem:s29+$0xFFFFFEC0];
	[tilespmem:v4+s23+$0x0] =	vst.idx.msk $0xffff, v2  }
0x1d8: {  	v2 =	vld [tilespmem:s29+$0x30];
	v1 =	vadd.f32 v1, v3  }
0x1d9: {  	v3 =	vld [tilespmem:s29+$0xFFFFFEE0];
	v4 =	vadd.f32 v8, v7  }
0x1da: {  	v7 =	vld [tilespmem:s29+$0x40];
	[tilespmem:v10+s23+$0x0] =	vst.idx.msk $0xffff, v1  }
0x1db: {  	v1 =	vld [tilespmem:s29+$0xFFFFFEF0];
	v4 =	vadd.f32 v5, v4  }
0x1dc: {  	v5 =	vadd.f32 v9, v6;
	v6 =	vld [tilespmem:s29+$0x50]  }
0x1dd: {  	v8 =	vld [tilespmem:s29+$0xFFFFFF00];
	v2 =	vadd.f32 v2, v4  }
0x1de: {  	v3 =	vadd.f32 v3, v5;
	v4 =	vld [tilespmem:s29+$0x60]  }
0x1df: {  	v5 =	vld [tilespmem:s29+$0xFFFFFF10];
	v2 =	vadd.f32 v7, v2  }
0x1e0: {  	v1 =	vadd.f32 v1, v3;
	v3 =	vld [tilespmem:s29+$0x70]  }
0x1e1: {  	v7 =	vld [tilespmem:s29+$0xFFFFFF20];
	v2 =	vadd.f32 v6, v2  }
0x1e2: {  	v1 =	vadd.f32 v8, v1;
	v6 =	vld [tilespmem:s29+$0x80]  }
0x1e3: {  	v8 =	vld [tilespmem:s29+$0xFFFFFF30];
	v2 =	vadd.f32 v4, v2  }
0x1e4: {  	v1 =	vadd.f32 v5, v1;
	v4 =	vld [tilespmem:s29+$0x90]  }
0x1e5: {  	v5 =	vld [tilespmem:s29+$0xFFFFFF40];
	v2 =	vadd.f32 v3, v2  }
0x1e6: {  	v1 =	vadd.f32 v7, v1;
	v3 =	vld [tilespmem:s29+$0xA0]  }
0x1e7: {  	v7 =	vld [tilespmem:s29+$0xFFFFFF50];
	v2 =	vadd.f32 v6, v2  }
0x1e8: {  	v1 =	vadd.f32 v8, v1;
	v6 =	vld [tilespmem:s29+$0xB0]  }
0x1e9: {  	v8 =	vld [tilespmem:s29+$0xFFFFFF60];
	v2 =	vadd.f32 v4, v2  }
0x1ea: {  	v1 =	vadd.f32 v5, v1;
	v4 =	vld [tilespmem:s29+$0xC0]  }
0x1eb: {  	v5 =	vld [tilespmem:s29+$0xFFFFFF70];
	v2 =	vadd.f32 v3, v2  }
0x1ec: {  	v1 =	vadd.f32 v7, v1;
	v3 =	vld [tilespmem:s29+$0xD0]  }
0x1ed: {  	v7 =	vld [tilespmem:s29+$0xFFFFFF80];
	v2 =	vadd.f32 v6, v2  }
0x1ee: {  	v1 =	vadd.f32 v8, v1;
	v6 =	vld [tilespmem:s29+$0xE0]  }
0x1ef: {  	v8 =	vld [tilespmem:s29+$0xFFFFFF90];
	v2 =	vadd.f32 v4, v2  }
0x1f0: {  	v1 =	vadd.f32 v5, v1;
	v4 =	vld [tilespmem:s29+$0xF0]  }
0x1f1: {  	v5 =	vld [tilespmem:s29+$0xFFFFFFA0];
	v2 =	vadd.f32 v3, v2  }
0x1f2: {  	v1 =	vadd.f32 v7, v1;
	v3 =	vld [tilespmem:s29+$0x100]  }
0x1f3: {  	v7 =	vld [tilespmem:s29+$0xFFFFFFB0];
	v2 =	vadd.f32 v6, v2  }
0x1f4: {  	v1 =	vadd.f32 v8, v1;
	v6 =	vld [tilespmem:s29+$0x110]  }
0x1f5: {  	v8 =	vld [tilespmem:s29+$0xFFFFFFC0];
	v2 =	vadd.f32 v4, v2  }
0x1f6: {  	v1 =	vadd.f32 v5, v1;
	v5 =	vld [tilespmem:s29+$0x120]  }
0x1f7: {  	v9 =	vld [tilespmem:s29+$0xFFFFFFD0];
	v4 =	vadd.f32 v3, v2  }
.Ltmp6:
0x1f8: {  	v1 =	vadd.f32 v7, v1;
	v2 =	vld [tilespmem:s29+$0x130];
	(pc) =	sbr.rel @p0 .LBB2_15-.Ltmp6, $4  }
0x1f9: {  	s15 =	sadd.s32 $0x1, s1;
	v3 =	vld [tilespmem:s29+$0xFFFFFFE0];
	v6 =	vadd.f32 v6, v4  }
0x1fa: {  	v4 =	vor.u32 s15, v0;
	v10 =	vadd.f32 v8, v1;
	v1 =	vld [tilespmem:s29+$0xFFFFFFF0];
	s29 =	sadd.s32 $0x280, s29  }
0x1fb: {  	v7 =	vld [tilespmem:s29+$0x0];
	v5 =	vadd.f32 v5, v6  }
0x1fc: {  	s0 =	sadd.s32 $0x2, s0;
	v8 =	vld [tilespmem:s29+$0x10];
	v6 =	vadd.f32 v9, v10  }
0x1fd: {  	v9 =	vld [tilespmem:s29+$0xFFFFFED0]  }
0x1fe: {  	v10 =	vld [tilespmem:s29+$0xFFFFFEC0]  }
0x1ff: {  	v11 =	vld [tilespmem:s29+$0x20]  }
0x200: {  	v12 =	vld [tilespmem:s29+$0xFFFFFEE0]  }
0x201: {  	v13 =	vld [tilespmem:s29+$0x30]  }
0x202: {  	v27 =	vld [tilespmem:s29+$0xFFFFFEF0];
	v7 =	vadd.f32 v8, v7  }
0x203: {  	v14 =	vld [tilespmem:s29+$0x40];
	v9 =	vadd.f32 v9, v10  }
0x204: {  	v28 =	vld [tilespmem:s29+$0xFFFFFF00];
	v7 =	vadd.f32 v11, v7  }
0x205: {  	v29 =	vld [tilespmem:s29+$0x50];
	v9 =	vadd.f32 v12, v9  }
0x206: {  	v30 =	vld [tilespmem:s29+$0xFFFFFF10];
	v7 =	vadd.f32 v13, v7  }
0x207: {  	v31 =	vld [tilespmem:s29+$0x60];
	v8 =	vadd.f32 v27, v9  }
0x208: {  	v32 =	vld [tilespmem:s29+$0xFFFFFF20];
	v7 =	vadd.f32 v14, v7  }
0x209: {  	v33 =	vld [tilespmem:s29+$0x70];
	v8 =	vadd.f32 v28, v8  }
0x20a: {  	v34 =	vld [tilespmem:s29+$0xFFFFFF30];
	v7 =	vadd.f32 v29, v7  }
0x20b: {  	v35 =	vld [tilespmem:s29+$0x80];
	v8 =	vadd.f32 v30, v8  }
0x20c: {  	v36 =	vld [tilespmem:s29+$0xFFFFFF40];
	v7 =	vadd.f32 v31, v7  }
0x20d: {  	v37 =	vld [tilespmem:s29+$0x90];
	v8 =	vadd.f32 v32, v8  }
0x20e: {  	v38 =	vld [tilespmem:s29+$0xFFFFFF50];
	v7 =	vadd.f32 v33, v7  }
0x20f: {  	v39 =	vld [tilespmem:s29+$0xA0];
	v8 =	vadd.f32 v34, v8  }
0x210: {  	v40 =	vld [tilespmem:s29+$0xFFFFFF60];
	v7 =	vadd.f32 v35, v7  }
0x211: {  	v41 =	vld [tilespmem:s29+$0xB0];
	v8 =	vadd.f32 v36, v8  }
0x212: {  	v42 =	vld [tilespmem:s29+$0xFFFFFF70];
	v7 =	vadd.f32 v37, v7  }
0x213: {  	v43 =	vld [tilespmem:s29+$0xC0];
	v8 =	vadd.f32 v38, v8  }
0x214: {  	v44 =	vld [tilespmem:s29+$0xFFFFFF80];
	v7 =	vadd.f32 v39, v7  }
0x215: {  	v45 =	vld [tilespmem:s29+$0xD0];
	v8 =	vadd.f32 v40, v8  }
0x216: {  	v46 =	vld [tilespmem:s29+$0xFFFFFF90];
	v7 =	vadd.f32 v41, v7  }
0x217: {  	v47 =	vld [tilespmem:s29+$0xE0];
	v8 =	vadd.f32 v42, v8  }
0x218: {  	v48 =	vld [tilespmem:s29+$0xFFFFFFA0];
	v7 =	vadd.f32 v43, v7  }
0x219: {  	v49 =	vld [tilespmem:s29+$0xF0];
	v8 =	vadd.f32 v44, v8  }
0x21a: {  	v50 =	vld [tilespmem:s29+$0xFFFFFFB0];
	v7 =	vadd.f32 v45, v7  }
0x21b: {  	v51 =	vld [tilespmem:s29+$0x100];
	v8 =	vadd.f32 v46, v8  }
0x21c: {  	v52 =	vld [tilespmem:s29+$0xFFFFFFC0];
	v7 =	vadd.f32 v47, v7  }
0x21d: {  	v53 =	vld [tilespmem:s29+$0x110];
	v8 =	vadd.f32 v48, v8  }
0x21e: {  	v54 =	vld [tilespmem:s29+$0xFFFFFFD0];
	v7 =	vadd.f32 v49, v7  }
0x21f: {  	v55 =	vld [tilespmem:s29+$0x120];
	v8 =	vadd.f32 v50, v8  }
0x220: {  	v56 =	vld [tilespmem:s29+$0xFFFFFFE0];
	v7 =	vadd.f32 v51, v7  }
0x221: {  	v57 =	vld [tilespmem:s29+$0x130];
	v8 =	vadd.f32 v52, v8  }
0x222: {  	v58 =	vor.u32 s1, v0;
	s0 =	sadd.s32 $0x1, s28;
	v59 =	vld [tilespmem:s29+$0xFFFFFFF0];
	v7 =	vadd.f32 v53, v7  }
0x223: {  	v3 =	vadd.f32 v3, v6;
	v61 =	vor.u32 s0, v0;
	v60 =	vadd.f32 v54, v8  }
0x224: {  	v2 =	vadd.f32 v2, v5;
	v63 =	vor.u32 s28, v0;
	v62 =	vadd.f32 v55, v7  }
0x225: {  	v1 =	vadd.f32 v1, v3;
	v3 =	vadd.f32 v56, v60  }
0x226: {  	s25 =	sadd.s32 $0x1, s25;
	[tilespmem:v4+s23+$0x0] =	vst.idx.msk $0xffff, v2;
	v2 =	vadd.f32 v57, v62  }
0x227: {  	p0 =	sne.s32 s25, $0xD;
	[tilespmem:v58+s23+$0x0] =	vst.idx.msk $0xffff, v1;
	v1 =	vadd.f32 v59, v3  }
.Ltmp7:
0x228: {  	s30 =	sshll.u32 s26, $0x7;
	[tilespmem:v61+s23+$0x0] =	vst.idx.msk $0xffff, v2;
	(pc) =	sbr.rel @p0 .LBB2_2-.Ltmp7, $4  }
.Ltmp8:
0x229: {  	s31 =	sadd.s32 s3, s30;
	[tilespmem:v63+s23+$0x0] =	vst.idx.msk $0xffff, v1;
	(pc) =	sbr.rel @!p0 .LBB2_17-.Ltmp8, $4  }
0x22a: {  	[hbm4b:s31+s4] =	stream.linear.scatter [tilespmem:s23], [sflag:$0x5], $0x400, $0x38;
	[tilespmem:$0x17800] =	vst v63  }
0x22b: {  	s0 =	sadd.s32 s30, s11  }
0x22c: {  	[hbm4b:s0+s4] =	stream.linear.scatter [tilespmem:s24], [sflag:$0x5], $0x400, $0x38;
	[tilespmem:$0x17800] =	vst v63  }
0x22d: {  	_ = 	snop  }
.LBB2_6:
.Ltmp9:
0x22e: {  	(pc) =	sbr.rel .LBB2_12-.Ltmp9, $2  }
0x22f: {  	_ =	sdelay $0x2  }
0x230: {  	p1 =	por $0x1, $0x1  }
.LBB2_17:
0x231: {  	_ =	swait.ge [sflag:s12], $0x400  }
0x232: {  	[sflag:s12] =	ssyncset.done $0x0  }
0x233: {  	[sflag:s12] =	ssyncadd.s32 $0xFFFFFC00  }
0x234: {  	_ =	swait.ge [sflag:s12], $0x400  }
0x235: {  	[sflag:s12] =	ssyncset.done $0x0  }
0x236: {  	[sflag:s12] =	ssyncadd.s32 $0xFFFFFC00  }
0x237: {  	_ =	swait.ge [sflag:s13], $0x800  }
0x238: {  	[sflag:s13] =	ssyncset.done $0x0  }
0x239: {  	[sflag:s13] =	ssyncadd.s32 $0xFFFFF800  }
0x23a: {  	_ =	swait.ge [sflag:s13], $0x800  }
0x23b: {  	[sflag:s13] =	ssyncset.done $0x0  }
0x23c: {  	[sflag:s13] =	ssyncadd.s32 $0xFFFFF800  }
0x23d: {  	_ =	swait.ge [sflag:s13], $0x800  }
0x23e: {  	[sflag:s13] =	ssyncset.done $0x0  }
0x23f: {  	[sflag:s13] =	ssyncadd.s32 $0xFFFFF800  }
0x240: {  	_ =	swait.ge [sflag:s13], $0x800  }
0x241: {  	[sflag:s13] =	ssyncset.done $0x0  }
0x242: {  	[sflag:s13] =	ssyncadd.s32 $0xFFFFF800  }
0x243: {  	_ =	swait.ge [sflag:s13], $0x800  }
0x244: {  	[sflag:s13] =	ssyncset.done $0x0  }
0x245: {  	[sflag:s13] =	ssyncadd.s32 $0xFFFFF800  }
0x246: {  	_ =	swait.ge [sflag:s13], $0x800  }
0x247: {  	[sflag:s13] =	ssyncset.done $0x0  }
0x248: {  	[sflag:s13] =	ssyncadd.s32 $0xFFFFF800  }
0x249: {  	_ =	swait.ge [sflag:s13], $0x800  }
0x24a: {  	[sflag:s13] =	ssyncset.done $0x0  }
0x24b: {  	[sflag:s13] =	ssyncadd.s32 $0xFFFFF800  }
0x24c: {  	_ =	swait.ge [sflag:s13], $0x800  }
0x24d: {  	[sflag:s13] =	ssyncset.done $0x0  }
0x24e: {  	[sflag:s13] =	ssyncadd.s32 $0xFFFFF800  }
0x24f: {  	_ =	swait.ge [sflag:s13], $0x800  }
0x250: {  	[sflag:s13] =	ssyncset.done $0x0  }
0x251: {  	[sflag:s13] =	ssyncadd.s32 $0xFFFFF800  }
0x252: {  	_ =	swait.ge [sflag:s13], $0x800  }
0x253: {  	[sflag:s13] =	ssyncset.done $0x0  }
0x254: {  	[sflag:s13] =	ssyncadd.s32 $0xFFFFF800  }
0x255: {  	_ =	swait.ge [sflag:s13], $0x800  }
0x256: {  	[sflag:s13] =	ssyncset.done $0x0  }
0x257: {  	[sflag:s13] =	ssyncadd.s32 $0xFFFFF800  }
0x258: {  	_ =	swait.ge [sflag:s13], $0x800  }
0x259: {  	[sflag:s13] =	ssyncset.done $0x0  }
0x25a: {  	[sflag:s13] =	ssyncadd.s32 $0xFFFFF800  }
0x25b: {  	_ =	swait.ge [sflag:s13], $0x800  }
0x25c: {  	[sflag:s13] =	ssyncset.done $0x0  }
0x25d: {  	[sflag:s13] =	ssyncadd.s32 $0xFFFFF800  }
0x25e: {  	_ =	swait.ge [sflag:s13], $0x800  }
0x25f: {  	[sflag:s13] =	ssyncset.done $0x0  }
0x260: {  	[sflag:s13] =	ssyncadd.s32 $0xFFFFF800  }
0x261: {  	_ =	swait.ge [sflag:s13], $0x800  }
0x262: {  	[sflag:s13] =	ssyncset.done $0x0  }
0x263: {  	[sflag:s13] =	ssyncadd.s32 $0xFFFFF800  }
0x264: {  	_ =	swait.ge [sflag:s13], $0x800  }
0x265: {  	[sflag:s13] =	ssyncset.done $0x0  }
0x266: {  	[sflag:s13] =	ssyncadd.s32 $0xFFFFF800  }
0x267: {  	_ =	swait.ge [sflag:s13], $0x800  }
0x268: {  	[sflag:s13] =	ssyncset.done $0x0  }
0x269: {  	[sflag:s13] =	ssyncadd.s32 $0xFFFFF800  }
0x26a: {  	_ =	swait.ge [sflag:s13], $0x800  }
0x26b: {  	[sflag:s13] =	ssyncset.done $0x0  }
0x26c: {  	[sflag:s13] =	ssyncadd.s32 $0xFFFFF800  }
0x26d: {  	_ =	swait.ge [sflag:s13], $0x800  }
0x26e: {  	[sflag:s13] =	ssyncset.done $0x0  }
0x26f: {  	[sflag:s13] =	ssyncadd.s32 $0xFFFFF800  }
0x270: {  	_ =	swait.ge [sflag:s13], $0x800  }
0x271: {  	[sflag:s13] =	ssyncset.done $0x0  }
0x272: {  	s0 =	simm.s32 $0xC940;
	[sflag:s13] =	ssyncadd.s32 $0xFFFFF800  }
0x273: {  	v1 =	vld [tilespmem:s0+$0x0]  }
0x274: {  	v2 =	vld [tilespmem:s0+$0x10]  }
0x275: {  	v3 =	vld [tilespmem:s0+$0xFFFFFED0]  }
0x276: {  	v4 =	vld [tilespmem:s0+$0x20]  }
0x277: {  	v5 =	vld [tilespmem:s0+$0xFFFFFEC0]  }
0x278: {  	v6 =	vld [tilespmem:s0+$0x30]  }
0x279: {  	v7 =	vld [tilespmem:s0+$0xFFFFFEE0];
	v1 =	vadd.f32 v2, v1  }
0x27a: {  	v2 =	vld [tilespmem:s0+$0x40]  }
0x27b: {  	v8 =	vld [tilespmem:s0+$0xFFFFFEF0];
	v1 =	vadd.f32 v4, v1  }
0x27c: {  	v3 =	vadd.f32 v3, v5;
	v4 =	vld [tilespmem:s0+$0x50]  }
0x27d: {  	v5 =	vld [tilespmem:s0+$0xFFFFFF00];
	v1 =	vadd.f32 v6, v1  }
0x27e: {  	v3 =	vadd.f32 v7, v3;
	v6 =	vld [tilespmem:s0+$0x60]  }
0x27f: {  	v7 =	vld [tilespmem:s0+$0xFFFFFF10];
	v1 =	vadd.f32 v2, v1  }
0x280: {  	v2 =	vadd.f32 v8, v3;
	v3 =	vld [tilespmem:s0+$0x70]  }
0x281: {  	v8 =	vld [tilespmem:s0+$0xFFFFFF20];
	v1 =	vadd.f32 v4, v1  }
0x282: {  	v2 =	vadd.f32 v5, v2;
	v4 =	vld [tilespmem:s0+$0x80]  }
0x283: {  	v5 =	vld [tilespmem:s0+$0xFFFFFF30];
	v1 =	vadd.f32 v6, v1  }
0x284: {  	v2 =	vadd.f32 v7, v2;
	v6 =	vld [tilespmem:s0+$0x90]  }
0x285: {  	v7 =	vld [tilespmem:s0+$0xFFFFFF40];
	v1 =	vadd.f32 v3, v1  }
0x286: {  	v2 =	vadd.f32 v8, v2;
	v3 =	vld [tilespmem:s0+$0xA0]  }
0x287: {  	v8 =	vld [tilespmem:s0+$0xFFFFFF50];
	v1 =	vadd.f32 v4, v1  }
0x288: {  	v2 =	vadd.f32 v5, v2;
	v4 =	vld [tilespmem:s0+$0xB0]  }
0x289: {  	v5 =	vld [tilespmem:s0+$0xFFFFFF60];
	v1 =	vadd.f32 v6, v1  }
0x28a: {  	v2 =	vadd.f32 v7, v2;
	v6 =	vld [tilespmem:s0+$0xC0]  }
0x28b: {  	v7 =	vld [tilespmem:s0+$0xFFFFFF70];
	v1 =	vadd.f32 v3, v1  }
0x28c: {  	v2 =	vadd.f32 v8, v2;
	v3 =	vld [tilespmem:s0+$0xD0]  }
0x28d: {  	v8 =	vld [tilespmem:s0+$0xFFFFFF80];
	v1 =	vadd.f32 v4, v1  }
0x28e: {  	v2 =	vadd.f32 v5, v2;
	v4 =	vld [tilespmem:s0+$0xE0]  }
0x28f: {  	v5 =	vld [tilespmem:s0+$0xFFFFFF90];
	v1 =	vadd.f32 v6, v1  }
0x290: {  	v2 =	vadd.f32 v7, v2;
	v6 =	vld [tilespmem:s0+$0xF0]  }
0x291: {  	v7 =	vld [tilespmem:s0+$0xFFFFFFA0];
	v1 =	vadd.f32 v3, v1  }
0x292: {  	v2 =	vadd.f32 v8, v2;
	v3 =	vld [tilespmem:s0+$0x100]  }
0x293: {  	v8 =	vld [tilespmem:s0+$0xFFFFFFB0];
	v1 =	vadd.f32 v4, v1  }
0x294: {  	v2 =	vadd.f32 v5, v2;
	v4 =	vld [tilespmem:s0+$0x110]  }
0x295: {  	v5 =	vld [tilespmem:s0+$0xFFFFFFC0];
	v1 =	vadd.f32 v6, v1  }
0x296: {  	v2 =	vadd.f32 v7, v2;
	v6 =	vld [tilespmem:s0+$0x120]  }
0x297: {  	v9 =	vld [tilespmem:s0+$0xFFFFFFD0];
	v1 =	vadd.f32 v3, v1  }
0x298: {  	v7 =	vadd.f32 v8, v2;
	v2 =	vld [tilespmem:s0+$0x130]  }
0x299: {  	s31 =	simm.s32 $0x1;
	v3 =	vld [tilespmem:s0+$0xFFFFFFE0];
	v8 =	vadd.f32 v4, v1  }
0x29a: {  	s26 =	simm.s32 $0xCBC0;
	v10 =	vadd.f32 v5, v7;
	v1 =	vld [tilespmem:s0+$0xFFFFFFF0];
	v4 =	vor.u32 s31, v0  }
0x29b: {  	v7 =	vld [tilespmem:s26+$0x0];
	v5 =	vadd.f32 v6, v8  }
0x29c: {  	s1 =	simm.s32 $0x0;
	s25 =	simm.s32 $0x2;
	s0 =	simm.s32 $0x4;
	v8 =	vld [tilespmem:s26+$0x10];
	v6 =	vadd.f32 v9, v10  }
.LBB2_18:
0x29d: {  	p0 =	slt.u32 s0, $0x7E;
	v9 =	vld [tilespmem:s26+$0xFFFFFED0];
	v10 =	vor.u32 s1, v0;
	v2 =	vadd.f32 v2, v5;
	s1 =	smov.u32 s25;
	s25 =	smov.u32 s0  }
0x29e: {  	v5 =	vld [tilespmem:s26+$0x20];
	v3 =	vadd.f32 v3, v6  }
0x29f: {  	v6 =	vld [tilespmem:s26+$0xFFFFFEC0];
	[tilespmem:v4+s14+$0x0] =	vst.idx.msk $0xffff, v2  }
0x2a0: {  	v2 =	vld [tilespmem:s26+$0x30];
	v1 =	vadd.f32 v1, v3  }
0x2a1: {  	v3 =	vld [tilespmem:s26+$0xFFFFFEE0];
	v4 =	vadd.f32 v8, v7  }
0x2a2: {  	v7 =	vld [tilespmem:s26+$0x40];
	[tilespmem:v10+s14+$0x0] =	vst.idx.msk $0xffff, v1  }
0x2a3: {  	v1 =	vld [tilespmem:s26+$0xFFFFFEF0];
	v4 =	vadd.f32 v5, v4  }
0x2a4: {  	v5 =	vadd.f32 v9, v6;
	v6 =	vld [tilespmem:s26+$0x50]  }
0x2a5: {  	v8 =	vld [tilespmem:s26+$0xFFFFFF00];
	v2 =	vadd.f32 v2, v4  }
0x2a6: {  	v3 =	vadd.f32 v3, v5;
	v4 =	vld [tilespmem:s26+$0x60]  }
0x2a7: {  	v5 =	vld [tilespmem:s26+$0xFFFFFF10];
	v2 =	vadd.f32 v7, v2  }
0x2a8: {  	v1 =	vadd.f32 v1, v3;
	v3 =	vld [tilespmem:s26+$0x70]  }
0x2a9: {  	v7 =	vld [tilespmem:s26+$0xFFFFFF20];
	v2 =	vadd.f32 v6, v2  }
0x2aa: {  	v1 =	vadd.f32 v8, v1;
	v6 =	vld [tilespmem:s26+$0x80]  }
0x2ab: {  	v8 =	vld [tilespmem:s26+$0xFFFFFF30];
	v2 =	vadd.f32 v4, v2  }
0x2ac: {  	v1 =	vadd.f32 v5, v1;
	v4 =	vld [tilespmem:s26+$0x90]  }
0x2ad: {  	v5 =	vld [tilespmem:s26+$0xFFFFFF40];
	v2 =	vadd.f32 v3, v2  }
0x2ae: {  	v1 =	vadd.f32 v7, v1;
	v3 =	vld [tilespmem:s26+$0xA0]  }
0x2af: {  	v7 =	vld [tilespmem:s26+$0xFFFFFF50];
	v2 =	vadd.f32 v6, v2  }
0x2b0: {  	v1 =	vadd.f32 v8, v1;
	v6 =	vld [tilespmem:s26+$0xB0]  }
0x2b1: {  	v8 =	vld [tilespmem:s26+$0xFFFFFF60];
	v2 =	vadd.f32 v4, v2  }
0x2b2: {  	v1 =	vadd.f32 v5, v1;
	v4 =	vld [tilespmem:s26+$0xC0]  }
0x2b3: {  	v5 =	vld [tilespmem:s26+$0xFFFFFF70];
	v2 =	vadd.f32 v3, v2  }
0x2b4: {  	v1 =	vadd.f32 v7, v1;
	v3 =	vld [tilespmem:s26+$0xD0]  }
0x2b5: {  	v7 =	vld [tilespmem:s26+$0xFFFFFF80];
	v2 =	vadd.f32 v6, v2  }
0x2b6: {  	v1 =	vadd.f32 v8, v1;
	v6 =	vld [tilespmem:s26+$0xE0]  }
0x2b7: {  	v8 =	vld [tilespmem:s26+$0xFFFFFF90];
	v2 =	vadd.f32 v4, v2  }
0x2b8: {  	v1 =	vadd.f32 v5, v1;
	v4 =	vld [tilespmem:s26+$0xF0]  }
0x2b9: {  	v5 =	vld [tilespmem:s26+$0xFFFFFFA0];
	v2 =	vadd.f32 v3, v2  }
0x2ba: {  	v1 =	vadd.f32 v7, v1;
	v3 =	vld [tilespmem:s26+$0x100]  }
0x2bb: {  	v7 =	vld [tilespmem:s26+$0xFFFFFFB0];
	v2 =	vadd.f32 v6, v2  }
0x2bc: {  	v1 =	vadd.f32 v8, v1;
	v6 =	vld [tilespmem:s26+$0x110]  }
0x2bd: {  	v8 =	vld [tilespmem:s26+$0xFFFFFFC0];
	v2 =	vadd.f32 v4, v2  }
0x2be: {  	v1 =	vadd.f32 v5, v1;
	v5 =	vld [tilespmem:s26+$0x120]  }
0x2bf: {  	v9 =	vld [tilespmem:s26+$0xFFFFFFD0];
	v4 =	vadd.f32 v3, v2  }
.Ltmp10:
0x2c0: {  	v1 =	vadd.f32 v7, v1;
	v2 =	vld [tilespmem:s26+$0x130];
	(pc) =	sbr.rel @p0 .LBB2_18-.Ltmp10, $4  }
0x2c1: {  	s15 =	sadd.s32 $0x1, s1;
	v3 =	vld [tilespmem:s26+$0xFFFFFFE0];
	v6 =	vadd.f32 v6, v4  }
0x2c2: {  	v4 =	vor.u32 s15, v0;
	v10 =	vadd.f32 v8, v1;
	v1 =	vld [tilespmem:s26+$0xFFFFFFF0];
	s26 =	sadd.s32 $0x280, s26  }
0x2c3: {  	v7 =	vld [tilespmem:s26+$0x0];
	v5 =	vadd.f32 v5, v6  }
0x2c4: {  	s0 =	sadd.s32 $0x2, s0;
	v8 =	vld [tilespmem:s26+$0x10];
	v6 =	vadd.f32 v9, v10  }
0x2c5: {  	v9 =	vld [tilespmem:s26+$0xFFFFFED0]  }
0x2c6: {  	v10 =	vld [tilespmem:s26+$0xFFFFFEC0]  }
0x2c7: {  	v11 =	vld [tilespmem:s26+$0x20]  }
0x2c8: {  	v12 =	vld [tilespmem:s26+$0xFFFFFEE0]  }
0x2c9: {  	v13 =	vld [tilespmem:s26+$0x30]  }
0x2ca: {  	v27 =	vld [tilespmem:s26+$0xFFFFFEF0];
	v7 =	vadd.f32 v8, v7  }
0x2cb: {  	v14 =	vld [tilespmem:s26+$0x40];
	v9 =	vadd.f32 v9, v10  }
0x2cc: {  	v28 =	vld [tilespmem:s26+$0xFFFFFF00];
	v7 =	vadd.f32 v11, v7  }
0x2cd: {  	v29 =	vld [tilespmem:s26+$0x50];
	v9 =	vadd.f32 v12, v9  }
0x2ce: {  	v30 =	vld [tilespmem:s26+$0xFFFFFF10];
	v7 =	vadd.f32 v13, v7  }
0x2cf: {  	v31 =	vld [tilespmem:s26+$0x60];
	v8 =	vadd.f32 v27, v9  }
0x2d0: {  	v32 =	vld [tilespmem:s26+$0xFFFFFF20];
	v7 =	vadd.f32 v14, v7  }
0x2d1: {  	v33 =	vld [tilespmem:s26+$0x70];
	v8 =	vadd.f32 v28, v8  }
0x2d2: {  	v34 =	vld [tilespmem:s26+$0xFFFFFF30];
	v7 =	vadd.f32 v29, v7  }
0x2d3: {  	v35 =	vld [tilespmem:s26+$0x80];
	v8 =	vadd.f32 v30, v8  }
0x2d4: {  	v36 =	vld [tilespmem:s26+$0xFFFFFF40];
	v7 =	vadd.f32 v31, v7  }
0x2d5: {  	v37 =	vld [tilespmem:s26+$0x90];
	v8 =	vadd.f32 v32, v8  }
0x2d6: {  	v38 =	vld [tilespmem:s26+$0xFFFFFF50];
	v7 =	vadd.f32 v33, v7  }
0x2d7: {  	v39 =	vld [tilespmem:s26+$0xA0];
	v8 =	vadd.f32 v34, v8  }
0x2d8: {  	v40 =	vld [tilespmem:s26+$0xFFFFFF60];
	v7 =	vadd.f32 v35, v7  }
0x2d9: {  	v41 =	vld [tilespmem:s26+$0xB0];
	v8 =	vadd.f32 v36, v8  }
0x2da: {  	v42 =	vld [tilespmem:s26+$0xFFFFFF70];
	v7 =	vadd.f32 v37, v7  }
0x2db: {  	v43 =	vld [tilespmem:s26+$0xC0];
	v8 =	vadd.f32 v38, v8  }
0x2dc: {  	v44 =	vld [tilespmem:s26+$0xFFFFFF80];
	v7 =	vadd.f32 v39, v7  }
0x2dd: {  	v45 =	vld [tilespmem:s26+$0xD0];
	v8 =	vadd.f32 v40, v8  }
0x2de: {  	v46 =	vld [tilespmem:s26+$0xFFFFFF90];
	v7 =	vadd.f32 v41, v7  }
0x2df: {  	v47 =	vld [tilespmem:s26+$0xE0];
	v8 =	vadd.f32 v42, v8  }
0x2e0: {  	v48 =	vld [tilespmem:s26+$0xFFFFFFA0];
	v7 =	vadd.f32 v43, v7  }
0x2e1: {  	v49 =	vld [tilespmem:s26+$0xF0];
	v8 =	vadd.f32 v44, v8  }
0x2e2: {  	v50 =	vld [tilespmem:s26+$0xFFFFFFB0];
	v7 =	vadd.f32 v45, v7  }
0x2e3: {  	v51 =	vld [tilespmem:s26+$0x100];
	v8 =	vadd.f32 v46, v8  }
0x2e4: {  	v52 =	vld [tilespmem:s26+$0xFFFFFFC0];
	v7 =	vadd.f32 v47, v7  }
0x2e5: {  	v53 =	vld [tilespmem:s26+$0x110];
	v8 =	vadd.f32 v48, v8  }
0x2e6: {  	v54 =	vld [tilespmem:s26+$0xFFFFFFD0];
	v7 =	vadd.f32 v49, v7  }
0x2e7: {  	v55 =	vld [tilespmem:s26+$0x120];
	v8 =	vadd.f32 v50, v8  }
0x2e8: {  	v56 =	vld [tilespmem:s26+$0xFFFFFFE0];
	v7 =	vadd.f32 v51, v7  }
0x2e9: {  	v57 =	vld [tilespmem:s26+$0x130];
	v8 =	vadd.f32 v52, v8  }
0x2ea: {  	v58 =	vor.u32 s1, v0;
	s0 =	sadd.s32 $0x1, s25;
	v59 =	vld [tilespmem:s26+$0xFFFFFFF0];
	v7 =	vadd.f32 v53, v7  }
0x2eb: {  	v3 =	vadd.f32 v3, v6;
	v61 =	vor.u32 s0, v0;
	v60 =	vadd.f32 v54, v8  }
0x2ec: {  	v2 =	vadd.f32 v2, v5;
	v63 =	vor.u32 s25, v0;
	v62 =	vadd.f32 v55, v7  }
0x2ed: {  	v1 =	vadd.f32 v1, v3;
	v3 =	vadd.f32 v56, v60  }
0x2ee: {  	[tilespmem:v4+s14+$0x0] =	vst.idx.msk $0xffff, v2;
	v2 =	vadd.f32 v57, v62  }
0x2ef: {  	[tilespmem:v58+s14+$0x0] =	vst.idx.msk $0xffff, v1;
	v1 =	vadd.f32 v59, v3  }
0x2f0: {  	[tilespmem:v61+s14+$0x0] =	vst.idx.msk $0xffff, v2  }
0x2f1: {  	[tilespmem:v63+s14+$0x0] =	vst.idx.msk $0xffff, v1  }
0x2f2: {  	s25 =	rddreg [dreg:$0x7]  }
0x2f3: {  	[hbm4b:s25+s4] =	stream.linear.scatter [tilespmem:s14], [sflag:$0x6], $0x400, $0x38;
	[tilespmem:$0x17800] =	vst v63  }
0x2f4: {  	s28 =	simm.s32 $0x17400;
	s29 =	simm.s32 $0x5;
	s26 =	rddreg [dreg:$0x8]  }
0x2f5: {  	[hbm4b:s26+s4] =	stream.linear.scatter [tilespmem:s28], [sflag:$0x6], $0x400, $0x38;
	[tilespmem:$0x17800] =	vst v63  }
0x2f6: {  	_ =	swait.ge [sflag:s29], $0x400  }
0x2f7: {  	[sflag:s29] =	ssyncset.done $0x0  }
0x2f8: {  	[sflag:s29] =	ssyncadd.s32 $0xFFFFFC00  }
0x2f9: {  	_ =	swait.ge [sflag:s29], $0x400  }
0x2fa: {  	[sflag:s29] =	ssyncset.done $0x0  }
0x2fb: {  	[sflag:s29] =	ssyncadd.s32 $0xFFFFFC00  }
0x2fc: {  	_ =	swait.ge [sflag:s12], $0x400  }
0x2fd: {  	[sflag:s12] =	ssyncset.done $0x0  }
0x2fe: {  	[sflag:s12] =	ssyncadd.s32 $0xFFFFFC00  }
0x2ff: {  	_ =	swait.ge [sflag:s12], $0x400  }
0x300: {  	s30 =	rddreg [dreg:$0xa]  }
0x301: {  	s31 =	rddreg [dreg:$0x9];
	s1 =	sadd.s32 $0x1, s30  }
0x302: {  	p0 =	sne.s32 s1, s31  }
.Ltmp11:
0x303: {  	_ = 	snop;
	(pc) =	sbr.rel @p0 .LBB2_1-.Ltmp11, $3  }
0x304: {  	_ =	sdelay $0x1  }
0x305: {  	[sflag:s12] =	ssyncset.done $0x0  }
0x306: {  	[sflag:s12] =	ssyncadd.s32 $0xFFFFFC00  }
0x307: {  	_ =	sfence.sel $0x180000  }
0x308: {  	[bflag:$0x0] =	sbarrier.arrive $0xFFFF  }
0x309: {  	_ =	strace $0x9000004A  }
0x30a: {  	s0 =	stileid.u32;
	[bflag:$0x2] =	sbarrier.arrive $0xFFFF  }
0x30b: {  	p0 =	sne.s32 s0, $0x0;
	s0 =	rddreg [dreg:$0x3]  }
0x30c: {  	s0 =	sadd.s32 @!p0 $0x100000, s0  }
0x30d: {  	[sflag:s0] =	ssyncadd.tile.s32 @!p0 $0x1;
	_ =	shalt  }
.Lfunc_end2:
_tile_overlayer_lowered:
.L_overlay_start_2:
0x30e: {  	(tag) =	ssettag $0x2  }
0x30f: {  	s0 =	rddreg [dreg:$0x0];
	s2 =	stileid.u32  }
0x310: {  	s1 =	rddreg [dreg:$0x1];
	p0 =	sne.s32 s2, $0x0  }
0x311: {  	s3 =	rddreg [dreg:$0x2];
	[bflag:$0x3] =	sbarrier.arrive $0xFFFF;
	s2 =	simm.s32 @!p0 $0x1C07  }
0x312: {  	[timem:s3], [sflag:s2] =	dma.local @!p0 [hbm:s0], s1  }
0x313: {  	s0 =	simm.s32 @!p0 $0x7  }
0x314: {  	_ =	swait.ge @!p0 [sflag:s0], s1  }
0x315: {  	s1 =	ssub.s32 @!p0 $0x0, s1;
	[sflag:s0] =	ssyncset.done @!p0 $0x0  }
0x316: {  	[sflag:s0] =	ssyncadd.s32 @!p0 s1  }
0x317: {  	[bflag:$0x3] =	sbarrier.arrive $0xFFFF  }
0x318: {  	_ =	shalt  }

</sc_bundles>
